<compile_context>
chip_gen: v7x
topology: tpu7x:2x2x1
jax: 0.10.2.dev20260603
libtpu: 0.0.44.dev20260713+nightly
codegen_flags: <defaults>
</compile_context>

<pallas_src>
import functools

import jax
import jax.numpy as jnp
from jax import lax
from jax.experimental import pallas as pl
from jax.experimental.pallas import tpu as pltpu
from jax.experimental.pallas import tpu_sc as plsc

_N = 10000
_E = 320000
_D = 128
_H1 = 128
_H2 = 64
_H3 = 64
_L = 32
_G = 64

_NC = 2
_NS = 16
_NW = _NC * _NS
_EW = _E // _NW
_B = 128
_NBATCH = 80
_EPAD = _NBATCH * _B - _EW
_NBATCH_CS = 160
_EPAD_CS = _NS * _NBATCH_CS * _B - _E
_CHUNK = 632

_BLK = 1000

_sc_mesh = plsc.VectorSubcoreMesh(
    core_axis_name="c", subcore_axis_name="s", num_cores=_NC, num_subcores=_NS
)


def _make_deg_kernel():
  @functools.partial(
      pl.kernel,
      mesh=_sc_mesh,
      compiler_params=pltpu.CompilerParams(use_tc_tiling_on_sc=False),
      out_type=jax.ShapeDtypeStruct((_NC, _N, 16), jnp.float32),
      scratch_types=[
          pltpu.VMEM((_NBATCH, _B), jnp.int32),
          pltpu.VMEM((_B, 16), jnp.float32),
          pltpu.VMEM_SHARED((_N + 8, 16), jnp.float32),
      ],
  )
  def deg_kernel(dstp_hbm, ones_hbm, zeros_hbm, out_hbm, dst_v, ones_v, acc_sh):
    c = lax.axis_index("c")
    s = lax.axis_index("s")
    w = c * _NS + s
    off = pl.multiple_of(jnp.minimum(s * _CHUNK, _N - _CHUNK), 8)
    pltpu.sync_copy(zeros_hbm, acc_sh.at[pl.ds(off, _CHUNK)])
    pltpu.sync_copy(ones_hbm, ones_v)
    pltpu.sync_copy(dstp_hbm.at[w], dst_v)
    plsc.subcore_barrier()

    @pl.loop(0, _NBATCH)
    def _(b):
      pltpu.sync_copy(ones_v, acc_sh.at[dst_v.at[b]], add=True)

    plsc.subcore_barrier()
    pltpu.sync_copy(acc_sh.at[pl.ds(off, _CHUNK)],
                    out_hbm.at[c, pl.ds(off, _CHUNK)])

  return deg_kernel


def _make_agg_kernel(hcols):
  nb = _NBATCH_CS
  nbs = _NBATCH if hcols > _H2 // 2 else _NBATCH_CS
  nstage = nb // nbs
  _R = 8

  @functools.partial(
      pl.kernel,
      mesh=_sc_mesh,
      compiler_params=pltpu.CompilerParams(use_tc_tiling_on_sc=False),
      out_type=jax.ShapeDtypeStruct((_NC, _N, hcols), jnp.float32),
      scratch_types=[
          pltpu.VMEM((nbs, _B), jnp.int32),
          pltpu.VMEM((nbs, _B), jnp.int32),
          [pltpu.VMEM((_B, hcols), jnp.float32)] * _R,
          pltpu.VMEM_SHARED((_N + 8, hcols), jnp.float32),
          [pltpu.SemaphoreType.DMA] * _R,
          [pltpu.SemaphoreType.DMA] * _R,
      ],
  )
  def agg_kernel(table_hbm, srcp_hbm, dstp_hbm, zeros_hbm, out_hbm,
                 src_v, dst_v, rows, acc_sh, gsem, ssem):
    c = lax.axis_index("c")
    s = lax.axis_index("s")
    w = s
    tab = table_hbm.at[c]
    off = pl.multiple_of(jnp.minimum(s * _CHUNK, _N - _CHUNK), 8)
    pltpu.sync_copy(zeros_hbm, acc_sh.at[pl.ds(off, _CHUNK)])
    plsc.subcore_barrier()

    def start_g(b, k):
      pltpu.async_copy(tab.at[src_v.at[b]], rows[k], gsem[k])

    def wait_g(b, k):
      pltpu.make_async_copy(tab.at[src_v.at[b]], rows[k], gsem[k]).wait()

    def start_s(b, k):
      pltpu.async_copy(rows[k], acc_sh.at[dst_v.at[b]], ssem[k], add=True)

    def wait_s(b, k):
      pltpu.make_async_copy(rows[k], acc_sh.at[dst_v.at[b]], ssem[k]).wait()

    for stage in range(nstage):
      pltpu.sync_copy(srcp_hbm.at[w, pl.ds(stage * nbs, nbs)], src_v)
      pltpu.sync_copy(dstp_hbm.at[w, pl.ds(stage * nbs, nbs)], dst_v)
      start_g(0, 0)
      start_g(1, 1)
      for b in range(_R - 2):
        wait_g(b, b % _R)
        start_s(b, b % _R)
        start_g(b + 2, (b + 2) % _R)

      @pl.loop(0, (nbs - _R) // _R)
      def _(i):
        b0 = (_R - 2) + _R * i
        for j in range(_R):
          k = (_R - 2 + j) % _R
          b = b0 + j
          wait_g(b, k)
          start_s(b, k)
          wait_s(b - (_R - 2), (j + 0) % _R)
          start_g(b + 2, (j + 0) % _R)

      wait_g(nbs - 2, (_R - 2) % _R)
      start_s(nbs - 2, (_R - 2) % _R)
      wait_g(nbs - 1, (_R - 1) % _R)
      start_s(nbs - 1, (_R - 1) % _R)
      for j in range(_R):
        wait_s(nbs - _R + j, (nbs - _R + j) % _R)

    plsc.subcore_barrier()
    pltpu.sync_copy(acc_sh.at[pl.ds(off, _CHUNK)],
                    out_hbm.at[c, pl.ds(off, _CHUNK)])

  return agg_kernel


_deg_call = _make_deg_kernel()
_agg_call_l1 = _make_agg_kernel(_H1 // 2)
_agg_call_l2 = _make_agg_kernel(_H2 // 2)


def _isd_from_deg(deg_ref):
  d = deg_ref[0, :, 0:1] + deg_ref[1, :, 0:1] + 1.0
  return lax.rsqrt(d)


def _mm1_body(feat_ref, w_ref, deg_ref, out_ref):
  isd = _isd_from_deg(deg_ref)
  hw = jnp.dot(feat_ref[...], w_ref[...],
               preferred_element_type=jnp.float32) * isd
  out_ref[0, :, :] = hw[:, :_H2]
  out_ref[1, :, :] = hw[:, _H2:]


def _comb_mm_body(agg_ref, hwp_ref, deg_ref, w_ref, out_ref):
  isd = _isd_from_deg(deg_ref)
  full = (agg_ref[...] + hwp_ref[...])
  h = jnp.maximum(
      jnp.concatenate([full[0], full[1]], axis=1) * isd, 0.0)
  hw = jnp.dot(h, w_ref[...], preferred_element_type=jnp.float32) * isd
  out_ref[0, :, :] = hw[:, :_H2 // 2]
  out_ref[1, :, :] = hw[:, _H2 // 2:]


def _pool_head_body(agg_ref, hwp_ref, deg_ref, seg_ref, w3_ref, b3_ref,
                    w4_ref, b4_ref, out_ref, sums_ref, counts_ref):
  i = pl.program_id(0)
  isd = _isd_from_deg(deg_ref)
  full = agg_ref[...] + hwp_ref[...]
  h2 = jnp.maximum(
      jnp.concatenate([full[0], full[1]], axis=1) * isd, 0.0)
  seg = seg_ref[0, 0, :]
  onehot = (lax.broadcasted_iota(jnp.int32, (_G, _BLK), 0)
            == seg[None, :]).astype(jnp.float32)
  part = jnp.dot(onehot, h2, preferred_element_type=jnp.float32)
  cnt = jnp.sum(onehot, axis=1, keepdims=True) * jnp.ones((1, _H2),
                                                          jnp.float32)

  @pl.when(i == 0)
  def _():
    sums_ref[...] = jnp.zeros_like(sums_ref)
    counts_ref[...] = jnp.zeros_like(counts_ref)

  sums_ref[...] += part
  counts_ref[...] += cnt

  @pl.when(i == _N // _BLK - 1)
  def _():
    pooled = sums_ref[...] / jnp.maximum(counts_ref[...], 1.0)
    h3 = jnp.maximum(
        jnp.dot(pooled, w3_ref[...], preferred_element_type=jnp.float32)
        + b3_ref[...], 0.0)
    out_ref[...] = (jnp.dot(h3, w4_ref[...],
                            preferred_element_type=jnp.float32) + b4_ref[...])


def kernel(features, edge_index, segment_ids, W1, W2, W3, b3, W4, b4):
  src = edge_index[0]
  dst = edge_index[1]

  pad = jnp.zeros((_NW, _EPAD), jnp.int32)
  dstp = jnp.concatenate([dst.reshape(_NW, _EW), pad + _N],
                         axis=1).reshape(_NW, _NBATCH, _B)
  pad_cs = jnp.zeros((_NS, _EPAD_CS // _NS), jnp.int32)
  srcq = jnp.concatenate([src.reshape(_NS, _E // _NS), pad_cs],
                         axis=1).reshape(_NS, _NBATCH_CS, _B)
  dstq = jnp.concatenate([dst.reshape(_NS, _E // _NS), pad_cs + _N],
                         axis=1).reshape(_NS, _NBATCH_CS, _B)

  ones16 = jnp.ones((_B, 16), jnp.float32)
  zeros16 = jnp.zeros((_CHUNK, 16), jnp.float32)
  zeros64 = jnp.zeros((_CHUNK, _H2), jnp.float32)
  zeros32 = jnp.zeros((_CHUNK, _H2 // 2), jnp.float32)

  deg16 = _deg_call(dstp, ones16, zeros16)

  grid = (_N // _BLK,)
  deg_spec = pl.BlockSpec((_NC, _BLK, 16), lambda i: (0, i, 0))

  hwp1h = pl.pallas_call(
      _mm1_body,
      grid=grid,
      in_specs=[
          pl.BlockSpec((_BLK, _D), lambda i: (i, 0)),
          pl.BlockSpec((_D, _H1), lambda i: (0, 0)),
          deg_spec,
      ],
      out_specs=pl.BlockSpec((_NC, _BLK, _H2), lambda i: (0, i, 0)),
      out_shape=jax.ShapeDtypeStruct((_NC, _N, _H2), jnp.float32),
  )(features, W1, deg16)

  agg1 = _agg_call_l1(hwp1h, srcq, dstq, zeros64)

  hwp2h = pl.pallas_call(
      _comb_mm_body,
      grid=grid,
      in_specs=[
          pl.BlockSpec((_NC, _BLK, _H2), lambda i: (0, i, 0)),
          pl.BlockSpec((_NC, _BLK, _H2), lambda i: (0, i, 0)),
          deg_spec,
          pl.BlockSpec((_H1, _H2), lambda i: (0, 0)),
      ],
      out_specs=pl.BlockSpec((_NC, _BLK, _H2 // 2), lambda i: (0, i, 0)),
      out_shape=jax.ShapeDtypeStruct((_NC, _N, _H2 // 2), jnp.float32),
  )(agg1, hwp1h, deg16, W2)

  agg2 = _agg_call_l2(hwp2h, srcq, dstq, zeros32)

  seg3d = segment_ids.reshape(_N // _BLK, 1, _BLK)
  out = pl.pallas_call(
      _pool_head_body,
      grid=grid,
      in_specs=[
          pl.BlockSpec((_NC, _BLK, _H2 // 2), lambda i: (0, i, 0)),
          pl.BlockSpec((_NC, _BLK, _H2 // 2), lambda i: (0, i, 0)),
          deg_spec,
          pl.BlockSpec((1, 1, _BLK), lambda i: (i, 0, 0)),
          pl.BlockSpec((_H2, _H3), lambda i: (0, 0)),
          pl.BlockSpec((1, _H3), lambda i: (0, 0)),
          pl.BlockSpec((_H3, _L), lambda i: (0, 0)),
          pl.BlockSpec((1, _L), lambda i: (0, 0)),
      ],
      out_specs=pl.BlockSpec((_G, _L), lambda i: (0, 0)),
      out_shape=jax.ShapeDtypeStruct((_G, _L), jnp.float32),
      scratch_shapes=[
          pltpu.VMEM((_G, _H2), jnp.float32),
          pltpu.VMEM((_G, _H2), jnp.float32),
      ],
  )(agg2, hwp2h, deg16, seg3d, W3, b3.reshape(1, _H3), W4,
    b4.reshape(1, _L))

  return out

# --- scband reference (transcript-rebuilt; emitter-appended) ---
"""Pipeline reference for scband-graph-hash-naive-90804198572242 (READ-ONLY COPY).

The authoritative reference and input builder live on the scoring server;
editing this copy changes nothing except your own understanding.
"""

import jax, jax.numpy as jnp
import numpy as np

N = 10000
E = 320000
D = 128
H1 = 128
H2 = 64
H3 = 64
L = 32
G = 64


def setup_inputs(seed: int = 0) -> dict:
    key = jax.random.key(seed)
    ks = jax.random.split(key, 10)
    features = jax.random.normal(ks[0], (N, D), dtype=jnp.float32)
    edge_index = jax.random.randint(ks[1], (2, E), 0, N, dtype=jnp.int32)
    segment_ids = jnp.sort(jax.random.randint(ks[2], (N,), 0, G, dtype=jnp.int32))
    W1 = jax.random.normal(ks[3], (D, H1), dtype=jnp.float32) * 0.05
    W2 = jax.random.normal(ks[4], (H1, H2), dtype=jnp.float32) * 0.05
    W3 = jax.random.normal(ks[5], (H2, H3), dtype=jnp.float32) * 0.05
    b3 = jnp.zeros((H3,), dtype=jnp.float32)
    W4 = jax.random.normal(ks[6], (H3, L), dtype=jnp.float32) * 0.05
    b4 = jnp.zeros((L,), dtype=jnp.float32)
    return {"features": features, "edge_index": edge_index, "segment_ids": segment_ids,
            "W1": W1, "W2": W2, "W3": W3, "b3": b3, "W4": W4, "b4": b4}


def reference(features, edge_index, segment_ids, W1, W2, W3, b3, W4, b4):
    src = edge_index[0]
    dst = edge_index[1]
    # GCN renormalization with self-loops: deg = in-degree + 1
    ones_e = jnp.ones((E,), dtype=jnp.float32)
    deg = jnp.zeros((N,), dtype=jnp.float32).at[dst].add(ones_e) + 1.0
    inv_sqrt_deg = 1.0 / jnp.sqrt(deg)
    edge_norm = inv_sqrt_deg[src] * inv_sqrt_deg[dst]
    self_norm = inv_sqrt_deg * inv_sqrt_deg

    def gcn_layer(h, W):
        hw = h @ W
        msg = hw[src] * edge_norm[:, None]
        agg = jnp.zeros((N, W.shape[1]), dtype=jnp.float32).at[dst].add(msg)
        agg = agg + hw * self_norm[:, None]
        return agg

    h1 = jax.nn.relu(gcn_layer(features, W1))
    h2 = jax.nn.relu(gcn_layer(h1, W2))

    # SplitAndMeanPooling: per-graph mean over nodes (segment mean)
    sums = jnp.zeros((G, H2), dtype=jnp.float32).at[segment_ids].add(h2)
    counts = jnp.zeros((G,), dtype=jnp.float32).at[segment_ids].add(jnp.ones((N,), dtype=jnp.float32))
    pooled = sums / jnp.clip(counts, 1.0)[:, None]

    h3 = jax.nn.relu(pooled @ W3 + b3)
    out = h3 @ W4 + b4  # hash codes (pre-sign), shape [G, L]
    return out

if __name__ == "__main__":
    import jax
    _d = setup_inputs()
    print(jax.jit(kernel)(*tuple(_d.values())))

</pallas_src>

<mosaic_0001>
#map = affine_map<(d0, d1) -> (0, 0, 0)>
#map1 = affine_map<(d0, d1) -> (0, 0)>
module attributes {stable_mosaic.version = 14 : i64} {
  func.func @deg_kernel(%arg0: i32, %arg1: i32, %arg2: memref<32x80x128xi32, #tpu.memory_space<hbm>>, %arg3: memref<128x16xf32, #tpu.memory_space<hbm>>, %arg4: memref<632x16xf32, #tpu.memory_space<hbm>>, %arg5: memref<2x10000x16xf32, #tpu.memory_space<hbm>>, %arg6: memref<80x128xi32, #tpu.memory_space<vmem>>, %arg7: memref<128x16xf32, #tpu.memory_space<vmem>>, %arg8: memref<10008x16xf32, #tpu.memory_space<vmem_shared>>) attributes {dimension_semantics = [#tpu.dimension_semantics<core_parallel>, #tpu.dimension_semantics<subcore_parallel>], iteration_bounds = array<i64: 2, 16>, scalar_prefetch = 0 : i64, scratch_operands = 3 : i64, tpu.core_type = #tpu.core_type<sc_vector_subcore>, window_params = [{transform_indices = #map}, {transform_indices = #map1}, {transform_indices = #map1}, {transform_indices = #map}]} {
    %mul3A = arith.constant 16 : i32
    %mul3A_0 = arith.muli %arg0, %mul3A : i32
    %add3A = arith.addi %mul3A_0, %arg1 : i32
    %mul3A_1 = arith.constant 632 : i32
    %mul3A_2 = arith.muli %arg1, %mul3A_1 : i32
    %min3A = arith.constant 9368 : i32
    %min3A_3 = arith.minsi %mul3A_2, %min3A : i32
    %multiple_of3A = tpu.assume_multiple %min3A_3, 8 : i32
    "tpu.region"() ({
      %run_scoped3A = tpu.sem_alloc : memref<!tpu.dma_semaphore, #tpu.memory_space<semaphore_mem>>
      %dma_start3A = arith.constant 0 : i32
      %dma_start3A_9 = tpu.memref_slice %arg8[%multiple_of3A, %dma_start3A] : memref<10008x16xf32, #tpu.memory_space<vmem_shared>> -> memref<632x16xf32, #tpu.memory_space<vmem_shared>>
      tpu.enqueue_dma source(%arg4 : memref<632x16xf32, #tpu.memory_space<hbm>>) target(%dma_start3A_9 : memref<632x16xf32, #tpu.memory_space<vmem_shared>>) target_semaphore(%run_scoped3A : memref<!tpu.dma_semaphore, #tpu.memory_space<semaphore_mem>>)
      %dma_wait3A = arith.constant 0 : i32
      %dma_wait3A_10 = tpu.memref_slice %arg8[%multiple_of3A, %dma_wait3A] : memref<10008x16xf32, #tpu.memory_space<vmem_shared>> -> memref<632x16xf32, #tpu.memory_space<vmem_shared>>
      tpu.wait_dma2 semaphore(%run_scoped3A : memref<!tpu.dma_semaphore, #tpu.memory_space<semaphore_mem>>) src(%arg4 : memref<632x16xf32, #tpu.memory_space<hbm>>) dst(%dma_wait3A_10 : memref<632x16xf32, #tpu.memory_space<vmem_shared>>)
      tpu.yield
    }) : () -> ()
    "tpu.region"() ({
      %run_scoped3A = tpu.sem_alloc : memref<!tpu.dma_semaphore, #tpu.memory_space<semaphore_mem>>
      tpu.enqueue_dma source(%arg3 : memref<128x16xf32, #tpu.memory_space<hbm>>) target(%arg7 : memref<128x16xf32, #tpu.memory_space<vmem>>) target_semaphore(%run_scoped3A : memref<!tpu.dma_semaphore, #tpu.memory_space<semaphore_mem>>)
      tpu.wait_dma2 semaphore(%run_scoped3A : memref<!tpu.dma_semaphore, #tpu.memory_space<semaphore_mem>>) src(%arg3 : memref<128x16xf32, #tpu.memory_space<hbm>>) dst(%arg7 : memref<128x16xf32, #tpu.memory_space<vmem>>)
      tpu.yield
    }) : () -> ()
    "tpu.region"() ({
      %run_scoped3A = tpu.sem_alloc : memref<!tpu.dma_semaphore, #tpu.memory_space<semaphore_mem>>
      %dma_start3A = arith.constant 0 : i32
      %dma_start3A_9 = arith.constant 0 : i32
      %dma_start3A_10 = tpu.memref_slice %arg2[%add3A, %dma_start3A, %dma_start3A_9] : memref<32x80x128xi32, #tpu.memory_space<hbm>> -> memref<1x80x128xi32, #tpu.memory_space<hbm>>
      %dma_start3A_11 = tpu.memref_squeeze %dma_start3A_10 : memref<1x80x128xi32, #tpu.memory_space<hbm>> -> memref<80x128xi32, #tpu.memory_space<hbm>>
      %dma_start3A_12 = arith.constant 0 : i32
      %dma_start3A_13 = arith.constant 0 : i32
      %dma_start3A_14 = tpu.memref_slice %arg2[%add3A, %dma_start3A_12, %dma_start3A_13] : memref<32x80x128xi32, #tpu.memory_space<hbm>> -> memref<1x80x128xi32, #tpu.memory_space<hbm>>
      %dma_start3A_15 = tpu.memref_squeeze %dma_start3A_14 : memref<1x80x128xi32, #tpu.memory_space<hbm>> -> memref<80x128xi32, #tpu.memory_space<hbm>>
      tpu.enqueue_dma source(%dma_start3A_15 : memref<80x128xi32, #tpu.memory_space<hbm>>) target(%arg6 : memref<80x128xi32, #tpu.memory_space<vmem>>) target_semaphore(%run_scoped3A : memref<!tpu.dma_semaphore, #tpu.memory_space<semaphore_mem>>)
      %dma_wait3A = arith.constant 0 : i32
      %dma_wait3A_16 = arith.constant 0 : i32
      %dma_wait3A_17 = tpu.memref_slice %arg2[%add3A, %dma_wait3A, %dma_wait3A_16] : memref<32x80x128xi32, #tpu.memory_space<hbm>> -> memref<1x80x128xi32, #tpu.memory_space<hbm>>
      %dma_wait3A_18 = tpu.memref_squeeze %dma_wait3A_17 : memref<1x80x128xi32, #tpu.memory_space<hbm>> -> memref<80x128xi32, #tpu.memory_space<hbm>>
      %dma_wait3A_19 = arith.constant 0 : i32
      %dma_wait3A_20 = arith.constant 0 : i32
      %dma_wait3A_21 = tpu.memref_slice %arg2[%add3A, %dma_wait3A_19, %dma_wait3A_20] : memref<32x80x128xi32, #tpu.memory_space<hbm>> -> memref<1x80x128xi32, #tpu.memory_space<hbm>>
      %dma_wait3A_22 = tpu.memref_squeeze %dma_wait3A_21 : memref<1x80x128xi32, #tpu.memory_space<hbm>> -> memref<80x128xi32, #tpu.memory_space<hbm>>
      tpu.wait_dma2 semaphore(%run_scoped3A : memref<!tpu.dma_semaphore, #tpu.memory_space<semaphore_mem>>) src(%dma_wait3A_22 : memref<80x128xi32, #tpu.memory_space<hbm>>) dst(%arg6 : memref<80x128xi32, #tpu.memory_space<vmem>>)
      tpu.yield
    }) : () -> ()
    %barrier3A = arith.constant 0 : index
    tpu.barrier barrier_id(%barrier3A)
    %scan3A = arith.constant 0 : i32
    %scan3A_4 = arith.constant 80 : i32
    %scan3A_5 = arith.addi %scan3A, %scan3A_4 : i32
    %scan3A_6 = arith.constant 1 : i32
    scf.for %scan3A_9 = %scan3A to %scan3A_5 step %scan3A_6  : i32 {
      %mul3A_10 = arith.constant 1 : i32
      %mul3A_11 = arith.muli %scan3A_9, %mul3A_10 : i32
      %add3A_12 = arith.constant 0 : i32
      %add3A_13 = arith.addi %add3A_12, %mul3A_11 : i32
      "tpu.region"() ({
        %run_scoped3A = tpu.sem_alloc : memref<!tpu.dma_semaphore, #tpu.memory_space<semaphore_mem>>
        %dma_start3A = arith.constant 0 : i32
        %dma_start3A_14 = tpu.memref_slice %arg6[%add3A_13, %dma_start3A] : memref<80x128xi32, #tpu.memory_space<vmem>> -> memref<1x128xi32, #tpu.memory_space<vmem>>
        %dma_start3A_15 = tpu.memref_squeeze %dma_start3A_14 : memref<1x128xi32, #tpu.memory_space<vmem>> -> memref<128xi32, #tpu.memory_space<vmem>>
        %dma_start3A_16 = arith.constant 0 : i32
        %dma_start3A_17 = arith.constant 0 : i32
        %dma_start3A_18 = tpu.memref_slice %arg8[%dma_start3A_16, %dma_start3A_17] : memref<10008x16xf32, #tpu.memory_space<vmem_shared>> -> memref<10008x16xf32, #tpu.memory_space<vmem_shared>>
        tpu.enqueue_indirect_dma source(%arg7 : memref<128x16xf32, #tpu.memory_space<vmem>>) target(%dma_start3A_18 : memref<10008x16xf32, #tpu.memory_space<vmem_shared>>) offsets(%dma_start3A_15 : memref<128xi32, #tpu.memory_space<vmem>>) semaphore(%run_scoped3A : memref<!tpu.dma_semaphore, #tpu.memory_space<semaphore_mem>>) {add = true}
        %dma_wait3A = arith.constant 0 : i32
        %dma_wait3A_19 = tpu.memref_slice %arg6[%add3A_13, %dma_wait3A] : memref<80x128xi32, #tpu.memory_space<vmem>> -> memref<1x128xi32, #tpu.memory_space<vmem>>
        %dma_wait3A_20 = tpu.memref_squeeze %dma_wait3A_19 : memref<1x128xi32, #tpu.memory_space<vmem>> -> memref<128xi32, #tpu.memory_space<vmem>>
        %dma_wait3A_21 = arith.constant 0 : i32
        %dma_wait3A_22 = arith.constant 0 : i32
        %dma_wait3A_23 = tpu.memref_slice %arg8[%dma_wait3A_21, %dma_wait3A_22] : memref<10008x16xf32, #tpu.memory_space<vmem_shared>> -> memref<10008x16xf32, #tpu.memory_space<vmem_shared>>
        tpu.wait_indirect_dma semaphore(%run_scoped3A : memref<!tpu.dma_semaphore, #tpu.memory_space<semaphore_mem>>) src(%arg7 : memref<128x16xf32, #tpu.memory_space<vmem>>) dst(%dma_wait3A_23 : memref<10008x16xf32, #tpu.memory_space<vmem_shared>>)
        tpu.yield
      }) : () -> ()
    }
    %scan3A_7 = arith.constant 80 : i32
    %barrier3A_8 = arith.constant 0 : index
    tpu.barrier barrier_id(%barrier3A_8)
    "tpu.region"() ({
      %run_scoped3A = tpu.sem_alloc : memref<!tpu.dma_semaphore, #tpu.memory_space<semaphore_mem>>
      %dma_start3A = arith.constant 0 : i32
      %dma_start3A_9 = tpu.memref_slice %arg5[%arg0, %multiple_of3A, %dma_start3A] : memref<2x10000x16xf32, #tpu.memory_space<hbm>> -> memref<1x632x16xf32, #tpu.memory_space<hbm>>
      %dma_start3A_10 = tpu.memref_squeeze %dma_start3A_9 : memref<1x632x16xf32, #tpu.memory_space<hbm>> -> memref<632x16xf32, #tpu.memory_space<hbm>>
      %dma_start3A_11 = arith.constant 0 : i32
      %dma_start3A_12 = tpu.memref_slice %arg8[%multiple_of3A, %dma_start3A_11] : memref<10008x16xf32, #tpu.memory_space<vmem_shared>> -> memref<632x16xf32, #tpu.memory_space<vmem_shared>>
      tpu.enqueue_dma source(%dma_start3A_12 : memref<632x16xf32, #tpu.memory_space<vmem_shared>>) target(%dma_start3A_10 : memref<632x16xf32, #tpu.memory_space<hbm>>) target_semaphore(%run_scoped3A : memref<!tpu.dma_semaphore, #tpu.memory_space<semaphore_mem>>)
      %dma_wait3A = arith.constant 0 : i32
      %dma_wait3A_13 = tpu.memref_slice %arg5[%arg0, %multiple_of3A, %dma_wait3A] : memref<2x10000x16xf32, #tpu.memory_space<hbm>> -> memref<1x632x16xf32, #tpu.memory_space<hbm>>
      %dma_wait3A_14 = tpu.memref_squeeze %dma_wait3A_13 : memref<1x632x16xf32, #tpu.memory_space<hbm>> -> memref<632x16xf32, #tpu.memory_space<hbm>>
      %dma_wait3A_15 = arith.constant 0 : i32
      %dma_wait3A_16 = tpu.memref_slice %arg8[%multiple_of3A, %dma_wait3A_15] : memref<10008x16xf32, #tpu.memory_space<vmem_shared>> -> memref<632x16xf32, #tpu.memory_space<vmem_shared>>
      tpu.wait_dma2 semaphore(%run_scoped3A : memref<!tpu.dma_semaphore, #tpu.memory_space<semaphore_mem>>) src(%dma_wait3A_16 : memref<632x16xf32, #tpu.memory_space<vmem_shared>>) dst(%dma_wait3A_14 : memref<632x16xf32, #tpu.memory_space<hbm>>)
      tpu.yield
    }) : () -> ()
    return
  }
}

#map = affine_map<(d0, d1) -> (0, 0, 0)>
#map1 = affine_map<(d0, d1) -> (0, 0)>
module attributes {stable_mosaic.version = 14 : i64} {
  func.func @agg_kernel(%arg0: i32, %arg1: i32, %arg2: memref<2x10000x32xf32, #tpu.memory_space<hbm>>, %arg3: memref<16x160x128xi32, #tpu.memory_space<hbm>>, %arg4: memref<16x160x128xi32, #tpu.memory_space<hbm>>, %arg5: memref<632x32xf32, #tpu.memory_space<hbm>>, %arg6: memref<2x10000x32xf32, #tpu.memory_space<hbm>>, %arg7: memref<160x128xi32, #tpu.memory_space<vmem>>, %arg8: memref<160x128xi32, #tpu.memory_space<vmem>>, %arg9: memref<128x32xf32, #tpu.memory_space<vmem>>, %arg10: memref<128x32xf32, #tpu.memory_space<vmem>>, %arg11: memref<128x32xf32, #tpu.memory_space<vmem>>, %arg12: memref<128x32xf32, #tpu.memory_space<vmem>>, %arg13: memref<128x32xf32, #tpu.memory_space<vmem>>, %arg14: memref<128x32xf32, #tpu.memory_space<vmem>>, %arg15: memref<128x32xf32, #tpu.memory_space<vmem>>, %arg16: memref<128x32xf32, #tpu.memory_space<vmem>>, %arg17: memref<10008x32xf32, #tpu.memory_space<vmem_shared>>, %arg18: memref<!tpu.dma_semaphore, #tpu.memory_space<semaphore_mem>>, %arg19: memref<!tpu.dma_semaphore, #tpu.memory_space<semaphore_mem>>, %arg20: memref<!tpu.dma_semaphore, #tpu.memory_space<semaphore_mem>>, %arg21: memref<!tpu.dma_semaphore, #tpu.memory_space<semaphore_mem>>, %arg22: memref<!tpu.dma_semaphore, #tpu.memory_space<semaphore_mem>>, %arg23: memref<!tpu.dma_semaphore, #tpu.memory_space<semaphore_mem>>, %arg24: memref<!tpu.dma_semaphore, #tpu.memory_space<semaphore_mem>>, %arg25: memref<!tpu.dma_semaphore, #tpu.memory_space<semaphore_mem>>, %arg26: memref<!tpu.dma_semaphore, #tpu.memory_space<semaphore_mem>>, %arg27: memref<!tpu.dma_semaphore, #tpu.memory_space<semaphore_mem>>, %arg28: memref<!tpu.dma_semaphore, #tpu.memory_space<semaphore_mem>>, %arg29: memref<!tpu.dma_semaphore, #tpu.memory_space<semaphore_mem>>, %arg30: memref<!tpu.dma_semaphore, #tpu.memory_space<semaphore_mem>>, %arg31: memref<!tpu.dma_semaphore, #tpu.memory_space<semaphore_mem>>, %arg32: memref<!tpu.dma_semaphore, #tpu.memory_space<semaphore_mem>>, %arg33: memref<!tpu.dma_semaphore, #tpu.memory_space<semaphore_mem>>) attributes {dimension_semantics = [#tpu.dimension_semantics<core_parallel>, #tpu.dimension_semantics<subcore_parallel>], iteration_bounds = array<i64: 2, 16>, scalar_prefetch = 0 : i64, scratch_operands = 27 : i64, tpu.core_type = #tpu.core_type<sc_vector_subcore>, window_params = [{transform_indices = #map}, {transform_indices = #map}, {transform_indices = #map}, {transform_indices = #map1}, {transform_indices = #map}]} {
    %mul3A = arith.constant 632 : i32
    %mul3A_0 = arith.muli %arg1, %mul3A : i32
    %min3A = arith.constant 9368 : i32
    %min3A_1 = arith.minsi %mul3A_0, %min3A : i32
    %multiple_of3A = tpu.assume_multiple %min3A_1, 8 : i32
    "tpu.region"() ({
      %run_scoped3A = tpu.sem_alloc : memref<!tpu.dma_semaphore, #tpu.memory_space<semaphore_mem>>
      %dma_start3A_293 = arith.constant 0 : i32
      %dma_start3A_294 = tpu.memref_slice %arg17[%multiple_of3A, %dma_start3A_293] : memref<10008x32xf32, #tpu.memory_space<vmem_shared>> -> memref<632x32xf32, #tpu.memory_space<vmem_shared>>
      tpu.enqueue_dma source(%arg5 : memref<632x32xf32, #tpu.memory_space<hbm>>) target(%dma_start3A_294 : memref<632x32xf32, #tpu.memory_space<vmem_shared>>) target_semaphore(%run_scoped3A : memref<!tpu.dma_semaphore, #tpu.memory_space<semaphore_mem>>)
      %dma_wait3A_295 = arith.constant 0 : i32
      %dma_wait3A_296 = tpu.memref_slice %arg17[%multiple_of3A, %dma_wait3A_295] : memref<10008x32xf32, #tpu.memory_space<vmem_shared>> -> memref<632x32xf32, #tpu.memory_space<vmem_shared>>
      tpu.wait_dma2 semaphore(%run_scoped3A : memref<!tpu.dma_semaphore, #tpu.memory_space<semaphore_mem>>) src(%arg5 : memref<632x32xf32, #tpu.memory_space<hbm>>) dst(%dma_wait3A_296 : memref<632x32xf32, #tpu.memory_space<vmem_shared>>)
      tpu.yield
    }) : () -> ()
    %barrier3A = arith.constant 0 : index
    tpu.barrier barrier_id(%barrier3A)
    "tpu.region"() ({
      %run_scoped3A = tpu.sem_alloc : memref<!tpu.dma_semaphore, #tpu.memory_space<semaphore_mem>>
      %dma_start3A_293 = arith.constant 0 : i32
      %dma_start3A_294 = arith.constant 0 : i32
      %dma_start3A_295 = tpu.memref_slice %arg3[%arg1, %dma_start3A_293, %dma_start3A_294] : memref<16x160x128xi32, #tpu.memory_space<hbm>> -> memref<1x160x128xi32, #tpu.memory_space<hbm>>
      %dma_start3A_296 = tpu.memref_squeeze %dma_start3A_295 : memref<1x160x128xi32, #tpu.memory_space<hbm>> -> memref<160x128xi32, #tpu.memory_space<hbm>>
      %dma_start3A_297 = arith.constant 0 : i32
      %dma_start3A_298 = arith.constant 0 : i32
      %dma_start3A_299 = tpu.memref_slice %arg3[%arg1, %dma_start3A_297, %dma_start3A_298] : memref<16x160x128xi32, #tpu.memory_space<hbm>> -> memref<1x160x128xi32, #tpu.memory_space<hbm>>
      %dma_start3A_300 = tpu.memref_squeeze %dma_start3A_299 : memref<1x160x128xi32, #tpu.memory_space<hbm>> -> memref<160x128xi32, #tpu.memory_space<hbm>>
      tpu.enqueue_dma source(%dma_start3A_300 : memref<160x128xi32, #tpu.memory_space<hbm>>) target(%arg7 : memref<160x128xi32, #tpu.memory_space<vmem>>) target_semaphore(%run_scoped3A : memref<!tpu.dma_semaphore, #tpu.memory_space<semaphore_mem>>)
      %dma_wait3A_301 = arith.constant 0 : i32
      %dma_wait3A_302 = arith.constant 0 : i32
      %dma_wait3A_303 = tpu.memref_slice %arg3[%arg1, %dma_wait3A_301, %dma_wait3A_302] : memref<16x160x128xi32, #tpu.memory_space<hbm>> -> memref<1x160x128xi32, #tpu.memory_space<hbm>>
      %dma_wait3A_304 = tpu.memref_squeeze %dma_wait3A_303 : memref<1x160x128xi32, #tpu.memory_space<hbm>> -> memref<160x128xi32, #tpu.memory_space<hbm>>
      %dma_wait3A_305 = arith.constant 0 : i32
      %dma_wait3A_306 = arith.constant 0 : i32
      %dma_wait3A_307 = tpu.memref_slice %arg3[%arg1, %dma_wait3A_305, %dma_wait3A_306] : memref<16x160x128xi32, #tpu.memory_space<hbm>> -> memref<1x160x128xi32, #tpu.memory_space<hbm>>
      %dma_wait3A_308 = tpu.memref_squeeze %dma_wait3A_307 : memref<1x160x128xi32, #tpu.memory_space<hbm>> -> memref<160x128xi32, #tpu.memory_space<hbm>>
      tpu.wait_dma2 semaphore(%run_scoped3A : memref<!tpu.dma_semaphore, #tpu.memory_space<semaphore_mem>>) src(%dma_wait3A_308 : memref<160x128xi32, #tpu.memory_space<hbm>>) dst(%arg7 : memref<160x128xi32, #tpu.memory_space<vmem>>)
      tpu.yield
    }) : () -> ()
    "tpu.region"() ({
      %run_scoped3A = tpu.sem_alloc : memref<!tpu.dma_semaphore, #tpu.memory_space<semaphore_mem>>
      %dma_start3A_293 = arith.constant 0 : i32
      %dma_start3A_294 = arith.constant 0 : i32
      %dma_start3A_295 = tpu.memref_slice %arg4[%arg1, %dma_start3A_293, %dma_start3A_294] : memref<16x160x128xi32, #tpu.memory_space<hbm>> -> memref<1x160x128xi32, #tpu.memory_space<hbm>>
      %dma_start3A_296 = tpu.memref_squeeze %dma_start3A_295 : memref<1x160x128xi32, #tpu.memory_space<hbm>> -> memref<160x128xi32, #tpu.memory_space<hbm>>
      %dma_start3A_297 = arith.constant 0 : i32
      %dma_start3A_298 = arith.constant 0 : i32
      %dma_start3A_299 = tpu.memref_slice %arg4[%arg1, %dma_start3A_297, %dma_start3A_298] : memref<16x160x128xi32, #tpu.memory_space<hbm>> -> memref<1x160x128xi32, #tpu.memory_space<hbm>>
      %dma_start3A_300 = tpu.memref_squeeze %dma_start3A_299 : memref<1x160x128xi32, #tpu.memory_space<hbm>> -> memref<160x128xi32, #tpu.memory_space<hbm>>
      tpu.enqueue_dma source(%dma_start3A_300 : memref<160x128xi32, #tpu.memory_space<hbm>>) target(%arg8 : memref<160x128xi32, #tpu.memory_space<vmem>>) target_semaphore(%run_scoped3A : memref<!tpu.dma_semaphore, #tpu.memory_space<semaphore_mem>>)
      %dma_wait3A_301 = arith.constant 0 : i32
      %dma_wait3A_302 = arith.constant 0 : i32
      %dma_wait3A_303 = tpu.memref_slice %arg4[%arg1, %dma_wait3A_301, %dma_wait3A_302] : memref<16x160x128xi32, #tpu.memory_space<hbm>> -> memref<1x160x128xi32, #tpu.memory_space<hbm>>
      %dma_wait3A_304 = tpu.memref_squeeze %dma_wait3A_303 : memref<1x160x128xi32, #tpu.memory_space<hbm>> -> memref<160x128xi32, #tpu.memory_space<hbm>>
      %dma_wait3A_305 = arith.constant 0 : i32
      %dma_wait3A_306 = arith.constant 0 : i32
      %dma_wait3A_307 = tpu.memref_slice %arg4[%arg1, %dma_wait3A_305, %dma_wait3A_306] : memref<16x160x128xi32, #tpu.memory_space<hbm>> -> memref<1x160x128xi32, #tpu.memory_space<hbm>>
      %dma_wait3A_308 = tpu.memref_squeeze %dma_wait3A_307 : memref<1x160x128xi32, #tpu.memory_space<hbm>> -> memref<160x128xi32, #tpu.memory_space<hbm>>
      tpu.wait_dma2 semaphore(%run_scoped3A : memref<!tpu.dma_semaphore, #tpu.memory_space<semaphore_mem>>) src(%dma_wait3A_308 : memref<160x128xi32, #tpu.memory_space<hbm>>) dst(%arg8 : memref<160x128xi32, #tpu.memory_space<vmem>>)
      tpu.yield
    }) : () -> ()
    %dma_start3A = arith.constant 0 : i32
    %dma_start3A_2 = arith.constant 0 : i32
    %dma_start3A_3 = tpu.memref_slice %arg7[%dma_start3A, %dma_start3A_2] : memref<160x128xi32, #tpu.memory_space<vmem>> -> memref<1x128xi32, #tpu.memory_space<vmem>>
    %dma_start3A_4 = tpu.memref_squeeze %dma_start3A_3 : memref<1x128xi32, #tpu.memory_space<vmem>> -> memref<128xi32, #tpu.memory_space<vmem>>
    %dma_start3A_5 = arith.constant 0 : i32
    %dma_start3A_6 = arith.constant 0 : i32
    %dma_start3A_7 = tpu.memref_slice %arg2[%arg0, %dma_start3A_5, %dma_start3A_6] : memref<2x10000x32xf32, #tpu.memory_space<hbm>> -> memref<1x10000x32xf32, #tpu.memory_space<hbm>>
    %dma_start3A_8 = tpu.memref_squeeze %dma_start3A_7 : memref<1x10000x32xf32, #tpu.memory_space<hbm>> -> memref<10000x32xf32, #tpu.memory_space<hbm>>
    %dma_start3A_9 = arith.constant 0 : i32
    %dma_start3A_10 = arith.constant 0 : i32
    %dma_start3A_11 = tpu.memref_slice %dma_start3A_8[%dma_start3A_9, %dma_start3A_10] : memref<10000x32xf32, #tpu.memory_space<hbm>> -> memref<10000x32xf32, #tpu.memory_space<hbm>>
    tpu.enqueue_indirect_dma source(%dma_start3A_11 : memref<10000x32xf32, #tpu.memory_space<hbm>>) target(%arg9 : memref<128x32xf32, #tpu.memory_space<vmem>>) offsets(%dma_start3A_4 : memref<128xi32, #tpu.memory_space<vmem>>) semaphore(%arg18 : memref<!tpu.dma_semaphore, #tpu.memory_space<semaphore_mem>>)
    %dma_start3A_12 = arith.constant 1 : i32
    %dma_start3A_13 = arith.constant 0 : i32
    %dma_start3A_14 = tpu.memref_slice %arg7[%dma_start3A_12, %dma_start3A_13] : memref<160x128xi32, #tpu.memory_space<vmem>> -> memref<1x128xi32, #tpu.memory_space<vmem>>
    %dma_start3A_15 = tpu.memref_squeeze %dma_start3A_14 : memref<1x128xi32, #tpu.memory_space<vmem>> -> memref<128xi32, #tpu.memory_space<vmem>>
    %dma_start3A_16 = arith.constant 0 : i32
    %dma_start3A_17 = arith.constant 0 : i32
    %dma_start3A_18 = tpu.memref_slice %arg2[%arg0, %dma_start3A_16, %dma_start3A_17] : memref<2x10000x32xf32, #tpu.memory_space<hbm>> -> memref<1x10000x32xf32, #tpu.memory_space<hbm>>
    %dma_start3A_19 = tpu.memref_squeeze %dma_start3A_18 : memref<1x10000x32xf32, #tpu.memory_space<hbm>> -> memref<10000x32xf32, #tpu.memory_space<hbm>>
    %dma_start3A_20 = arith.constant 0 : i32
    %dma_start3A_21 = arith.constant 0 : i32
    %dma_start3A_22 = tpu.memref_slice %dma_start3A_19[%dma_start3A_20, %dma_start3A_21] : memref<10000x32xf32, #tpu.memory_space<hbm>> -> memref<10000x32xf32, #tpu.memory_space<hbm>>
    tpu.enqueue_indirect_dma source(%dma_start3A_22 : memref<10000x32xf32, #tpu.memory_space<hbm>>) target(%arg10 : memref<128x32xf32, #tpu.memory_space<vmem>>) offsets(%dma_start3A_15 : memref<128xi32, #tpu.memory_space<vmem>>) semaphore(%arg19 : memref<!tpu.dma_semaphore, #tpu.memory_space<semaphore_mem>>)
    %dma_wait3A = arith.constant 0 : i32
    %dma_wait3A_23 = arith.constant 0 : i32
    %dma_wait3A_24 = tpu.memref_slice %arg7[%dma_wait3A, %dma_wait3A_23] : memref<160x128xi32, #tpu.memory_space<vmem>> -> memref<1x128xi32, #tpu.memory_space<vmem>>
    %dma_wait3A_25 = tpu.memref_squeeze %dma_wait3A_24 : memref<1x128xi32, #tpu.memory_space<vmem>> -> memref<128xi32, #tpu.memory_space<vmem>>
    %dma_wait3A_26 = arith.constant 0 : i32
    %dma_wait3A_27 = arith.constant 0 : i32
    %dma_wait3A_28 = tpu.memref_slice %arg2[%arg0, %dma_wait3A_26, %dma_wait3A_27] : memref<2x10000x32xf32, #tpu.memory_space<hbm>> -> memref<1x10000x32xf32, #tpu.memory_space<hbm>>
    %dma_wait3A_29 = tpu.memref_squeeze %dma_wait3A_28 : memref<1x10000x32xf32, #tpu.memory_space<hbm>> -> memref<10000x32xf32, #tpu.memory_space<hbm>>
    %dma_wait3A_30 = arith.constant 0 : i32
    %dma_wait3A_31 = arith.constant 0 : i32
    %dma_wait3A_32 = tpu.memref_slice %dma_wait3A_29[%dma_wait3A_30, %dma_wait3A_31] : memref<10000x32xf32, #tpu.memory_space<hbm>> -> memref<10000x32xf32, #tpu.memory_space<hbm>>
    tpu.wait_indirect_dma semaphore(%arg18 : memref<!tpu.dma_semaphore, #tpu.memory_space<semaphore_mem>>) src(%dma_wait3A_32 : memref<10000x32xf32, #tpu.memory_space<hbm>>) dst(%arg9 : memref<128x32xf32, #tpu.memory_space<vmem>>)
    %dma_start3A_33 = arith.constant 0 : i32
    %dma_start3A_34 = arith.constant 0 : i32
    %dma_start3A_35 = tpu.memref_slice %arg8[%dma_start3A_33, %dma_start3A_34] : memref<160x128xi32, #tpu.memory_space<vmem>> -> memref<1x128xi32, #tpu.memory_space<vmem>>
    %dma_start3A_36 = tpu.memref_squeeze %dma_start3A_35 : memref<1x128xi32, #tpu.memory_space<vmem>> -> memref<128xi32, #tpu.memory_space<vmem>>
    %dma_start3A_37 = arith.constant 0 : i32
    %dma_start3A_38 = arith.constant 0 : i32
    %dma_start3A_39 = tpu.memref_slice %arg17[%dma_start3A_37, %dma_start3A_38] : memref<10008x32xf32, #tpu.memory_space<vmem_shared>> -> memref<10008x32xf32, #tpu.memory_space<vmem_shared>>
    tpu.enqueue_indirect_dma source(%arg9 : memref<128x32xf32, #tpu.memory_space<vmem>>) target(%dma_start3A_39 : memref<10008x32xf32, #tpu.memory_space<vmem_shared>>) offsets(%dma_start3A_36 : memref<128xi32, #tpu.memory_space<vmem>>) semaphore(%arg26 : memref<!tpu.dma_semaphore, #tpu.memory_space<semaphore_mem>>) {add = true}
    %dma_start3A_40 = arith.constant 2 : i32
    %dma_start3A_41 = arith.constant 0 : i32
    %dma_start3A_42 = tpu.memref_slice %arg7[%dma_start3A_40, %dma_start3A_41] : memref<160x128xi32, #tpu.memory_space<vmem>> -> memref<1x128xi32, #tpu.memory_space<vmem>>
    %dma_start3A_43 = tpu.memref_squeeze %dma_start3A_42 : memref<1x128xi32, #tpu.memory_space<vmem>> -> memref<128xi32, #tpu.memory_space<vmem>>
    %dma_start3A_44 = arith.constant 0 : i32
    %dma_start3A_45 = arith.constant 0 : i32
    %dma_start3A_46 = tpu.memref_slice %arg2[%arg0, %dma_start3A_44, %dma_start3A_45] : memref<2x10000x32xf32, #tpu.memory_space<hbm>> -> memref<1x10000x32xf32, #tpu.memory_space<hbm>>
    %dma_start3A_47 = tpu.memref_squeeze %dma_start3A_46 : memref<1x10000x32xf32, #tpu.memory_space<hbm>> -> memref<10000x32xf32, #tpu.memory_space<hbm>>
    %dma_start3A_48 = arith.constant 0 : i32
    %dma_start3A_49 = arith.constant 0 : i32
    %dma_start3A_50 = tpu.memref_slice %dma_start3A_47[%dma_start3A_48, %dma_start3A_49] : memref<10000x32xf32, #tpu.memory_space<hbm>> -> memref<10000x32xf32, #tpu.memory_space<hbm>>
    tpu.enqueue_indirect_dma source(%dma_start3A_50 : memref<10000x32xf32, #tpu.memory_space<hbm>>) target(%arg11 : memref<128x32xf32, #tpu.memory_space<vmem>>) offsets(%dma_start3A_43 : memref<128xi32, #tpu.memory_space<vmem>>) semaphore(%arg20 : memref<!tpu.dma_semaphore, #tpu.memory_space<semaphore_mem>>)
    %dma_wait3A_51 = arith.constant 1 : i32
    %dma_wait3A_52 = arith.constant 0 : i32
    %dma_wait3A_53 = tpu.memref_slice %arg7[%dma_wait3A_51, %dma_wait3A_52] : memref<160x128xi32, #tpu.memory_space<vmem>> -> memref<1x128xi32, #tpu.memory_space<vmem>>
    %dma_wait3A_54 = tpu.memref_squeeze %dma_wait3A_53 : memref<1x128xi32, #tpu.memory_space<vmem>> -> memref<128xi32, #tpu.memory_space<vmem>>
    %dma_wait3A_55 = arith.constant 0 : i32
    %dma_wait3A_56 = arith.constant 0 : i32
    %dma_wait3A_57 = tpu.memref_slice %arg2[%arg0, %dma_wait3A_55, %dma_wait3A_56] : memref<2x10000x32xf32, #tpu.memory_space<hbm>> -> memref<1x10000x32xf32, #tpu.memory_space<hbm>>
    %dma_wait3A_58 = tpu.memref_squeeze %dma_wait3A_57 : memref<1x10000x32xf32, #tpu.memory_space<hbm>> -> memref<10000x32xf32, #tpu.memory_space<hbm>>
    %dma_wait3A_59 = arith.constant 0 : i32
    %dma_wait3A_60 = arith.constant 0 : i32
    %dma_wait3A_61 = tpu.memref_slice %dma_wait3A_58[%dma_wait3A_59, %dma_wait3A_60] : memref<10000x32xf32, #tpu.memory_space<hbm>> -> memref<10000x32xf32, #tpu.memory_space<hbm>>
    tpu.wait_indirect_dma semaphore(%arg19 : memref<!tpu.dma_semaphore, #tpu.memory_space<semaphore_mem>>) src(%dma_wait3A_61 : memref<10000x32xf32, #tpu.memory_space<hbm>>) dst(%arg10 : memref<128x32xf32, #tpu.memory_space<vmem>>)
    %dma_start3A_62 = arith.constant 1 : i32
    %dma_start3A_63 = arith.constant 0 : i32
    %dma_start3A_64 = tpu.memref_slice %arg8[%dma_start3A_62, %dma_start3A_63] : memref<160x128xi32, #tpu.memory_space<vmem>> -> memref<1x128xi32, #tpu.memory_space<vmem>>
    %dma_start3A_65 = tpu.memref_squeeze %dma_start3A_64 : memref<1x128xi32, #tpu.memory_space<vmem>> -> memref<128xi32, #tpu.memory_space<vmem>>
    %dma_start3A_66 = arith.constant 0 : i32
    %dma_start3A_67 = arith.constant 0 : i32
    %dma_start3A_68 = tpu.memref_slice %arg17[%dma_start3A_66, %dma_start3A_67] : memref<10008x32xf32, #tpu.memory_space<vmem_shared>> -> memref<10008x32xf32, #tpu.memory_space<vmem_shared>>
    tpu.enqueue_indirect_dma source(%arg10 : memref<128x32xf32, #tpu.memory_space<vmem>>) target(%dma_start3A_68 : memref<10008x32xf32, #tpu.memory_space<vmem_shared>>) offsets(%dma_start3A_65 : memref<128xi32, #tpu.memory_space<vmem>>) semaphore(%arg27 : memref<!tpu.dma_semaphore, #tpu.memory_space<semaphore_mem>>) {add = true}
    %dma_start3A_69 = arith.constant 3 : i32
    %dma_start3A_70 = arith.constant 0 : i32
    %dma_start3A_71 = tpu.memref_slice %arg7[%dma_start3A_69, %dma_start3A_70] : memref<160x128xi32, #tpu.memory_space<vmem>> -> memref<1x128xi32, #tpu.memory_space<vmem>>
    %dma_start3A_72 = tpu.memref_squeeze %dma_start3A_71 : memref<1x128xi32, #tpu.memory_space<vmem>> -> memref<128xi32, #tpu.memory_space<vmem>>
    %dma_start3A_73 = arith.constant 0 : i32
    %dma_start3A_74 = arith.constant 0 : i32
    %dma_start3A_75 = tpu.memref_slice %arg2[%arg0, %dma_start3A_73, %dma_start3A_74] : memref<2x10000x32xf32, #tpu.memory_space<hbm>> -> memref<1x10000x32xf32, #tpu.memory_space<hbm>>
    %dma_start3A_76 = tpu.memref_squeeze %dma_start3A_75 : memref<1x10000x32xf32, #tpu.memory_space<hbm>> -> memref<10000x32xf32, #tpu.memory_space<hbm>>
    %dma_start3A_77 = arith.constant 0 : i32
    %dma_start3A_78 = arith.constant 0 : i32
    %dma_start3A_79 = tpu.memref_slice %dma_start3A_76[%dma_start3A_77, %dma_start3A_78] : memref<10000x32xf32, #tpu.memory_space<hbm>> -> memref<10000x32xf32, #tpu.memory_space<hbm>>
    tpu.enqueue_indirect_dma source(%dma_start3A_79 : memref<10000x32xf32, #tpu.memory_space<hbm>>) target(%arg12 : memref<128x32xf32, #tpu.memory_space<vmem>>) offsets(%dma_start3A_72 : memref<128xi32, #tpu.memory_space<vmem>>) semaphore(%arg21 : memref<!tpu.dma_semaphore, #tpu.memory_space<semaphore_mem>>)
    %dma_wait3A_80 = arith.constant 2 : i32
    %dma_wait3A_81 = arith.constant 0 : i32
    %dma_wait3A_82 = tpu.memref_slice %arg7[%dma_wait3A_80, %dma_wait3A_81] : memref<160x128xi32, #tpu.memory_space<vmem>> -> memref<1x128xi32, #tpu.memory_space<vmem>>
    %dma_wait3A_83 = tpu.memref_squeeze %dma_wait3A_82 : memref<1x128xi32, #tpu.memory_space<vmem>> -> memref<128xi32, #tpu.memory_space<vmem>>
    %dma_wait3A_84 = arith.constant 0 : i32
    %dma_wait3A_85 = arith.constant 0 : i32
    %dma_wait3A_86 = tpu.memref_slice %arg2[%arg0, %dma_wait3A_84, %dma_wait3A_85] : memref<2x10000x32xf32, #tpu.memory_space<hbm>> -> memref<1x10000x32xf32, #tpu.memory_space<hbm>>
    %dma_wait3A_87 = tpu.memref_squeeze %dma_wait3A_86 : memref<1x10000x32xf32, #tpu.memory_space<hbm>> -> memref<10000x32xf32, #tpu.memory_space<hbm>>
    %dma_wait3A_88 = arith.constant 0 : i32
    %dma_wait3A_89 = arith.constant 0 : i32
    %dma_wait3A_90 = tpu.memref_slice %dma_wait3A_87[%dma_wait3A_88, %dma_wait3A_89] : memref<10000x32xf32, #tpu.memory_space<hbm>> -> memref<10000x32xf32, #tpu.memory_space<hbm>>
    tpu.wait_indirect_dma semaphore(%arg20 : memref<!tpu.dma_semaphore, #tpu.memory_space<semaphore_mem>>) src(%dma_wait3A_90 : memref<10000x32xf32, #tpu.memory_space<hbm>>) dst(%arg11 : memref<128x32xf32, #tpu.memory_space<vmem>>)
    %dma_start3A_91 = arith.constant 2 : i32
    %dma_start3A_92 = arith.constant 0 : i32
    %dma_start3A_93 = tpu.memref_slice %arg8[%dma_start3A_91, %dma_start3A_92] : memref<160x128xi32, #tpu.memory_space<vmem>> -> memref<1x128xi32, #tpu.memory_space<vmem>>
    %dma_start3A_94 = tpu.memref_squeeze %dma_start3A_93 : memref<1x128xi32, #tpu.memory_space<vmem>> -> memref<128xi32, #tpu.memory_space<vmem>>
    %dma_start3A_95 = arith.constant 0 : i32
    %dma_start3A_96 = arith.constant 0 : i32
    %dma_start3A_97 = tpu.memref_slice %arg17[%dma_start3A_95, %dma_start3A_96] : memref<10008x32xf32, #tpu.memory_space<vmem_shared>> -> memref<10008x32xf32, #tpu.memory_space<vmem_shared>>
    tpu.enqueue_indirect_dma source(%arg11 : memref<128x32xf32, #tpu.memory_space<vmem>>) target(%dma_start3A_97 : memref<10008x32xf32, #tpu.memory_space<vmem_shared>>) offsets(%dma_start3A_94 : memref<128xi32, #tpu.memory_space<vmem>>) semaphore(%arg28 : memref<!tpu.dma_semaphore, #tpu.memory_space<semaphore_mem>>) {add = true}
    %dma_start3A_98 = arith.constant 4 : i32
    %dma_start3A_99 = arith.constant 0 : i32
    %dma_start3A_100 = tpu.memref_slice %arg7[%dma_start3A_98, %dma_start3A_99] : memref<160x128xi32, #tpu.memory_space<vmem>> -> memref<1x128xi32, #tpu.memory_space<vmem>>
    %dma_start3A_101 = tpu.memref_squeeze %dma_start3A_100 : memref<1x128xi32, #tpu.memory_space<vmem>> -> memref<128xi32, #tpu.memory_space<vmem>>
    %dma_start3A_102 = arith.constant 0 : i32
    %dma_start3A_103 = arith.constant 0 : i32
    %dma_start3A_104 = tpu.memref_slice %arg2[%arg0, %dma_start3A_102, %dma_start3A_103] : memref<2x10000x32xf32, #tpu.memory_space<hbm>> -> memref<1x10000x32xf32, #tpu.memory_space<hbm>>
    %dma_start3A_105 = tpu.memref_squeeze %dma_start3A_104 : memref<1x10000x32xf32, #tpu.memory_space<hbm>> -> memref<10000x32xf32, #tpu.memory_space<hbm>>
    %dma_start3A_106 = arith.constant 0 : i32
    %dma_start3A_107 = arith.constant 0 : i32
    %dma_start3A_108 = tpu.memref_slice %dma_start3A_105[%dma_start3A_106, %dma_start3A_107] : memref<10000x32xf32, #tpu.memory_space<hbm>> -> memref<10000x32xf32, #tpu.memory_space<hbm>>
    tpu.enqueue_indirect_dma source(%dma_start3A_108 : memref<10000x32xf32, #tpu.memory_space<hbm>>) target(%arg13 : memref<128x32xf32, #tpu.memory_space<vmem>>) offsets(%dma_start3A_101 : memref<128xi32, #tpu.memory_space<vmem>>) semaphore(%arg22 : memref<!tpu.dma_semaphore, #tpu.memory_space<semaphore_mem>>)
    %dma_wait3A_109 = arith.constant 3 : i32
    %dma_wait3A_110 = arith.constant 0 : i32
    %dma_wait3A_111 = tpu.memref_slice %arg7[%dma_wait3A_109, %dma_wait3A_110] : memref<160x128xi32, #tpu.memory_space<vmem>> -> memref<1x128xi32, #tpu.memory_space<vmem>>
    %dma_wait3A_112 = tpu.memref_squeeze %dma_wait3A_111 : memref<1x128xi32, #tpu.memory_space<vmem>> -> memref<128xi32, #tpu.memory_space<vmem>>
    %dma_wait3A_113 = arith.constant 0 : i32
    %dma_wait3A_114 = arith.constant 0 : i32
    %dma_wait3A_115 = tpu.memref_slice %arg2[%arg0, %dma_wait3A_113, %dma_wait3A_114] : memref<2x10000x32xf32, #tpu.memory_space<hbm>> -> memref<1x10000x32xf32, #tpu.memory_space<hbm>>
    %dma_wait3A_116 = tpu.memref_squeeze %dma_wait3A_115 : memref<1x10000x32xf32, #tpu.memory_space<hbm>> -> memref<10000x32xf32, #tpu.memory_space<hbm>>
    %dma_wait3A_117 = arith.constant 0 : i32
    %dma_wait3A_118 = arith.constant 0 : i32
    %dma_wait3A_119 = tpu.memref_slice %dma_wait3A_116[%dma_wait3A_117, %dma_wait3A_118] : memref<10000x32xf32, #tpu.memory_space<hbm>> -> memref<10000x32xf32, #tpu.memory_space<hbm>>
    tpu.wait_indirect_dma semaphore(%arg21 : memref<!tpu.dma_semaphore, #tpu.memory_space<semaphore_mem>>) src(%dma_wait3A_119 : memref<10000x32xf32, #tpu.memory_space<hbm>>) dst(%arg12 : memref<128x32xf32, #tpu.memory_space<vmem>>)
    %dma_start3A_120 = arith.constant 3 : i32
    %dma_start3A_121 = arith.constant 0 : i32
    %dma_start3A_122 = tpu.memref_slice %arg8[%dma_start3A_120, %dma_start3A_121] : memref<160x128xi32, #tpu.memory_space<vmem>> -> memref<1x128xi32, #tpu.memory_space<vmem>>
    %dma_start3A_123 = tpu.memref_squeeze %dma_start3A_122 : memref<1x128xi32, #tpu.memory_space<vmem>> -> memref<128xi32, #tpu.memory_space<vmem>>
    %dma_start3A_124 = arith.constant 0 : i32
    %dma_start3A_125 = arith.constant 0 : i32
    %dma_start3A_126 = tpu.memref_slice %arg17[%dma_start3A_124, %dma_start3A_125] : memref<10008x32xf32, #tpu.memory_space<vmem_shared>> -> memref<10008x32xf32, #tpu.memory_space<vmem_shared>>
    tpu.enqueue_indirect_dma source(%arg12 : memref<128x32xf32, #tpu.memory_space<vmem>>) target(%dma_start3A_126 : memref<10008x32xf32, #tpu.memory_space<vmem_shared>>) offsets(%dma_start3A_123 : memref<128xi32, #tpu.memory_space<vmem>>) semaphore(%arg29 : memref<!tpu.dma_semaphore, #tpu.memory_space<semaphore_mem>>) {add = true}
    %dma_start3A_127 = arith.constant 5 : i32
    %dma_start3A_128 = arith.constant 0 : i32
    %dma_start3A_129 = tpu.memref_slice %arg7[%dma_start3A_127, %dma_start3A_128] : memref<160x128xi32, #tpu.memory_space<vmem>> -> memref<1x128xi32, #tpu.memory_space<vmem>>
    %dma_start3A_130 = tpu.memref_squeeze %dma_start3A_129 : memref<1x128xi32, #tpu.memory_space<vmem>> -> memref<128xi32, #tpu.memory_space<vmem>>
    %dma_start3A_131 = arith.constant 0 : i32
    %dma_start3A_132 = arith.constant 0 : i32
    %dma_start3A_133 = tpu.memref_slice %arg2[%arg0, %dma_start3A_131, %dma_start3A_132] : memref<2x10000x32xf32, #tpu.memory_space<hbm>> -> memref<1x10000x32xf32, #tpu.memory_space<hbm>>
    %dma_start3A_134 = tpu.memref_squeeze %dma_start3A_133 : memref<1x10000x32xf32, #tpu.memory_space<hbm>> -> memref<10000x32xf32, #tpu.memory_space<hbm>>
    %dma_start3A_135 = arith.constant 0 : i32
    %dma_start3A_136 = arith.constant 0 : i32
    %dma_start3A_137 = tpu.memref_slice %dma_start3A_134[%dma_start3A_135, %dma_start3A_136] : memref<10000x32xf32, #tpu.memory_space<hbm>> -> memref<10000x32xf32, #tpu.memory_space<hbm>>
    tpu.enqueue_indirect_dma source(%dma_start3A_137 : memref<10000x32xf32, #tpu.memory_space<hbm>>) target(%arg14 : memref<128x32xf32, #tpu.memory_space<vmem>>) offsets(%dma_start3A_130 : memref<128xi32, #tpu.memory_space<vmem>>) semaphore(%arg23 : memref<!tpu.dma_semaphore, #tpu.memory_space<semaphore_mem>>)
    %dma_wait3A_138 = arith.constant 4 : i32
    %dma_wait3A_139 = arith.constant 0 : i32
    %dma_wait3A_140 = tpu.memref_slice %arg7[%dma_wait3A_138, %dma_wait3A_139] : memref<160x128xi32, #tpu.memory_space<vmem>> -> memref<1x128xi32, #tpu.memory_space<vmem>>
    %dma_wait3A_141 = tpu.memref_squeeze %dma_wait3A_140 : memref<1x128xi32, #tpu.memory_space<vmem>> -> memref<128xi32, #tpu.memory_space<vmem>>
    %dma_wait3A_142 = arith.constant 0 : i32
    %dma_wait3A_143 = arith.constant 0 : i32
    %dma_wait3A_144 = tpu.memref_slice %arg2[%arg0, %dma_wait3A_142, %dma_wait3A_143] : memref<2x10000x32xf32, #tpu.memory_space<hbm>> -> memref<1x10000x32xf32, #tpu.memory_space<hbm>>
    %dma_wait3A_145 = tpu.memref_squeeze %dma_wait3A_144 : memref<1x10000x32xf32, #tpu.memory_space<hbm>> -> memref<10000x32xf32, #tpu.memory_space<hbm>>
    %dma_wait3A_146 = arith.constant 0 : i32
    %dma_wait3A_147 = arith.constant 0 : i32
    %dma_wait3A_148 = tpu.memref_slice %dma_wait3A_145[%dma_wait3A_146, %dma_wait3A_147] : memref<10000x32xf32, #tpu.memory_space<hbm>> -> memref<10000x32xf32, #tpu.memory_space<hbm>>
    tpu.wait_indirect_dma semaphore(%arg22 : memref<!tpu.dma_semaphore, #tpu.memory_space<semaphore_mem>>) src(%dma_wait3A_148 : memref<10000x32xf32, #tpu.memory_space<hbm>>) dst(%arg13 : memref<128x32xf32, #tpu.memory_space<vmem>>)
    %dma_start3A_149 = arith.constant 4 : i32
    %dma_start3A_150 = arith.constant 0 : i32
    %dma_start3A_151 = tpu.memref_slice %arg8[%dma_start3A_149, %dma_start3A_150] : memref<160x128xi32, #tpu.memory_space<vmem>> -> memref<1x128xi32, #tpu.memory_space<vmem>>
    %dma_start3A_152 = tpu.memref_squeeze %dma_start3A_151 : memref<1x128xi32, #tpu.memory_space<vmem>> -> memref<128xi32, #tpu.memory_space<vmem>>
    %dma_start3A_153 = arith.constant 0 : i32
    %dma_start3A_154 = arith.constant 0 : i32
    %dma_start3A_155 = tpu.memref_slice %arg17[%dma_start3A_153, %dma_start3A_154] : memref<10008x32xf32, #tpu.memory_space<vmem_shared>> -> memref<10008x32xf32, #tpu.memory_space<vmem_shared>>
    tpu.enqueue_indirect_dma source(%arg13 : memref<128x32xf32, #tpu.memory_space<vmem>>) target(%dma_start3A_155 : memref<10008x32xf32, #tpu.memory_space<vmem_shared>>) offsets(%dma_start3A_152 : memref<128xi32, #tpu.memory_space<vmem>>) semaphore(%arg30 : memref<!tpu.dma_semaphore, #tpu.memory_space<semaphore_mem>>) {add = true}
    %dma_start3A_156 = arith.constant 6 : i32
    %dma_start3A_157 = arith.constant 0 : i32
    %dma_start3A_158 = tpu.memref_slice %arg7[%dma_start3A_156, %dma_start3A_157] : memref<160x128xi32, #tpu.memory_space<vmem>> -> memref<1x128xi32, #tpu.memory_space<vmem>>
    %dma_start3A_159 = tpu.memref_squeeze %dma_start3A_158 : memref<1x128xi32, #tpu.memory_space<vmem>> -> memref<128xi32, #tpu.memory_space<vmem>>
    %dma_start3A_160 = arith.constant 0 : i32
    %dma_start3A_161 = arith.constant 0 : i32
    %dma_start3A_162 = tpu.memref_slice %arg2[%arg0, %dma_start3A_160, %dma_start3A_161] : memref<2x10000x32xf32, #tpu.memory_space<hbm>> -> memref<1x10000x32xf32, #tpu.memory_space<hbm>>
    %dma_start3A_163 = tpu.memref_squeeze %dma_start3A_162 : memref<1x10000x32xf32, #tpu.memory_space<hbm>> -> memref<10000x32xf32, #tpu.memory_space<hbm>>
    %dma_start3A_164 = arith.constant 0 : i32
    %dma_start3A_165 = arith.constant 0 : i32
    %dma_start3A_166 = tpu.memref_slice %dma_start3A_163[%dma_start3A_164, %dma_start3A_165] : memref<10000x32xf32, #tpu.memory_space<hbm>> -> memref<10000x32xf32, #tpu.memory_space<hbm>>
    tpu.enqueue_indirect_dma source(%dma_start3A_166 : memref<10000x32xf32, #tpu.memory_space<hbm>>) target(%arg15 : memref<128x32xf32, #tpu.memory_space<vmem>>) offsets(%dma_start3A_159 : memref<128xi32, #tpu.memory_space<vmem>>) semaphore(%arg24 : memref<!tpu.dma_semaphore, #tpu.memory_space<semaphore_mem>>)
    %dma_wait3A_167 = arith.constant 5 : i32
    %dma_wait3A_168 = arith.constant 0 : i32
    %dma_wait3A_169 = tpu.memref_slice %arg7[%dma_wait3A_167, %dma_wait3A_168] : memref<160x128xi32, #tpu.memory_space<vmem>> -> memref<1x128xi32, #tpu.memory_space<vmem>>
    %dma_wait3A_170 = tpu.memref_squeeze %dma_wait3A_169 : memref<1x128xi32, #tpu.memory_space<vmem>> -> memref<128xi32, #tpu.memory_space<vmem>>
    %dma_wait3A_171 = arith.constant 0 : i32
    %dma_wait3A_172 = arith.constant 0 : i32
    %dma_wait3A_173 = tpu.memref_slice %arg2[%arg0, %dma_wait3A_171, %dma_wait3A_172] : memref<2x10000x32xf32, #tpu.memory_space<hbm>> -> memref<1x10000x32xf32, #tpu.memory_space<hbm>>
    %dma_wait3A_174 = tpu.memref_squeeze %dma_wait3A_173 : memref<1x10000x32xf32, #tpu.memory_space<hbm>> -> memref<10000x32xf32, #tpu.memory_space<hbm>>
    %dma_wait3A_175 = arith.constant 0 : i32
    %dma_wait3A_176 = arith.constant 0 : i32
    %dma_wait3A_177 = tpu.memref_slice %dma_wait3A_174[%dma_wait3A_175, %dma_wait3A_176] : memref<10000x32xf32, #tpu.memory_space<hbm>> -> memref<10000x32xf32, #tpu.memory_space<hbm>>
    tpu.wait_indirect_dma semaphore(%arg23 : memref<!tpu.dma_semaphore, #tpu.memory_space<semaphore_mem>>) src(%dma_wait3A_177 : memref<10000x32xf32, #tpu.memory_space<hbm>>) dst(%arg14 : memref<128x32xf32, #tpu.memory_space<vmem>>)
    %dma_start3A_178 = arith.constant 5 : i32
    %dma_start3A_179 = arith.constant 0 : i32
    %dma_start3A_180 = tpu.memref_slice %arg8[%dma_start3A_178, %dma_start3A_179] : memref<160x128xi32, #tpu.memory_space<vmem>> -> memref<1x128xi32, #tpu.memory_space<vmem>>
    %dma_start3A_181 = tpu.memref_squeeze %dma_start3A_180 : memref<1x128xi32, #tpu.memory_space<vmem>> -> memref<128xi32, #tpu.memory_space<vmem>>
    %dma_start3A_182 = arith.constant 0 : i32
    %dma_start3A_183 = arith.constant 0 : i32
    %dma_start3A_184 = tpu.memref_slice %arg17[%dma_start3A_182, %dma_start3A_183] : memref<10008x32xf32, #tpu.memory_space<vmem_shared>> -> memref<10008x32xf32, #tpu.memory_space<vmem_shared>>
    tpu.enqueue_indirect_dma source(%arg14 : memref<128x32xf32, #tpu.memory_space<vmem>>) target(%dma_start3A_184 : memref<10008x32xf32, #tpu.memory_space<vmem_shared>>) offsets(%dma_start3A_181 : memref<128xi32, #tpu.memory_space<vmem>>) semaphore(%arg31 : memref<!tpu.dma_semaphore, #tpu.memory_space<semaphore_mem>>) {add = true}
    %dma_start3A_185 = arith.constant 7 : i32
    %dma_start3A_186 = arith.constant 0 : i32
    %dma_start3A_187 = tpu.memref_slice %arg7[%dma_start3A_185, %dma_start3A_186] : memref<160x128xi32, #tpu.memory_space<vmem>> -> memref<1x128xi32, #tpu.memory_space<vmem>>
    %dma_start3A_188 = tpu.memref_squeeze %dma_start3A_187 : memref<1x128xi32, #tpu.memory_space<vmem>> -> memref<128xi32, #tpu.memory_space<vmem>>
    %dma_start3A_189 = arith.constant 0 : i32
    %dma_start3A_190 = arith.constant 0 : i32
    %dma_start3A_191 = tpu.memref_slice %arg2[%arg0, %dma_start3A_189, %dma_start3A_190] : memref<2x10000x32xf32, #tpu.memory_space<hbm>> -> memref<1x10000x32xf32, #tpu.memory_space<hbm>>
    %dma_start3A_192 = tpu.memref_squeeze %dma_start3A_191 : memref<1x10000x32xf32, #tpu.memory_space<hbm>> -> memref<10000x32xf32, #tpu.memory_space<hbm>>
    %dma_start3A_193 = arith.constant 0 : i32
    %dma_start3A_194 = arith.constant 0 : i32
    %dma_start3A_195 = tpu.memref_slice %dma_start3A_192[%dma_start3A_193, %dma_start3A_194] : memref<10000x32xf32, #tpu.memory_space<hbm>> -> memref<10000x32xf32, #tpu.memory_space<hbm>>
    tpu.enqueue_indirect_dma source(%dma_start3A_195 : memref<10000x32xf32, #tpu.memory_space<hbm>>) target(%arg16 : memref<128x32xf32, #tpu.memory_space<vmem>>) offsets(%dma_start3A_188 : memref<128xi32, #tpu.memory_space<vmem>>) semaphore(%arg25 : memref<!tpu.dma_semaphore, #tpu.memory_space<semaphore_mem>>)
    %scan3A = arith.constant 0 : i32
    %scan3A_196 = arith.constant 19 : i32
    %scan3A_197 = arith.addi %scan3A, %scan3A_196 : i32
    %scan3A_198 = arith.constant 1 : i32
    scf.for %scan3A_293 = %scan3A to %scan3A_197 step %scan3A_198  : i32 {
      %mul3A_294 = arith.constant 1 : i32
      %mul3A_295 = arith.muli %scan3A_293, %mul3A_294 : i32
      %add3A = arith.constant 0 : i32
      %add3A_296 = arith.addi %add3A, %mul3A_295 : i32
      %mul3A_297 = arith.constant 8 : i32
      %mul3A_298 = arith.muli %mul3A_297, %add3A_296 : i32
      %add3A_299 = arith.constant 6 : i32
      %add3A_300 = arith.addi %add3A_299, %mul3A_298 : i32
      %add3A_301 = arith.constant 0 : i32
      %add3A_302 = arith.addi %add3A_300, %add3A_301 : i32
      %dma_wait3A_303 = arith.constant 0 : i32
      %dma_wait3A_304 = tpu.memref_slice %arg7[%add3A_302, %dma_wait3A_303] : memref<160x128xi32, #tpu.memory_space<vmem>> -> memref<1x128xi32, #tpu.memory_space<vmem>>
      %dma_wait3A_305 = tpu.memref_squeeze %dma_wait3A_304 : memref<1x128xi32, #tpu.memory_space<vmem>> -> memref<128xi32, #tpu.memory_space<vmem>>
      %dma_wait3A_306 = arith.constant 0 : i32
      %dma_wait3A_307 = arith.constant 0 : i32
      %dma_wait3A_308 = tpu.memref_slice %arg2[%arg0, %dma_wait3A_306, %dma_wait3A_307] : memref<2x10000x32xf32, #tpu.memory_space<hbm>> -> memref<1x10000x32xf32, #tpu.memory_space<hbm>>
      %dma_wait3A_309 = tpu.memref_squeeze %dma_wait3A_308 : memref<1x10000x32xf32, #tpu.memory_space<hbm>> -> memref<10000x32xf32, #tpu.memory_space<hbm>>
      %dma_wait3A_310 = arith.constant 0 : i32
      %dma_wait3A_311 = arith.constant 0 : i32
      %dma_wait3A_312 = tpu.memref_slice %dma_wait3A_309[%dma_wait3A_310, %dma_wait3A_311] : memref<10000x32xf32, #tpu.memory_space<hbm>> -> memref<10000x32xf32, #tpu.memory_space<hbm>>
      tpu.wait_indirect_dma semaphore(%arg24 : memref<!tpu.dma_semaphore, #tpu.memory_space<semaphore_mem>>) src(%dma_wait3A_312 : memref<10000x32xf32, #tpu.memory_space<hbm>>) dst(%arg15 : memref<128x32xf32, #tpu.memory_space<vmem>>)
      %dma_start3A_313 = arith.constant 0 : i32
      %dma_start3A_314 = tpu.memref_slice %arg8[%add3A_302, %dma_start3A_313] : memref<160x128xi32, #tpu.memory_space<vmem>> -> memref<1x128xi32, #tpu.memory_space<vmem>>
      %dma_start3A_315 = tpu.memref_squeeze %dma_start3A_314 : memref<1x128xi32, #tpu.memory_space<vmem>> -> memref<128xi32, #tpu.memory_space<vmem>>
      %dma_start3A_316 = arith.constant 0 : i32
      %dma_start3A_317 = arith.constant 0 : i32
      %dma_start3A_318 = tpu.memref_slice %arg17[%dma_start3A_316, %dma_start3A_317] : memref<10008x32xf32, #tpu.memory_space<vmem_shared>> -> memref<10008x32xf32, #tpu.memory_space<vmem_shared>>
      tpu.enqueue_indirect_dma source(%arg15 : memref<128x32xf32, #tpu.memory_space<vmem>>) target(%dma_start3A_318 : memref<10008x32xf32, #tpu.memory_space<vmem_shared>>) offsets(%dma_start3A_315 : memref<128xi32, #tpu.memory_space<vmem>>) semaphore(%arg32 : memref<!tpu.dma_semaphore, #tpu.memory_space<semaphore_mem>>) {add = true}
      %sub3A = arith.constant 6 : i32
      %sub3A_319 = arith.subi %add3A_302, %sub3A : i32
      %dma_wait3A_320 = arith.constant 0 : i32
      %dma_wait3A_321 = tpu.memref_slice %arg8[%sub3A_319, %dma_wait3A_320] : memref<160x128xi32, #tpu.memory_space<vmem>> -> memref<1x128xi32, #tpu.memory_space<vmem>>
      %dma_wait3A_322 = tpu.memref_squeeze %dma_wait3A_321 : memref<1x128xi32, #tpu.memory_space<vmem>> -> memref<128xi32, #tpu.memory_space<vmem>>
      %dma_wait3A_323 = arith.constant 0 : i32
      %dma_wait3A_324 = arith.constant 0 : i32
      %dma_wait3A_325 = tpu.memref_slice %arg17[%dma_wait3A_323, %dma_wait3A_324] : memref<10008x32xf32, #tpu.memory_space<vmem_shared>> -> memref<10008x32xf32, #tpu.memory_space<vmem_shared>>
      tpu.wait_indirect_dma semaphore(%arg26 : memref<!tpu.dma_semaphore, #tpu.memory_space<semaphore_mem>>) src(%arg9 : memref<128x32xf32, #tpu.memory_space<vmem>>) dst(%dma_wait3A_325 : memref<10008x32xf32, #tpu.memory_space<vmem_shared>>)
      %add3A_326 = arith.constant 2 : i32
      %add3A_327 = arith.addi %add3A_302, %add3A_326 : i32
      %dma_start3A_328 = arith.constant 0 : i32
      %dma_start3A_329 = tpu.memref_slice %arg7[%add3A_327, %dma_start3A_328] : memref<160x128xi32, #tpu.memory_space<vmem>> -> memref<1x128xi32, #tpu.memory_space<vmem>>
      %dma_start3A_330 = tpu.memref_squeeze %dma_start3A_329 : memref<1x128xi32, #tpu.memory_space<vmem>> -> memref<128xi32, #tpu.memory_space<vmem>>
      %dma_start3A_331 = arith.constant 0 : i32
      %dma_start3A_332 = arith.constant 0 : i32
      %dma_start3A_333 = tpu.memref_slice %arg2[%arg0, %dma_start3A_331, %dma_start3A_332] : memref<2x10000x32xf32, #tpu.memory_space<hbm>> -> memref<1x10000x32xf32, #tpu.memory_space<hbm>>
      %dma_start3A_334 = tpu.memref_squeeze %dma_start3A_333 : memref<1x10000x32xf32, #tpu.memory_space<hbm>> -> memref<10000x32xf32, #tpu.memory_space<hbm>>
      %dma_start3A_335 = arith.constant 0 : i32
      %dma_start3A_336 = arith.constant 0 : i32
      %dma_start3A_337 = tpu.memref_slice %dma_start3A_334[%dma_start3A_335, %dma_start3A_336] : memref<10000x32xf32, #tpu.memory_space<hbm>> -> memref<10000x32xf32, #tpu.memory_space<hbm>>
      tpu.enqueue_indirect_dma source(%dma_start3A_337 : memref<10000x32xf32, #tpu.memory_space<hbm>>) target(%arg9 : memref<128x32xf32, #tpu.memory_space<vmem>>) offsets(%dma_start3A_330 : memref<128xi32, #tpu.memory_space<vmem>>) semaphore(%arg18 : memref<!tpu.dma_semaphore, #tpu.memory_space<semaphore_mem>>)
      %add3A_338 = arith.constant 1 : i32
      %add3A_339 = arith.addi %add3A_300, %add3A_338 : i32
      %dma_wait3A_340 = arith.constant 0 : i32
      %dma_wait3A_341 = tpu.memref_slice %arg7[%add3A_339, %dma_wait3A_340] : memref<160x128xi32, #tpu.memory_space<vmem>> -> memref<1x128xi32, #tpu.memory_space<vmem>>
      %dma_wait3A_342 = tpu.memref_squeeze %dma_wait3A_341 : memref<1x128xi32, #tpu.memory_space<vmem>> -> memref<128xi32, #tpu.memory_space<vmem>>
      %dma_wait3A_343 = arith.constant 0 : i32
      %dma_wait3A_344 = arith.constant 0 : i32
      %dma_wait3A_345 = tpu.memref_slice %arg2[%arg0, %dma_wait3A_343, %dma_wait3A_344] : memref<2x10000x32xf32, #tpu.memory_space<hbm>> -> memref<1x10000x32xf32, #tpu.memory_space<hbm>>
      %dma_wait3A_346 = tpu.memref_squeeze %dma_wait3A_345 : memref<1x10000x32xf32, #tpu.memory_space<hbm>> -> memref<10000x32xf32, #tpu.memory_space<hbm>>
      %dma_wait3A_347 = arith.constant 0 : i32
      %dma_wait3A_348 = arith.constant 0 : i32
      %dma_wait3A_349 = tpu.memref_slice %dma_wait3A_346[%dma_wait3A_347, %dma_wait3A_348] : memref<10000x32xf32, #tpu.memory_space<hbm>> -> memref<10000x32xf32, #tpu.memory_space<hbm>>
      tpu.wait_indirect_dma semaphore(%arg25 : memref<!tpu.dma_semaphore, #tpu.memory_space<semaphore_mem>>) src(%dma_wait3A_349 : memref<10000x32xf32, #tpu.memory_space<hbm>>) dst(%arg16 : memref<128x32xf32, #tpu.memory_space<vmem>>)
      %dma_start3A_350 = arith.constant 0 : i32
      %dma_start3A_351 = tpu.memref_slice %arg8[%add3A_339, %dma_start3A_350] : memref<160x128xi32, #tpu.memory_space<vmem>> -> memref<1x128xi32, #tpu.memory_space<vmem>>
      %dma_start3A_352 = tpu.memref_squeeze %dma_start3A_351 : memref<1x128xi32, #tpu.memory_space<vmem>> -> memref<128xi32, #tpu.memory_space<vmem>>
      %dma_start3A_353 = arith.constant 0 : i32
      %dma_start3A_354 = arith.constant 0 : i32
      %dma_start3A_355 = tpu.memref_slice %arg17[%dma_start3A_353, %dma_start3A_354] : memref<10008x32xf32, #tpu.memory_space<vmem_shared>> -> memref<10008x32xf32, #tpu.memory_space<vmem_shared>>
      tpu.enqueue_indirect_dma source(%arg16 : memref<128x32xf32, #tpu.memory_space<vmem>>) target(%dma_start3A_355 : memref<10008x32xf32, #tpu.memory_space<vmem_shared>>) offsets(%dma_start3A_352 : memref<128xi32, #tpu.memory_space<vmem>>) semaphore(%arg33 : memref<!tpu.dma_semaphore, #tpu.memory_space<semaphore_mem>>) {add = true}
      %sub3A_356 = arith.constant 6 : i32
      %sub3A_357 = arith.subi %add3A_339, %sub3A_356 : i32
      %dma_wait3A_358 = arith.constant 0 : i32
      %dma_wait3A_359 = tpu.memref_slice %arg8[%sub3A_357, %dma_wait3A_358] : memref<160x128xi32, #tpu.memory_space<vmem>> -> memref<1x128xi32, #tpu.memory_space<vmem>>
      %dma_wait3A_360 = tpu.memref_squeeze %dma_wait3A_359 : memref<1x128xi32, #tpu.memory_space<vmem>> -> memref<128xi32, #tpu.memory_space<vmem>>
      %dma_wait3A_361 = arith.constant 0 : i32
      %dma_wait3A_362 = arith.constant 0 : i32
      %dma_wait3A_363 = tpu.memref_slice %arg17[%dma_wait3A_361, %dma_wait3A_362] : memref<10008x32xf32, #tpu.memory_space<vmem_shared>> -> memref<10008x32xf32, #tpu.memory_space<vmem_shared>>
      tpu.wait_indirect_dma semaphore(%arg27 : memref<!tpu.dma_semaphore, #tpu.memory_space<semaphore_mem>>) src(%arg10 : memref<128x32xf32, #tpu.memory_space<vmem>>) dst(%dma_wait3A_363 : memref<10008x32xf32, #tpu.memory_space<vmem_shared>>)
      %add3A_364 = arith.constant 2 : i32
      %add3A_365 = arith.addi %add3A_339, %add3A_364 : i32
      %dma_start3A_366 = arith.constant 0 : i32
      %dma_start3A_367 = tpu.memref_slice %arg7[%add3A_365, %dma_start3A_366] : memref<160x128xi32, #tpu.memory_space<vmem>> -> memref<1x128xi32, #tpu.memory_space<vmem>>
      %dma_start3A_368 = tpu.memref_squeeze %dma_start3A_367 : memref<1x128xi32, #tpu.memory_space<vmem>> -> memref<128xi32, #tpu.memory_space<vmem>>
      %dma_start3A_369 = arith.constant 0 : i32
      %dma_start3A_370 = arith.constant 0 : i32
      %dma_start3A_371 = tpu.memref_slice %arg2[%arg0, %dma_start3A_369, %dma_start3A_370] : memref<2x10000x32xf32, #tpu.memory_space<hbm>> -> memref<1x10000x32xf32, #tpu.memory_space<hbm>>
      %dma_start3A_372 = tpu.memref_squeeze %dma_start3A_371 : memref<1x10000x32xf32, #tpu.memory_space<hbm>> -> memref<10000x32xf32, #tpu.memory_space<hbm>>
      %dma_start3A_373 = arith.constant 0 : i32
      %dma_start3A_374 = arith.constant 0 : i32
      %dma_start3A_375 = tpu.memref_slice %dma_start3A_372[%dma_start3A_373, %dma_start3A_374] : memref<10000x32xf32, #tpu.memory_space<hbm>> -> memref<10000x32xf32, #tpu.memory_space<hbm>>
      tpu.enqueue_indirect_dma source(%dma_start3A_375 : memref<10000x32xf32, #tpu.memory_space<hbm>>) target(%arg10 : memref<128x32xf32, #tpu.memory_space<vmem>>) offsets(%dma_start3A_368 : memref<128xi32, #tpu.memory_space<vmem>>) semaphore(%arg19 : memref<!tpu.dma_semaphore, #tpu.memory_space<semaphore_mem>>)
      %add3A_376 = arith.constant 2 : i32
      %add3A_377 = arith.addi %add3A_300, %add3A_376 : i32
      %dma_wait3A_378 = arith.constant 0 : i32
      %dma_wait3A_379 = tpu.memref_slice %arg7[%add3A_377, %dma_wait3A_378] : memref<160x128xi32, #tpu.memory_space<vmem>> -> memref<1x128xi32, #tpu.memory_space<vmem>>
      %dma_wait3A_380 = tpu.memref_squeeze %dma_wait3A_379 : memref<1x128xi32, #tpu.memory_space<vmem>> -> memref<128xi32, #tpu.memory_space<vmem>>
      %dma_wait3A_381 = arith.constant 0 : i32
      %dma_wait3A_382 = arith.constant 0 : i32
      %dma_wait3A_383 = tpu.memref_slice %arg2[%arg0, %dma_wait3A_381, %dma_wait3A_382] : memref<2x10000x32xf32, #tpu.memory_space<hbm>> -> memref<1x10000x32xf32, #tpu.memory_space<hbm>>
      %dma_wait3A_384 = tpu.memref_squeeze %dma_wait3A_383 : memref<1x10000x32xf32, #tpu.memory_space<hbm>> -> memref<10000x32xf32, #tpu.memory_space<hbm>>
      %dma_wait3A_385 = arith.constant 0 : i32
      %dma_wait3A_386 = arith.constant 0 : i32
      %dma_wait3A_387 = tpu.memref_slice %dma_wait3A_384[%dma_wait3A_385, %dma_wait3A_386] : memref<10000x32xf32, #tpu.memory_space<hbm>> -> memref<10000x32xf32, #tpu.memory_space<hbm>>
      tpu.wait_indirect_dma semaphore(%arg18 : memref<!tpu.dma_semaphore, #tpu.memory_space<semaphore_mem>>) src(%dma_wait3A_387 : memref<10000x32xf32, #tpu.memory_space<hbm>>) dst(%arg9 : memref<128x32xf32, #tpu.memory_space<vmem>>)
      %dma_start3A_388 = arith.constant 0 : i32
      %dma_start3A_389 = tpu.memref_slice %arg8[%add3A_377, %dma_start3A_388] : memref<160x128xi32, #tpu.memory_space<vmem>> -> memref<1x128xi32, #tpu.memory_space<vmem>>
      %dma_start3A_390 = tpu.memref_squeeze %dma_start3A_389 : memref<1x128xi32, #tpu.memory_space<vmem>> -> memref<128xi32, #tpu.memory_space<vmem>>
      %dma_start3A_391 = arith.constant 0 : i32
      %dma_start3A_392 = arith.constant 0 : i32
      %dma_start3A_393 = tpu.memref_slice %arg17[%dma_start3A_391, %dma_start3A_392] : memref<10008x32xf32, #tpu.memory_space<vmem_shared>> -> memref<10008x32xf32, #tpu.memory_space<vmem_shared>>
      tpu.enqueue_indirect_dma source(%arg9 : memref<128x32xf32, #tpu.memory_space<vmem>>) target(%dma_start3A_393 : memref<10008x32xf32, #tpu.memory_space<vmem_shared>>) offsets(%dma_start3A_390 : memref<128xi32, #tpu.memory_space<vmem>>) semaphore(%arg26 : memref<!tpu.dma_semaphore, #tpu.memory_space<semaphore_mem>>) {add = true}
      %sub3A_394 = arith.constant 6 : i32
      %sub3A_395 = arith.subi %add3A_377, %sub3A_394 : i32
      %dma_wait3A_396 = arith.constant 0 : i32
      %dma_wait3A_397 = tpu.memref_slice %arg8[%sub3A_395, %dma_wait3A_396] : memref<160x128xi32, #tpu.memory_space<vmem>> -> memref<1x128xi32, #tpu.memory_space<vmem>>
      %dma_wait3A_398 = tpu.memref_squeeze %dma_wait3A_397 : memref<1x128xi32, #tpu.memory_space<vmem>> -> memref<128xi32, #tpu.memory_space<vmem>>
      %dma_wait3A_399 = arith.constant 0 : i32
      %dma_wait3A_400 = arith.constant 0 : i32
      %dma_wait3A_401 = tpu.memref_slice %arg17[%dma_wait3A_399, %dma_wait3A_400] : memref<10008x32xf32, #tpu.memory_space<vmem_shared>> -> memref<10008x32xf32, #tpu.memory_space<vmem_shared>>
      tpu.wait_indirect_dma semaphore(%arg28 : memref<!tpu.dma_semaphore, #tpu.memory_space<semaphore_mem>>) src(%arg11 : memref<128x32xf32, #tpu.memory_space<vmem>>) dst(%dma_wait3A_401 : memref<10008x32xf32, #tpu.memory_space<vmem_shared>>)
      %add3A_402 = arith.constant 2 : i32
      %add3A_403 = arith.addi %add3A_377, %add3A_402 : i32
      %dma_start3A_404 = arith.constant 0 : i32
      %dma_start3A_405 = tpu.memref_slice %arg7[%add3A_403, %dma_start3A_404] : memref<160x128xi32, #tpu.memory_space<vmem>> -> memref<1x128xi32, #tpu.memory_space<vmem>>
      %dma_start3A_406 = tpu.memref_squeeze %dma_start3A_405 : memref<1x128xi32, #tpu.memory_space<vmem>> -> memref<128xi32, #tpu.memory_space<vmem>>
      %dma_start3A_407 = arith.constant 0 : i32
      %dma_start3A_408 = arith.constant 0 : i32
      %dma_start3A_409 = tpu.memref_slice %arg2[%arg0, %dma_start3A_407, %dma_start3A_408] : memref<2x10000x32xf32, #tpu.memory_space<hbm>> -> memref<1x10000x32xf32, #tpu.memory_space<hbm>>
      %dma_start3A_410 = tpu.memref_squeeze %dma_start3A_409 : memref<1x10000x32xf32, #tpu.memory_space<hbm>> -> memref<10000x32xf32, #tpu.memory_space<hbm>>
      %dma_start3A_411 = arith.constant 0 : i32
      %dma_start3A_412 = arith.constant 0 : i32
      %dma_start3A_413 = tpu.memref_slice %dma_start3A_410[%dma_start3A_411, %dma_start3A_412] : memref<10000x32xf32, #tpu.memory_space<hbm>> -> memref<10000x32xf32, #tpu.memory_space<hbm>>
      tpu.enqueue_indirect_dma source(%dma_start3A_413 : memref<10000x32xf32, #tpu.memory_space<hbm>>) target(%arg11 : memref<128x32xf32, #tpu.memory_space<vmem>>) offsets(%dma_start3A_406 : memref<128xi32, #tpu.memory_space<vmem>>) semaphore(%arg20 : memref<!tpu.dma_semaphore, #tpu.memory_space<semaphore_mem>>)
      %add3A_414 = arith.constant 3 : i32
      %add3A_415 = arith.addi %add3A_300, %add3A_414 : i32
      %dma_wait3A_416 = arith.constant 0 : i32
      %dma_wait3A_417 = tpu.memref_slice %arg7[%add3A_415, %dma_wait3A_416] : memref<160x128xi32, #tpu.memory_space<vmem>> -> memref<1x128xi32, #tpu.memory_space<vmem>>
      %dma_wait3A_418 = tpu.memref_squeeze %dma_wait3A_417 : memref<1x128xi32, #tpu.memory_space<vmem>> -> memref<128xi32, #tpu.memory_space<vmem>>
      %dma_wait3A_419 = arith.constant 0 : i32
      %dma_wait3A_420 = arith.constant 0 : i32
      %dma_wait3A_421 = tpu.memref_slice %arg2[%arg0, %dma_wait3A_419, %dma_wait3A_420] : memref<2x10000x32xf32, #tpu.memory_space<hbm>> -> memref<1x10000x32xf32, #tpu.memory_space<hbm>>
      %dma_wait3A_422 = tpu.memref_squeeze %dma_wait3A_421 : memref<1x10000x32xf32, #tpu.memory_space<hbm>> -> memref<10000x32xf32, #tpu.memory_space<hbm>>
      %dma_wait3A_423 = arith.constant 0 : i32
      %dma_wait3A_424 = arith.constant 0 : i32
      %dma_wait3A_425 = tpu.memref_slice %dma_wait3A_422[%dma_wait3A_423, %dma_wait3A_424] : memref<10000x32xf32, #tpu.memory_space<hbm>> -> memref<10000x32xf32, #tpu.memory_space<hbm>>
      tpu.wait_indirect_dma semaphore(%arg19 : memref<!tpu.dma_semaphore, #tpu.memory_space<semaphore_mem>>) src(%dma_wait3A_425 : memref<10000x32xf32, #tpu.memory_space<hbm>>) dst(%arg10 : memref<128x32xf32, #tpu.memory_space<vmem>>)
      %dma_start3A_426 = arith.constant 0 : i32
      %dma_start3A_427 = tpu.memref_slice %arg8[%add3A_415, %dma_start3A_426] : memref<160x128xi32, #tpu.memory_space<vmem>> -> memref<1x128xi32, #tpu.memory_space<vmem>>
      %dma_start3A_428 = tpu.memref_squeeze %dma_start3A_427 : memref<1x128xi32, #tpu.memory_space<vmem>> -> memref<128xi32, #tpu.memory_space<vmem>>
      %dma_start3A_429 = arith.constant 0 : i32
      %dma_start3A_430 = arith.constant 0 : i32
      %dma_start3A_431 = tpu.memref_slice %arg17[%dma_start3A_429, %dma_start3A_430] : memref<10008x32xf32, #tpu.memory_space<vmem_shared>> -> memref<10008x32xf32, #tpu.memory_space<vmem_shared>>
      tpu.enqueue_indirect_dma source(%arg10 : memref<128x32xf32, #tpu.memory_space<vmem>>) target(%dma_start3A_431 : memref<10008x32xf32, #tpu.memory_space<vmem_shared>>) offsets(%dma_start3A_428 : memref<128xi32, #tpu.memory_space<vmem>>) semaphore(%arg27 : memref<!tpu.dma_semaphore, #tpu.memory_space<semaphore_mem>>) {add = true}
      %sub3A_432 = arith.constant 6 : i32
      %sub3A_433 = arith.subi %add3A_415, %sub3A_432 : i32
      %dma_wait3A_434 = arith.constant 0 : i32
      %dma_wait3A_435 = tpu.memref_slice %arg8[%sub3A_433, %dma_wait3A_434] : memref<160x128xi32, #tpu.memory_space<vmem>> -> memref<1x128xi32, #tpu.memory_space<vmem>>
      %dma_wait3A_436 = tpu.memref_squeeze %dma_wait3A_435 : memref<1x128xi32, #tpu.memory_space<vmem>> -> memref<128xi32, #tpu.memory_space<vmem>>
      %dma_wait3A_437 = arith.constant 0 : i32
      %dma_wait3A_438 = arith.constant 0 : i32
      %dma_wait3A_439 = tpu.memref_slice %arg17[%dma_wait3A_437, %dma_wait3A_438] : memref<10008x32xf32, #tpu.memory_space<vmem_shared>> -> memref<10008x32xf32, #tpu.memory_space<vmem_shared>>
      tpu.wait_indirect_dma semaphore(%arg29 : memref<!tpu.dma_semaphore, #tpu.memory_space<semaphore_mem>>) src(%arg12 : memref<128x32xf32, #tpu.memory_space<vmem>>) dst(%dma_wait3A_439 : memref<10008x32xf32, #tpu.memory_space<vmem_shared>>)
      %add3A_440 = arith.constant 2 : i32
      %add3A_441 = arith.addi %add3A_415, %add3A_440 : i32
      %dma_start3A_442 = arith.constant 0 : i32
      %dma_start3A_443 = tpu.memref_slice %arg7[%add3A_441, %dma_start3A_442] : memref<160x128xi32, #tpu.memory_space<vmem>> -> memref<1x128xi32, #tpu.memory_space<vmem>>
      %dma_start3A_444 = tpu.memref_squeeze %dma_start3A_443 : memref<1x128xi32, #tpu.memory_space<vmem>> -> memref<128xi32, #tpu.memory_space<vmem>>
      %dma_start3A_445 = arith.constant 0 : i32
      %dma_start3A_446 = arith.constant 0 : i32
      %dma_start3A_447 = tpu.memref_slice %arg2[%arg0, %dma_start3A_445, %dma_start3A_446] : memref<2x10000x32xf32, #tpu.memory_space<hbm>> -> memref<1x10000x32xf32, #tpu.memory_space<hbm>>
      %dma_start3A_448 = tpu.memref_squeeze %dma_start3A_447 : memref<1x10000x32xf32, #tpu.memory_space<hbm>> -> memref<10000x32xf32, #tpu.memory_space<hbm>>
      %dma_start3A_449 = arith.constant 0 : i32
      %dma_start3A_450 = arith.constant 0 : i32
      %dma_start3A_451 = tpu.memref_slice %dma_start3A_448[%dma_start3A_449, %dma_start3A_450] : memref<10000x32xf32, #tpu.memory_space<hbm>> -> memref<10000x32xf32, #tpu.memory_space<hbm>>
      tpu.enqueue_indirect_dma source(%dma_start3A_451 : memref<10000x32xf32, #tpu.memory_space<hbm>>) target(%arg12 : memref<128x32xf32, #tpu.memory_space<vmem>>) offsets(%dma_start3A_444 : memref<128xi32, #tpu.memory_space<vmem>>) semaphore(%arg21 : memref<!tpu.dma_semaphore, #tpu.memory_space<semaphore_mem>>)
      %add3A_452 = arith.constant 4 : i32
      %add3A_453 = arith.addi %add3A_300, %add3A_452 : i32
      %dma_wait3A_454 = arith.constant 0 : i32
      %dma_wait3A_455 = tpu.memref_slice %arg7[%add3A_453, %dma_wait3A_454] : memref<160x128xi32, #tpu.memory_space<vmem>> -> memref<1x128xi32, #tpu.memory_space<vmem>>
      %dma_wait3A_456 = tpu.memref_squeeze %dma_wait3A_455 : memref<1x128xi32, #tpu.memory_space<vmem>> -> memref<128xi32, #tpu.memory_space<vmem>>
      %dma_wait3A_457 = arith.constant 0 : i32
      %dma_wait3A_458 = arith.constant 0 : i32
      %dma_wait3A_459 = tpu.memref_slice %arg2[%arg0, %dma_wait3A_457, %dma_wait3A_458] : memref<2x10000x32xf32, #tpu.memory_space<hbm>> -> memref<1x10000x32xf32, #tpu.memory_space<hbm>>
      %dma_wait3A_460 = tpu.memref_squeeze %dma_wait3A_459 : memref<1x10000x32xf32, #tpu.memory_space<hbm>> -> memref<10000x32xf32, #tpu.memory_space<hbm>>
      %dma_wait3A_461 = arith.constant 0 : i32
      %dma_wait3A_462 = arith.constant 0 : i32
      %dma_wait3A_463 = tpu.memref_slice %dma_wait3A_460[%dma_wait3A_461, %dma_wait3A_462] : memref<10000x32xf32, #tpu.memory_space<hbm>> -> memref<10000x32xf32, #tpu.memory_space<hbm>>
      tpu.wait_indirect_dma semaphore(%arg20 : memref<!tpu.dma_semaphore, #tpu.memory_space<semaphore_mem>>) src(%dma_wait3A_463 : memref<10000x32xf32, #tpu.memory_space<hbm>>) dst(%arg11 : memref<128x32xf32, #tpu.memory_space<vmem>>)
      %dma_start3A_464 = arith.constant 0 : i32
      %dma_start3A_465 = tpu.memref_slice %arg8[%add3A_453, %dma_start3A_464] : memref<160x128xi32, #tpu.memory_space<vmem>> -> memref<1x128xi32, #tpu.memory_space<vmem>>
      %dma_start3A_466 = tpu.memref_squeeze %dma_start3A_465 : memref<1x128xi32, #tpu.memory_space<vmem>> -> memref<128xi32, #tpu.memory_space<vmem>>
      %dma_start3A_467 = arith.constant 0 : i32
      %dma_start3A_468 = arith.constant 0 : i32
      %dma_start3A_469 = tpu.memref_slice %arg17[%dma_start3A_467, %dma_start3A_468] : memref<10008x32xf32, #tpu.memory_space<vmem_shared>> -> memref<10008x32xf32, #tpu.memory_space<vmem_shared>>
      tpu.enqueue_indirect_dma source(%arg11 : memref<128x32xf32, #tpu.memory_space<vmem>>) target(%dma_start3A_469 : memref<10008x32xf32, #tpu.memory_space<vmem_shared>>) offsets(%dma_start3A_466 : memref<128xi32, #tpu.memory_space<vmem>>) semaphore(%arg28 : memref<!tpu.dma_semaphore, #tpu.memory_space<semaphore_mem>>) {add = true}
      %sub3A_470 = arith.constant 6 : i32
      %sub3A_471 = arith.subi %add3A_453, %sub3A_470 : i32
      %dma_wait3A_472 = arith.constant 0 : i32
      %dma_wait3A_473 = tpu.memref_slice %arg8[%sub3A_471, %dma_wait3A_472] : memref<160x128xi32, #tpu.memory_space<vmem>> -> memref<1x128xi32, #tpu.memory_space<vmem>>
      %dma_wait3A_474 = tpu.memref_squeeze %dma_wait3A_473 : memref<1x128xi32, #tpu.memory_space<vmem>> -> memref<128xi32, #tpu.memory_space<vmem>>
      %dma_wait3A_475 = arith.constant 0 : i32
      %dma_wait3A_476 = arith.constant 0 : i32
      %dma_wait3A_477 = tpu.memref_slice %arg17[%dma_wait3A_475, %dma_wait3A_476] : memref<10008x32xf32, #tpu.memory_space<vmem_shared>> -> memref<10008x32xf32, #tpu.memory_space<vmem_shared>>
      tpu.wait_indirect_dma semaphore(%arg30 : memref<!tpu.dma_semaphore, #tpu.memory_space<semaphore_mem>>) src(%arg13 : memref<128x32xf32, #tpu.memory_space<vmem>>) dst(%dma_wait3A_477 : memref<10008x32xf32, #tpu.memory_space<vmem_shared>>)
      %add3A_478 = arith.constant 2 : i32
      %add3A_479 = arith.addi %add3A_453, %add3A_478 : i32
      %dma_start3A_480 = arith.constant 0 : i32
      %dma_start3A_481 = tpu.memref_slice %arg7[%add3A_479, %dma_start3A_480] : memref<160x128xi32, #tpu.memory_space<vmem>> -> memref<1x128xi32, #tpu.memory_space<vmem>>
      %dma_start3A_482 = tpu.memref_squeeze %dma_start3A_481 : memref<1x128xi32, #tpu.memory_space<vmem>> -> memref<128xi32, #tpu.memory_space<vmem>>
      %dma_start3A_483 = arith.constant 0 : i32
      %dma_start3A_484 = arith.constant 0 : i32
      %dma_start3A_485 = tpu.memref_slice %arg2[%arg0, %dma_start3A_483, %dma_start3A_484] : memref<2x10000x32xf32, #tpu.memory_space<hbm>> -> memref<1x10000x32xf32, #tpu.memory_space<hbm>>
      %dma_start3A_486 = tpu.memref_squeeze %dma_start3A_485 : memref<1x10000x32xf32, #tpu.memory_space<hbm>> -> memref<10000x32xf32, #tpu.memory_space<hbm>>
      %dma_start3A_487 = arith.constant 0 : i32
      %dma_start3A_488 = arith.constant 0 : i32
      %dma_start3A_489 = tpu.memref_slice %dma_start3A_486[%dma_start3A_487, %dma_start3A_488] : memref<10000x32xf32, #tpu.memory_space<hbm>> -> memref<10000x32xf32, #tpu.memory_space<hbm>>
      tpu.enqueue_indirect_dma source(%dma_start3A_489 : memref<10000x32xf32, #tpu.memory_space<hbm>>) target(%arg13 : memref<128x32xf32, #tpu.memory_space<vmem>>) offsets(%dma_start3A_482 : memref<128xi32, #tpu.memory_space<vmem>>) semaphore(%arg22 : memref<!tpu.dma_semaphore, #tpu.memory_space<semaphore_mem>>)
      %add3A_490 = arith.constant 5 : i32
      %add3A_491 = arith.addi %add3A_300, %add3A_490 : i32
      %dma_wait3A_492 = arith.constant 0 : i32
      %dma_wait3A_493 = tpu.memref_slice %arg7[%add3A_491, %dma_wait3A_492] : memref<160x128xi32, #tpu.memory_space<vmem>> -> memref<1x128xi32, #tpu.memory_space<vmem>>
      %dma_wait3A_494 = tpu.memref_squeeze %dma_wait3A_493 : memref<1x128xi32, #tpu.memory_space<vmem>> -> memref<128xi32, #tpu.memory_space<vmem>>
      %dma_wait3A_495 = arith.constant 0 : i32
      %dma_wait3A_496 = arith.constant 0 : i32
      %dma_wait3A_497 = tpu.memref_slice %arg2[%arg0, %dma_wait3A_495, %dma_wait3A_496] : memref<2x10000x32xf32, #tpu.memory_space<hbm>> -> memref<1x10000x32xf32, #tpu.memory_space<hbm>>
      %dma_wait3A_498 = tpu.memref_squeeze %dma_wait3A_497 : memref<1x10000x32xf32, #tpu.memory_space<hbm>> -> memref<10000x32xf32, #tpu.memory_space<hbm>>
      %dma_wait3A_499 = arith.constant 0 : i32
      %dma_wait3A_500 = arith.constant 0 : i32
      %dma_wait3A_501 = tpu.memref_slice %dma_wait3A_498[%dma_wait3A_499, %dma_wait3A_500] : memref<10000x32xf32, #tpu.memory_space<hbm>> -> memref<10000x32xf32, #tpu.memory_space<hbm>>
      tpu.wait_indirect_dma semaphore(%arg21 : memref<!tpu.dma_semaphore, #tpu.memory_space<semaphore_mem>>) src(%dma_wait3A_501 : memref<10000x32xf32, #tpu.memory_space<hbm>>) dst(%arg12 : memref<128x32xf32, #tpu.memory_space<vmem>>)
      %dma_start3A_502 = arith.constant 0 : i32
      %dma_start3A_503 = tpu.memref_slice %arg8[%add3A_491, %dma_start3A_502] : memref<160x128xi32, #tpu.memory_space<vmem>> -> memref<1x128xi32, #tpu.memory_space<vmem>>
      %dma_start3A_504 = tpu.memref_squeeze %dma_start3A_503 : memref<1x128xi32, #tpu.memory_space<vmem>> -> memref<128xi32, #tpu.memory_space<vmem>>
      %dma_start3A_505 = arith.constant 0 : i32
      %dma_start3A_506 = arith.constant 0 : i32
      %dma_start3A_507 = tpu.memref_slice %arg17[%dma_start3A_505, %dma_start3A_506] : memref<10008x32xf32, #tpu.memory_space<vmem_shared>> -> memref<10008x32xf32, #tpu.memory_space<vmem_shared>>
      tpu.enqueue_indirect_dma source(%arg12 : memref<128x32xf32, #tpu.memory_space<vmem>>) target(%dma_start3A_507 : memref<10008x32xf32, #tpu.memory_space<vmem_shared>>) offsets(%dma_start3A_504 : memref<128xi32, #tpu.memory_space<vmem>>) semaphore(%arg29 : memref<!tpu.dma_semaphore, #tpu.memory_space<semaphore_mem>>) {add = true}
      %sub3A_508 = arith.constant 6 : i32
      %sub3A_509 = arith.subi %add3A_491, %sub3A_508 : i32
      %dma_wait3A_510 = arith.constant 0 : i32
      %dma_wait3A_511 = tpu.memref_slice %arg8[%sub3A_509, %dma_wait3A_510] : memref<160x128xi32, #tpu.memory_space<vmem>> -> memref<1x128xi32, #tpu.memory_space<vmem>>
      %dma_wait3A_512 = tpu.memref_squeeze %dma_wait3A_511 : memref<1x128xi32, #tpu.memory_space<vmem>> -> memref<128xi32, #tpu.memory_space<vmem>>
      %dma_wait3A_513 = arith.constant 0 : i32
      %dma_wait3A_514 = arith.constant 0 : i32
      %dma_wait3A_515 = tpu.memref_slice %arg17[%dma_wait3A_513, %dma_wait3A_514] : memref<10008x32xf32, #tpu.memory_space<vmem_shared>> -> memref<10008x32xf32, #tpu.memory_space<vmem_shared>>
      tpu.wait_indirect_dma semaphore(%arg31 : memref<!tpu.dma_semaphore, #tpu.memory_space<semaphore_mem>>) src(%arg14 : memref<128x32xf32, #tpu.memory_space<vmem>>) dst(%dma_wait3A_515 : memref<10008x32xf32, #tpu.memory_space<vmem_shared>>)
      %add3A_516 = arith.constant 2 : i32
      %add3A_517 = arith.addi %add3A_491, %add3A_516 : i32
      %dma_start3A_518 = arith.constant 0 : i32
      %dma_start3A_519 = tpu.memref_slice %arg7[%add3A_517, %dma_start3A_518] : memref<160x128xi32, #tpu.memory_space<vmem>> -> memref<1x128xi32, #tpu.memory_space<vmem>>
      %dma_start3A_520 = tpu.memref_squeeze %dma_start3A_519 : memref<1x128xi32, #tpu.memory_space<vmem>> -> memref<128xi32, #tpu.memory_space<vmem>>
      %dma_start3A_521 = arith.constant 0 : i32
      %dma_start3A_522 = arith.constant 0 : i32
      %dma_start3A_523 = tpu.memref_slice %arg2[%arg0, %dma_start3A_521, %dma_start3A_522] : memref<2x10000x32xf32, #tpu.memory_space<hbm>> -> memref<1x10000x32xf32, #tpu.memory_space<hbm>>
      %dma_start3A_524 = tpu.memref_squeeze %dma_start3A_523 : memref<1x10000x32xf32, #tpu.memory_space<hbm>> -> memref<10000x32xf32, #tpu.memory_space<hbm>>
      %dma_start3A_525 = arith.constant 0 : i32
      %dma_start3A_526 = arith.constant 0 : i32
      %dma_start3A_527 = tpu.memref_slice %dma_start3A_524[%dma_start3A_525, %dma_start3A_526] : memref<10000x32xf32, #tpu.memory_space<hbm>> -> memref<10000x32xf32, #tpu.memory_space<hbm>>
      tpu.enqueue_indirect_dma source(%dma_start3A_527 : memref<10000x32xf32, #tpu.memory_space<hbm>>) target(%arg14 : memref<128x32xf32, #tpu.memory_space<vmem>>) offsets(%dma_start3A_520 : memref<128xi32, #tpu.memory_space<vmem>>) semaphore(%arg23 : memref<!tpu.dma_semaphore, #tpu.memory_space<semaphore_mem>>)
      %add3A_528 = arith.constant 6 : i32
      %add3A_529 = arith.addi %add3A_300, %add3A_528 : i32
      %dma_wait3A_530 = arith.constant 0 : i32
      %dma_wait3A_531 = tpu.memref_slice %arg7[%add3A_529, %dma_wait3A_530] : memref<160x128xi32, #tpu.memory_space<vmem>> -> memref<1x128xi32, #tpu.memory_space<vmem>>
      %dma_wait3A_532 = tpu.memref_squeeze %dma_wait3A_531 : memref<1x128xi32, #tpu.memory_space<vmem>> -> memref<128xi32, #tpu.memory_space<vmem>>
      %dma_wait3A_533 = arith.constant 0 : i32
      %dma_wait3A_534 = arith.constant 0 : i32
      %dma_wait3A_535 = tpu.memref_slice %arg2[%arg0, %dma_wait3A_533, %dma_wait3A_534] : memref<2x10000x32xf32, #tpu.memory_space<hbm>> -> memref<1x10000x32xf32, #tpu.memory_space<hbm>>
      %dma_wait3A_536 = tpu.memref_squeeze %dma_wait3A_535 : memref<1x10000x32xf32, #tpu.memory_space<hbm>> -> memref<10000x32xf32, #tpu.memory_space<hbm>>
      %dma_wait3A_537 = arith.constant 0 : i32
      %dma_wait3A_538 = arith.constant 0 : i32
      %dma_wait3A_539 = tpu.memref_slice %dma_wait3A_536[%dma_wait3A_537, %dma_wait3A_538] : memref<10000x32xf32, #tpu.memory_space<hbm>> -> memref<10000x32xf32, #tpu.memory_space<hbm>>
      tpu.wait_indirect_dma semaphore(%arg22 : memref<!tpu.dma_semaphore, #tpu.memory_space<semaphore_mem>>) src(%dma_wait3A_539 : memref<10000x32xf32, #tpu.memory_space<hbm>>) dst(%arg13 : memref<128x32xf32, #tpu.memory_space<vmem>>)
      %dma_start3A_540 = arith.constant 0 : i32
      %dma_start3A_541 = tpu.memref_slice %arg8[%add3A_529, %dma_start3A_540] : memref<160x128xi32, #tpu.memory_space<vmem>> -> memref<1x128xi32, #tpu.memory_space<vmem>>
      %dma_start3A_542 = tpu.memref_squeeze %dma_start3A_541 : memref<1x128xi32, #tpu.memory_space<vmem>> -> memref<128xi32, #tpu.memory_space<vmem>>
      %dma_start3A_543 = arith.constant 0 : i32
      %dma_start3A_544 = arith.constant 0 : i32
      %dma_start3A_545 = tpu.memref_slice %arg17[%dma_start3A_543, %dma_start3A_544] : memref<10008x32xf32, #tpu.memory_space<vmem_shared>> -> memref<10008x32xf32, #tpu.memory_space<vmem_shared>>
      tpu.enqueue_indirect_dma source(%arg13 : memref<128x32xf32, #tpu.memory_space<vmem>>) target(%dma_start3A_545 : memref<10008x32xf32, #tpu.memory_space<vmem_shared>>) offsets(%dma_start3A_542 : memref<128xi32, #tpu.memory_space<vmem>>) semaphore(%arg30 : memref<!tpu.dma_semaphore, #tpu.memory_space<semaphore_mem>>) {add = true}
      %sub3A_546 = arith.constant 6 : i32
      %sub3A_547 = arith.subi %add3A_529, %sub3A_546 : i32
      %dma_wait3A_548 = arith.constant 0 : i32
      %dma_wait3A_549 = tpu.memref_slice %arg8[%sub3A_547, %dma_wait3A_548] : memref<160x128xi32, #tpu.memory_space<vmem>> -> memref<1x128xi32, #tpu.memory_space<vmem>>
      %dma_wait3A_550 = tpu.memref_squeeze %dma_wait3A_549 : memref<1x128xi32, #tpu.memory_space<vmem>> -> memref<128xi32, #tpu.memory_space<vmem>>
      %dma_wait3A_551 = arith.constant 0 : i32
      %dma_wait3A_552 = arith.constant 0 : i32
      %dma_wait3A_553 = tpu.memref_slice %arg17[%dma_wait3A_551, %dma_wait3A_552] : memref<10008x32xf32, #tpu.memory_space<vmem_shared>> -> memref<10008x32xf32, #tpu.memory_space<vmem_shared>>
      tpu.wait_indirect_dma semaphore(%arg32 : memref<!tpu.dma_semaphore, #tpu.memory_space<semaphore_mem>>) src(%arg15 : memref<128x32xf32, #tpu.memory_space<vmem>>) dst(%dma_wait3A_553 : memref<10008x32xf32, #tpu.memory_space<vmem_shared>>)
      %add3A_554 = arith.constant 2 : i32
      %add3A_555 = arith.addi %add3A_529, %add3A_554 : i32
      %dma_start3A_556 = arith.constant 0 : i32
      %dma_start3A_557 = tpu.memref_slice %arg7[%add3A_555, %dma_start3A_556] : memref<160x128xi32, #tpu.memory_space<vmem>> -> memref<1x128xi32, #tpu.memory_space<vmem>>
      %dma_start3A_558 = tpu.memref_squeeze %dma_start3A_557 : memref<1x128xi32, #tpu.memory_space<vmem>> -> memref<128xi32, #tpu.memory_space<vmem>>
      %dma_start3A_559 = arith.constant 0 : i32
      %dma_start3A_560 = arith.constant 0 : i32
      %dma_start3A_561 = tpu.memref_slice %arg2[%arg0, %dma_start3A_559, %dma_start3A_560] : memref<2x10000x32xf32, #tpu.memory_space<hbm>> -> memref<1x10000x32xf32, #tpu.memory_space<hbm>>
      %dma_start3A_562 = tpu.memref_squeeze %dma_start3A_561 : memref<1x10000x32xf32, #tpu.memory_space<hbm>> -> memref<10000x32xf32, #tpu.memory_space<hbm>>
      %dma_start3A_563 = arith.constant 0 : i32
      %dma_start3A_564 = arith.constant 0 : i32
      %dma_start3A_565 = tpu.memref_slice %dma_start3A_562[%dma_start3A_563, %dma_start3A_564] : memref<10000x32xf32, #tpu.memory_space<hbm>> -> memref<10000x32xf32, #tpu.memory_space<hbm>>
      tpu.enqueue_indirect_dma source(%dma_start3A_565 : memref<10000x32xf32, #tpu.memory_space<hbm>>) target(%arg15 : memref<128x32xf32, #tpu.memory_space<vmem>>) offsets(%dma_start3A_558 : memref<128xi32, #tpu.memory_space<vmem>>) semaphore(%arg24 : memref<!tpu.dma_semaphore, #tpu.memory_space<semaphore_mem>>)
      %add3A_566 = arith.constant 7 : i32
      %add3A_567 = arith.addi %add3A_300, %add3A_566 : i32
      %dma_wait3A_568 = arith.constant 0 : i32
      %dma_wait3A_569 = tpu.memref_slice %arg7[%add3A_567, %dma_wait3A_568] : memref<160x128xi32, #tpu.memory_space<vmem>> -> memref<1x128xi32, #tpu.memory_space<vmem>>
      %dma_wait3A_570 = tpu.memref_squeeze %dma_wait3A_569 : memref<1x128xi32, #tpu.memory_space<vmem>> -> memref<128xi32, #tpu.memory_space<vmem>>
      %dma_wait3A_571 = arith.constant 0 : i32
      %dma_wait3A_572 = arith.constant 0 : i32
      %dma_wait3A_573 = tpu.memref_slice %arg2[%arg0, %dma_wait3A_571, %dma_wait3A_572] : memref<2x10000x32xf32, #tpu.memory_space<hbm>> -> memref<1x10000x32xf32, #tpu.memory_space<hbm>>
      %dma_wait3A_574 = tpu.memref_squeeze %dma_wait3A_573 : memref<1x10000x32xf32, #tpu.memory_space<hbm>> -> memref<10000x32xf32, #tpu.memory_space<hbm>>
      %dma_wait3A_575 = arith.constant 0 : i32
      %dma_wait3A_576 = arith.constant 0 : i32
      %dma_wait3A_577 = tpu.memref_slice %dma_wait3A_574[%dma_wait3A_575, %dma_wait3A_576] : memref<10000x32xf32, #tpu.memory_space<hbm>> -> memref<10000x32xf32, #tpu.memory_space<hbm>>
      tpu.wait_indirect_dma semaphore(%arg23 : memref<!tpu.dma_semaphore, #tpu.memory_space<semaphore_mem>>) src(%dma_wait3A_577 : memref<10000x32xf32, #tpu.memory_space<hbm>>) dst(%arg14 : memref<128x32xf32, #tpu.memory_space<vmem>>)
      %dma_start3A_578 = arith.constant 0 : i32
      %dma_start3A_579 = tpu.memref_slice %arg8[%add3A_567, %dma_start3A_578] : memref<160x128xi32, #tpu.memory_space<vmem>> -> memref<1x128xi32, #tpu.memory_space<vmem>>
      %dma_start3A_580 = tpu.memref_squeeze %dma_start3A_579 : memref<1x128xi32, #tpu.memory_space<vmem>> -> memref<128xi32, #tpu.memory_space<vmem>>
      %dma_start3A_581 = arith.constant 0 : i32
      %dma_start3A_582 = arith.constant 0 : i32
      %dma_start3A_583 = tpu.memref_slice %arg17[%dma_start3A_581, %dma_start3A_582] : memref<10008x32xf32, #tpu.memory_space<vmem_shared>> -> memref<10008x32xf32, #tpu.memory_space<vmem_shared>>
      tpu.enqueue_indirect_dma source(%arg14 : memref<128x32xf32, #tpu.memory_space<vmem>>) target(%dma_start3A_583 : memref<10008x32xf32, #tpu.memory_space<vmem_shared>>) offsets(%dma_start3A_580 : memref<128xi32, #tpu.memory_space<vmem>>) semaphore(%arg31 : memref<!tpu.dma_semaphore, #tpu.memory_space<semaphore_mem>>) {add = true}
      %sub3A_584 = arith.constant 6 : i32
      %sub3A_585 = arith.subi %add3A_567, %sub3A_584 : i32
      %dma_wait3A_586 = arith.constant 0 : i32
      %dma_wait3A_587 = tpu.memref_slice %arg8[%sub3A_585, %dma_wait3A_586] : memref<160x128xi32, #tpu.memory_space<vmem>> -> memref<1x128xi32, #tpu.memory_space<vmem>>
      %dma_wait3A_588 = tpu.memref_squeeze %dma_wait3A_587 : memref<1x128xi32, #tpu.memory_space<vmem>> -> memref<128xi32, #tpu.memory_space<vmem>>
      %dma_wait3A_589 = arith.constant 0 : i32
      %dma_wait3A_590 = arith.constant 0 : i32
      %dma_wait3A_591 = tpu.memref_slice %arg17[%dma_wait3A_589, %dma_wait3A_590] : memref<10008x32xf32, #tpu.memory_space<vmem_shared>> -> memref<10008x32xf32, #tpu.memory_space<vmem_shared>>
      tpu.wait_indirect_dma semaphore(%arg33 : memref<!tpu.dma_semaphore, #tpu.memory_space<semaphore_mem>>) src(%arg16 : memref<128x32xf32, #tpu.memory_space<vmem>>) dst(%dma_wait3A_591 : memref<10008x32xf32, #tpu.memory_space<vmem_shared>>)
      %add3A_592 = arith.constant 2 : i32
      %add3A_593 = arith.addi %add3A_567, %add3A_592 : i32
      %dma_start3A_594 = arith.constant 0 : i32
      %dma_start3A_595 = tpu.memref_slice %arg7[%add3A_593, %dma_start3A_594] : memref<160x128xi32, #tpu.memory_space<vmem>> -> memref<1x128xi32, #tpu.memory_space<vmem>>
      %dma_start3A_596 = tpu.memref_squeeze %dma_start3A_595 : memref<1x128xi32, #tpu.memory_space<vmem>> -> memref<128xi32, #tpu.memory_space<vmem>>
      %dma_start3A_597 = arith.constant 0 : i32
      %dma_start3A_598 = arith.constant 0 : i32
      %dma_start3A_599 = tpu.memref_slice %arg2[%arg0, %dma_start3A_597, %dma_start3A_598] : memref<2x10000x32xf32, #tpu.memory_space<hbm>> -> memref<1x10000x32xf32, #tpu.memory_space<hbm>>
      %dma_start3A_600 = tpu.memref_squeeze %dma_start3A_599 : memref<1x10000x32xf32, #tpu.memory_space<hbm>> -> memref<10000x32xf32, #tpu.memory_space<hbm>>
      %dma_start3A_601 = arith.constant 0 : i32
      %dma_start3A_602 = arith.constant 0 : i32
      %dma_start3A_603 = tpu.memref_slice %dma_start3A_600[%dma_start3A_601, %dma_start3A_602] : memref<10000x32xf32, #tpu.memory_space<hbm>> -> memref<10000x32xf32, #tpu.memory_space<hbm>>
      tpu.enqueue_indirect_dma source(%dma_start3A_603 : memref<10000x32xf32, #tpu.memory_space<hbm>>) target(%arg16 : memref<128x32xf32, #tpu.memory_space<vmem>>) offsets(%dma_start3A_596 : memref<128xi32, #tpu.memory_space<vmem>>) semaphore(%arg25 : memref<!tpu.dma_semaphore, #tpu.memory_space<semaphore_mem>>)
    }
    %scan3A_199 = arith.constant 19 : i32
    %dma_wait3A_200 = arith.constant 158 : i32
    %dma_wait3A_201 = arith.constant 0 : i32
    %dma_wait3A_202 = tpu.memref_slice %arg7[%dma_wait3A_200, %dma_wait3A_201] : memref<160x128xi32, #tpu.memory_space<vmem>> -> memref<1x128xi32, #tpu.memory_space<vmem>>
    %dma_wait3A_203 = tpu.memref_squeeze %dma_wait3A_202 : memref<1x128xi32, #tpu.memory_space<vmem>> -> memref<128xi32, #tpu.memory_space<vmem>>
    %dma_wait3A_204 = arith.constant 0 : i32
    %dma_wait3A_205 = arith.constant 0 : i32
    %dma_wait3A_206 = tpu.memref_slice %arg2[%arg0, %dma_wait3A_204, %dma_wait3A_205] : memref<2x10000x32xf32, #tpu.memory_space<hbm>> -> memref<1x10000x32xf32, #tpu.memory_space<hbm>>
    %dma_wait3A_207 = tpu.memref_squeeze %dma_wait3A_206 : memref<1x10000x32xf32, #tpu.memory_space<hbm>> -> memref<10000x32xf32, #tpu.memory_space<hbm>>
    %dma_wait3A_208 = arith.constant 0 : i32
    %dma_wait3A_209 = arith.constant 0 : i32
    %dma_wait3A_210 = tpu.memref_slice %dma_wait3A_207[%dma_wait3A_208, %dma_wait3A_209] : memref<10000x32xf32, #tpu.memory_space<hbm>> -> memref<10000x32xf32, #tpu.memory_space<hbm>>
    tpu.wait_indirect_dma semaphore(%arg24 : memref<!tpu.dma_semaphore, #tpu.memory_space<semaphore_mem>>) src(%dma_wait3A_210 : memref<10000x32xf32, #tpu.memory_space<hbm>>) dst(%arg15 : memref<128x32xf32, #tpu.memory_space<vmem>>)
    %dma_start3A_211 = arith.constant 158 : i32
    %dma_start3A_212 = arith.constant 0 : i32
    %dma_start3A_213 = tpu.memref_slice %arg8[%dma_start3A_211, %dma_start3A_212] : memref<160x128xi32, #tpu.memory_space<vmem>> -> memref<1x128xi32, #tpu.memory_space<vmem>>
    %dma_start3A_214 = tpu.memref_squeeze %dma_start3A_213 : memref<1x128xi32, #tpu.memory_space<vmem>> -> memref<128xi32, #tpu.memory_space<vmem>>
    %dma_start3A_215 = arith.constant 0 : i32
    %dma_start3A_216 = arith.constant 0 : i32
    %dma_start3A_217 = tpu.memref_slice %arg17[%dma_start3A_215, %dma_start3A_216] : memref<10008x32xf32, #tpu.memory_space<vmem_shared>> -> memref<10008x32xf32, #tpu.memory_space<vmem_shared>>
    tpu.enqueue_indirect_dma source(%arg15 : memref<128x32xf32, #tpu.memory_space<vmem>>) target(%dma_start3A_217 : memref<10008x32xf32, #tpu.memory_space<vmem_shared>>) offsets(%dma_start3A_214 : memref<128xi32, #tpu.memory_space<vmem>>) semaphore(%arg32 : memref<!tpu.dma_semaphore, #tpu.memory_space<semaphore_mem>>) {add = true}
    %dma_wait3A_218 = arith.constant 159 : i32
    %dma_wait3A_219 = arith.constant 0 : i32
    %dma_wait3A_220 = tpu.memref_slice %arg7[%dma_wait3A_218, %dma_wait3A_219] : memref<160x128xi32, #tpu.memory_space<vmem>> -> memref<1x128xi32, #tpu.memory_space<vmem>>
    %dma_wait3A_221 = tpu.memref_squeeze %dma_wait3A_220 : memref<1x128xi32, #tpu.memory_space<vmem>> -> memref<128xi32, #tpu.memory_space<vmem>>
    %dma_wait3A_222 = arith.constant 0 : i32
    %dma_wait3A_223 = arith.constant 0 : i32
    %dma_wait3A_224 = tpu.memref_slice %arg2[%arg0, %dma_wait3A_222, %dma_wait3A_223] : memref<2x10000x32xf32, #tpu.memory_space<hbm>> -> memref<1x10000x32xf32, #tpu.memory_space<hbm>>
    %dma_wait3A_225 = tpu.memref_squeeze %dma_wait3A_224 : memref<1x10000x32xf32, #tpu.memory_space<hbm>> -> memref<10000x32xf32, #tpu.memory_space<hbm>>
    %dma_wait3A_226 = arith.constant 0 : i32
    %dma_wait3A_227 = arith.constant 0 : i32
    %dma_wait3A_228 = tpu.memref_slice %dma_wait3A_225[%dma_wait3A_226, %dma_wait3A_227] : memref<10000x32xf32, #tpu.memory_space<hbm>> -> memref<10000x32xf32, #tpu.memory_space<hbm>>
    tpu.wait_indirect_dma semaphore(%arg25 : memref<!tpu.dma_semaphore, #tpu.memory_space<semaphore_mem>>) src(%dma_wait3A_228 : memref<10000x32xf32, #tpu.memory_space<hbm>>) dst(%arg16 : memref<128x32xf32, #tpu.memory_space<vmem>>)
    %dma_start3A_229 = arith.constant 159 : i32
    %dma_start3A_230 = arith.constant 0 : i32
    %dma_start3A_231 = tpu.memref_slice %arg8[%dma_start3A_229, %dma_start3A_230] : memref<160x128xi32, #tpu.memory_space<vmem>> -> memref<1x128xi32, #tpu.memory_space<vmem>>
    %dma_start3A_232 = tpu.memref_squeeze %dma_start3A_231 : memref<1x128xi32, #tpu.memory_space<vmem>> -> memref<128xi32, #tpu.memory_space<vmem>>
    %dma_start3A_233 = arith.constant 0 : i32
    %dma_start3A_234 = arith.constant 0 : i32
    %dma_start3A_235 = tpu.memref_slice %arg17[%dma_start3A_233, %dma_start3A_234] : memref<10008x32xf32, #tpu.memory_space<vmem_shared>> -> memref<10008x32xf32, #tpu.memory_space<vmem_shared>>
    tpu.enqueue_indirect_dma source(%arg16 : memref<128x32xf32, #tpu.memory_space<vmem>>) target(%dma_start3A_235 : memref<10008x32xf32, #tpu.memory_space<vmem_shared>>) offsets(%dma_start3A_232 : memref<128xi32, #tpu.memory_space<vmem>>) semaphore(%arg33 : memref<!tpu.dma_semaphore, #tpu.memory_space<semaphore_mem>>) {add = true}
    %dma_wait3A_236 = arith.constant 152 : i32
    %dma_wait3A_237 = arith.constant 0 : i32
    %dma_wait3A_238 = tpu.memref_slice %arg8[%dma_wait3A_236, %dma_wait3A_237] : memref<160x128xi32, #tpu.memory_space<vmem>> -> memref<1x128xi32, #tpu.memory_space<vmem>>
    %dma_wait3A_239 = tpu.memref_squeeze %dma_wait3A_238 : memref<1x128xi32, #tpu.memory_space<vmem>> -> memref<128xi32, #tpu.memory_space<vmem>>
    %dma_wait3A_240 = arith.constant 0 : i32
    %dma_wait3A_241 = arith.constant 0 : i32
    %dma_wait3A_242 = tpu.memref_slice %arg17[%dma_wait3A_240, %dma_wait3A_241] : memref<10008x32xf32, #tpu.memory_space<vmem_shared>> -> memref<10008x32xf32, #tpu.memory_space<vmem_shared>>
    tpu.wait_indirect_dma semaphore(%arg26 : memref<!tpu.dma_semaphore, #tpu.memory_space<semaphore_mem>>) src(%arg9 : memref<128x32xf32, #tpu.memory_space<vmem>>) dst(%dma_wait3A_242 : memref<10008x32xf32, #tpu.memory_space<vmem_shared>>)
    %dma_wait3A_243 = arith.constant 153 : i32
    %dma_wait3A_244 = arith.constant 0 : i32
    %dma_wait3A_245 = tpu.memref_slice %arg8[%dma_wait3A_243, %dma_wait3A_244] : memref<160x128xi32, #tpu.memory_space<vmem>> -> memref<1x128xi32, #tpu.memory_space<vmem>>
    %dma_wait3A_246 = tpu.memref_squeeze %dma_wait3A_245 : memref<1x128xi32, #tpu.memory_space<vmem>> -> memref<128xi32, #tpu.memory_space<vmem>>
    %dma_wait3A_247 = arith.constant 0 : i32
    %dma_wait3A_248 = arith.constant 0 : i32
    %dma_wait3A_249 = tpu.memref_slice %arg17[%dma_wait3A_247, %dma_wait3A_248] : memref<10008x32xf32, #tpu.memory_space<vmem_shared>> -> memref<10008x32xf32, #tpu.memory_space<vmem_shared>>
    tpu.wait_indirect_dma semaphore(%arg27 : memref<!tpu.dma_semaphore, #tpu.memory_space<semaphore_mem>>) src(%arg10 : memref<128x32xf32, #tpu.memory_space<vmem>>) dst(%dma_wait3A_249 : memref<10008x32xf32, #tpu.memory_space<vmem_shared>>)
    %dma_wait3A_250 = arith.constant 154 : i32
    %dma_wait3A_251 = arith.constant 0 : i32
    %dma_wait3A_252 = tpu.memref_slice %arg8[%dma_wait3A_250, %dma_wait3A_251] : memref<160x128xi32, #tpu.memory_space<vmem>> -> memref<1x128xi32, #tpu.memory_space<vmem>>
    %dma_wait3A_253 = tpu.memref_squeeze %dma_wait3A_252 : memref<1x128xi32, #tpu.memory_space<vmem>> -> memref<128xi32, #tpu.memory_space<vmem>>
    %dma_wait3A_254 = arith.constant 0 : i32
    %dma_wait3A_255 = arith.constant 0 : i32
    %dma_wait3A_256 = tpu.memref_slice %arg17[%dma_wait3A_254, %dma_wait3A_255] : memref<10008x32xf32, #tpu.memory_space<vmem_shared>> -> memref<10008x32xf32, #tpu.memory_space<vmem_shared>>
    tpu.wait_indirect_dma semaphore(%arg28 : memref<!tpu.dma_semaphore, #tpu.memory_space<semaphore_mem>>) src(%arg11 : memref<128x32xf32, #tpu.memory_space<vmem>>) dst(%dma_wait3A_256 : memref<10008x32xf32, #tpu.memory_space<vmem_shared>>)
    %dma_wait3A_257 = arith.constant 155 : i32
    %dma_wait3A_258 = arith.constant 0 : i32
    %dma_wait3A_259 = tpu.memref_slice %arg8[%dma_wait3A_257, %dma_wait3A_258] : memref<160x128xi32, #tpu.memory_space<vmem>> -> memref<1x128xi32, #tpu.memory_space<vmem>>
    %dma_wait3A_260 = tpu.memref_squeeze %dma_wait3A_259 : memref<1x128xi32, #tpu.memory_space<vmem>> -> memref<128xi32, #tpu.memory_space<vmem>>
    %dma_wait3A_261 = arith.constant 0 : i32
    %dma_wait3A_262 = arith.constant 0 : i32
    %dma_wait3A_263 = tpu.memref_slice %arg17[%dma_wait3A_261, %dma_wait3A_262] : memref<10008x32xf32, #tpu.memory_space<vmem_shared>> -> memref<10008x32xf32, #tpu.memory_space<vmem_shared>>
    tpu.wait_indirect_dma semaphore(%arg29 : memref<!tpu.dma_semaphore, #tpu.memory_space<semaphore_mem>>) src(%arg12 : memref<128x32xf32, #tpu.memory_space<vmem>>) dst(%dma_wait3A_263 : memref<10008x32xf32, #tpu.memory_space<vmem_shared>>)
    %dma_wait3A_264 = arith.constant 156 : i32
    %dma_wait3A_265 = arith.constant 0 : i32
    %dma_wait3A_266 = tpu.memref_slice %arg8[%dma_wait3A_264, %dma_wait3A_265] : memref<160x128xi32, #tpu.memory_space<vmem>> -> memref<1x128xi32, #tpu.memory_space<vmem>>
    %dma_wait3A_267 = tpu.memref_squeeze %dma_wait3A_266 : memref<1x128xi32, #tpu.memory_space<vmem>> -> memref<128xi32, #tpu.memory_space<vmem>>
    %dma_wait3A_268 = arith.constant 0 : i32
    %dma_wait3A_269 = arith.constant 0 : i32
    %dma_wait3A_270 = tpu.memref_slice %arg17[%dma_wait3A_268, %dma_wait3A_269] : memref<10008x32xf32, #tpu.memory_space<vmem_shared>> -> memref<10008x32xf32, #tpu.memory_space<vmem_shared>>
    tpu.wait_indirect_dma semaphore(%arg30 : memref<!tpu.dma_semaphore, #tpu.memory_space<semaphore_mem>>) src(%arg13 : memref<128x32xf32, #tpu.memory_space<vmem>>) dst(%dma_wait3A_270 : memref<10008x32xf32, #tpu.memory_space<vmem_shared>>)
    %dma_wait3A_271 = arith.constant 157 : i32
    %dma_wait3A_272 = arith.constant 0 : i32
    %dma_wait3A_273 = tpu.memref_slice %arg8[%dma_wait3A_271, %dma_wait3A_272] : memref<160x128xi32, #tpu.memory_space<vmem>> -> memref<1x128xi32, #tpu.memory_space<vmem>>
    %dma_wait3A_274 = tpu.memref_squeeze %dma_wait3A_273 : memref<1x128xi32, #tpu.memory_space<vmem>> -> memref<128xi32, #tpu.memory_space<vmem>>
    %dma_wait3A_275 = arith.constant 0 : i32
    %dma_wait3A_276 = arith.constant 0 : i32
    %dma_wait3A_277 = tpu.memref_slice %arg17[%dma_wait3A_275, %dma_wait3A_276] : memref<10008x32xf32, #tpu.memory_space<vmem_shared>> -> memref<10008x32xf32, #tpu.memory_space<vmem_shared>>
    tpu.wait_indirect_dma semaphore(%arg31 : memref<!tpu.dma_semaphore, #tpu.memory_space<semaphore_mem>>) src(%arg14 : memref<128x32xf32, #tpu.memory_space<vmem>>) dst(%dma_wait3A_277 : memref<10008x32xf32, #tpu.memory_space<vmem_shared>>)
    %dma_wait3A_278 = arith.constant 158 : i32
    %dma_wait3A_279 = arith.constant 0 : i32
    %dma_wait3A_280 = tpu.memref_slice %arg8[%dma_wait3A_278, %dma_wait3A_279] : memref<160x128xi32, #tpu.memory_space<vmem>> -> memref<1x128xi32, #tpu.memory_space<vmem>>
    %dma_wait3A_281 = tpu.memref_squeeze %dma_wait3A_280 : memref<1x128xi32, #tpu.memory_space<vmem>> -> memref<128xi32, #tpu.memory_space<vmem>>
    %dma_wait3A_282 = arith.constant 0 : i32
    %dma_wait3A_283 = arith.constant 0 : i32
    %dma_wait3A_284 = tpu.memref_slice %arg17[%dma_wait3A_282, %dma_wait3A_283] : memref<10008x32xf32, #tpu.memory_space<vmem_shared>> -> memref<10008x32xf32, #tpu.memory_space<vmem_shared>>
    tpu.wait_indirect_dma semaphore(%arg32 : memref<!tpu.dma_semaphore, #tpu.memory_space<semaphore_mem>>) src(%arg15 : memref<128x32xf32, #tpu.memory_space<vmem>>) dst(%dma_wait3A_284 : memref<10008x32xf32, #tpu.memory_space<vmem_shared>>)
    %dma_wait3A_285 = arith.constant 159 : i32
    %dma_wait3A_286 = arith.constant 0 : i32
    %dma_wait3A_287 = tpu.memref_slice %arg8[%dma_wait3A_285, %dma_wait3A_286] : memref<160x128xi32, #tpu.memory_space<vmem>> -> memref<1x128xi32, #tpu.memory_space<vmem>>
    %dma_wait3A_288 = tpu.memref_squeeze %dma_wait3A_287 : memref<1x128xi32, #tpu.memory_space<vmem>> -> memref<128xi32, #tpu.memory_space<vmem>>
    %dma_wait3A_289 = arith.constant 0 : i32
    %dma_wait3A_290 = arith.constant 0 : i32
    %dma_wait3A_291 = tpu.memref_slice %arg17[%dma_wait3A_289, %dma_wait3A_290] : memref<10008x32xf32, #tpu.memory_space<vmem_shared>> -> memref<10008x32xf32, #tpu.memory_space<vmem_shared>>
    tpu.wait_indirect_dma semaphore(%arg33 : memref<!tpu.dma_semaphore, #tpu.memory_space<semaphore_mem>>) src(%arg16 : memref<128x32xf32, #tpu.memory_space<vmem>>) dst(%dma_wait3A_291 : memref<10008x32xf32, #tpu.memory_space<vmem_shared>>)
    %barrier3A_292 = arith.constant 0 : index
    tpu.barrier barrier_id(%barrier3A_292)
    "tpu.region"() ({
      %run_scoped3A = tpu.sem_alloc : memref<!tpu.dma_semaphore, #tpu.memory_space<semaphore_mem>>
      %dma_start3A_293 = arith.constant 0 : i32
      %dma_start3A_294 = tpu.memref_slice %arg6[%arg0, %multiple_of3A, %dma_start3A_293] : memref<2x10000x32xf32, #tpu.memory_space<hbm>> -> memref<1x632x32xf32, #tpu.memory_space<hbm>>
      %dma_start3A_295 = tpu.memref_squeeze %dma_start3A_294 : memref<1x632x32xf32, #tpu.memory_space<hbm>> -> memref<632x32xf32, #tpu.memory_space<hbm>>
      %dma_start3A_296 = arith.constant 0 : i32
      %dma_start3A_297 = tpu.memref_slice %arg17[%multiple_of3A, %dma_start3A_296] : memref<10008x32xf32, #tpu.memory_space<vmem_shared>> -> memref<632x32xf32, #tpu.memory_space<vmem_shared>>
      tpu.enqueue_dma source(%dma_start3A_297 : memref<632x32xf32, #tpu.memory_space<vmem_shared>>) target(%dma_start3A_295 : memref<632x32xf32, #tpu.memory_space<hbm>>) target_semaphore(%run_scoped3A : memref<!tpu.dma_semaphore, #tpu.memory_space<semaphore_mem>>)
      %dma_wait3A_298 = arith.constant 0 : i32
      %dma_wait3A_299 = tpu.memref_slice %arg6[%arg0, %multiple_of3A, %dma_wait3A_298] : memref<2x10000x32xf32, #tpu.memory_space<hbm>> -> memref<1x632x32xf32, #tpu.memory_space<hbm>>
      %dma_wait3A_300 = tpu.memref_squeeze %dma_wait3A_299 : memref<1x632x32xf32, #tpu.memory_space<hbm>> -> memref<632x32xf32, #tpu.memory_space<hbm>>
      %dma_wait3A_301 = arith.constant 0 : i32
      %dma_wait3A_302 = tpu.memref_slice %arg17[%multiple_of3A, %dma_wait3A_301] : memref<10008x32xf32, #tpu.memory_space<vmem_shared>> -> memref<632x32xf32, #tpu.memory_space<vmem_shared>>
      tpu.wait_dma2 semaphore(%run_scoped3A : memref<!tpu.dma_semaphore, #tpu.memory_space<semaphore_mem>>) src(%dma_wait3A_302 : memref<632x32xf32, #tpu.memory_space<vmem_shared>>) dst(%dma_wait3A_300 : memref<632x32xf32, #tpu.memory_space<hbm>>)
      tpu.yield
    }) : () -> ()
    return
  }
}

#map = affine_map<(d0, d1) -> (0, 0, 0)>
#map1 = affine_map<(d0, d1) -> (0, 0)>
module attributes {stable_mosaic.version = 14 : i64} {
  func.func @agg_kernel(%arg0: i32, %arg1: i32, %arg2: memref<2x10000x64xf32, #tpu.memory_space<hbm>>, %arg3: memref<16x160x128xi32, #tpu.memory_space<hbm>>, %arg4: memref<16x160x128xi32, #tpu.memory_space<hbm>>, %arg5: memref<632x64xf32, #tpu.memory_space<hbm>>, %arg6: memref<2x10000x64xf32, #tpu.memory_space<hbm>>, %arg7: memref<80x128xi32, #tpu.memory_space<vmem>>, %arg8: memref<80x128xi32, #tpu.memory_space<vmem>>, %arg9: memref<128x64xf32, #tpu.memory_space<vmem>>, %arg10: memref<128x64xf32, #tpu.memory_space<vmem>>, %arg11: memref<128x64xf32, #tpu.memory_space<vmem>>, %arg12: memref<128x64xf32, #tpu.memory_space<vmem>>, %arg13: memref<128x64xf32, #tpu.memory_space<vmem>>, %arg14: memref<128x64xf32, #tpu.memory_space<vmem>>, %arg15: memref<128x64xf32, #tpu.memory_space<vmem>>, %arg16: memref<128x64xf32, #tpu.memory_space<vmem>>, %arg17: memref<10008x64xf32, #tpu.memory_space<vmem_shared>>, %arg18: memref<!tpu.dma_semaphore, #tpu.memory_space<semaphore_mem>>, %arg19: memref<!tpu.dma_semaphore, #tpu.memory_space<semaphore_mem>>, %arg20: memref<!tpu.dma_semaphore, #tpu.memory_space<semaphore_mem>>, %arg21: memref<!tpu.dma_semaphore, #tpu.memory_space<semaphore_mem>>, %arg22: memref<!tpu.dma_semaphore, #tpu.memory_space<semaphore_mem>>, %arg23: memref<!tpu.dma_semaphore, #tpu.memory_space<semaphore_mem>>, %arg24: memref<!tpu.dma_semaphore, #tpu.memory_space<semaphore_mem>>, %arg25: memref<!tpu.dma_semaphore, #tpu.memory_space<semaphore_mem>>, %arg26: memref<!tpu.dma_semaphore, #tpu.memory_space<semaphore_mem>>, %arg27: memref<!tpu.dma_semaphore, #tpu.memory_space<semaphore_mem>>, %arg28: memref<!tpu.dma_semaphore, #tpu.memory_space<semaphore_mem>>, %arg29: memref<!tpu.dma_semaphore, #tpu.memory_space<semaphore_mem>>, %arg30: memref<!tpu.dma_semaphore, #tpu.memory_space<semaphore_mem>>, %arg31: memref<!tpu.dma_semaphore, #tpu.memory_space<semaphore_mem>>, %arg32: memref<!tpu.dma_semaphore, #tpu.memory_space<semaphore_mem>>, %arg33: memref<!tpu.dma_semaphore, #tpu.memory_space<semaphore_mem>>) attributes {dimension_semantics = [#tpu.dimension_semantics<core_parallel>, #tpu.dimension_semantics<subcore_parallel>], iteration_bounds = array<i64: 2, 16>, scalar_prefetch = 0 : i64, scratch_operands = 27 : i64, tpu.core_type = #tpu.core_type<sc_vector_subcore>, window_params = [{transform_indices = #map}, {transform_indices = #map}, {transform_indices = #map}, {transform_indices = #map1}, {transform_indices = #map}]} {
    %mul3A = arith.constant 632 : i32
    %mul3A_0 = arith.muli %arg1, %mul3A : i32
    %min3A = arith.constant 9368 : i32
    %min3A_1 = arith.minsi %mul3A_0, %min3A : i32
    %multiple_of3A = tpu.assume_multiple %min3A_1, 8 : i32
    "tpu.region"() ({
      %run_scoped3A = tpu.sem_alloc : memref<!tpu.dma_semaphore, #tpu.memory_space<semaphore_mem>>
      %dma_start3A_586 = arith.constant 0 : i32
      %dma_start3A_587 = tpu.memref_slice %arg17[%multiple_of3A, %dma_start3A_586] : memref<10008x64xf32, #tpu.memory_space<vmem_shared>> -> memref<632x64xf32, #tpu.memory_space<vmem_shared>>
      tpu.enqueue_dma source(%arg5 : memref<632x64xf32, #tpu.memory_space<hbm>>) target(%dma_start3A_587 : memref<632x64xf32, #tpu.memory_space<vmem_shared>>) target_semaphore(%run_scoped3A : memref<!tpu.dma_semaphore, #tpu.memory_space<semaphore_mem>>)
      %dma_wait3A_588 = arith.constant 0 : i32
      %dma_wait3A_589 = tpu.memref_slice %arg17[%multiple_of3A, %dma_wait3A_588] : memref<10008x64xf32, #tpu.memory_space<vmem_shared>> -> memref<632x64xf32, #tpu.memory_space<vmem_shared>>
      tpu.wait_dma2 semaphore(%run_scoped3A : memref<!tpu.dma_semaphore, #tpu.memory_space<semaphore_mem>>) src(%arg5 : memref<632x64xf32, #tpu.memory_space<hbm>>) dst(%dma_wait3A_589 : memref<632x64xf32, #tpu.memory_space<vmem_shared>>)
      tpu.yield
    }) : () -> ()
    %barrier3A = arith.constant 0 : index
    tpu.barrier barrier_id(%barrier3A)
    "tpu.region"() ({
      %run_scoped3A = tpu.sem_alloc : memref<!tpu.dma_semaphore, #tpu.memory_space<semaphore_mem>>
      %dma_start3A_586 = arith.constant 0 : i32
      %dma_start3A_587 = arith.constant 0 : i32
      %dma_start3A_588 = tpu.memref_slice %arg3[%arg1, %dma_start3A_586, %dma_start3A_587] : memref<16x160x128xi32, #tpu.memory_space<hbm>> -> memref<1x80x128xi32, #tpu.memory_space<hbm>>
      %dma_start3A_589 = tpu.memref_squeeze %dma_start3A_588 : memref<1x80x128xi32, #tpu.memory_space<hbm>> -> memref<80x128xi32, #tpu.memory_space<hbm>>
      %dma_start3A_590 = arith.constant 0 : i32
      %dma_start3A_591 = arith.constant 0 : i32
      %dma_start3A_592 = tpu.memref_slice %arg3[%arg1, %dma_start3A_590, %dma_start3A_591] : memref<16x160x128xi32, #tpu.memory_space<hbm>> -> memref<1x80x128xi32, #tpu.memory_space<hbm>>
      %dma_start3A_593 = tpu.memref_squeeze %dma_start3A_592 : memref<1x80x128xi32, #tpu.memory_space<hbm>> -> memref<80x128xi32, #tpu.memory_space<hbm>>
      tpu.enqueue_dma source(%dma_start3A_593 : memref<80x128xi32, #tpu.memory_space<hbm>>) target(%arg7 : memref<80x128xi32, #tpu.memory_space<vmem>>) target_semaphore(%run_scoped3A : memref<!tpu.dma_semaphore, #tpu.memory_space<semaphore_mem>>)
      %dma_wait3A_594 = arith.constant 0 : i32
      %dma_wait3A_595 = arith.constant 0 : i32
      %dma_wait3A_596 = tpu.memref_slice %arg3[%arg1, %dma_wait3A_594, %dma_wait3A_595] : memref<16x160x128xi32, #tpu.memory_space<hbm>> -> memref<1x80x128xi32, #tpu.memory_space<hbm>>
      %dma_wait3A_597 = tpu.memref_squeeze %dma_wait3A_596 : memref<1x80x128xi32, #tpu.memory_space<hbm>> -> memref<80x128xi32, #tpu.memory_space<hbm>>
      %dma_wait3A_598 = arith.constant 0 : i32
      %dma_wait3A_599 = arith.constant 0 : i32
      %dma_wait3A_600 = tpu.memref_slice %arg3[%arg1, %dma_wait3A_598, %dma_wait3A_599] : memref<16x160x128xi32, #tpu.memory_space<hbm>> -> memref<1x80x128xi32, #tpu.memory_space<hbm>>
      %dma_wait3A_601 = tpu.memref_squeeze %dma_wait3A_600 : memref<1x80x128xi32, #tpu.memory_space<hbm>> -> memref<80x128xi32, #tpu.memory_space<hbm>>
      tpu.wait_dma2 semaphore(%run_scoped3A : memref<!tpu.dma_semaphore, #tpu.memory_space<semaphore_mem>>) src(%dma_wait3A_601 : memref<80x128xi32, #tpu.memory_space<hbm>>) dst(%arg7 : memref<80x128xi32, #tpu.memory_space<vmem>>)
      tpu.yield
    }) : () -> ()
    "tpu.region"() ({
      %run_scoped3A = tpu.sem_alloc : memref<!tpu.dma_semaphore, #tpu.memory_space<semaphore_mem>>
      %dma_start3A_586 = arith.constant 0 : i32
      %dma_start3A_587 = arith.constant 0 : i32
      %dma_start3A_588 = tpu.memref_slice %arg4[%arg1, %dma_start3A_586, %dma_start3A_587] : memref<16x160x128xi32, #tpu.memory_space<hbm>> -> memref<1x80x128xi32, #tpu.memory_space<hbm>>
      %dma_start3A_589 = tpu.memref_squeeze %dma_start3A_588 : memref<1x80x128xi32, #tpu.memory_space<hbm>> -> memref<80x128xi32, #tpu.memory_space<hbm>>
      %dma_start3A_590 = arith.constant 0 : i32
      %dma_start3A_591 = arith.constant 0 : i32
      %dma_start3A_592 = tpu.memref_slice %arg4[%arg1, %dma_start3A_590, %dma_start3A_591] : memref<16x160x128xi32, #tpu.memory_space<hbm>> -> memref<1x80x128xi32, #tpu.memory_space<hbm>>
      %dma_start3A_593 = tpu.memref_squeeze %dma_start3A_592 : memref<1x80x128xi32, #tpu.memory_space<hbm>> -> memref<80x128xi32, #tpu.memory_space<hbm>>
      tpu.enqueue_dma source(%dma_start3A_593 : memref<80x128xi32, #tpu.memory_space<hbm>>) target(%arg8 : memref<80x128xi32, #tpu.memory_space<vmem>>) target_semaphore(%run_scoped3A : memref<!tpu.dma_semaphore, #tpu.memory_space<semaphore_mem>>)
      %dma_wait3A_594 = arith.constant 0 : i32
      %dma_wait3A_595 = arith.constant 0 : i32
      %dma_wait3A_596 = tpu.memref_slice %arg4[%arg1, %dma_wait3A_594, %dma_wait3A_595] : memref<16x160x128xi32, #tpu.memory_space<hbm>> -> memref<1x80x128xi32, #tpu.memory_space<hbm>>
      %dma_wait3A_597 = tpu.memref_squeeze %dma_wait3A_596 : memref<1x80x128xi32, #tpu.memory_space<hbm>> -> memref<80x128xi32, #tpu.memory_space<hbm>>
      %dma_wait3A_598 = arith.constant 0 : i32
      %dma_wait3A_599 = arith.constant 0 : i32
      %dma_wait3A_600 = tpu.memref_slice %arg4[%arg1, %dma_wait3A_598, %dma_wait3A_599] : memref<16x160x128xi32, #tpu.memory_space<hbm>> -> memref<1x80x128xi32, #tpu.memory_space<hbm>>
      %dma_wait3A_601 = tpu.memref_squeeze %dma_wait3A_600 : memref<1x80x128xi32, #tpu.memory_space<hbm>> -> memref<80x128xi32, #tpu.memory_space<hbm>>
      tpu.wait_dma2 semaphore(%run_scoped3A : memref<!tpu.dma_semaphore, #tpu.memory_space<semaphore_mem>>) src(%dma_wait3A_601 : memref<80x128xi32, #tpu.memory_space<hbm>>) dst(%arg8 : memref<80x128xi32, #tpu.memory_space<vmem>>)
      tpu.yield
    }) : () -> ()
    %dma_start3A = arith.constant 0 : i32
    %dma_start3A_2 = arith.constant 0 : i32
    %dma_start3A_3 = tpu.memref_slice %arg7[%dma_start3A, %dma_start3A_2] : memref<80x128xi32, #tpu.memory_space<vmem>> -> memref<1x128xi32, #tpu.memory_space<vmem>>
    %dma_start3A_4 = tpu.memref_squeeze %dma_start3A_3 : memref<1x128xi32, #tpu.memory_space<vmem>> -> memref<128xi32, #tpu.memory_space<vmem>>
    %dma_start3A_5 = arith.constant 0 : i32
    %dma_start3A_6 = arith.constant 0 : i32
    %dma_start3A_7 = tpu.memref_slice %arg2[%arg0, %dma_start3A_5, %dma_start3A_6] : memref<2x10000x64xf32, #tpu.memory_space<hbm>> -> memref<1x10000x64xf32, #tpu.memory_space<hbm>>
    %dma_start3A_8 = tpu.memref_squeeze %dma_start3A_7 : memref<1x10000x64xf32, #tpu.memory_space<hbm>> -> memref<10000x64xf32, #tpu.memory_space<hbm>>
    %dma_start3A_9 = arith.constant 0 : i32
    %dma_start3A_10 = arith.constant 0 : i32
    %dma_start3A_11 = tpu.memref_slice %dma_start3A_8[%dma_start3A_9, %dma_start3A_10] : memref<10000x64xf32, #tpu.memory_space<hbm>> -> memref<10000x64xf32, #tpu.memory_space<hbm>>
    tpu.enqueue_indirect_dma source(%dma_start3A_11 : memref<10000x64xf32, #tpu.memory_space<hbm>>) target(%arg9 : memref<128x64xf32, #tpu.memory_space<vmem>>) offsets(%dma_start3A_4 : memref<128xi32, #tpu.memory_space<vmem>>) semaphore(%arg18 : memref<!tpu.dma_semaphore, #tpu.memory_space<semaphore_mem>>)
    %dma_start3A_12 = arith.constant 1 : i32
    %dma_start3A_13 = arith.constant 0 : i32
    %dma_start3A_14 = tpu.memref_slice %arg7[%dma_start3A_12, %dma_start3A_13] : memref<80x128xi32, #tpu.memory_space<vmem>> -> memref<1x128xi32, #tpu.memory_space<vmem>>
    %dma_start3A_15 = tpu.memref_squeeze %dma_start3A_14 : memref<1x128xi32, #tpu.memory_space<vmem>> -> memref<128xi32, #tpu.memory_space<vmem>>
    %dma_start3A_16 = arith.constant 0 : i32
    %dma_start3A_17 = arith.constant 0 : i32
    %dma_start3A_18 = tpu.memref_slice %arg2[%arg0, %dma_start3A_16, %dma_start3A_17] : memref<2x10000x64xf32, #tpu.memory_space<hbm>> -> memref<1x10000x64xf32, #tpu.memory_space<hbm>>
    %dma_start3A_19 = tpu.memref_squeeze %dma_start3A_18 : memref<1x10000x64xf32, #tpu.memory_space<hbm>> -> memref<10000x64xf32, #tpu.memory_space<hbm>>
    %dma_start3A_20 = arith.constant 0 : i32
    %dma_start3A_21 = arith.constant 0 : i32
    %dma_start3A_22 = tpu.memref_slice %dma_start3A_19[%dma_start3A_20, %dma_start3A_21] : memref<10000x64xf32, #tpu.memory_space<hbm>> -> memref<10000x64xf32, #tpu.memory_space<hbm>>
    tpu.enqueue_indirect_dma source(%dma_start3A_22 : memref<10000x64xf32, #tpu.memory_space<hbm>>) target(%arg10 : memref<128x64xf32, #tpu.memory_space<vmem>>) offsets(%dma_start3A_15 : memref<128xi32, #tpu.memory_space<vmem>>) semaphore(%arg19 : memref<!tpu.dma_semaphore, #tpu.memory_space<semaphore_mem>>)
    %dma_wait3A = arith.constant 0 : i32
    %dma_wait3A_23 = arith.constant 0 : i32
    %dma_wait3A_24 = tpu.memref_slice %arg7[%dma_wait3A, %dma_wait3A_23] : memref<80x128xi32, #tpu.memory_space<vmem>> -> memref<1x128xi32, #tpu.memory_space<vmem>>
    %dma_wait3A_25 = tpu.memref_squeeze %dma_wait3A_24 : memref<1x128xi32, #tpu.memory_space<vmem>> -> memref<128xi32, #tpu.memory_space<vmem>>
    %dma_wait3A_26 = arith.constant 0 : i32
    %dma_wait3A_27 = arith.constant 0 : i32
    %dma_wait3A_28 = tpu.memref_slice %arg2[%arg0, %dma_wait3A_26, %dma_wait3A_27] : memref<2x10000x64xf32, #tpu.memory_space<hbm>> -> memref<1x10000x64xf32, #tpu.memory_space<hbm>>
    %dma_wait3A_29 = tpu.memref_squeeze %dma_wait3A_28 : memref<1x10000x64xf32, #tpu.memory_space<hbm>> -> memref<10000x64xf32, #tpu.memory_space<hbm>>
    %dma_wait3A_30 = arith.constant 0 : i32
    %dma_wait3A_31 = arith.constant 0 : i32
    %dma_wait3A_32 = tpu.memref_slice %dma_wait3A_29[%dma_wait3A_30, %dma_wait3A_31] : memref<10000x64xf32, #tpu.memory_space<hbm>> -> memref<10000x64xf32, #tpu.memory_space<hbm>>
    tpu.wait_indirect_dma semaphore(%arg18 : memref<!tpu.dma_semaphore, #tpu.memory_space<semaphore_mem>>) src(%dma_wait3A_32 : memref<10000x64xf32, #tpu.memory_space<hbm>>) dst(%arg9 : memref<128x64xf32, #tpu.memory_space<vmem>>)
    %dma_start3A_33 = arith.constant 0 : i32
    %dma_start3A_34 = arith.constant 0 : i32
    %dma_start3A_35 = tpu.memref_slice %arg8[%dma_start3A_33, %dma_start3A_34] : memref<80x128xi32, #tpu.memory_space<vmem>> -> memref<1x128xi32, #tpu.memory_space<vmem>>
    %dma_start3A_36 = tpu.memref_squeeze %dma_start3A_35 : memref<1x128xi32, #tpu.memory_space<vmem>> -> memref<128xi32, #tpu.memory_space<vmem>>
    %dma_start3A_37 = arith.constant 0 : i32
    %dma_start3A_38 = arith.constant 0 : i32
    %dma_start3A_39 = tpu.memref_slice %arg17[%dma_start3A_37, %dma_start3A_38] : memref<10008x64xf32, #tpu.memory_space<vmem_shared>> -> memref<10008x64xf32, #tpu.memory_space<vmem_shared>>
    tpu.enqueue_indirect_dma source(%arg9 : memref<128x64xf32, #tpu.memory_space<vmem>>) target(%dma_start3A_39 : memref<10008x64xf32, #tpu.memory_space<vmem_shared>>) offsets(%dma_start3A_36 : memref<128xi32, #tpu.memory_space<vmem>>) semaphore(%arg26 : memref<!tpu.dma_semaphore, #tpu.memory_space<semaphore_mem>>) {add = true}
    %dma_start3A_40 = arith.constant 2 : i32
    %dma_start3A_41 = arith.constant 0 : i32
    %dma_start3A_42 = tpu.memref_slice %arg7[%dma_start3A_40, %dma_start3A_41] : memref<80x128xi32, #tpu.memory_space<vmem>> -> memref<1x128xi32, #tpu.memory_space<vmem>>
    %dma_start3A_43 = tpu.memref_squeeze %dma_start3A_42 : memref<1x128xi32, #tpu.memory_space<vmem>> -> memref<128xi32, #tpu.memory_space<vmem>>
    %dma_start3A_44 = arith.constant 0 : i32
    %dma_start3A_45 = arith.constant 0 : i32
    %dma_start3A_46 = tpu.memref_slice %arg2[%arg0, %dma_start3A_44, %dma_start3A_45] : memref<2x10000x64xf32, #tpu.memory_space<hbm>> -> memref<1x10000x64xf32, #tpu.memory_space<hbm>>
    %dma_start3A_47 = tpu.memref_squeeze %dma_start3A_46 : memref<1x10000x64xf32, #tpu.memory_space<hbm>> -> memref<10000x64xf32, #tpu.memory_space<hbm>>
    %dma_start3A_48 = arith.constant 0 : i32
    %dma_start3A_49 = arith.constant 0 : i32
    %dma_start3A_50 = tpu.memref_slice %dma_start3A_47[%dma_start3A_48, %dma_start3A_49] : memref<10000x64xf32, #tpu.memory_space<hbm>> -> memref<10000x64xf32, #tpu.memory_space<hbm>>
    tpu.enqueue_indirect_dma source(%dma_start3A_50 : memref<10000x64xf32, #tpu.memory_space<hbm>>) target(%arg11 : memref<128x64xf32, #tpu.memory_space<vmem>>) offsets(%dma_start3A_43 : memref<128xi32, #tpu.memory_space<vmem>>) semaphore(%arg20 : memref<!tpu.dma_semaphore, #tpu.memory_space<semaphore_mem>>)
    %dma_wait3A_51 = arith.constant 1 : i32
    %dma_wait3A_52 = arith.constant 0 : i32
    %dma_wait3A_53 = tpu.memref_slice %arg7[%dma_wait3A_51, %dma_wait3A_52] : memref<80x128xi32, #tpu.memory_space<vmem>> -> memref<1x128xi32, #tpu.memory_space<vmem>>
    %dma_wait3A_54 = tpu.memref_squeeze %dma_wait3A_53 : memref<1x128xi32, #tpu.memory_space<vmem>> -> memref<128xi32, #tpu.memory_space<vmem>>
    %dma_wait3A_55 = arith.constant 0 : i32
    %dma_wait3A_56 = arith.constant 0 : i32
    %dma_wait3A_57 = tpu.memref_slice %arg2[%arg0, %dma_wait3A_55, %dma_wait3A_56] : memref<2x10000x64xf32, #tpu.memory_space<hbm>> -> memref<1x10000x64xf32, #tpu.memory_space<hbm>>
    %dma_wait3A_58 = tpu.memref_squeeze %dma_wait3A_57 : memref<1x10000x64xf32, #tpu.memory_space<hbm>> -> memref<10000x64xf32, #tpu.memory_space<hbm>>
    %dma_wait3A_59 = arith.constant 0 : i32
    %dma_wait3A_60 = arith.constant 0 : i32
    %dma_wait3A_61 = tpu.memref_slice %dma_wait3A_58[%dma_wait3A_59, %dma_wait3A_60] : memref<10000x64xf32, #tpu.memory_space<hbm>> -> memref<10000x64xf32, #tpu.memory_space<hbm>>
    tpu.wait_indirect_dma semaphore(%arg19 : memref<!tpu.dma_semaphore, #tpu.memory_space<semaphore_mem>>) src(%dma_wait3A_61 : memref<10000x64xf32, #tpu.memory_space<hbm>>) dst(%arg10 : memref<128x64xf32, #tpu.memory_space<vmem>>)
    %dma_start3A_62 = arith.constant 1 : i32
    %dma_start3A_63 = arith.constant 0 : i32
    %dma_start3A_64 = tpu.memref_slice %arg8[%dma_start3A_62, %dma_start3A_63] : memref<80x128xi32, #tpu.memory_space<vmem>> -> memref<1x128xi32, #tpu.memory_space<vmem>>
    %dma_start3A_65 = tpu.memref_squeeze %dma_start3A_64 : memref<1x128xi32, #tpu.memory_space<vmem>> -> memref<128xi32, #tpu.memory_space<vmem>>
    %dma_start3A_66 = arith.constant 0 : i32
    %dma_start3A_67 = arith.constant 0 : i32
    %dma_start3A_68 = tpu.memref_slice %arg17[%dma_start3A_66, %dma_start3A_67] : memref<10008x64xf32, #tpu.memory_space<vmem_shared>> -> memref<10008x64xf32, #tpu.memory_space<vmem_shared>>
    tpu.enqueue_indirect_dma source(%arg10 : memref<128x64xf32, #tpu.memory_space<vmem>>) target(%dma_start3A_68 : memref<10008x64xf32, #tpu.memory_space<vmem_shared>>) offsets(%dma_start3A_65 : memref<128xi32, #tpu.memory_space<vmem>>) semaphore(%arg27 : memref<!tpu.dma_semaphore, #tpu.memory_space<semaphore_mem>>) {add = true}
    %dma_start3A_69 = arith.constant 3 : i32
    %dma_start3A_70 = arith.constant 0 : i32
    %dma_start3A_71 = tpu.memref_slice %arg7[%dma_start3A_69, %dma_start3A_70] : memref<80x128xi32, #tpu.memory_space<vmem>> -> memref<1x128xi32, #tpu.memory_space<vmem>>
    %dma_start3A_72 = tpu.memref_squeeze %dma_start3A_71 : memref<1x128xi32, #tpu.memory_space<vmem>> -> memref<128xi32, #tpu.memory_space<vmem>>
    %dma_start3A_73 = arith.constant 0 : i32
    %dma_start3A_74 = arith.constant 0 : i32
    %dma_start3A_75 = tpu.memref_slice %arg2[%arg0, %dma_start3A_73, %dma_start3A_74] : memref<2x10000x64xf32, #tpu.memory_space<hbm>> -> memref<1x10000x64xf32, #tpu.memory_space<hbm>>
    %dma_start3A_76 = tpu.memref_squeeze %dma_start3A_75 : memref<1x10000x64xf32, #tpu.memory_space<hbm>> -> memref<10000x64xf32, #tpu.memory_space<hbm>>
    %dma_start3A_77 = arith.constant 0 : i32
    %dma_start3A_78 = arith.constant 0 : i32
    %dma_start3A_79 = tpu.memref_slice %dma_start3A_76[%dma_start3A_77, %dma_start3A_78] : memref<10000x64xf32, #tpu.memory_space<hbm>> -> memref<10000x64xf32, #tpu.memory_space<hbm>>
    tpu.enqueue_indirect_dma source(%dma_start3A_79 : memref<10000x64xf32, #tpu.memory_space<hbm>>) target(%arg12 : memref<128x64xf32, #tpu.memory_space<vmem>>) offsets(%dma_start3A_72 : memref<128xi32, #tpu.memory_space<vmem>>) semaphore(%arg21 : memref<!tpu.dma_semaphore, #tpu.memory_space<semaphore_mem>>)
    %dma_wait3A_80 = arith.constant 2 : i32
    %dma_wait3A_81 = arith.constant 0 : i32
    %dma_wait3A_82 = tpu.memref_slice %arg7[%dma_wait3A_80, %dma_wait3A_81] : memref<80x128xi32, #tpu.memory_space<vmem>> -> memref<1x128xi32, #tpu.memory_space<vmem>>
    %dma_wait3A_83 = tpu.memref_squeeze %dma_wait3A_82 : memref<1x128xi32, #tpu.memory_space<vmem>> -> memref<128xi32, #tpu.memory_space<vmem>>
    %dma_wait3A_84 = arith.constant 0 : i32
    %dma_wait3A_85 = arith.constant 0 : i32
    %dma_wait3A_86 = tpu.memref_slice %arg2[%arg0, %dma_wait3A_84, %dma_wait3A_85] : memref<2x10000x64xf32, #tpu.memory_space<hbm>> -> memref<1x10000x64xf32, #tpu.memory_space<hbm>>
    %dma_wait3A_87 = tpu.memref_squeeze %dma_wait3A_86 : memref<1x10000x64xf32, #tpu.memory_space<hbm>> -> memref<10000x64xf32, #tpu.memory_space<hbm>>
    %dma_wait3A_88 = arith.constant 0 : i32
    %dma_wait3A_89 = arith.constant 0 : i32
    %dma_wait3A_90 = tpu.memref_slice %dma_wait3A_87[%dma_wait3A_88, %dma_wait3A_89] : memref<10000x64xf32, #tpu.memory_space<hbm>> -> memref<10000x64xf32, #tpu.memory_space<hbm>>
    tpu.wait_indirect_dma semaphore(%arg20 : memref<!tpu.dma_semaphore, #tpu.memory_space<semaphore_mem>>) src(%dma_wait3A_90 : memref<10000x64xf32, #tpu.memory_space<hbm>>) dst(%arg11 : memref<128x64xf32, #tpu.memory_space<vmem>>)
    %dma_start3A_91 = arith.constant 2 : i32
    %dma_start3A_92 = arith.constant 0 : i32
    %dma_start3A_93 = tpu.memref_slice %arg8[%dma_start3A_91, %dma_start3A_92] : memref<80x128xi32, #tpu.memory_space<vmem>> -> memref<1x128xi32, #tpu.memory_space<vmem>>
    %dma_start3A_94 = tpu.memref_squeeze %dma_start3A_93 : memref<1x128xi32, #tpu.memory_space<vmem>> -> memref<128xi32, #tpu.memory_space<vmem>>
    %dma_start3A_95 = arith.constant 0 : i32
    %dma_start3A_96 = arith.constant 0 : i32
    %dma_start3A_97 = tpu.memref_slice %arg17[%dma_start3A_95, %dma_start3A_96] : memref<10008x64xf32, #tpu.memory_space<vmem_shared>> -> memref<10008x64xf32, #tpu.memory_space<vmem_shared>>
    tpu.enqueue_indirect_dma source(%arg11 : memref<128x64xf32, #tpu.memory_space<vmem>>) target(%dma_start3A_97 : memref<10008x64xf32, #tpu.memory_space<vmem_shared>>) offsets(%dma_start3A_94 : memref<128xi32, #tpu.memory_space<vmem>>) semaphore(%arg28 : memref<!tpu.dma_semaphore, #tpu.memory_space<semaphore_mem>>) {add = true}
    %dma_start3A_98 = arith.constant 4 : i32
    %dma_start3A_99 = arith.constant 0 : i32
    %dma_start3A_100 = tpu.memref_slice %arg7[%dma_start3A_98, %dma_start3A_99] : memref<80x128xi32, #tpu.memory_space<vmem>> -> memref<1x128xi32, #tpu.memory_space<vmem>>
    %dma_start3A_101 = tpu.memref_squeeze %dma_start3A_100 : memref<1x128xi32, #tpu.memory_space<vmem>> -> memref<128xi32, #tpu.memory_space<vmem>>
    %dma_start3A_102 = arith.constant 0 : i32
    %dma_start3A_103 = arith.constant 0 : i32
    %dma_start3A_104 = tpu.memref_slice %arg2[%arg0, %dma_start3A_102, %dma_start3A_103] : memref<2x10000x64xf32, #tpu.memory_space<hbm>> -> memref<1x10000x64xf32, #tpu.memory_space<hbm>>
    %dma_start3A_105 = tpu.memref_squeeze %dma_start3A_104 : memref<1x10000x64xf32, #tpu.memory_space<hbm>> -> memref<10000x64xf32, #tpu.memory_space<hbm>>
    %dma_start3A_106 = arith.constant 0 : i32
    %dma_start3A_107 = arith.constant 0 : i32
    %dma_start3A_108 = tpu.memref_slice %dma_start3A_105[%dma_start3A_106, %dma_start3A_107] : memref<10000x64xf32, #tpu.memory_space<hbm>> -> memref<10000x64xf32, #tpu.memory_space<hbm>>
    tpu.enqueue_indirect_dma source(%dma_start3A_108 : memref<10000x64xf32, #tpu.memory_space<hbm>>) target(%arg13 : memref<128x64xf32, #tpu.memory_space<vmem>>) offsets(%dma_start3A_101 : memref<128xi32, #tpu.memory_space<vmem>>) semaphore(%arg22 : memref<!tpu.dma_semaphore, #tpu.memory_space<semaphore_mem>>)
    %dma_wait3A_109 = arith.constant 3 : i32
    %dma_wait3A_110 = arith.constant 0 : i32
    %dma_wait3A_111 = tpu.memref_slice %arg7[%dma_wait3A_109, %dma_wait3A_110] : memref<80x128xi32, #tpu.memory_space<vmem>> -> memref<1x128xi32, #tpu.memory_space<vmem>>
    %dma_wait3A_112 = tpu.memref_squeeze %dma_wait3A_111 : memref<1x128xi32, #tpu.memory_space<vmem>> -> memref<128xi32, #tpu.memory_space<vmem>>
    %dma_wait3A_113 = arith.constant 0 : i32
    %dma_wait3A_114 = arith.constant 0 : i32
    %dma_wait3A_115 = tpu.memref_slice %arg2[%arg0, %dma_wait3A_113, %dma_wait3A_114] : memref<2x10000x64xf32, #tpu.memory_space<hbm>> -> memref<1x10000x64xf32, #tpu.memory_space<hbm>>
    %dma_wait3A_116 = tpu.memref_squeeze %dma_wait3A_115 : memref<1x10000x64xf32, #tpu.memory_space<hbm>> -> memref<10000x64xf32, #tpu.memory_space<hbm>>
    %dma_wait3A_117 = arith.constant 0 : i32
    %dma_wait3A_118 = arith.constant 0 : i32
    %dma_wait3A_119 = tpu.memref_slice %dma_wait3A_116[%dma_wait3A_117, %dma_wait3A_118] : memref<10000x64xf32, #tpu.memory_space<hbm>> -> memref<10000x64xf32, #tpu.memory_space<hbm>>
    tpu.wait_indirect_dma semaphore(%arg21 : memref<!tpu.dma_semaphore, #tpu.memory_space<semaphore_mem>>) src(%dma_wait3A_119 : memref<10000x64xf32, #tpu.memory_space<hbm>>) dst(%arg12 : memref<128x64xf32, #tpu.memory_space<vmem>>)
    %dma_start3A_120 = arith.constant 3 : i32
    %dma_start3A_121 = arith.constant 0 : i32
    %dma_start3A_122 = tpu.memref_slice %arg8[%dma_start3A_120, %dma_start3A_121] : memref<80x128xi32, #tpu.memory_space<vmem>> -> memref<1x128xi32, #tpu.memory_space<vmem>>
    %dma_start3A_123 = tpu.memref_squeeze %dma_start3A_122 : memref<1x128xi32, #tpu.memory_space<vmem>> -> memref<128xi32, #tpu.memory_space<vmem>>
    %dma_start3A_124 = arith.constant 0 : i32
    %dma_start3A_125 = arith.constant 0 : i32
    %dma_start3A_126 = tpu.memref_slice %arg17[%dma_start3A_124, %dma_start3A_125] : memref<10008x64xf32, #tpu.memory_space<vmem_shared>> -> memref<10008x64xf32, #tpu.memory_space<vmem_shared>>
    tpu.enqueue_indirect_dma source(%arg12 : memref<128x64xf32, #tpu.memory_space<vmem>>) target(%dma_start3A_126 : memref<10008x64xf32, #tpu.memory_space<vmem_shared>>) offsets(%dma_start3A_123 : memref<128xi32, #tpu.memory_space<vmem>>) semaphore(%arg29 : memref<!tpu.dma_semaphore, #tpu.memory_space<semaphore_mem>>) {add = true}
    %dma_start3A_127 = arith.constant 5 : i32
    %dma_start3A_128 = arith.constant 0 : i32
    %dma_start3A_129 = tpu.memref_slice %arg7[%dma_start3A_127, %dma_start3A_128] : memref<80x128xi32, #tpu.memory_space<vmem>> -> memref<1x128xi32, #tpu.memory_space<vmem>>
    %dma_start3A_130 = tpu.memref_squeeze %dma_start3A_129 : memref<1x128xi32, #tpu.memory_space<vmem>> -> memref<128xi32, #tpu.memory_space<vmem>>
    %dma_start3A_131 = arith.constant 0 : i32
    %dma_start3A_132 = arith.constant 0 : i32
    %dma_start3A_133 = tpu.memref_slice %arg2[%arg0, %dma_start3A_131, %dma_start3A_132] : memref<2x10000x64xf32, #tpu.memory_space<hbm>> -> memref<1x10000x64xf32, #tpu.memory_space<hbm>>
    %dma_start3A_134 = tpu.memref_squeeze %dma_start3A_133 : memref<1x10000x64xf32, #tpu.memory_space<hbm>> -> memref<10000x64xf32, #tpu.memory_space<hbm>>
    %dma_start3A_135 = arith.constant 0 : i32
    %dma_start3A_136 = arith.constant 0 : i32
    %dma_start3A_137 = tpu.memref_slice %dma_start3A_134[%dma_start3A_135, %dma_start3A_136] : memref<10000x64xf32, #tpu.memory_space<hbm>> -> memref<10000x64xf32, #tpu.memory_space<hbm>>
    tpu.enqueue_indirect_dma source(%dma_start3A_137 : memref<10000x64xf32, #tpu.memory_space<hbm>>) target(%arg14 : memref<128x64xf32, #tpu.memory_space<vmem>>) offsets(%dma_start3A_130 : memref<128xi32, #tpu.memory_space<vmem>>) semaphore(%arg23 : memref<!tpu.dma_semaphore, #tpu.memory_space<semaphore_mem>>)
    %dma_wait3A_138 = arith.constant 4 : i32
    %dma_wait3A_139 = arith.constant 0 : i32
    %dma_wait3A_140 = tpu.memref_slice %arg7[%dma_wait3A_138, %dma_wait3A_139] : memref<80x128xi32, #tpu.memory_space<vmem>> -> memref<1x128xi32, #tpu.memory_space<vmem>>
    %dma_wait3A_141 = tpu.memref_squeeze %dma_wait3A_140 : memref<1x128xi32, #tpu.memory_space<vmem>> -> memref<128xi32, #tpu.memory_space<vmem>>
    %dma_wait3A_142 = arith.constant 0 : i32
    %dma_wait3A_143 = arith.constant 0 : i32
    %dma_wait3A_144 = tpu.memref_slice %arg2[%arg0, %dma_wait3A_142, %dma_wait3A_143] : memref<2x10000x64xf32, #tpu.memory_space<hbm>> -> memref<1x10000x64xf32, #tpu.memory_space<hbm>>
    %dma_wait3A_145 = tpu.memref_squeeze %dma_wait3A_144 : memref<1x10000x64xf32, #tpu.memory_space<hbm>> -> memref<10000x64xf32, #tpu.memory_space<hbm>>
    %dma_wait3A_146 = arith.constant 0 : i32
    %dma_wait3A_147 = arith.constant 0 : i32
    %dma_wait3A_148 = tpu.memref_slice %dma_wait3A_145[%dma_wait3A_146, %dma_wait3A_147] : memref<10000x64xf32, #tpu.memory_space<hbm>> -> memref<10000x64xf32, #tpu.memory_space<hbm>>
    tpu.wait_indirect_dma semaphore(%arg22 : memref<!tpu.dma_semaphore, #tpu.memory_space<semaphore_mem>>) src(%dma_wait3A_148 : memref<10000x64xf32, #tpu.memory_space<hbm>>) dst(%arg13 : memref<128x64xf32, #tpu.memory_space<vmem>>)
    %dma_start3A_149 = arith.constant 4 : i32
    %dma_start3A_150 = arith.constant 0 : i32
    %dma_start3A_151 = tpu.memref_slice %arg8[%dma_start3A_149, %dma_start3A_150] : memref<80x128xi32, #tpu.memory_space<vmem>> -> memref<1x128xi32, #tpu.memory_space<vmem>>
    %dma_start3A_152 = tpu.memref_squeeze %dma_start3A_151 : memref<1x128xi32, #tpu.memory_space<vmem>> -> memref<128xi32, #tpu.memory_space<vmem>>
    %dma_start3A_153 = arith.constant 0 : i32
    %dma_start3A_154 = arith.constant 0 : i32
    %dma_start3A_155 = tpu.memref_slice %arg17[%dma_start3A_153, %dma_start3A_154] : memref<10008x64xf32, #tpu.memory_space<vmem_shared>> -> memref<10008x64xf32, #tpu.memory_space<vmem_shared>>
    tpu.enqueue_indirect_dma source(%arg13 : memref<128x64xf32, #tpu.memory_space<vmem>>) target(%dma_start3A_155 : memref<10008x64xf32, #tpu.memory_space<vmem_shared>>) offsets(%dma_start3A_152 : memref<128xi32, #tpu.memory_space<vmem>>) semaphore(%arg30 : memref<!tpu.dma_semaphore, #tpu.memory_space<semaphore_mem>>) {add = true}
    %dma_start3A_156 = arith.constant 6 : i32
    %dma_start3A_157 = arith.constant 0 : i32
    %dma_start3A_158 = tpu.memref_slice %arg7[%dma_start3A_156, %dma_start3A_157] : memref<80x128xi32, #tpu.memory_space<vmem>> -> memref<1x128xi32, #tpu.memory_space<vmem>>
    %dma_start3A_159 = tpu.memref_squeeze %dma_start3A_158 : memref<1x128xi32, #tpu.memory_space<vmem>> -> memref<128xi32, #tpu.memory_space<vmem>>
    %dma_start3A_160 = arith.constant 0 : i32
    %dma_start3A_161 = arith.constant 0 : i32
    %dma_start3A_162 = tpu.memref_slice %arg2[%arg0, %dma_start3A_160, %dma_start3A_161] : memref<2x10000x64xf32, #tpu.memory_space<hbm>> -> memref<1x10000x64xf32, #tpu.memory_space<hbm>>
    %dma_start3A_163 = tpu.memref_squeeze %dma_start3A_162 : memref<1x10000x64xf32, #tpu.memory_space<hbm>> -> memref<10000x64xf32, #tpu.memory_space<hbm>>
    %dma_start3A_164 = arith.constant 0 : i32
    %dma_start3A_165 = arith.constant 0 : i32
    %dma_start3A_166 = tpu.memref_slice %dma_start3A_163[%dma_start3A_164, %dma_start3A_165] : memref<10000x64xf32, #tpu.memory_space<hbm>> -> memref<10000x64xf32, #tpu.memory_space<hbm>>
    tpu.enqueue_indirect_dma source(%dma_start3A_166 : memref<10000x64xf32, #tpu.memory_space<hbm>>) target(%arg15 : memref<128x64xf32, #tpu.memory_space<vmem>>) offsets(%dma_start3A_159 : memref<128xi32, #tpu.memory_space<vmem>>) semaphore(%arg24 : memref<!tpu.dma_semaphore, #tpu.memory_space<semaphore_mem>>)
    %dma_wait3A_167 = arith.constant 5 : i32
    %dma_wait3A_168 = arith.constant 0 : i32
    %dma_wait3A_169 = tpu.memref_slice %arg7[%dma_wait3A_167, %dma_wait3A_168] : memref<80x128xi32, #tpu.memory_space<vmem>> -> memref<1x128xi32, #tpu.memory_space<vmem>>
    %dma_wait3A_170 = tpu.memref_squeeze %dma_wait3A_169 : memref<1x128xi32, #tpu.memory_space<vmem>> -> memref<128xi32, #tpu.memory_space<vmem>>
    %dma_wait3A_171 = arith.constant 0 : i32
    %dma_wait3A_172 = arith.constant 0 : i32
    %dma_wait3A_173 = tpu.memref_slice %arg2[%arg0, %dma_wait3A_171, %dma_wait3A_172] : memref<2x10000x64xf32, #tpu.memory_space<hbm>> -> memref<1x10000x64xf32, #tpu.memory_space<hbm>>
    %dma_wait3A_174 = tpu.memref_squeeze %dma_wait3A_173 : memref<1x10000x64xf32, #tpu.memory_space<hbm>> -> memref<10000x64xf32, #tpu.memory_space<hbm>>
    %dma_wait3A_175 = arith.constant 0 : i32
    %dma_wait3A_176 = arith.constant 0 : i32
    %dma_wait3A_177 = tpu.memref_slice %dma_wait3A_174[%dma_wait3A_175, %dma_wait3A_176] : memref<10000x64xf32, #tpu.memory_space<hbm>> -> memref<10000x64xf32, #tpu.memory_space<hbm>>
    tpu.wait_indirect_dma semaphore(%arg23 : memref<!tpu.dma_semaphore, #tpu.memory_space<semaphore_mem>>) src(%dma_wait3A_177 : memref<10000x64xf32, #tpu.memory_space<hbm>>) dst(%arg14 : memref<128x64xf32, #tpu.memory_space<vmem>>)
    %dma_start3A_178 = arith.constant 5 : i32
    %dma_start3A_179 = arith.constant 0 : i32
    %dma_start3A_180 = tpu.memref_slice %arg8[%dma_start3A_178, %dma_start3A_179] : memref<80x128xi32, #tpu.memory_space<vmem>> -> memref<1x128xi32, #tpu.memory_space<vmem>>
    %dma_start3A_181 = tpu.memref_squeeze %dma_start3A_180 : memref<1x128xi32, #tpu.memory_space<vmem>> -> memref<128xi32, #tpu.memory_space<vmem>>
    %dma_start3A_182 = arith.constant 0 : i32
    %dma_start3A_183 = arith.constant 0 : i32
    %dma_start3A_184 = tpu.memref_slice %arg17[%dma_start3A_182, %dma_start3A_183] : memref<10008x64xf32, #tpu.memory_space<vmem_shared>> -> memref<10008x64xf32, #tpu.memory_space<vmem_shared>>
    tpu.enqueue_indirect_dma source(%arg14 : memref<128x64xf32, #tpu.memory_space<vmem>>) target(%dma_start3A_184 : memref<10008x64xf32, #tpu.memory_space<vmem_shared>>) offsets(%dma_start3A_181 : memref<128xi32, #tpu.memory_space<vmem>>) semaphore(%arg31 : memref<!tpu.dma_semaphore, #tpu.memory_space<semaphore_mem>>) {add = true}
    %dma_start3A_185 = arith.constant 7 : i32
    %dma_start3A_186 = arith.constant 0 : i32
    %dma_start3A_187 = tpu.memref_slice %arg7[%dma_start3A_185, %dma_start3A_186] : memref<80x128xi32, #tpu.memory_space<vmem>> -> memref<1x128xi32, #tpu.memory_space<vmem>>
    %dma_start3A_188 = tpu.memref_squeeze %dma_start3A_187 : memref<1x128xi32, #tpu.memory_space<vmem>> -> memref<128xi32, #tpu.memory_space<vmem>>
    %dma_start3A_189 = arith.constant 0 : i32
    %dma_start3A_190 = arith.constant 0 : i32
    %dma_start3A_191 = tpu.memref_slice %arg2[%arg0, %dma_start3A_189, %dma_start3A_190] : memref<2x10000x64xf32, #tpu.memory_space<hbm>> -> memref<1x10000x64xf32, #tpu.memory_space<hbm>>
    %dma_start3A_192 = tpu.memref_squeeze %dma_start3A_191 : memref<1x10000x64xf32, #tpu.memory_space<hbm>> -> memref<10000x64xf32, #tpu.memory_space<hbm>>
    %dma_start3A_193 = arith.constant 0 : i32
    %dma_start3A_194 = arith.constant 0 : i32
    %dma_start3A_195 = tpu.memref_slice %dma_start3A_192[%dma_start3A_193, %dma_start3A_194] : memref<10000x64xf32, #tpu.memory_space<hbm>> -> memref<10000x64xf32, #tpu.memory_space<hbm>>
    tpu.enqueue_indirect_dma source(%dma_start3A_195 : memref<10000x64xf32, #tpu.memory_space<hbm>>) target(%arg16 : memref<128x64xf32, #tpu.memory_space<vmem>>) offsets(%dma_start3A_188 : memref<128xi32, #tpu.memory_space<vmem>>) semaphore(%arg25 : memref<!tpu.dma_semaphore, #tpu.memory_space<semaphore_mem>>)
    %scan3A = arith.constant 0 : i32
    %scan3A_196 = arith.constant 9 : i32
    %scan3A_197 = arith.addi %scan3A, %scan3A_196 : i32
    %scan3A_198 = arith.constant 1 : i32
    scf.for %scan3A_586 = %scan3A to %scan3A_197 step %scan3A_198  : i32 {
      %mul3A_587 = arith.constant 1 : i32
      %mul3A_588 = arith.muli %scan3A_586, %mul3A_587 : i32
      %add3A = arith.constant 0 : i32
      %add3A_589 = arith.addi %add3A, %mul3A_588 : i32
      %mul3A_590 = arith.constant 8 : i32
      %mul3A_591 = arith.muli %mul3A_590, %add3A_589 : i32
      %add3A_592 = arith.constant 6 : i32
      %add3A_593 = arith.addi %add3A_592, %mul3A_591 : i32
      %add3A_594 = arith.constant 0 : i32
      %add3A_595 = arith.addi %add3A_593, %add3A_594 : i32
      %dma_wait3A_596 = arith.constant 0 : i32
      %dma_wait3A_597 = tpu.memref_slice %arg7[%add3A_595, %dma_wait3A_596] : memref<80x128xi32, #tpu.memory_space<vmem>> -> memref<1x128xi32, #tpu.memory_space<vmem>>
      %dma_wait3A_598 = tpu.memref_squeeze %dma_wait3A_597 : memref<1x128xi32, #tpu.memory_space<vmem>> -> memref<128xi32, #tpu.memory_space<vmem>>
      %dma_wait3A_599 = arith.constant 0 : i32
      %dma_wait3A_600 = arith.constant 0 : i32
      %dma_wait3A_601 = tpu.memref_slice %arg2[%arg0, %dma_wait3A_599, %dma_wait3A_600] : memref<2x10000x64xf32, #tpu.memory_space<hbm>> -> memref<1x10000x64xf32, #tpu.memory_space<hbm>>
      %dma_wait3A_602 = tpu.memref_squeeze %dma_wait3A_601 : memref<1x10000x64xf32, #tpu.memory_space<hbm>> -> memref<10000x64xf32, #tpu.memory_space<hbm>>
      %dma_wait3A_603 = arith.constant 0 : i32
      %dma_wait3A_604 = arith.constant 0 : i32
      %dma_wait3A_605 = tpu.memref_slice %dma_wait3A_602[%dma_wait3A_603, %dma_wait3A_604] : memref<10000x64xf32, #tpu.memory_space<hbm>> -> memref<10000x64xf32, #tpu.memory_space<hbm>>
      tpu.wait_indirect_dma semaphore(%arg24 : memref<!tpu.dma_semaphore, #tpu.memory_space<semaphore_mem>>) src(%dma_wait3A_605 : memref<10000x64xf32, #tpu.memory_space<hbm>>) dst(%arg15 : memref<128x64xf32, #tpu.memory_space<vmem>>)
      %dma_start3A_606 = arith.constant 0 : i32
      %dma_start3A_607 = tpu.memref_slice %arg8[%add3A_595, %dma_start3A_606] : memref<80x128xi32, #tpu.memory_space<vmem>> -> memref<1x128xi32, #tpu.memory_space<vmem>>
      %dma_start3A_608 = tpu.memref_squeeze %dma_start3A_607 : memref<1x128xi32, #tpu.memory_space<vmem>> -> memref<128xi32, #tpu.memory_space<vmem>>
      %dma_start3A_609 = arith.constant 0 : i32
      %dma_start3A_610 = arith.constant 0 : i32
      %dma_start3A_611 = tpu.memref_slice %arg17[%dma_start3A_609, %dma_start3A_610] : memref<10008x64xf32, #tpu.memory_space<vmem_shared>> -> memref<10008x64xf32, #tpu.memory_space<vmem_shared>>
      tpu.enqueue_indirect_dma source(%arg15 : memref<128x64xf32, #tpu.memory_space<vmem>>) target(%dma_start3A_611 : memref<10008x64xf32, #tpu.memory_space<vmem_shared>>) offsets(%dma_start3A_608 : memref<128xi32, #tpu.memory_space<vmem>>) semaphore(%arg32 : memref<!tpu.dma_semaphore, #tpu.memory_space<semaphore_mem>>) {add = true}
      %sub3A = arith.constant 6 : i32
      %sub3A_612 = arith.subi %add3A_595, %sub3A : i32
      %dma_wait3A_613 = arith.constant 0 : i32
      %dma_wait3A_614 = tpu.memref_slice %arg8[%sub3A_612, %dma_wait3A_613] : memref<80x128xi32, #tpu.memory_space<vmem>> -> memref<1x128xi32, #tpu.memory_space<vmem>>
      %dma_wait3A_615 = tpu.memref_squeeze %dma_wait3A_614 : memref<1x128xi32, #tpu.memory_space<vmem>> -> memref<128xi32, #tpu.memory_space<vmem>>
      %dma_wait3A_616 = arith.constant 0 : i32
      %dma_wait3A_617 = arith.constant 0 : i32
      %dma_wait3A_618 = tpu.memref_slice %arg17[%dma_wait3A_616, %dma_wait3A_617] : memref<10008x64xf32, #tpu.memory_space<vmem_shared>> -> memref<10008x64xf32, #tpu.memory_space<vmem_shared>>
      tpu.wait_indirect_dma semaphore(%arg26 : memref<!tpu.dma_semaphore, #tpu.memory_space<semaphore_mem>>) src(%arg9 : memref<128x64xf32, #tpu.memory_space<vmem>>) dst(%dma_wait3A_618 : memref<10008x64xf32, #tpu.memory_space<vmem_shared>>)
      %add3A_619 = arith.constant 2 : i32
      %add3A_620 = arith.addi %add3A_595, %add3A_619 : i32
      %dma_start3A_621 = arith.constant 0 : i32
      %dma_start3A_622 = tpu.memref_slice %arg7[%add3A_620, %dma_start3A_621] : memref<80x128xi32, #tpu.memory_space<vmem>> -> memref<1x128xi32, #tpu.memory_space<vmem>>
      %dma_start3A_623 = tpu.memref_squeeze %dma_start3A_622 : memref<1x128xi32, #tpu.memory_space<vmem>> -> memref<128xi32, #tpu.memory_space<vmem>>
      %dma_start3A_624 = arith.constant 0 : i32
      %dma_start3A_625 = arith.constant 0 : i32
      %dma_start3A_626 = tpu.memref_slice %arg2[%arg0, %dma_start3A_624, %dma_start3A_625] : memref<2x10000x64xf32, #tpu.memory_space<hbm>> -> memref<1x10000x64xf32, #tpu.memory_space<hbm>>
      %dma_start3A_627 = tpu.memref_squeeze %dma_start3A_626 : memref<1x10000x64xf32, #tpu.memory_space<hbm>> -> memref<10000x64xf32, #tpu.memory_space<hbm>>
      %dma_start3A_628 = arith.constant 0 : i32
      %dma_start3A_629 = arith.constant 0 : i32
      %dma_start3A_630 = tpu.memref_slice %dma_start3A_627[%dma_start3A_628, %dma_start3A_629] : memref<10000x64xf32, #tpu.memory_space<hbm>> -> memref<10000x64xf32, #tpu.memory_space<hbm>>
      tpu.enqueue_indirect_dma source(%dma_start3A_630 : memref<10000x64xf32, #tpu.memory_space<hbm>>) target(%arg9 : memref<128x64xf32, #tpu.memory_space<vmem>>) offsets(%dma_start3A_623 : memref<128xi32, #tpu.memory_space<vmem>>) semaphore(%arg18 : memref<!tpu.dma_semaphore, #tpu.memory_space<semaphore_mem>>)
      %add3A_631 = arith.constant 1 : i32
      %add3A_632 = arith.addi %add3A_593, %add3A_631 : i32
      %dma_wait3A_633 = arith.constant 0 : i32
      %dma_wait3A_634 = tpu.memref_slice %arg7[%add3A_632, %dma_wait3A_633] : memref<80x128xi32, #tpu.memory_space<vmem>> -> memref<1x128xi32, #tpu.memory_space<vmem>>
      %dma_wait3A_635 = tpu.memref_squeeze %dma_wait3A_634 : memref<1x128xi32, #tpu.memory_space<vmem>> -> memref<128xi32, #tpu.memory_space<vmem>>
      %dma_wait3A_636 = arith.constant 0 : i32
      %dma_wait3A_637 = arith.constant 0 : i32
      %dma_wait3A_638 = tpu.memref_slice %arg2[%arg0, %dma_wait3A_636, %dma_wait3A_637] : memref<2x10000x64xf32, #tpu.memory_space<hbm>> -> memref<1x10000x64xf32, #tpu.memory_space<hbm>>
      %dma_wait3A_639 = tpu.memref_squeeze %dma_wait3A_638 : memref<1x10000x64xf32, #tpu.memory_space<hbm>> -> memref<10000x64xf32, #tpu.memory_space<hbm>>
      %dma_wait3A_640 = arith.constant 0 : i32
      %dma_wait3A_641 = arith.constant 0 : i32
      %dma_wait3A_642 = tpu.memref_slice %dma_wait3A_639[%dma_wait3A_640, %dma_wait3A_641] : memref<10000x64xf32, #tpu.memory_space<hbm>> -> memref<10000x64xf32, #tpu.memory_space<hbm>>
      tpu.wait_indirect_dma semaphore(%arg25 : memref<!tpu.dma_semaphore, #tpu.memory_space<semaphore_mem>>) src(%dma_wait3A_642 : memref<10000x64xf32, #tpu.memory_space<hbm>>) dst(%arg16 : memref<128x64xf32, #tpu.memory_space<vmem>>)
      %dma_start3A_643 = arith.constant 0 : i32
      %dma_start3A_644 = tpu.memref_slice %arg8[%add3A_632, %dma_start3A_643] : memref<80x128xi32, #tpu.memory_space<vmem>> -> memref<1x128xi32, #tpu.memory_space<vmem>>
      %dma_start3A_645 = tpu.memref_squeeze %dma_start3A_644 : memref<1x128xi32, #tpu.memory_space<vmem>> -> memref<128xi32, #tpu.memory_space<vmem>>
      %dma_start3A_646 = arith.constant 0 : i32
      %dma_start3A_647 = arith.constant 0 : i32
      %dma_start3A_648 = tpu.memref_slice %arg17[%dma_start3A_646, %dma_start3A_647] : memref<10008x64xf32, #tpu.memory_space<vmem_shared>> -> memref<10008x64xf32, #tpu.memory_space<vmem_shared>>
      tpu.enqueue_indirect_dma source(%arg16 : memref<128x64xf32, #tpu.memory_space<vmem>>) target(%dma_start3A_648 : memref<10008x64xf32, #tpu.memory_space<vmem_shared>>) offsets(%dma_start3A_645 : memref<128xi32, #tpu.memory_space<vmem>>) semaphore(%arg33 : memref<!tpu.dma_semaphore, #tpu.memory_space<semaphore_mem>>) {add = true}
      %sub3A_649 = arith.constant 6 : i32
      %sub3A_650 = arith.subi %add3A_632, %sub3A_649 : i32
      %dma_wait3A_651 = arith.constant 0 : i32
      %dma_wait3A_652 = tpu.memref_slice %arg8[%sub3A_650, %dma_wait3A_651] : memref<80x128xi32, #tpu.memory_space<vmem>> -> memref<1x128xi32, #tpu.memory_space<vmem>>
      %dma_wait3A_653 = tpu.memref_squeeze %dma_wait3A_652 : memref<1x128xi32, #tpu.memory_space<vmem>> -> memref<128xi32, #tpu.memory_space<vmem>>
      %dma_wait3A_654 = arith.constant 0 : i32
      %dma_wait3A_655 = arith.constant 0 : i32
      %dma_wait3A_656 = tpu.memref_slice %arg17[%dma_wait3A_654, %dma_wait3A_655] : memref<10008x64xf32, #tpu.memory_space<vmem_shared>> -> memref<10008x64xf32, #tpu.memory_space<vmem_shared>>
      tpu.wait_indirect_dma semaphore(%arg27 : memref<!tpu.dma_semaphore, #tpu.memory_space<semaphore_mem>>) src(%arg10 : memref<128x64xf32, #tpu.memory_space<vmem>>) dst(%dma_wait3A_656 : memref<10008x64xf32, #tpu.memory_space<vmem_shared>>)
      %add3A_657 = arith.constant 2 : i32
      %add3A_658 = arith.addi %add3A_632, %add3A_657 : i32
      %dma_start3A_659 = arith.constant 0 : i32
      %dma_start3A_660 = tpu.memref_slice %arg7[%add3A_658, %dma_start3A_659] : memref<80x128xi32, #tpu.memory_space<vmem>> -> memref<1x128xi32, #tpu.memory_space<vmem>>
      %dma_start3A_661 = tpu.memref_squeeze %dma_start3A_660 : memref<1x128xi32, #tpu.memory_space<vmem>> -> memref<128xi32, #tpu.memory_space<vmem>>
      %dma_start3A_662 = arith.constant 0 : i32
      %dma_start3A_663 = arith.constant 0 : i32
      %dma_start3A_664 = tpu.memref_slice %arg2[%arg0, %dma_start3A_662, %dma_start3A_663] : memref<2x10000x64xf32, #tpu.memory_space<hbm>> -> memref<1x10000x64xf32, #tpu.memory_space<hbm>>
      %dma_start3A_665 = tpu.memref_squeeze %dma_start3A_664 : memref<1x10000x64xf32, #tpu.memory_space<hbm>> -> memref<10000x64xf32, #tpu.memory_space<hbm>>
      %dma_start3A_666 = arith.constant 0 : i32
      %dma_start3A_667 = arith.constant 0 : i32
      %dma_start3A_668 = tpu.memref_slice %dma_start3A_665[%dma_start3A_666, %dma_start3A_667] : memref<10000x64xf32, #tpu.memory_space<hbm>> -> memref<10000x64xf32, #tpu.memory_space<hbm>>
      tpu.enqueue_indirect_dma source(%dma_start3A_668 : memref<10000x64xf32, #tpu.memory_space<hbm>>) target(%arg10 : memref<128x64xf32, #tpu.memory_space<vmem>>) offsets(%dma_start3A_661 : memref<128xi32, #tpu.memory_space<vmem>>) semaphore(%arg19 : memref<!tpu.dma_semaphore, #tpu.memory_space<semaphore_mem>>)
      %add3A_669 = arith.constant 2 : i32
      %add3A_670 = arith.addi %add3A_593, %add3A_669 : i32
      %dma_wait3A_671 = arith.constant 0 : i32
      %dma_wait3A_672 = tpu.memref_slice %arg7[%add3A_670, %dma_wait3A_671] : memref<80x128xi32, #tpu.memory_space<vmem>> -> memref<1x128xi32, #tpu.memory_space<vmem>>
      %dma_wait3A_673 = tpu.memref_squeeze %dma_wait3A_672 : memref<1x128xi32, #tpu.memory_space<vmem>> -> memref<128xi32, #tpu.memory_space<vmem>>
      %dma_wait3A_674 = arith.constant 0 : i32
      %dma_wait3A_675 = arith.constant 0 : i32
      %dma_wait3A_676 = tpu.memref_slice %arg2[%arg0, %dma_wait3A_674, %dma_wait3A_675] : memref<2x10000x64xf32, #tpu.memory_space<hbm>> -> memref<1x10000x64xf32, #tpu.memory_space<hbm>>
      %dma_wait3A_677 = tpu.memref_squeeze %dma_wait3A_676 : memref<1x10000x64xf32, #tpu.memory_space<hbm>> -> memref<10000x64xf32, #tpu.memory_space<hbm>>
      %dma_wait3A_678 = arith.constant 0 : i32
      %dma_wait3A_679 = arith.constant 0 : i32
      %dma_wait3A_680 = tpu.memref_slice %dma_wait3A_677[%dma_wait3A_678, %dma_wait3A_679] : memref<10000x64xf32, #tpu.memory_space<hbm>> -> memref<10000x64xf32, #tpu.memory_space<hbm>>
      tpu.wait_indirect_dma semaphore(%arg18 : memref<!tpu.dma_semaphore, #tpu.memory_space<semaphore_mem>>) src(%dma_wait3A_680 : memref<10000x64xf32, #tpu.memory_space<hbm>>) dst(%arg9 : memref<128x64xf32, #tpu.memory_space<vmem>>)
      %dma_start3A_681 = arith.constant 0 : i32
      %dma_start3A_682 = tpu.memref_slice %arg8[%add3A_670, %dma_start3A_681] : memref<80x128xi32, #tpu.memory_space<vmem>> -> memref<1x128xi32, #tpu.memory_space<vmem>>
      %dma_start3A_683 = tpu.memref_squeeze %dma_start3A_682 : memref<1x128xi32, #tpu.memory_space<vmem>> -> memref<128xi32, #tpu.memory_space<vmem>>
      %dma_start3A_684 = arith.constant 0 : i32
      %dma_start3A_685 = arith.constant 0 : i32
      %dma_start3A_686 = tpu.memref_slice %arg17[%dma_start3A_684, %dma_start3A_685] : memref<10008x64xf32, #tpu.memory_space<vmem_shared>> -> memref<10008x64xf32, #tpu.memory_space<vmem_shared>>
      tpu.enqueue_indirect_dma source(%arg9 : memref<128x64xf32, #tpu.memory_space<vmem>>) target(%dma_start3A_686 : memref<10008x64xf32, #tpu.memory_space<vmem_shared>>) offsets(%dma_start3A_683 : memref<128xi32, #tpu.memory_space<vmem>>) semaphore(%arg26 : memref<!tpu.dma_semaphore, #tpu.memory_space<semaphore_mem>>) {add = true}
      %sub3A_687 = arith.constant 6 : i32
      %sub3A_688 = arith.subi %add3A_670, %sub3A_687 : i32
      %dma_wait3A_689 = arith.constant 0 : i32
      %dma_wait3A_690 = tpu.memref_slice %arg8[%sub3A_688, %dma_wait3A_689] : memref<80x128xi32, #tpu.memory_space<vmem>> -> memref<1x128xi32, #tpu.memory_space<vmem>>
      %dma_wait3A_691 = tpu.memref_squeeze %dma_wait3A_690 : memref<1x128xi32, #tpu.memory_space<vmem>> -> memref<128xi32, #tpu.memory_space<vmem>>
      %dma_wait3A_692 = arith.constant 0 : i32
      %dma_wait3A_693 = arith.constant 0 : i32
      %dma_wait3A_694 = tpu.memref_slice %arg17[%dma_wait3A_692, %dma_wait3A_693] : memref<10008x64xf32, #tpu.memory_space<vmem_shared>> -> memref<10008x64xf32, #tpu.memory_space<vmem_shared>>
      tpu.wait_indirect_dma semaphore(%arg28 : memref<!tpu.dma_semaphore, #tpu.memory_space<semaphore_mem>>) src(%arg11 : memref<128x64xf32, #tpu.memory_space<vmem>>) dst(%dma_wait3A_694 : memref<10008x64xf32, #tpu.memory_space<vmem_shared>>)
      %add3A_695 = arith.constant 2 : i32
      %add3A_696 = arith.addi %add3A_670, %add3A_695 : i32
      %dma_start3A_697 = arith.constant 0 : i32
      %dma_start3A_698 = tpu.memref_slice %arg7[%add3A_696, %dma_start3A_697] : memref<80x128xi32, #tpu.memory_space<vmem>> -> memref<1x128xi32, #tpu.memory_space<vmem>>
      %dma_start3A_699 = tpu.memref_squeeze %dma_start3A_698 : memref<1x128xi32, #tpu.memory_space<vmem>> -> memref<128xi32, #tpu.memory_space<vmem>>
      %dma_start3A_700 = arith.constant 0 : i32
      %dma_start3A_701 = arith.constant 0 : i32
      %dma_start3A_702 = tpu.memref_slice %arg2[%arg0, %dma_start3A_700, %dma_start3A_701] : memref<2x10000x64xf32, #tpu.memory_space<hbm>> -> memref<1x10000x64xf32, #tpu.memory_space<hbm>>
      %dma_start3A_703 = tpu.memref_squeeze %dma_start3A_702 : memref<1x10000x64xf32, #tpu.memory_space<hbm>> -> memref<10000x64xf32, #tpu.memory_space<hbm>>
      %dma_start3A_704 = arith.constant 0 : i32
      %dma_start3A_705 = arith.constant 0 : i32
      %dma_start3A_706 = tpu.memref_slice %dma_start3A_703[%dma_start3A_704, %dma_start3A_705] : memref<10000x64xf32, #tpu.memory_space<hbm>> -> memref<10000x64xf32, #tpu.memory_space<hbm>>
      tpu.enqueue_indirect_dma source(%dma_start3A_706 : memref<10000x64xf32, #tpu.memory_space<hbm>>) target(%arg11 : memref<128x64xf32, #tpu.memory_space<vmem>>) offsets(%dma_start3A_699 : memref<128xi32, #tpu.memory_space<vmem>>) semaphore(%arg20 : memref<!tpu.dma_semaphore, #tpu.memory_space<semaphore_mem>>)
      %add3A_707 = arith.constant 3 : i32
      %add3A_708 = arith.addi %add3A_593, %add3A_707 : i32
      %dma_wait3A_709 = arith.constant 0 : i32
      %dma_wait3A_710 = tpu.memref_slice %arg7[%add3A_708, %dma_wait3A_709] : memref<80x128xi32, #tpu.memory_space<vmem>> -> memref<1x128xi32, #tpu.memory_space<vmem>>
      %dma_wait3A_711 = tpu.memref_squeeze %dma_wait3A_710 : memref<1x128xi32, #tpu.memory_space<vmem>> -> memref<128xi32, #tpu.memory_space<vmem>>
      %dma_wait3A_712 = arith.constant 0 : i32
      %dma_wait3A_713 = arith.constant 0 : i32
      %dma_wait3A_714 = tpu.memref_slice %arg2[%arg0, %dma_wait3A_712, %dma_wait3A_713] : memref<2x10000x64xf32, #tpu.memory_space<hbm>> -> memref<1x10000x64xf32, #tpu.memory_space<hbm>>
      %dma_wait3A_715 = tpu.memref_squeeze %dma_wait3A_714 : memref<1x10000x64xf32, #tpu.memory_space<hbm>> -> memref<10000x64xf32, #tpu.memory_space<hbm>>
      %dma_wait3A_716 = arith.constant 0 : i32
      %dma_wait3A_717 = arith.constant 0 : i32
      %dma_wait3A_718 = tpu.memref_slice %dma_wait3A_715[%dma_wait3A_716, %dma_wait3A_717] : memref<10000x64xf32, #tpu.memory_space<hbm>> -> memref<10000x64xf32, #tpu.memory_space<hbm>>
      tpu.wait_indirect_dma semaphore(%arg19 : memref<!tpu.dma_semaphore, #tpu.memory_space<semaphore_mem>>) src(%dma_wait3A_718 : memref<10000x64xf32, #tpu.memory_space<hbm>>) dst(%arg10 : memref<128x64xf32, #tpu.memory_space<vmem>>)
      %dma_start3A_719 = arith.constant 0 : i32
      %dma_start3A_720 = tpu.memref_slice %arg8[%add3A_708, %dma_start3A_719] : memref<80x128xi32, #tpu.memory_space<vmem>> -> memref<1x128xi32, #tpu.memory_space<vmem>>
      %dma_start3A_721 = tpu.memref_squeeze %dma_start3A_720 : memref<1x128xi32, #tpu.memory_space<vmem>> -> memref<128xi32, #tpu.memory_space<vmem>>
      %dma_start3A_722 = arith.constant 0 : i32
      %dma_start3A_723 = arith.constant 0 : i32
      %dma_start3A_724 = tpu.memref_slice %arg17[%dma_start3A_722, %dma_start3A_723] : memref<10008x64xf32, #tpu.memory_space<vmem_shared>> -> memref<10008x64xf32, #tpu.memory_space<vmem_shared>>
      tpu.enqueue_indirect_dma source(%arg10 : memref<128x64xf32, #tpu.memory_space<vmem>>) target(%dma_start3A_724 : memref<10008x64xf32, #tpu.memory_space<vmem_shared>>) offsets(%dma_start3A_721 : memref<128xi32, #tpu.memory_space<vmem>>) semaphore(%arg27 : memref<!tpu.dma_semaphore, #tpu.memory_space<semaphore_mem>>) {add = true}
      %sub3A_725 = arith.constant 6 : i32
      %sub3A_726 = arith.subi %add3A_708, %sub3A_725 : i32
      %dma_wait3A_727 = arith.constant 0 : i32
      %dma_wait3A_728 = tpu.memref_slice %arg8[%sub3A_726, %dma_wait3A_727] : memref<80x128xi32, #tpu.memory_space<vmem>> -> memref<1x128xi32, #tpu.memory_space<vmem>>
      %dma_wait3A_729 = tpu.memref_squeeze %dma_wait3A_728 : memref<1x128xi32, #tpu.memory_space<vmem>> -> memref<128xi32, #tpu.memory_space<vmem>>
      %dma_wait3A_730 = arith.constant 0 : i32
      %dma_wait3A_731 = arith.constant 0 : i32
      %dma_wait3A_732 = tpu.memref_slice %arg17[%dma_wait3A_730, %dma_wait3A_731] : memref<10008x64xf32, #tpu.memory_space<vmem_shared>> -> memref<10008x64xf32, #tpu.memory_space<vmem_shared>>
      tpu.wait_indirect_dma semaphore(%arg29 : memref<!tpu.dma_semaphore, #tpu.memory_space<semaphore_mem>>) src(%arg12 : memref<128x64xf32, #tpu.memory_space<vmem>>) dst(%dma_wait3A_732 : memref<10008x64xf32, #tpu.memory_space<vmem_shared>>)
      %add3A_733 = arith.constant 2 : i32
      %add3A_734 = arith.addi %add3A_708, %add3A_733 : i32
      %dma_start3A_735 = arith.constant 0 : i32
      %dma_start3A_736 = tpu.memref_slice %arg7[%add3A_734, %dma_start3A_735] : memref<80x128xi32, #tpu.memory_space<vmem>> -> memref<1x128xi32, #tpu.memory_space<vmem>>
      %dma_start3A_737 = tpu.memref_squeeze %dma_start3A_736 : memref<1x128xi32, #tpu.memory_space<vmem>> -> memref<128xi32, #tpu.memory_space<vmem>>
      %dma_start3A_738 = arith.constant 0 : i32
      %dma_start3A_739 = arith.constant 0 : i32
      %dma_start3A_740 = tpu.memref_slice %arg2[%arg0, %dma_start3A_738, %dma_start3A_739] : memref<2x10000x64xf32, #tpu.memory_space<hbm>> -> memref<1x10000x64xf32, #tpu.memory_space<hbm>>
      %dma_start3A_741 = tpu.memref_squeeze %dma_start3A_740 : memref<1x10000x64xf32, #tpu.memory_space<hbm>> -> memref<10000x64xf32, #tpu.memory_space<hbm>>
      %dma_start3A_742 = arith.constant 0 : i32
      %dma_start3A_743 = arith.constant 0 : i32
      %dma_start3A_744 = tpu.memref_slice %dma_start3A_741[%dma_start3A_742, %dma_start3A_743] : memref<10000x64xf32, #tpu.memory_space<hbm>> -> memref<10000x64xf32, #tpu.memory_space<hbm>>
      tpu.enqueue_indirect_dma source(%dma_start3A_744 : memref<10000x64xf32, #tpu.memory_space<hbm>>) target(%arg12 : memref<128x64xf32, #tpu.memory_space<vmem>>) offsets(%dma_start3A_737 : memref<128xi32, #tpu.memory_space<vmem>>) semaphore(%arg21 : memref<!tpu.dma_semaphore, #tpu.memory_space<semaphore_mem>>)
      %add3A_745 = arith.constant 4 : i32
      %add3A_746 = arith.addi %add3A_593, %add3A_745 : i32
      %dma_wait3A_747 = arith.constant 0 : i32
      %dma_wait3A_748 = tpu.memref_slice %arg7[%add3A_746, %dma_wait3A_747] : memref<80x128xi32, #tpu.memory_space<vmem>> -> memref<1x128xi32, #tpu.memory_space<vmem>>
      %dma_wait3A_749 = tpu.memref_squeeze %dma_wait3A_748 : memref<1x128xi32, #tpu.memory_space<vmem>> -> memref<128xi32, #tpu.memory_space<vmem>>
      %dma_wait3A_750 = arith.constant 0 : i32
      %dma_wait3A_751 = arith.constant 0 : i32
      %dma_wait3A_752 = tpu.memref_slice %arg2[%arg0, %dma_wait3A_750, %dma_wait3A_751] : memref<2x10000x64xf32, #tpu.memory_space<hbm>> -> memref<1x10000x64xf32, #tpu.memory_space<hbm>>
      %dma_wait3A_753 = tpu.memref_squeeze %dma_wait3A_752 : memref<1x10000x64xf32, #tpu.memory_space<hbm>> -> memref<10000x64xf32, #tpu.memory_space<hbm>>
      %dma_wait3A_754 = arith.constant 0 : i32
      %dma_wait3A_755 = arith.constant 0 : i32
      %dma_wait3A_756 = tpu.memref_slice %dma_wait3A_753[%dma_wait3A_754, %dma_wait3A_755] : memref<10000x64xf32, #tpu.memory_space<hbm>> -> memref<10000x64xf32, #tpu.memory_space<hbm>>
      tpu.wait_indirect_dma semaphore(%arg20 : memref<!tpu.dma_semaphore, #tpu.memory_space<semaphore_mem>>) src(%dma_wait3A_756 : memref<10000x64xf32, #tpu.memory_space<hbm>>) dst(%arg11 : memref<128x64xf32, #tpu.memory_space<vmem>>)
      %dma_start3A_757 = arith.constant 0 : i32
      %dma_start3A_758 = tpu.memref_slice %arg8[%add3A_746, %dma_start3A_757] : memref<80x128xi32, #tpu.memory_space<vmem>> -> memref<1x128xi32, #tpu.memory_space<vmem>>
      %dma_start3A_759 = tpu.memref_squeeze %dma_start3A_758 : memref<1x128xi32, #tpu.memory_space<vmem>> -> memref<128xi32, #tpu.memory_space<vmem>>
      %dma_start3A_760 = arith.constant 0 : i32
      %dma_start3A_761 = arith.constant 0 : i32
      %dma_start3A_762 = tpu.memref_slice %arg17[%dma_start3A_760, %dma_start3A_761] : memref<10008x64xf32, #tpu.memory_space<vmem_shared>> -> memref<10008x64xf32, #tpu.memory_space<vmem_shared>>
      tpu.enqueue_indirect_dma source(%arg11 : memref<128x64xf32, #tpu.memory_space<vmem>>) target(%dma_start3A_762 : memref<10008x64xf32, #tpu.memory_space<vmem_shared>>) offsets(%dma_start3A_759 : memref<128xi32, #tpu.memory_space<vmem>>) semaphore(%arg28 : memref<!tpu.dma_semaphore, #tpu.memory_space<semaphore_mem>>) {add = true}
      %sub3A_763 = arith.constant 6 : i32
      %sub3A_764 = arith.subi %add3A_746, %sub3A_763 : i32
      %dma_wait3A_765 = arith.constant 0 : i32
      %dma_wait3A_766 = tpu.memref_slice %arg8[%sub3A_764, %dma_wait3A_765] : memref<80x128xi32, #tpu.memory_space<vmem>> -> memref<1x128xi32, #tpu.memory_space<vmem>>
      %dma_wait3A_767 = tpu.memref_squeeze %dma_wait3A_766 : memref<1x128xi32, #tpu.memory_space<vmem>> -> memref<128xi32, #tpu.memory_space<vmem>>
      %dma_wait3A_768 = arith.constant 0 : i32
      %dma_wait3A_769 = arith.constant 0 : i32
      %dma_wait3A_770 = tpu.memref_slice %arg17[%dma_wait3A_768, %dma_wait3A_769] : memref<10008x64xf32, #tpu.memory_space<vmem_shared>> -> memref<10008x64xf32, #tpu.memory_space<vmem_shared>>
      tpu.wait_indirect_dma semaphore(%arg30 : memref<!tpu.dma_semaphore, #tpu.memory_space<semaphore_mem>>) src(%arg13 : memref<128x64xf32, #tpu.memory_space<vmem>>) dst(%dma_wait3A_770 : memref<10008x64xf32, #tpu.memory_space<vmem_shared>>)
      %add3A_771 = arith.constant 2 : i32
      %add3A_772 = arith.addi %add3A_746, %add3A_771 : i32
      %dma_start3A_773 = arith.constant 0 : i32
      %dma_start3A_774 = tpu.memref_slice %arg7[%add3A_772, %dma_start3A_773] : memref<80x128xi32, #tpu.memory_space<vmem>> -> memref<1x128xi32, #tpu.memory_space<vmem>>
      %dma_start3A_775 = tpu.memref_squeeze %dma_start3A_774 : memref<1x128xi32, #tpu.memory_space<vmem>> -> memref<128xi32, #tpu.memory_space<vmem>>
      %dma_start3A_776 = arith.constant 0 : i32
      %dma_start3A_777 = arith.constant 0 : i32
      %dma_start3A_778 = tpu.memref_slice %arg2[%arg0, %dma_start3A_776, %dma_start3A_777] : memref<2x10000x64xf32, #tpu.memory_space<hbm>> -> memref<1x10000x64xf32, #tpu.memory_space<hbm>>
      %dma_start3A_779 = tpu.memref_squeeze %dma_start3A_778 : memref<1x10000x64xf32, #tpu.memory_space<hbm>> -> memref<10000x64xf32, #tpu.memory_space<hbm>>
      %dma_start3A_780 = arith.constant 0 : i32
      %dma_start3A_781 = arith.constant 0 : i32
      %dma_start3A_782 = tpu.memref_slice %dma_start3A_779[%dma_start3A_780, %dma_start3A_781] : memref<10000x64xf32, #tpu.memory_space<hbm>> -> memref<10000x64xf32, #tpu.memory_space<hbm>>
      tpu.enqueue_indirect_dma source(%dma_start3A_782 : memref<10000x64xf32, #tpu.memory_space<hbm>>) target(%arg13 : memref<128x64xf32, #tpu.memory_space<vmem>>) offsets(%dma_start3A_775 : memref<128xi32, #tpu.memory_space<vmem>>) semaphore(%arg22 : memref<!tpu.dma_semaphore, #tpu.memory_space<semaphore_mem>>)
      %add3A_783 = arith.constant 5 : i32
      %add3A_784 = arith.addi %add3A_593, %add3A_783 : i32
      %dma_wait3A_785 = arith.constant 0 : i32
      %dma_wait3A_786 = tpu.memref_slice %arg7[%add3A_784, %dma_wait3A_785] : memref<80x128xi32, #tpu.memory_space<vmem>> -> memref<1x128xi32, #tpu.memory_space<vmem>>
      %dma_wait3A_787 = tpu.memref_squeeze %dma_wait3A_786 : memref<1x128xi32, #tpu.memory_space<vmem>> -> memref<128xi32, #tpu.memory_space<vmem>>
      %dma_wait3A_788 = arith.constant 0 : i32
      %dma_wait3A_789 = arith.constant 0 : i32
      %dma_wait3A_790 = tpu.memref_slice %arg2[%arg0, %dma_wait3A_788, %dma_wait3A_789] : memref<2x10000x64xf32, #tpu.memory_space<hbm>> -> memref<1x10000x64xf32, #tpu.memory_space<hbm>>
      %dma_wait3A_791 = tpu.memref_squeeze %dma_wait3A_790 : memref<1x10000x64xf32, #tpu.memory_space<hbm>> -> memref<10000x64xf32, #tpu.memory_space<hbm>>
      %dma_wait3A_792 = arith.constant 0 : i32
      %dma_wait3A_793 = arith.constant 0 : i32
      %dma_wait3A_794 = tpu.memref_slice %dma_wait3A_791[%dma_wait3A_792, %dma_wait3A_793] : memref<10000x64xf32, #tpu.memory_space<hbm>> -> memref<10000x64xf32, #tpu.memory_space<hbm>>
      tpu.wait_indirect_dma semaphore(%arg21 : memref<!tpu.dma_semaphore, #tpu.memory_space<semaphore_mem>>) src(%dma_wait3A_794 : memref<10000x64xf32, #tpu.memory_space<hbm>>) dst(%arg12 : memref<128x64xf32, #tpu.memory_space<vmem>>)
      %dma_start3A_795 = arith.constant 0 : i32
      %dma_start3A_796 = tpu.memref_slice %arg8[%add3A_784, %dma_start3A_795] : memref<80x128xi32, #tpu.memory_space<vmem>> -> memref<1x128xi32, #tpu.memory_space<vmem>>
      %dma_start3A_797 = tpu.memref_squeeze %dma_start3A_796 : memref<1x128xi32, #tpu.memory_space<vmem>> -> memref<128xi32, #tpu.memory_space<vmem>>
      %dma_start3A_798 = arith.constant 0 : i32
      %dma_start3A_799 = arith.constant 0 : i32
      %dma_start3A_800 = tpu.memref_slice %arg17[%dma_start3A_798, %dma_start3A_799] : memref<10008x64xf32, #tpu.memory_space<vmem_shared>> -> memref<10008x64xf32, #tpu.memory_space<vmem_shared>>
      tpu.enqueue_indirect_dma source(%arg12 : memref<128x64xf32, #tpu.memory_space<vmem>>) target(%dma_start3A_800 : memref<10008x64xf32, #tpu.memory_space<vmem_shared>>) offsets(%dma_start3A_797 : memref<128xi32, #tpu.memory_space<vmem>>) semaphore(%arg29 : memref<!tpu.dma_semaphore, #tpu.memory_space<semaphore_mem>>) {add = true}
      %sub3A_801 = arith.constant 6 : i32
      %sub3A_802 = arith.subi %add3A_784, %sub3A_801 : i32
      %dma_wait3A_803 = arith.constant 0 : i32
      %dma_wait3A_804 = tpu.memref_slice %arg8[%sub3A_802, %dma_wait3A_803] : memref<80x128xi32, #tpu.memory_space<vmem>> -> memref<1x128xi32, #tpu.memory_space<vmem>>
      %dma_wait3A_805 = tpu.memref_squeeze %dma_wait3A_804 : memref<1x128xi32, #tpu.memory_space<vmem>> -> memref<128xi32, #tpu.memory_space<vmem>>
      %dma_wait3A_806 = arith.constant 0 : i32
      %dma_wait3A_807 = arith.constant 0 : i32
      %dma_wait3A_808 = tpu.memref_slice %arg17[%dma_wait3A_806, %dma_wait3A_807] : memref<10008x64xf32, #tpu.memory_space<vmem_shared>> -> memref<10008x64xf32, #tpu.memory_space<vmem_shared>>
      tpu.wait_indirect_dma semaphore(%arg31 : memref<!tpu.dma_semaphore, #tpu.memory_space<semaphore_mem>>) src(%arg14 : memref<128x64xf32, #tpu.memory_space<vmem>>) dst(%dma_wait3A_808 : memref<10008x64xf32, #tpu.memory_space<vmem_shared>>)
      %add3A_809 = arith.constant 2 : i32
      %add3A_810 = arith.addi %add3A_784, %add3A_809 : i32
      %dma_start3A_811 = arith.constant 0 : i32
      %dma_start3A_812 = tpu.memref_slice %arg7[%add3A_810, %dma_start3A_811] : memref<80x128xi32, #tpu.memory_space<vmem>> -> memref<1x128xi32, #tpu.memory_space<vmem>>
      %dma_start3A_813 = tpu.memref_squeeze %dma_start3A_812 : memref<1x128xi32, #tpu.memory_space<vmem>> -> memref<128xi32, #tpu.memory_space<vmem>>
      %dma_start3A_814 = arith.constant 0 : i32
      %dma_start3A_815 = arith.constant 0 : i32
      %dma_start3A_816 = tpu.memref_slice %arg2[%arg0, %dma_start3A_814, %dma_start3A_815] : memref<2x10000x64xf32, #tpu.memory_space<hbm>> -> memref<1x10000x64xf32, #tpu.memory_space<hbm>>
      %dma_start3A_817 = tpu.memref_squeeze %dma_start3A_816 : memref<1x10000x64xf32, #tpu.memory_space<hbm>> -> memref<10000x64xf32, #tpu.memory_space<hbm>>
      %dma_start3A_818 = arith.constant 0 : i32
      %dma_start3A_819 = arith.constant 0 : i32
      %dma_start3A_820 = tpu.memref_slice %dma_start3A_817[%dma_start3A_818, %dma_start3A_819] : memref<10000x64xf32, #tpu.memory_space<hbm>> -> memref<10000x64xf32, #tpu.memory_space<hbm>>
      tpu.enqueue_indirect_dma source(%dma_start3A_820 : memref<10000x64xf32, #tpu.memory_space<hbm>>) target(%arg14 : memref<128x64xf32, #tpu.memory_space<vmem>>) offsets(%dma_start3A_813 : memref<128xi32, #tpu.memory_space<vmem>>) semaphore(%arg23 : memref<!tpu.dma_semaphore, #tpu.memory_space<semaphore_mem>>)
      %add3A_821 = arith.constant 6 : i32
      %add3A_822 = arith.addi %add3A_593, %add3A_821 : i32
      %dma_wait3A_823 = arith.constant 0 : i32
      %dma_wait3A_824 = tpu.memref_slice %arg7[%add3A_822, %dma_wait3A_823] : memref<80x128xi32, #tpu.memory_space<vmem>> -> memref<1x128xi32, #tpu.memory_space<vmem>>
      %dma_wait3A_825 = tpu.memref_squeeze %dma_wait3A_824 : memref<1x128xi32, #tpu.memory_space<vmem>> -> memref<128xi32, #tpu.memory_space<vmem>>
      %dma_wait3A_826 = arith.constant 0 : i32
      %dma_wait3A_827 = arith.constant 0 : i32
      %dma_wait3A_828 = tpu.memref_slice %arg2[%arg0, %dma_wait3A_826, %dma_wait3A_827] : memref<2x10000x64xf32, #tpu.memory_space<hbm>> -> memref<1x10000x64xf32, #tpu.memory_space<hbm>>
      %dma_wait3A_829 = tpu.memref_squeeze %dma_wait3A_828 : memref<1x10000x64xf32, #tpu.memory_space<hbm>> -> memref<10000x64xf32, #tpu.memory_space<hbm>>
      %dma_wait3A_830 = arith.constant 0 : i32
      %dma_wait3A_831 = arith.constant 0 : i32
      %dma_wait3A_832 = tpu.memref_slice %dma_wait3A_829[%dma_wait3A_830, %dma_wait3A_831] : memref<10000x64xf32, #tpu.memory_space<hbm>> -> memref<10000x64xf32, #tpu.memory_space<hbm>>
      tpu.wait_indirect_dma semaphore(%arg22 : memref<!tpu.dma_semaphore, #tpu.memory_space<semaphore_mem>>) src(%dma_wait3A_832 : memref<10000x64xf32, #tpu.memory_space<hbm>>) dst(%arg13 : memref<128x64xf32, #tpu.memory_space<vmem>>)
      %dma_start3A_833 = arith.constant 0 : i32
      %dma_start3A_834 = tpu.memref_slice %arg8[%add3A_822, %dma_start3A_833] : memref<80x128xi32, #tpu.memory_space<vmem>> -> memref<1x128xi32, #tpu.memory_space<vmem>>
      %dma_start3A_835 = tpu.memref_squeeze %dma_start3A_834 : memref<1x128xi32, #tpu.memory_space<vmem>> -> memref<128xi32, #tpu.memory_space<vmem>>
      %dma_start3A_836 = arith.constant 0 : i32
      %dma_start3A_837 = arith.constant 0 : i32
      %dma_start3A_838 = tpu.memref_slice %arg17[%dma_start3A_836, %dma_start3A_837] : memref<10008x64xf32, #tpu.memory_space<vmem_shared>> -> memref<10008x64xf32, #tpu.memory_space<vmem_shared>>
      tpu.enqueue_indirect_dma source(%arg13 : memref<128x64xf32, #tpu.memory_space<vmem>>) target(%dma_start3A_838 : memref<10008x64xf32, #tpu.memory_space<vmem_shared>>) offsets(%dma_start3A_835 : memref<128xi32, #tpu.memory_space<vmem>>) semaphore(%arg30 : memref<!tpu.dma_semaphore, #tpu.memory_space<semaphore_mem>>) {add = true}
      %sub3A_839 = arith.constant 6 : i32
      %sub3A_840 = arith.subi %add3A_822, %sub3A_839 : i32
      %dma_wait3A_841 = arith.constant 0 : i32
      %dma_wait3A_842 = tpu.memref_slice %arg8[%sub3A_840, %dma_wait3A_841] : memref<80x128xi32, #tpu.memory_space<vmem>> -> memref<1x128xi32, #tpu.memory_space<vmem>>
      %dma_wait3A_843 = tpu.memref_squeeze %dma_wait3A_842 : memref<1x128xi32, #tpu.memory_space<vmem>> -> memref<128xi32, #tpu.memory_space<vmem>>
      %dma_wait3A_844 = arith.constant 0 : i32
      %dma_wait3A_845 = arith.constant 0 : i32
      %dma_wait3A_846 = tpu.memref_slice %arg17[%dma_wait3A_844, %dma_wait3A_845] : memref<10008x64xf32, #tpu.memory_space<vmem_shared>> -> memref<10008x64xf32, #tpu.memory_space<vmem_shared>>
      tpu.wait_indirect_dma semaphore(%arg32 : memref<!tpu.dma_semaphore, #tpu.memory_space<semaphore_mem>>) src(%arg15 : memref<128x64xf32, #tpu.memory_space<vmem>>) dst(%dma_wait3A_846 : memref<10008x64xf32, #tpu.memory_space<vmem_shared>>)
      %add3A_847 = arith.constant 2 : i32
      %add3A_848 = arith.addi %add3A_822, %add3A_847 : i32
      %dma_start3A_849 = arith.constant 0 : i32
      %dma_start3A_850 = tpu.memref_slice %arg7[%add3A_848, %dma_start3A_849] : memref<80x128xi32, #tpu.memory_space<vmem>> -> memref<1x128xi32, #tpu.memory_space<vmem>>
      %dma_start3A_851 = tpu.memref_squeeze %dma_start3A_850 : memref<1x128xi32, #tpu.memory_space<vmem>> -> memref<128xi32, #tpu.memory_space<vmem>>
      %dma_start3A_852 = arith.constant 0 : i32
      %dma_start3A_853 = arith.constant 0 : i32
      %dma_start3A_854 = tpu.memref_slice %arg2[%arg0, %dma_start3A_852, %dma_start3A_853] : memref<2x10000x64xf32, #tpu.memory_space<hbm>> -> memref<1x10000x64xf32, #tpu.memory_space<hbm>>
      %dma_start3A_855 = tpu.memref_squeeze %dma_start3A_854 : memref<1x10000x64xf32, #tpu.memory_space<hbm>> -> memref<10000x64xf32, #tpu.memory_space<hbm>>
      %dma_start3A_856 = arith.constant 0 : i32
      %dma_start3A_857 = arith.constant 0 : i32
      %dma_start3A_858 = tpu.memref_slice %dma_start3A_855[%dma_start3A_856, %dma_start3A_857] : memref<10000x64xf32, #tpu.memory_space<hbm>> -> memref<10000x64xf32, #tpu.memory_space<hbm>>
      tpu.enqueue_indirect_dma source(%dma_start3A_858 : memref<10000x64xf32, #tpu.memory_space<hbm>>) target(%arg15 : memref<128x64xf32, #tpu.memory_space<vmem>>) offsets(%dma_start3A_851 : memref<128xi32, #tpu.memory_space<vmem>>) semaphore(%arg24 : memref<!tpu.dma_semaphore, #tpu.memory_space<semaphore_mem>>)
      %add3A_859 = arith.constant 7 : i32
      %add3A_860 = arith.addi %add3A_593, %add3A_859 : i32
      %dma_wait3A_861 = arith.constant 0 : i32
      %dma_wait3A_862 = tpu.memref_slice %arg7[%add3A_860, %dma_wait3A_861] : memref<80x128xi32, #tpu.memory_space<vmem>> -> memref<1x128xi32, #tpu.memory_space<vmem>>
      %dma_wait3A_863 = tpu.memref_squeeze %dma_wait3A_862 : memref<1x128xi32, #tpu.memory_space<vmem>> -> memref<128xi32, #tpu.memory_space<vmem>>
      %dma_wait3A_864 = arith.constant 0 : i32
      %dma_wait3A_865 = arith.constant 0 : i32
      %dma_wait3A_866 = tpu.memref_slice %arg2[%arg0, %dma_wait3A_864, %dma_wait3A_865] : memref<2x10000x64xf32, #tpu.memory_space<hbm>> -> memref<1x10000x64xf32, #tpu.memory_space<hbm>>
      %dma_wait3A_867 = tpu.memref_squeeze %dma_wait3A_866 : memref<1x10000x64xf32, #tpu.memory_space<hbm>> -> memref<10000x64xf32, #tpu.memory_space<hbm>>
      %dma_wait3A_868 = arith.constant 0 : i32
      %dma_wait3A_869 = arith.constant 0 : i32
      %dma_wait3A_870 = tpu.memref_slice %dma_wait3A_867[%dma_wait3A_868, %dma_wait3A_869] : memref<10000x64xf32, #tpu.memory_space<hbm>> -> memref<10000x64xf32, #tpu.memory_space<hbm>>
      tpu.wait_indirect_dma semaphore(%arg23 : memref<!tpu.dma_semaphore, #tpu.memory_space<semaphore_mem>>) src(%dma_wait3A_870 : memref<10000x64xf32, #tpu.memory_space<hbm>>) dst(%arg14 : memref<128x64xf32, #tpu.memory_space<vmem>>)
      %dma_start3A_871 = arith.constant 0 : i32
      %dma_start3A_872 = tpu.memref_slice %arg8[%add3A_860, %dma_start3A_871] : memref<80x128xi32, #tpu.memory_space<vmem>> -> memref<1x128xi32, #tpu.memory_space<vmem>>
      %dma_start3A_873 = tpu.memref_squeeze %dma_start3A_872 : memref<1x128xi32, #tpu.memory_space<vmem>> -> memref<128xi32, #tpu.memory_space<vmem>>
      %dma_start3A_874 = arith.constant 0 : i32
      %dma_start3A_875 = arith.constant 0 : i32
      %dma_start3A_876 = tpu.memref_slice %arg17[%dma_start3A_874, %dma_start3A_875] : memref<10008x64xf32, #tpu.memory_space<vmem_shared>> -> memref<10008x64xf32, #tpu.memory_space<vmem_shared>>
      tpu.enqueue_indirect_dma source(%arg14 : memref<128x64xf32, #tpu.memory_space<vmem>>) target(%dma_start3A_876 : memref<10008x64xf32, #tpu.memory_space<vmem_shared>>) offsets(%dma_start3A_873 : memref<128xi32, #tpu.memory_space<vmem>>) semaphore(%arg31 : memref<!tpu.dma_semaphore, #tpu.memory_space<semaphore_mem>>) {add = true}
      %sub3A_877 = arith.constant 6 : i32
      %sub3A_878 = arith.subi %add3A_860, %sub3A_877 : i32
      %dma_wait3A_879 = arith.constant 0 : i32
      %dma_wait3A_880 = tpu.memref_slice %arg8[%sub3A_878, %dma_wait3A_879] : memref<80x128xi32, #tpu.memory_space<vmem>> -> memref<1x128xi32, #tpu.memory_space<vmem>>
      %dma_wait3A_881 = tpu.memref_squeeze %dma_wait3A_880 : memref<1x128xi32, #tpu.memory_space<vmem>> -> memref<128xi32, #tpu.memory_space<vmem>>
      %dma_wait3A_882 = arith.constant 0 : i32
      %dma_wait3A_883 = arith.constant 0 : i32
      %dma_wait3A_884 = tpu.memref_slice %arg17[%dma_wait3A_882, %dma_wait3A_883] : memref<10008x64xf32, #tpu.memory_space<vmem_shared>> -> memref<10008x64xf32, #tpu.memory_space<vmem_shared>>
      tpu.wait_indirect_dma semaphore(%arg33 : memref<!tpu.dma_semaphore, #tpu.memory_space<semaphore_mem>>) src(%arg16 : memref<128x64xf32, #tpu.memory_space<vmem>>) dst(%dma_wait3A_884 : memref<10008x64xf32, #tpu.memory_space<vmem_shared>>)
      %add3A_885 = arith.constant 2 : i32
      %add3A_886 = arith.addi %add3A_860, %add3A_885 : i32
      %dma_start3A_887 = arith.constant 0 : i32
      %dma_start3A_888 = tpu.memref_slice %arg7[%add3A_886, %dma_start3A_887] : memref<80x128xi32, #tpu.memory_space<vmem>> -> memref<1x128xi32, #tpu.memory_space<vmem>>
      %dma_start3A_889 = tpu.memref_squeeze %dma_start3A_888 : memref<1x128xi32, #tpu.memory_space<vmem>> -> memref<128xi32, #tpu.memory_space<vmem>>
      %dma_start3A_890 = arith.constant 0 : i32
      %dma_start3A_891 = arith.constant 0 : i32
      %dma_start3A_892 = tpu.memref_slice %arg2[%arg0, %dma_start3A_890, %dma_start3A_891] : memref<2x10000x64xf32, #tpu.memory_space<hbm>> -> memref<1x10000x64xf32, #tpu.memory_space<hbm>>
      %dma_start3A_893 = tpu.memref_squeeze %dma_start3A_892 : memref<1x10000x64xf32, #tpu.memory_space<hbm>> -> memref<10000x64xf32, #tpu.memory_space<hbm>>
      %dma_start3A_894 = arith.constant 0 : i32
      %dma_start3A_895 = arith.constant 0 : i32
      %dma_start3A_896 = tpu.memref_slice %dma_start3A_893[%dma_start3A_894, %dma_start3A_895] : memref<10000x64xf32, #tpu.memory_space<hbm>> -> memref<10000x64xf32, #tpu.memory_space<hbm>>
      tpu.enqueue_indirect_dma source(%dma_start3A_896 : memref<10000x64xf32, #tpu.memory_space<hbm>>) target(%arg16 : memref<128x64xf32, #tpu.memory_space<vmem>>) offsets(%dma_start3A_889 : memref<128xi32, #tpu.memory_space<vmem>>) semaphore(%arg25 : memref<!tpu.dma_semaphore, #tpu.memory_space<semaphore_mem>>)
    }
    %scan3A_199 = arith.constant 9 : i32
    %dma_wait3A_200 = arith.constant 78 : i32
    %dma_wait3A_201 = arith.constant 0 : i32
    %dma_wait3A_202 = tpu.memref_slice %arg7[%dma_wait3A_200, %dma_wait3A_201] : memref<80x128xi32, #tpu.memory_space<vmem>> -> memref<1x128xi32, #tpu.memory_space<vmem>>
    %dma_wait3A_203 = tpu.memref_squeeze %dma_wait3A_202 : memref<1x128xi32, #tpu.memory_space<vmem>> -> memref<128xi32, #tpu.memory_space<vmem>>
    %dma_wait3A_204 = arith.constant 0 : i32
    %dma_wait3A_205 = arith.constant 0 : i32
    %dma_wait3A_206 = tpu.memref_slice %arg2[%arg0, %dma_wait3A_204, %dma_wait3A_205] : memref<2x10000x64xf32, #tpu.memory_space<hbm>> -> memref<1x10000x64xf32, #tpu.memory_space<hbm>>
    %dma_wait3A_207 = tpu.memref_squeeze %dma_wait3A_206 : memref<1x10000x64xf32, #tpu.memory_space<hbm>> -> memref<10000x64xf32, #tpu.memory_space<hbm>>
    %dma_wait3A_208 = arith.constant 0 : i32
    %dma_wait3A_209 = arith.constant 0 : i32
    %dma_wait3A_210 = tpu.memref_slice %dma_wait3A_207[%dma_wait3A_208, %dma_wait3A_209] : memref<10000x64xf32, #tpu.memory_space<hbm>> -> memref<10000x64xf32, #tpu.memory_space<hbm>>
    tpu.wait_indirect_dma semaphore(%arg24 : memref<!tpu.dma_semaphore, #tpu.memory_space<semaphore_mem>>) src(%dma_wait3A_210 : memref<10000x64xf32, #tpu.memory_space<hbm>>) dst(%arg15 : memref<128x64xf32, #tpu.memory_space<vmem>>)
    %dma_start3A_211 = arith.constant 78 : i32
    %dma_start3A_212 = arith.constant 0 : i32
    %dma_start3A_213 = tpu.memref_slice %arg8[%dma_start3A_211, %dma_start3A_212] : memref<80x128xi32, #tpu.memory_space<vmem>> -> memref<1x128xi32, #tpu.memory_space<vmem>>
    %dma_start3A_214 = tpu.memref_squeeze %dma_start3A_213 : memref<1x128xi32, #tpu.memory_space<vmem>> -> memref<128xi32, #tpu.memory_space<vmem>>
    %dma_start3A_215 = arith.constant 0 : i32
    %dma_start3A_216 = arith.constant 0 : i32
    %dma_start3A_217 = tpu.memref_slice %arg17[%dma_start3A_215, %dma_start3A_216] : memref<10008x64xf32, #tpu.memory_space<vmem_shared>> -> memref<10008x64xf32, #tpu.memory_space<vmem_shared>>
    tpu.enqueue_indirect_dma source(%arg15 : memref<128x64xf32, #tpu.memory_space<vmem>>) target(%dma_start3A_217 : memref<10008x64xf32, #tpu.memory_space<vmem_shared>>) offsets(%dma_start3A_214 : memref<128xi32, #tpu.memory_space<vmem>>) semaphore(%arg32 : memref<!tpu.dma_semaphore, #tpu.memory_space<semaphore_mem>>) {add = true}
    %dma_wait3A_218 = arith.constant 79 : i32
    %dma_wait3A_219 = arith.constant 0 : i32
    %dma_wait3A_220 = tpu.memref_slice %arg7[%dma_wait3A_218, %dma_wait3A_219] : memref<80x128xi32, #tpu.memory_space<vmem>> -> memref<1x128xi32, #tpu.memory_space<vmem>>
    %dma_wait3A_221 = tpu.memref_squeeze %dma_wait3A_220 : memref<1x128xi32, #tpu.memory_space<vmem>> -> memref<128xi32, #tpu.memory_space<vmem>>
    %dma_wait3A_222 = arith.constant 0 : i32
    %dma_wait3A_223 = arith.constant 0 : i32
    %dma_wait3A_224 = tpu.memref_slice %arg2[%arg0, %dma_wait3A_222, %dma_wait3A_223] : memref<2x10000x64xf32, #tpu.memory_space<hbm>> -> memref<1x10000x64xf32, #tpu.memory_space<hbm>>
    %dma_wait3A_225 = tpu.memref_squeeze %dma_wait3A_224 : memref<1x10000x64xf32, #tpu.memory_space<hbm>> -> memref<10000x64xf32, #tpu.memory_space<hbm>>
    %dma_wait3A_226 = arith.constant 0 : i32
    %dma_wait3A_227 = arith.constant 0 : i32
    %dma_wait3A_228 = tpu.memref_slice %dma_wait3A_225[%dma_wait3A_226, %dma_wait3A_227] : memref<10000x64xf32, #tpu.memory_space<hbm>> -> memref<10000x64xf32, #tpu.memory_space<hbm>>
    tpu.wait_indirect_dma semaphore(%arg25 : memref<!tpu.dma_semaphore, #tpu.memory_space<semaphore_mem>>) src(%dma_wait3A_228 : memref<10000x64xf32, #tpu.memory_space<hbm>>) dst(%arg16 : memref<128x64xf32, #tpu.memory_space<vmem>>)
    %dma_start3A_229 = arith.constant 79 : i32
    %dma_start3A_230 = arith.constant 0 : i32
    %dma_start3A_231 = tpu.memref_slice %arg8[%dma_start3A_229, %dma_start3A_230] : memref<80x128xi32, #tpu.memory_space<vmem>> -> memref<1x128xi32, #tpu.memory_space<vmem>>
    %dma_start3A_232 = tpu.memref_squeeze %dma_start3A_231 : memref<1x128xi32, #tpu.memory_space<vmem>> -> memref<128xi32, #tpu.memory_space<vmem>>
    %dma_start3A_233 = arith.constant 0 : i32
    %dma_start3A_234 = arith.constant 0 : i32
    %dma_start3A_235 = tpu.memref_slice %arg17[%dma_start3A_233, %dma_start3A_234] : memref<10008x64xf32, #tpu.memory_space<vmem_shared>> -> memref<10008x64xf32, #tpu.memory_space<vmem_shared>>
    tpu.enqueue_indirect_dma source(%arg16 : memref<128x64xf32, #tpu.memory_space<vmem>>) target(%dma_start3A_235 : memref<10008x64xf32, #tpu.memory_space<vmem_shared>>) offsets(%dma_start3A_232 : memref<128xi32, #tpu.memory_space<vmem>>) semaphore(%arg33 : memref<!tpu.dma_semaphore, #tpu.memory_space<semaphore_mem>>) {add = true}
    %dma_wait3A_236 = arith.constant 72 : i32
    %dma_wait3A_237 = arith.constant 0 : i32
    %dma_wait3A_238 = tpu.memref_slice %arg8[%dma_wait3A_236, %dma_wait3A_237] : memref<80x128xi32, #tpu.memory_space<vmem>> -> memref<1x128xi32, #tpu.memory_space<vmem>>
    %dma_wait3A_239 = tpu.memref_squeeze %dma_wait3A_238 : memref<1x128xi32, #tpu.memory_space<vmem>> -> memref<128xi32, #tpu.memory_space<vmem>>
    %dma_wait3A_240 = arith.constant 0 : i32
    %dma_wait3A_241 = arith.constant 0 : i32
    %dma_wait3A_242 = tpu.memref_slice %arg17[%dma_wait3A_240, %dma_wait3A_241] : memref<10008x64xf32, #tpu.memory_space<vmem_shared>> -> memref<10008x64xf32, #tpu.memory_space<vmem_shared>>
    tpu.wait_indirect_dma semaphore(%arg26 : memref<!tpu.dma_semaphore, #tpu.memory_space<semaphore_mem>>) src(%arg9 : memref<128x64xf32, #tpu.memory_space<vmem>>) dst(%dma_wait3A_242 : memref<10008x64xf32, #tpu.memory_space<vmem_shared>>)
    %dma_wait3A_243 = arith.constant 73 : i32
    %dma_wait3A_244 = arith.constant 0 : i32
    %dma_wait3A_245 = tpu.memref_slice %arg8[%dma_wait3A_243, %dma_wait3A_244] : memref<80x128xi32, #tpu.memory_space<vmem>> -> memref<1x128xi32, #tpu.memory_space<vmem>>
    %dma_wait3A_246 = tpu.memref_squeeze %dma_wait3A_245 : memref<1x128xi32, #tpu.memory_space<vmem>> -> memref<128xi32, #tpu.memory_space<vmem>>
    %dma_wait3A_247 = arith.constant 0 : i32
    %dma_wait3A_248 = arith.constant 0 : i32
    %dma_wait3A_249 = tpu.memref_slice %arg17[%dma_wait3A_247, %dma_wait3A_248] : memref<10008x64xf32, #tpu.memory_space<vmem_shared>> -> memref<10008x64xf32, #tpu.memory_space<vmem_shared>>
    tpu.wait_indirect_dma semaphore(%arg27 : memref<!tpu.dma_semaphore, #tpu.memory_space<semaphore_mem>>) src(%arg10 : memref<128x64xf32, #tpu.memory_space<vmem>>) dst(%dma_wait3A_249 : memref<10008x64xf32, #tpu.memory_space<vmem_shared>>)
    %dma_wait3A_250 = arith.constant 74 : i32
    %dma_wait3A_251 = arith.constant 0 : i32
    %dma_wait3A_252 = tpu.memref_slice %arg8[%dma_wait3A_250, %dma_wait3A_251] : memref<80x128xi32, #tpu.memory_space<vmem>> -> memref<1x128xi32, #tpu.memory_space<vmem>>
    %dma_wait3A_253 = tpu.memref_squeeze %dma_wait3A_252 : memref<1x128xi32, #tpu.memory_space<vmem>> -> memref<128xi32, #tpu.memory_space<vmem>>
    %dma_wait3A_254 = arith.constant 0 : i32
    %dma_wait3A_255 = arith.constant 0 : i32
    %dma_wait3A_256 = tpu.memref_slice %arg17[%dma_wait3A_254, %dma_wait3A_255] : memref<10008x64xf32, #tpu.memory_space<vmem_shared>> -> memref<10008x64xf32, #tpu.memory_space<vmem_shared>>
    tpu.wait_indirect_dma semaphore(%arg28 : memref<!tpu.dma_semaphore, #tpu.memory_space<semaphore_mem>>) src(%arg11 : memref<128x64xf32, #tpu.memory_space<vmem>>) dst(%dma_wait3A_256 : memref<10008x64xf32, #tpu.memory_space<vmem_shared>>)
    %dma_wait3A_257 = arith.constant 75 : i32
    %dma_wait3A_258 = arith.constant 0 : i32
    %dma_wait3A_259 = tpu.memref_slice %arg8[%dma_wait3A_257, %dma_wait3A_258] : memref<80x128xi32, #tpu.memory_space<vmem>> -> memref<1x128xi32, #tpu.memory_space<vmem>>
    %dma_wait3A_260 = tpu.memref_squeeze %dma_wait3A_259 : memref<1x128xi32, #tpu.memory_space<vmem>> -> memref<128xi32, #tpu.memory_space<vmem>>
    %dma_wait3A_261 = arith.constant 0 : i32
    %dma_wait3A_262 = arith.constant 0 : i32
    %dma_wait3A_263 = tpu.memref_slice %arg17[%dma_wait3A_261, %dma_wait3A_262] : memref<10008x64xf32, #tpu.memory_space<vmem_shared>> -> memref<10008x64xf32, #tpu.memory_space<vmem_shared>>
    tpu.wait_indirect_dma semaphore(%arg29 : memref<!tpu.dma_semaphore, #tpu.memory_space<semaphore_mem>>) src(%arg12 : memref<128x64xf32, #tpu.memory_space<vmem>>) dst(%dma_wait3A_263 : memref<10008x64xf32, #tpu.memory_space<vmem_shared>>)
    %dma_wait3A_264 = arith.constant 76 : i32
    %dma_wait3A_265 = arith.constant 0 : i32
    %dma_wait3A_266 = tpu.memref_slice %arg8[%dma_wait3A_264, %dma_wait3A_265] : memref<80x128xi32, #tpu.memory_space<vmem>> -> memref<1x128xi32, #tpu.memory_space<vmem>>
    %dma_wait3A_267 = tpu.memref_squeeze %dma_wait3A_266 : memref<1x128xi32, #tpu.memory_space<vmem>> -> memref<128xi32, #tpu.memory_space<vmem>>
    %dma_wait3A_268 = arith.constant 0 : i32
    %dma_wait3A_269 = arith.constant 0 : i32
    %dma_wait3A_270 = tpu.memref_slice %arg17[%dma_wait3A_268, %dma_wait3A_269] : memref<10008x64xf32, #tpu.memory_space<vmem_shared>> -> memref<10008x64xf32, #tpu.memory_space<vmem_shared>>
    tpu.wait_indirect_dma semaphore(%arg30 : memref<!tpu.dma_semaphore, #tpu.memory_space<semaphore_mem>>) src(%arg13 : memref<128x64xf32, #tpu.memory_space<vmem>>) dst(%dma_wait3A_270 : memref<10008x64xf32, #tpu.memory_space<vmem_shared>>)
    %dma_wait3A_271 = arith.constant 77 : i32
    %dma_wait3A_272 = arith.constant 0 : i32
    %dma_wait3A_273 = tpu.memref_slice %arg8[%dma_wait3A_271, %dma_wait3A_272] : memref<80x128xi32, #tpu.memory_space<vmem>> -> memref<1x128xi32, #tpu.memory_space<vmem>>
    %dma_wait3A_274 = tpu.memref_squeeze %dma_wait3A_273 : memref<1x128xi32, #tpu.memory_space<vmem>> -> memref<128xi32, #tpu.memory_space<vmem>>
    %dma_wait3A_275 = arith.constant 0 : i32
    %dma_wait3A_276 = arith.constant 0 : i32
    %dma_wait3A_277 = tpu.memref_slice %arg17[%dma_wait3A_275, %dma_wait3A_276] : memref<10008x64xf32, #tpu.memory_space<vmem_shared>> -> memref<10008x64xf32, #tpu.memory_space<vmem_shared>>
    tpu.wait_indirect_dma semaphore(%arg31 : memref<!tpu.dma_semaphore, #tpu.memory_space<semaphore_mem>>) src(%arg14 : memref<128x64xf32, #tpu.memory_space<vmem>>) dst(%dma_wait3A_277 : memref<10008x64xf32, #tpu.memory_space<vmem_shared>>)
    %dma_wait3A_278 = arith.constant 78 : i32
    %dma_wait3A_279 = arith.constant 0 : i32
    %dma_wait3A_280 = tpu.memref_slice %arg8[%dma_wait3A_278, %dma_wait3A_279] : memref<80x128xi32, #tpu.memory_space<vmem>> -> memref<1x128xi32, #tpu.memory_space<vmem>>
    %dma_wait3A_281 = tpu.memref_squeeze %dma_wait3A_280 : memref<1x128xi32, #tpu.memory_space<vmem>> -> memref<128xi32, #tpu.memory_space<vmem>>
    %dma_wait3A_282 = arith.constant 0 : i32
    %dma_wait3A_283 = arith.constant 0 : i32
    %dma_wait3A_284 = tpu.memref_slice %arg17[%dma_wait3A_282, %dma_wait3A_283] : memref<10008x64xf32, #tpu.memory_space<vmem_shared>> -> memref<10008x64xf32, #tpu.memory_space<vmem_shared>>
    tpu.wait_indirect_dma semaphore(%arg32 : memref<!tpu.dma_semaphore, #tpu.memory_space<semaphore_mem>>) src(%arg15 : memref<128x64xf32, #tpu.memory_space<vmem>>) dst(%dma_wait3A_284 : memref<10008x64xf32, #tpu.memory_space<vmem_shared>>)
    %dma_wait3A_285 = arith.constant 79 : i32
    %dma_wait3A_286 = arith.constant 0 : i32
    %dma_wait3A_287 = tpu.memref_slice %arg8[%dma_wait3A_285, %dma_wait3A_286] : memref<80x128xi32, #tpu.memory_space<vmem>> -> memref<1x128xi32, #tpu.memory_space<vmem>>
    %dma_wait3A_288 = tpu.memref_squeeze %dma_wait3A_287 : memref<1x128xi32, #tpu.memory_space<vmem>> -> memref<128xi32, #tpu.memory_space<vmem>>
    %dma_wait3A_289 = arith.constant 0 : i32
    %dma_wait3A_290 = arith.constant 0 : i32
    %dma_wait3A_291 = tpu.memref_slice %arg17[%dma_wait3A_289, %dma_wait3A_290] : memref<10008x64xf32, #tpu.memory_space<vmem_shared>> -> memref<10008x64xf32, #tpu.memory_space<vmem_shared>>
    tpu.wait_indirect_dma semaphore(%arg33 : memref<!tpu.dma_semaphore, #tpu.memory_space<semaphore_mem>>) src(%arg16 : memref<128x64xf32, #tpu.memory_space<vmem>>) dst(%dma_wait3A_291 : memref<10008x64xf32, #tpu.memory_space<vmem_shared>>)
    "tpu.region"() ({
      %run_scoped3A = tpu.sem_alloc : memref<!tpu.dma_semaphore, #tpu.memory_space<semaphore_mem>>
      %dma_start3A_586 = arith.constant 80 : i32
      %dma_start3A_587 = arith.constant 0 : i32
      %dma_start3A_588 = tpu.memref_slice %arg3[%arg1, %dma_start3A_586, %dma_start3A_587] : memref<16x160x128xi32, #tpu.memory_space<hbm>> -> memref<1x80x128xi32, #tpu.memory_space<hbm>>
      %dma_start3A_589 = tpu.memref_squeeze %dma_start3A_588 : memref<1x80x128xi32, #tpu.memory_space<hbm>> -> memref<80x128xi32, #tpu.memory_space<hbm>>
      %dma_start3A_590 = arith.constant 80 : i32
      %dma_start3A_591 = arith.constant 0 : i32
      %dma_start3A_592 = tpu.memref_slice %arg3[%arg1, %dma_start3A_590, %dma_start3A_591] : memref<16x160x128xi32, #tpu.memory_space<hbm>> -> memref<1x80x128xi32, #tpu.memory_space<hbm>>
      %dma_start3A_593 = tpu.memref_squeeze %dma_start3A_592 : memref<1x80x128xi32, #tpu.memory_space<hbm>> -> memref<80x128xi32, #tpu.memory_space<hbm>>
      tpu.enqueue_dma source(%dma_start3A_593 : memref<80x128xi32, #tpu.memory_space<hbm>>) target(%arg7 : memref<80x128xi32, #tpu.memory_space<vmem>>) target_semaphore(%run_scoped3A : memref<!tpu.dma_semaphore, #tpu.memory_space<semaphore_mem>>)
      %dma_wait3A_594 = arith.constant 80 : i32
      %dma_wait3A_595 = arith.constant 0 : i32
      %dma_wait3A_596 = tpu.memref_slice %arg3[%arg1, %dma_wait3A_594, %dma_wait3A_595] : memref<16x160x128xi32, #tpu.memory_space<hbm>> -> memref<1x80x128xi32, #tpu.memory_space<hbm>>
      %dma_wait3A_597 = tpu.memref_squeeze %dma_wait3A_596 : memref<1x80x128xi32, #tpu.memory_space<hbm>> -> memref<80x128xi32, #tpu.memory_space<hbm>>
      %dma_wait3A_598 = arith.constant 80 : i32
      %dma_wait3A_599 = arith.constant 0 : i32
      %dma_wait3A_600 = tpu.memref_slice %arg3[%arg1, %dma_wait3A_598, %dma_wait3A_599] : memref<16x160x128xi32, #tpu.memory_space<hbm>> -> memref<1x80x128xi32, #tpu.memory_space<hbm>>
      %dma_wait3A_601 = tpu.memref_squeeze %dma_wait3A_600 : memref<1x80x128xi32, #tpu.memory_space<hbm>> -> memref<80x128xi32, #tpu.memory_space<hbm>>
      tpu.wait_dma2 semaphore(%run_scoped3A : memref<!tpu.dma_semaphore, #tpu.memory_space<semaphore_mem>>) src(%dma_wait3A_601 : memref<80x128xi32, #tpu.memory_space<hbm>>) dst(%arg7 : memref<80x128xi32, #tpu.memory_space<vmem>>)
      tpu.yield
    }) : () -> ()
    "tpu.region"() ({
      %run_scoped3A = tpu.sem_alloc : memref<!tpu.dma_semaphore, #tpu.memory_space<semaphore_mem>>
      %dma_start3A_586 = arith.constant 80 : i32
      %dma_start3A_587 = arith.constant 0 : i32
      %dma_start3A_588 = tpu.memref_slice %arg4[%arg1, %dma_start3A_586, %dma_start3A_587] : memref<16x160x128xi32, #tpu.memory_space<hbm>> -> memref<1x80x128xi32, #tpu.memory_space<hbm>>
      %dma_start3A_589 = tpu.memref_squeeze %dma_start3A_588 : memref<1x80x128xi32, #tpu.memory_space<hbm>> -> memref<80x128xi32, #tpu.memory_space<hbm>>
      %dma_start3A_590 = arith.constant 80 : i32
      %dma_start3A_591 = arith.constant 0 : i32
      %dma_start3A_592 = tpu.memref_slice %arg4[%arg1, %dma_start3A_590, %dma_start3A_591] : memref<16x160x128xi32, #tpu.memory_space<hbm>> -> memref<1x80x128xi32, #tpu.memory_space<hbm>>
      %dma_start3A_593 = tpu.memref_squeeze %dma_start3A_592 : memref<1x80x128xi32, #tpu.memory_space<hbm>> -> memref<80x128xi32, #tpu.memory_space<hbm>>
      tpu.enqueue_dma source(%dma_start3A_593 : memref<80x128xi32, #tpu.memory_space<hbm>>) target(%arg8 : memref<80x128xi32, #tpu.memory_space<vmem>>) target_semaphore(%run_scoped3A : memref<!tpu.dma_semaphore, #tpu.memory_space<semaphore_mem>>)
      %dma_wait3A_594 = arith.constant 80 : i32
      %dma_wait3A_595 = arith.constant 0 : i32
      %dma_wait3A_596 = tpu.memref_slice %arg4[%arg1, %dma_wait3A_594, %dma_wait3A_595] : memref<16x160x128xi32, #tpu.memory_space<hbm>> -> memref<1x80x128xi32, #tpu.memory_space<hbm>>
      %dma_wait3A_597 = tpu.memref_squeeze %dma_wait3A_596 : memref<1x80x128xi32, #tpu.memory_space<hbm>> -> memref<80x128xi32, #tpu.memory_space<hbm>>
      %dma_wait3A_598 = arith.constant 80 : i32
      %dma_wait3A_599 = arith.constant 0 : i32
      %dma_wait3A_600 = tpu.memref_slice %arg4[%arg1, %dma_wait3A_598, %dma_wait3A_599] : memref<16x160x128xi32, #tpu.memory_space<hbm>> -> memref<1x80x128xi32, #tpu.memory_space<hbm>>
      %dma_wait3A_601 = tpu.memref_squeeze %dma_wait3A_600 : memref<1x80x128xi32, #tpu.memory_space<hbm>> -> memref<80x128xi32, #tpu.memory_space<hbm>>
      tpu.wait_dma2 semaphore(%run_scoped3A : memref<!tpu.dma_semaphore, #tpu.memory_space<semaphore_mem>>) src(%dma_wait3A_601 : memref<80x128xi32, #tpu.memory_space<hbm>>) dst(%arg8 : memref<80x128xi32, #tpu.memory_space<vmem>>)
      tpu.yield
    }) : () -> ()
    %dma_start3A_292 = arith.constant 0 : i32
    %dma_start3A_293 = arith.constant 0 : i32
    %dma_start3A_294 = tpu.memref_slice %arg7[%dma_start3A_292, %dma_start3A_293] : memref<80x128xi32, #tpu.memory_space<vmem>> -> memref<1x128xi32, #tpu.memory_space<vmem>>
    %dma_start3A_295 = tpu.memref_squeeze %dma_start3A_294 : memref<1x128xi32, #tpu.memory_space<vmem>> -> memref<128xi32, #tpu.memory_space<vmem>>
    %dma_start3A_296 = arith.constant 0 : i32
    %dma_start3A_297 = arith.constant 0 : i32
    %dma_start3A_298 = tpu.memref_slice %arg2[%arg0, %dma_start3A_296, %dma_start3A_297] : memref<2x10000x64xf32, #tpu.memory_space<hbm>> -> memref<1x10000x64xf32, #tpu.memory_space<hbm>>
    %dma_start3A_299 = tpu.memref_squeeze %dma_start3A_298 : memref<1x10000x64xf32, #tpu.memory_space<hbm>> -> memref<10000x64xf32, #tpu.memory_space<hbm>>
    %dma_start3A_300 = arith.constant 0 : i32
    %dma_start3A_301 = arith.constant 0 : i32
    %dma_start3A_302 = tpu.memref_slice %dma_start3A_299[%dma_start3A_300, %dma_start3A_301] : memref<10000x64xf32, #tpu.memory_space<hbm>> -> memref<10000x64xf32, #tpu.memory_space<hbm>>
    tpu.enqueue_indirect_dma source(%dma_start3A_302 : memref<10000x64xf32, #tpu.memory_space<hbm>>) target(%arg9 : memref<128x64xf32, #tpu.memory_space<vmem>>) offsets(%dma_start3A_295 : memref<128xi32, #tpu.memory_space<vmem>>) semaphore(%arg18 : memref<!tpu.dma_semaphore, #tpu.memory_space<semaphore_mem>>)
    %dma_start3A_303 = arith.constant 1 : i32
    %dma_start3A_304 = arith.constant 0 : i32
    %dma_start3A_305 = tpu.memref_slice %arg7[%dma_start3A_303, %dma_start3A_304] : memref<80x128xi32, #tpu.memory_space<vmem>> -> memref<1x128xi32, #tpu.memory_space<vmem>>
    %dma_start3A_306 = tpu.memref_squeeze %dma_start3A_305 : memref<1x128xi32, #tpu.memory_space<vmem>> -> memref<128xi32, #tpu.memory_space<vmem>>
    %dma_start3A_307 = arith.constant 0 : i32
    %dma_start3A_308 = arith.constant 0 : i32
    %dma_start3A_309 = tpu.memref_slice %arg2[%arg0, %dma_start3A_307, %dma_start3A_308] : memref<2x10000x64xf32, #tpu.memory_space<hbm>> -> memref<1x10000x64xf32, #tpu.memory_space<hbm>>
    %dma_start3A_310 = tpu.memref_squeeze %dma_start3A_309 : memref<1x10000x64xf32, #tpu.memory_space<hbm>> -> memref<10000x64xf32, #tpu.memory_space<hbm>>
    %dma_start3A_311 = arith.constant 0 : i32
    %dma_start3A_312 = arith.constant 0 : i32
    %dma_start3A_313 = tpu.memref_slice %dma_start3A_310[%dma_start3A_311, %dma_start3A_312] : memref<10000x64xf32, #tpu.memory_space<hbm>> -> memref<10000x64xf32, #tpu.memory_space<hbm>>
    tpu.enqueue_indirect_dma source(%dma_start3A_313 : memref<10000x64xf32, #tpu.memory_space<hbm>>) target(%arg10 : memref<128x64xf32, #tpu.memory_space<vmem>>) offsets(%dma_start3A_306 : memref<128xi32, #tpu.memory_space<vmem>>) semaphore(%arg19 : memref<!tpu.dma_semaphore, #tpu.memory_space<semaphore_mem>>)
    %dma_wait3A_314 = arith.constant 0 : i32
    %dma_wait3A_315 = arith.constant 0 : i32
    %dma_wait3A_316 = tpu.memref_slice %arg7[%dma_wait3A_314, %dma_wait3A_315] : memref<80x128xi32, #tpu.memory_space<vmem>> -> memref<1x128xi32, #tpu.memory_space<vmem>>
    %dma_wait3A_317 = tpu.memref_squeeze %dma_wait3A_316 : memref<1x128xi32, #tpu.memory_space<vmem>> -> memref<128xi32, #tpu.memory_space<vmem>>
    %dma_wait3A_318 = arith.constant 0 : i32
    %dma_wait3A_319 = arith.constant 0 : i32
    %dma_wait3A_320 = tpu.memref_slice %arg2[%arg0, %dma_wait3A_318, %dma_wait3A_319] : memref<2x10000x64xf32, #tpu.memory_space<hbm>> -> memref<1x10000x64xf32, #tpu.memory_space<hbm>>
    %dma_wait3A_321 = tpu.memref_squeeze %dma_wait3A_320 : memref<1x10000x64xf32, #tpu.memory_space<hbm>> -> memref<10000x64xf32, #tpu.memory_space<hbm>>
    %dma_wait3A_322 = arith.constant 0 : i32
    %dma_wait3A_323 = arith.constant 0 : i32
    %dma_wait3A_324 = tpu.memref_slice %dma_wait3A_321[%dma_wait3A_322, %dma_wait3A_323] : memref<10000x64xf32, #tpu.memory_space<hbm>> -> memref<10000x64xf32, #tpu.memory_space<hbm>>
    tpu.wait_indirect_dma semaphore(%arg18 : memref<!tpu.dma_semaphore, #tpu.memory_space<semaphore_mem>>) src(%dma_wait3A_324 : memref<10000x64xf32, #tpu.memory_space<hbm>>) dst(%arg9 : memref<128x64xf32, #tpu.memory_space<vmem>>)
    %dma_start3A_325 = arith.constant 0 : i32
    %dma_start3A_326 = arith.constant 0 : i32
    %dma_start3A_327 = tpu.memref_slice %arg8[%dma_start3A_325, %dma_start3A_326] : memref<80x128xi32, #tpu.memory_space<vmem>> -> memref<1x128xi32, #tpu.memory_space<vmem>>
    %dma_start3A_328 = tpu.memref_squeeze %dma_start3A_327 : memref<1x128xi32, #tpu.memory_space<vmem>> -> memref<128xi32, #tpu.memory_space<vmem>>
    %dma_start3A_329 = arith.constant 0 : i32
    %dma_start3A_330 = arith.constant 0 : i32
    %dma_start3A_331 = tpu.memref_slice %arg17[%dma_start3A_329, %dma_start3A_330] : memref<10008x64xf32, #tpu.memory_space<vmem_shared>> -> memref<10008x64xf32, #tpu.memory_space<vmem_shared>>
    tpu.enqueue_indirect_dma source(%arg9 : memref<128x64xf32, #tpu.memory_space<vmem>>) target(%dma_start3A_331 : memref<10008x64xf32, #tpu.memory_space<vmem_shared>>) offsets(%dma_start3A_328 : memref<128xi32, #tpu.memory_space<vmem>>) semaphore(%arg26 : memref<!tpu.dma_semaphore, #tpu.memory_space<semaphore_mem>>) {add = true}
    %dma_start3A_332 = arith.constant 2 : i32
    %dma_start3A_333 = arith.constant 0 : i32
    %dma_start3A_334 = tpu.memref_slice %arg7[%dma_start3A_332, %dma_start3A_333] : memref<80x128xi32, #tpu.memory_space<vmem>> -> memref<1x128xi32, #tpu.memory_space<vmem>>
    %dma_start3A_335 = tpu.memref_squeeze %dma_start3A_334 : memref<1x128xi32, #tpu.memory_space<vmem>> -> memref<128xi32, #tpu.memory_space<vmem>>
    %dma_start3A_336 = arith.constant 0 : i32
    %dma_start3A_337 = arith.constant 0 : i32
    %dma_start3A_338 = tpu.memref_slice %arg2[%arg0, %dma_start3A_336, %dma_start3A_337] : memref<2x10000x64xf32, #tpu.memory_space<hbm>> -> memref<1x10000x64xf32, #tpu.memory_space<hbm>>
    %dma_start3A_339 = tpu.memref_squeeze %dma_start3A_338 : memref<1x10000x64xf32, #tpu.memory_space<hbm>> -> memref<10000x64xf32, #tpu.memory_space<hbm>>
    %dma_start3A_340 = arith.constant 0 : i32
    %dma_start3A_341 = arith.constant 0 : i32
    %dma_start3A_342 = tpu.memref_slice %dma_start3A_339[%dma_start3A_340, %dma_start3A_341] : memref<10000x64xf32, #tpu.memory_space<hbm>> -> memref<10000x64xf32, #tpu.memory_space<hbm>>
    tpu.enqueue_indirect_dma source(%dma_start3A_342 : memref<10000x64xf32, #tpu.memory_space<hbm>>) target(%arg11 : memref<128x64xf32, #tpu.memory_space<vmem>>) offsets(%dma_start3A_335 : memref<128xi32, #tpu.memory_space<vmem>>) semaphore(%arg20 : memref<!tpu.dma_semaphore, #tpu.memory_space<semaphore_mem>>)
    %dma_wait3A_343 = arith.constant 1 : i32
    %dma_wait3A_344 = arith.constant 0 : i32
    %dma_wait3A_345 = tpu.memref_slice %arg7[%dma_wait3A_343, %dma_wait3A_344] : memref<80x128xi32, #tpu.memory_space<vmem>> -> memref<1x128xi32, #tpu.memory_space<vmem>>
    %dma_wait3A_346 = tpu.memref_squeeze %dma_wait3A_345 : memref<1x128xi32, #tpu.memory_space<vmem>> -> memref<128xi32, #tpu.memory_space<vmem>>
    %dma_wait3A_347 = arith.constant 0 : i32
    %dma_wait3A_348 = arith.constant 0 : i32
    %dma_wait3A_349 = tpu.memref_slice %arg2[%arg0, %dma_wait3A_347, %dma_wait3A_348] : memref<2x10000x64xf32, #tpu.memory_space<hbm>> -> memref<1x10000x64xf32, #tpu.memory_space<hbm>>
    %dma_wait3A_350 = tpu.memref_squeeze %dma_wait3A_349 : memref<1x10000x64xf32, #tpu.memory_space<hbm>> -> memref<10000x64xf32, #tpu.memory_space<hbm>>
    %dma_wait3A_351 = arith.constant 0 : i32
    %dma_wait3A_352 = arith.constant 0 : i32
    %dma_wait3A_353 = tpu.memref_slice %dma_wait3A_350[%dma_wait3A_351, %dma_wait3A_352] : memref<10000x64xf32, #tpu.memory_space<hbm>> -> memref<10000x64xf32, #tpu.memory_space<hbm>>
    tpu.wait_indirect_dma semaphore(%arg19 : memref<!tpu.dma_semaphore, #tpu.memory_space<semaphore_mem>>) src(%dma_wait3A_353 : memref<10000x64xf32, #tpu.memory_space<hbm>>) dst(%arg10 : memref<128x64xf32, #tpu.memory_space<vmem>>)
    %dma_start3A_354 = arith.constant 1 : i32
    %dma_start3A_355 = arith.constant 0 : i32
    %dma_start3A_356 = tpu.memref_slice %arg8[%dma_start3A_354, %dma_start3A_355] : memref<80x128xi32, #tpu.memory_space<vmem>> -> memref<1x128xi32, #tpu.memory_space<vmem>>
    %dma_start3A_357 = tpu.memref_squeeze %dma_start3A_356 : memref<1x128xi32, #tpu.memory_space<vmem>> -> memref<128xi32, #tpu.memory_space<vmem>>
    %dma_start3A_358 = arith.constant 0 : i32
    %dma_start3A_359 = arith.constant 0 : i32
    %dma_start3A_360 = tpu.memref_slice %arg17[%dma_start3A_358, %dma_start3A_359] : memref<10008x64xf32, #tpu.memory_space<vmem_shared>> -> memref<10008x64xf32, #tpu.memory_space<vmem_shared>>
    tpu.enqueue_indirect_dma source(%arg10 : memref<128x64xf32, #tpu.memory_space<vmem>>) target(%dma_start3A_360 : memref<10008x64xf32, #tpu.memory_space<vmem_shared>>) offsets(%dma_start3A_357 : memref<128xi32, #tpu.memory_space<vmem>>) semaphore(%arg27 : memref<!tpu.dma_semaphore, #tpu.memory_space<semaphore_mem>>) {add = true}
    %dma_start3A_361 = arith.constant 3 : i32
    %dma_start3A_362 = arith.constant 0 : i32
    %dma_start3A_363 = tpu.memref_slice %arg7[%dma_start3A_361, %dma_start3A_362] : memref<80x128xi32, #tpu.memory_space<vmem>> -> memref<1x128xi32, #tpu.memory_space<vmem>>
    %dma_start3A_364 = tpu.memref_squeeze %dma_start3A_363 : memref<1x128xi32, #tpu.memory_space<vmem>> -> memref<128xi32, #tpu.memory_space<vmem>>
    %dma_start3A_365 = arith.constant 0 : i32
    %dma_start3A_366 = arith.constant 0 : i32
    %dma_start3A_367 = tpu.memref_slice %arg2[%arg0, %dma_start3A_365, %dma_start3A_366] : memref<2x10000x64xf32, #tpu.memory_space<hbm>> -> memref<1x10000x64xf32, #tpu.memory_space<hbm>>
    %dma_start3A_368 = tpu.memref_squeeze %dma_start3A_367 : memref<1x10000x64xf32, #tpu.memory_space<hbm>> -> memref<10000x64xf32, #tpu.memory_space<hbm>>
    %dma_start3A_369 = arith.constant 0 : i32
    %dma_start3A_370 = arith.constant 0 : i32
    %dma_start3A_371 = tpu.memref_slice %dma_start3A_368[%dma_start3A_369, %dma_start3A_370] : memref<10000x64xf32, #tpu.memory_space<hbm>> -> memref<10000x64xf32, #tpu.memory_space<hbm>>
    tpu.enqueue_indirect_dma source(%dma_start3A_371 : memref<10000x64xf32, #tpu.memory_space<hbm>>) target(%arg12 : memref<128x64xf32, #tpu.memory_space<vmem>>) offsets(%dma_start3A_364 : memref<128xi32, #tpu.memory_space<vmem>>) semaphore(%arg21 : memref<!tpu.dma_semaphore, #tpu.memory_space<semaphore_mem>>)
    %dma_wait3A_372 = arith.constant 2 : i32
    %dma_wait3A_373 = arith.constant 0 : i32
    %dma_wait3A_374 = tpu.memref_slice %arg7[%dma_wait3A_372, %dma_wait3A_373] : memref<80x128xi32, #tpu.memory_space<vmem>> -> memref<1x128xi32, #tpu.memory_space<vmem>>
    %dma_wait3A_375 = tpu.memref_squeeze %dma_wait3A_374 : memref<1x128xi32, #tpu.memory_space<vmem>> -> memref<128xi32, #tpu.memory_space<vmem>>
    %dma_wait3A_376 = arith.constant 0 : i32
    %dma_wait3A_377 = arith.constant 0 : i32
    %dma_wait3A_378 = tpu.memref_slice %arg2[%arg0, %dma_wait3A_376, %dma_wait3A_377] : memref<2x10000x64xf32, #tpu.memory_space<hbm>> -> memref<1x10000x64xf32, #tpu.memory_space<hbm>>
    %dma_wait3A_379 = tpu.memref_squeeze %dma_wait3A_378 : memref<1x10000x64xf32, #tpu.memory_space<hbm>> -> memref<10000x64xf32, #tpu.memory_space<hbm>>
    %dma_wait3A_380 = arith.constant 0 : i32
    %dma_wait3A_381 = arith.constant 0 : i32
    %dma_wait3A_382 = tpu.memref_slice %dma_wait3A_379[%dma_wait3A_380, %dma_wait3A_381] : memref<10000x64xf32, #tpu.memory_space<hbm>> -> memref<10000x64xf32, #tpu.memory_space<hbm>>
    tpu.wait_indirect_dma semaphore(%arg20 : memref<!tpu.dma_semaphore, #tpu.memory_space<semaphore_mem>>) src(%dma_wait3A_382 : memref<10000x64xf32, #tpu.memory_space<hbm>>) dst(%arg11 : memref<128x64xf32, #tpu.memory_space<vmem>>)
    %dma_start3A_383 = arith.constant 2 : i32
    %dma_start3A_384 = arith.constant 0 : i32
    %dma_start3A_385 = tpu.memref_slice %arg8[%dma_start3A_383, %dma_start3A_384] : memref<80x128xi32, #tpu.memory_space<vmem>> -> memref<1x128xi32, #tpu.memory_space<vmem>>
    %dma_start3A_386 = tpu.memref_squeeze %dma_start3A_385 : memref<1x128xi32, #tpu.memory_space<vmem>> -> memref<128xi32, #tpu.memory_space<vmem>>
    %dma_start3A_387 = arith.constant 0 : i32
    %dma_start3A_388 = arith.constant 0 : i32
    %dma_start3A_389 = tpu.memref_slice %arg17[%dma_start3A_387, %dma_start3A_388] : memref<10008x64xf32, #tpu.memory_space<vmem_shared>> -> memref<10008x64xf32, #tpu.memory_space<vmem_shared>>
    tpu.enqueue_indirect_dma source(%arg11 : memref<128x64xf32, #tpu.memory_space<vmem>>) target(%dma_start3A_389 : memref<10008x64xf32, #tpu.memory_space<vmem_shared>>) offsets(%dma_start3A_386 : memref<128xi32, #tpu.memory_space<vmem>>) semaphore(%arg28 : memref<!tpu.dma_semaphore, #tpu.memory_space<semaphore_mem>>) {add = true}
    %dma_start3A_390 = arith.constant 4 : i32
    %dma_start3A_391 = arith.constant 0 : i32
    %dma_start3A_392 = tpu.memref_slice %arg7[%dma_start3A_390, %dma_start3A_391] : memref<80x128xi32, #tpu.memory_space<vmem>> -> memref<1x128xi32, #tpu.memory_space<vmem>>
    %dma_start3A_393 = tpu.memref_squeeze %dma_start3A_392 : memref<1x128xi32, #tpu.memory_space<vmem>> -> memref<128xi32, #tpu.memory_space<vmem>>
    %dma_start3A_394 = arith.constant 0 : i32
    %dma_start3A_395 = arith.constant 0 : i32
    %dma_start3A_396 = tpu.memref_slice %arg2[%arg0, %dma_start3A_394, %dma_start3A_395] : memref<2x10000x64xf32, #tpu.memory_space<hbm>> -> memref<1x10000x64xf32, #tpu.memory_space<hbm>>
    %dma_start3A_397 = tpu.memref_squeeze %dma_start3A_396 : memref<1x10000x64xf32, #tpu.memory_space<hbm>> -> memref<10000x64xf32, #tpu.memory_space<hbm>>
    %dma_start3A_398 = arith.constant 0 : i32
    %dma_start3A_399 = arith.constant 0 : i32
    %dma_start3A_400 = tpu.memref_slice %dma_start3A_397[%dma_start3A_398, %dma_start3A_399] : memref<10000x64xf32, #tpu.memory_space<hbm>> -> memref<10000x64xf32, #tpu.memory_space<hbm>>
    tpu.enqueue_indirect_dma source(%dma_start3A_400 : memref<10000x64xf32, #tpu.memory_space<hbm>>) target(%arg13 : memref<128x64xf32, #tpu.memory_space<vmem>>) offsets(%dma_start3A_393 : memref<128xi32, #tpu.memory_space<vmem>>) semaphore(%arg22 : memref<!tpu.dma_semaphore, #tpu.memory_space<semaphore_mem>>)
    %dma_wait3A_401 = arith.constant 3 : i32
    %dma_wait3A_402 = arith.constant 0 : i32
    %dma_wait3A_403 = tpu.memref_slice %arg7[%dma_wait3A_401, %dma_wait3A_402] : memref<80x128xi32, #tpu.memory_space<vmem>> -> memref<1x128xi32, #tpu.memory_space<vmem>>
    %dma_wait3A_404 = tpu.memref_squeeze %dma_wait3A_403 : memref<1x128xi32, #tpu.memory_space<vmem>> -> memref<128xi32, #tpu.memory_space<vmem>>
    %dma_wait3A_405 = arith.constant 0 : i32
    %dma_wait3A_406 = arith.constant 0 : i32
    %dma_wait3A_407 = tpu.memref_slice %arg2[%arg0, %dma_wait3A_405, %dma_wait3A_406] : memref<2x10000x64xf32, #tpu.memory_space<hbm>> -> memref<1x10000x64xf32, #tpu.memory_space<hbm>>
    %dma_wait3A_408 = tpu.memref_squeeze %dma_wait3A_407 : memref<1x10000x64xf32, #tpu.memory_space<hbm>> -> memref<10000x64xf32, #tpu.memory_space<hbm>>
    %dma_wait3A_409 = arith.constant 0 : i32
    %dma_wait3A_410 = arith.constant 0 : i32
    %dma_wait3A_411 = tpu.memref_slice %dma_wait3A_408[%dma_wait3A_409, %dma_wait3A_410] : memref<10000x64xf32, #tpu.memory_space<hbm>> -> memref<10000x64xf32, #tpu.memory_space<hbm>>
    tpu.wait_indirect_dma semaphore(%arg21 : memref<!tpu.dma_semaphore, #tpu.memory_space<semaphore_mem>>) src(%dma_wait3A_411 : memref<10000x64xf32, #tpu.memory_space<hbm>>) dst(%arg12 : memref<128x64xf32, #tpu.memory_space<vmem>>)
    %dma_start3A_412 = arith.constant 3 : i32
    %dma_start3A_413 = arith.constant 0 : i32
    %dma_start3A_414 = tpu.memref_slice %arg8[%dma_start3A_412, %dma_start3A_413] : memref<80x128xi32, #tpu.memory_space<vmem>> -> memref<1x128xi32, #tpu.memory_space<vmem>>
    %dma_start3A_415 = tpu.memref_squeeze %dma_start3A_414 : memref<1x128xi32, #tpu.memory_space<vmem>> -> memref<128xi32, #tpu.memory_space<vmem>>
    %dma_start3A_416 = arith.constant 0 : i32
    %dma_start3A_417 = arith.constant 0 : i32
    %dma_start3A_418 = tpu.memref_slice %arg17[%dma_start3A_416, %dma_start3A_417] : memref<10008x64xf32, #tpu.memory_space<vmem_shared>> -> memref<10008x64xf32, #tpu.memory_space<vmem_shared>>
    tpu.enqueue_indirect_dma source(%arg12 : memref<128x64xf32, #tpu.memory_space<vmem>>) target(%dma_start3A_418 : memref<10008x64xf32, #tpu.memory_space<vmem_shared>>) offsets(%dma_start3A_415 : memref<128xi32, #tpu.memory_space<vmem>>) semaphore(%arg29 : memref<!tpu.dma_semaphore, #tpu.memory_space<semaphore_mem>>) {add = true}
    %dma_start3A_419 = arith.constant 5 : i32
    %dma_start3A_420 = arith.constant 0 : i32
    %dma_start3A_421 = tpu.memref_slice %arg7[%dma_start3A_419, %dma_start3A_420] : memref<80x128xi32, #tpu.memory_space<vmem>> -> memref<1x128xi32, #tpu.memory_space<vmem>>
    %dma_start3A_422 = tpu.memref_squeeze %dma_start3A_421 : memref<1x128xi32, #tpu.memory_space<vmem>> -> memref<128xi32, #tpu.memory_space<vmem>>
    %dma_start3A_423 = arith.constant 0 : i32
    %dma_start3A_424 = arith.constant 0 : i32
    %dma_start3A_425 = tpu.memref_slice %arg2[%arg0, %dma_start3A_423, %dma_start3A_424] : memref<2x10000x64xf32, #tpu.memory_space<hbm>> -> memref<1x10000x64xf32, #tpu.memory_space<hbm>>
    %dma_start3A_426 = tpu.memref_squeeze %dma_start3A_425 : memref<1x10000x64xf32, #tpu.memory_space<hbm>> -> memref<10000x64xf32, #tpu.memory_space<hbm>>
    %dma_start3A_427 = arith.constant 0 : i32
    %dma_start3A_428 = arith.constant 0 : i32
    %dma_start3A_429 = tpu.memref_slice %dma_start3A_426[%dma_start3A_427, %dma_start3A_428] : memref<10000x64xf32, #tpu.memory_space<hbm>> -> memref<10000x64xf32, #tpu.memory_space<hbm>>
    tpu.enqueue_indirect_dma source(%dma_start3A_429 : memref<10000x64xf32, #tpu.memory_space<hbm>>) target(%arg14 : memref<128x64xf32, #tpu.memory_space<vmem>>) offsets(%dma_start3A_422 : memref<128xi32, #tpu.memory_space<vmem>>) semaphore(%arg23 : memref<!tpu.dma_semaphore, #tpu.memory_space<semaphore_mem>>)
    %dma_wait3A_430 = arith.constant 4 : i32
    %dma_wait3A_431 = arith.constant 0 : i32
    %dma_wait3A_432 = tpu.memref_slice %arg7[%dma_wait3A_430, %dma_wait3A_431] : memref<80x128xi32, #tpu.memory_space<vmem>> -> memref<1x128xi32, #tpu.memory_space<vmem>>
    %dma_wait3A_433 = tpu.memref_squeeze %dma_wait3A_432 : memref<1x128xi32, #tpu.memory_space<vmem>> -> memref<128xi32, #tpu.memory_space<vmem>>
    %dma_wait3A_434 = arith.constant 0 : i32
    %dma_wait3A_435 = arith.constant 0 : i32
    %dma_wait3A_436 = tpu.memref_slice %arg2[%arg0, %dma_wait3A_434, %dma_wait3A_435] : memref<2x10000x64xf32, #tpu.memory_space<hbm>> -> memref<1x10000x64xf32, #tpu.memory_space<hbm>>
    %dma_wait3A_437 = tpu.memref_squeeze %dma_wait3A_436 : memref<1x10000x64xf32, #tpu.memory_space<hbm>> -> memref<10000x64xf32, #tpu.memory_space<hbm>>
    %dma_wait3A_438 = arith.constant 0 : i32
    %dma_wait3A_439 = arith.constant 0 : i32
    %dma_wait3A_440 = tpu.memref_slice %dma_wait3A_437[%dma_wait3A_438, %dma_wait3A_439] : memref<10000x64xf32, #tpu.memory_space<hbm>> -> memref<10000x64xf32, #tpu.memory_space<hbm>>
    tpu.wait_indirect_dma semaphore(%arg22 : memref<!tpu.dma_semaphore, #tpu.memory_space<semaphore_mem>>) src(%dma_wait3A_440 : memref<10000x64xf32, #tpu.memory_space<hbm>>) dst(%arg13 : memref<128x64xf32, #tpu.memory_space<vmem>>)
    %dma_start3A_441 = arith.constant 4 : i32
    %dma_start3A_442 = arith.constant 0 : i32
    %dma_start3A_443 = tpu.memref_slice %arg8[%dma_start3A_441, %dma_start3A_442] : memref<80x128xi32, #tpu.memory_space<vmem>> -> memref<1x128xi32, #tpu.memory_space<vmem>>
    %dma_start3A_444 = tpu.memref_squeeze %dma_start3A_443 : memref<1x128xi32, #tpu.memory_space<vmem>> -> memref<128xi32, #tpu.memory_space<vmem>>
    %dma_start3A_445 = arith.constant 0 : i32
    %dma_start3A_446 = arith.constant 0 : i32
    %dma_start3A_447 = tpu.memref_slice %arg17[%dma_start3A_445, %dma_start3A_446] : memref<10008x64xf32, #tpu.memory_space<vmem_shared>> -> memref<10008x64xf32, #tpu.memory_space<vmem_shared>>
    tpu.enqueue_indirect_dma source(%arg13 : memref<128x64xf32, #tpu.memory_space<vmem>>) target(%dma_start3A_447 : memref<10008x64xf32, #tpu.memory_space<vmem_shared>>) offsets(%dma_start3A_444 : memref<128xi32, #tpu.memory_space<vmem>>) semaphore(%arg30 : memref<!tpu.dma_semaphore, #tpu.memory_space<semaphore_mem>>) {add = true}
    %dma_start3A_448 = arith.constant 6 : i32
    %dma_start3A_449 = arith.constant 0 : i32
    %dma_start3A_450 = tpu.memref_slice %arg7[%dma_start3A_448, %dma_start3A_449] : memref<80x128xi32, #tpu.memory_space<vmem>> -> memref<1x128xi32, #tpu.memory_space<vmem>>
    %dma_start3A_451 = tpu.memref_squeeze %dma_start3A_450 : memref<1x128xi32, #tpu.memory_space<vmem>> -> memref<128xi32, #tpu.memory_space<vmem>>
    %dma_start3A_452 = arith.constant 0 : i32
    %dma_start3A_453 = arith.constant 0 : i32
    %dma_start3A_454 = tpu.memref_slice %arg2[%arg0, %dma_start3A_452, %dma_start3A_453] : memref<2x10000x64xf32, #tpu.memory_space<hbm>> -> memref<1x10000x64xf32, #tpu.memory_space<hbm>>
    %dma_start3A_455 = tpu.memref_squeeze %dma_start3A_454 : memref<1x10000x64xf32, #tpu.memory_space<hbm>> -> memref<10000x64xf32, #tpu.memory_space<hbm>>
    %dma_start3A_456 = arith.constant 0 : i32
    %dma_start3A_457 = arith.constant 0 : i32
    %dma_start3A_458 = tpu.memref_slice %dma_start3A_455[%dma_start3A_456, %dma_start3A_457] : memref<10000x64xf32, #tpu.memory_space<hbm>> -> memref<10000x64xf32, #tpu.memory_space<hbm>>
    tpu.enqueue_indirect_dma source(%dma_start3A_458 : memref<10000x64xf32, #tpu.memory_space<hbm>>) target(%arg15 : memref<128x64xf32, #tpu.memory_space<vmem>>) offsets(%dma_start3A_451 : memref<128xi32, #tpu.memory_space<vmem>>) semaphore(%arg24 : memref<!tpu.dma_semaphore, #tpu.memory_space<semaphore_mem>>)
    %dma_wait3A_459 = arith.constant 5 : i32
    %dma_wait3A_460 = arith.constant 0 : i32
    %dma_wait3A_461 = tpu.memref_slice %arg7[%dma_wait3A_459, %dma_wait3A_460] : memref<80x128xi32, #tpu.memory_space<vmem>> -> memref<1x128xi32, #tpu.memory_space<vmem>>
    %dma_wait3A_462 = tpu.memref_squeeze %dma_wait3A_461 : memref<1x128xi32, #tpu.memory_space<vmem>> -> memref<128xi32, #tpu.memory_space<vmem>>
    %dma_wait3A_463 = arith.constant 0 : i32
    %dma_wait3A_464 = arith.constant 0 : i32
    %dma_wait3A_465 = tpu.memref_slice %arg2[%arg0, %dma_wait3A_463, %dma_wait3A_464] : memref<2x10000x64xf32, #tpu.memory_space<hbm>> -> memref<1x10000x64xf32, #tpu.memory_space<hbm>>
    %dma_wait3A_466 = tpu.memref_squeeze %dma_wait3A_465 : memref<1x10000x64xf32, #tpu.memory_space<hbm>> -> memref<10000x64xf32, #tpu.memory_space<hbm>>
    %dma_wait3A_467 = arith.constant 0 : i32
    %dma_wait3A_468 = arith.constant 0 : i32
    %dma_wait3A_469 = tpu.memref_slice %dma_wait3A_466[%dma_wait3A_467, %dma_wait3A_468] : memref<10000x64xf32, #tpu.memory_space<hbm>> -> memref<10000x64xf32, #tpu.memory_space<hbm>>
    tpu.wait_indirect_dma semaphore(%arg23 : memref<!tpu.dma_semaphore, #tpu.memory_space<semaphore_mem>>) src(%dma_wait3A_469 : memref<10000x64xf32, #tpu.memory_space<hbm>>) dst(%arg14 : memref<128x64xf32, #tpu.memory_space<vmem>>)
    %dma_start3A_470 = arith.constant 5 : i32
    %dma_start3A_471 = arith.constant 0 : i32
    %dma_start3A_472 = tpu.memref_slice %arg8[%dma_start3A_470, %dma_start3A_471] : memref<80x128xi32, #tpu.memory_space<vmem>> -> memref<1x128xi32, #tpu.memory_space<vmem>>
    %dma_start3A_473 = tpu.memref_squeeze %dma_start3A_472 : memref<1x128xi32, #tpu.memory_space<vmem>> -> memref<128xi32, #tpu.memory_space<vmem>>
    %dma_start3A_474 = arith.constant 0 : i32
    %dma_start3A_475 = arith.constant 0 : i32
    %dma_start3A_476 = tpu.memref_slice %arg17[%dma_start3A_474, %dma_start3A_475] : memref<10008x64xf32, #tpu.memory_space<vmem_shared>> -> memref<10008x64xf32, #tpu.memory_space<vmem_shared>>
    tpu.enqueue_indirect_dma source(%arg14 : memref<128x64xf32, #tpu.memory_space<vmem>>) target(%dma_start3A_476 : memref<10008x64xf32, #tpu.memory_space<vmem_shared>>) offsets(%dma_start3A_473 : memref<128xi32, #tpu.memory_space<vmem>>) semaphore(%arg31 : memref<!tpu.dma_semaphore, #tpu.memory_space<semaphore_mem>>) {add = true}
    %dma_start3A_477 = arith.constant 7 : i32
    %dma_start3A_478 = arith.constant 0 : i32
    %dma_start3A_479 = tpu.memref_slice %arg7[%dma_start3A_477, %dma_start3A_478] : memref<80x128xi32, #tpu.memory_space<vmem>> -> memref<1x128xi32, #tpu.memory_space<vmem>>
    %dma_start3A_480 = tpu.memref_squeeze %dma_start3A_479 : memref<1x128xi32, #tpu.memory_space<vmem>> -> memref<128xi32, #tpu.memory_space<vmem>>
    %dma_start3A_481 = arith.constant 0 : i32
    %dma_start3A_482 = arith.constant 0 : i32
    %dma_start3A_483 = tpu.memref_slice %arg2[%arg0, %dma_start3A_481, %dma_start3A_482] : memref<2x10000x64xf32, #tpu.memory_space<hbm>> -> memref<1x10000x64xf32, #tpu.memory_space<hbm>>
    %dma_start3A_484 = tpu.memref_squeeze %dma_start3A_483 : memref<1x10000x64xf32, #tpu.memory_space<hbm>> -> memref<10000x64xf32, #tpu.memory_space<hbm>>
    %dma_start3A_485 = arith.constant 0 : i32
    %dma_start3A_486 = arith.constant 0 : i32
    %dma_start3A_487 = tpu.memref_slice %dma_start3A_484[%dma_start3A_485, %dma_start3A_486] : memref<10000x64xf32, #tpu.memory_space<hbm>> -> memref<10000x64xf32, #tpu.memory_space<hbm>>
    tpu.enqueue_indirect_dma source(%dma_start3A_487 : memref<10000x64xf32, #tpu.memory_space<hbm>>) target(%arg16 : memref<128x64xf32, #tpu.memory_space<vmem>>) offsets(%dma_start3A_480 : memref<128xi32, #tpu.memory_space<vmem>>) semaphore(%arg25 : memref<!tpu.dma_semaphore, #tpu.memory_space<semaphore_mem>>)
    %scan3A_488 = arith.constant 0 : i32
    %scan3A_489 = arith.constant 9 : i32
    %scan3A_490 = arith.addi %scan3A_488, %scan3A_489 : i32
    %scan3A_491 = arith.constant 1 : i32
    scf.for %scan3A_586 = %scan3A_488 to %scan3A_490 step %scan3A_491  : i32 {
      %mul3A_587 = arith.constant 1 : i32
      %mul3A_588 = arith.muli %scan3A_586, %mul3A_587 : i32
      %add3A = arith.constant 0 : i32
      %add3A_589 = arith.addi %add3A, %mul3A_588 : i32
      %mul3A_590 = arith.constant 8 : i32
      %mul3A_591 = arith.muli %mul3A_590, %add3A_589 : i32
      %add3A_592 = arith.constant 6 : i32
      %add3A_593 = arith.addi %add3A_592, %mul3A_591 : i32
      %add3A_594 = arith.constant 0 : i32
      %add3A_595 = arith.addi %add3A_593, %add3A_594 : i32
      %dma_wait3A_596 = arith.constant 0 : i32
      %dma_wait3A_597 = tpu.memref_slice %arg7[%add3A_595, %dma_wait3A_596] : memref<80x128xi32, #tpu.memory_space<vmem>> -> memref<1x128xi32, #tpu.memory_space<vmem>>
      %dma_wait3A_598 = tpu.memref_squeeze %dma_wait3A_597 : memref<1x128xi32, #tpu.memory_space<vmem>> -> memref<128xi32, #tpu.memory_space<vmem>>
      %dma_wait3A_599 = arith.constant 0 : i32
      %dma_wait3A_600 = arith.constant 0 : i32
      %dma_wait3A_601 = tpu.memref_slice %arg2[%arg0, %dma_wait3A_599, %dma_wait3A_600] : memref<2x10000x64xf32, #tpu.memory_space<hbm>> -> memref<1x10000x64xf32, #tpu.memory_space<hbm>>
      %dma_wait3A_602 = tpu.memref_squeeze %dma_wait3A_601 : memref<1x10000x64xf32, #tpu.memory_space<hbm>> -> memref<10000x64xf32, #tpu.memory_space<hbm>>
      %dma_wait3A_603 = arith.constant 0 : i32
      %dma_wait3A_604 = arith.constant 0 : i32
      %dma_wait3A_605 = tpu.memref_slice %dma_wait3A_602[%dma_wait3A_603, %dma_wait3A_604] : memref<10000x64xf32, #tpu.memory_space<hbm>> -> memref<10000x64xf32, #tpu.memory_space<hbm>>
      tpu.wait_indirect_dma semaphore(%arg24 : memref<!tpu.dma_semaphore, #tpu.memory_space<semaphore_mem>>) src(%dma_wait3A_605 : memref<10000x64xf32, #tpu.memory_space<hbm>>) dst(%arg15 : memref<128x64xf32, #tpu.memory_space<vmem>>)
      %dma_start3A_606 = arith.constant 0 : i32
      %dma_start3A_607 = tpu.memref_slice %arg8[%add3A_595, %dma_start3A_606] : memref<80x128xi32, #tpu.memory_space<vmem>> -> memref<1x128xi32, #tpu.memory_space<vmem>>
      %dma_start3A_608 = tpu.memref_squeeze %dma_start3A_607 : memref<1x128xi32, #tpu.memory_space<vmem>> -> memref<128xi32, #tpu.memory_space<vmem>>
      %dma_start3A_609 = arith.constant 0 : i32
      %dma_start3A_610 = arith.constant 0 : i32
      %dma_start3A_611 = tpu.memref_slice %arg17[%dma_start3A_609, %dma_start3A_610] : memref<10008x64xf32, #tpu.memory_space<vmem_shared>> -> memref<10008x64xf32, #tpu.memory_space<vmem_shared>>
      tpu.enqueue_indirect_dma source(%arg15 : memref<128x64xf32, #tpu.memory_space<vmem>>) target(%dma_start3A_611 : memref<10008x64xf32, #tpu.memory_space<vmem_shared>>) offsets(%dma_start3A_608 : memref<128xi32, #tpu.memory_space<vmem>>) semaphore(%arg32 : memref<!tpu.dma_semaphore, #tpu.memory_space<semaphore_mem>>) {add = true}
      %sub3A = arith.constant 6 : i32
      %sub3A_612 = arith.subi %add3A_595, %sub3A : i32
      %dma_wait3A_613 = arith.constant 0 : i32
      %dma_wait3A_614 = tpu.memref_slice %arg8[%sub3A_612, %dma_wait3A_613] : memref<80x128xi32, #tpu.memory_space<vmem>> -> memref<1x128xi32, #tpu.memory_space<vmem>>
      %dma_wait3A_615 = tpu.memref_squeeze %dma_wait3A_614 : memref<1x128xi32, #tpu.memory_space<vmem>> -> memref<128xi32, #tpu.memory_space<vmem>>
      %dma_wait3A_616 = arith.constant 0 : i32
      %dma_wait3A_617 = arith.constant 0 : i32
      %dma_wait3A_618 = tpu.memref_slice %arg17[%dma_wait3A_616, %dma_wait3A_617] : memref<10008x64xf32, #tpu.memory_space<vmem_shared>> -> memref<10008x64xf32, #tpu.memory_space<vmem_shared>>
      tpu.wait_indirect_dma semaphore(%arg26 : memref<!tpu.dma_semaphore, #tpu.memory_space<semaphore_mem>>) src(%arg9 : memref<128x64xf32, #tpu.memory_space<vmem>>) dst(%dma_wait3A_618 : memref<10008x64xf32, #tpu.memory_space<vmem_shared>>)
      %add3A_619 = arith.constant 2 : i32
      %add3A_620 = arith.addi %add3A_595, %add3A_619 : i32
      %dma_start3A_621 = arith.constant 0 : i32
      %dma_start3A_622 = tpu.memref_slice %arg7[%add3A_620, %dma_start3A_621] : memref<80x128xi32, #tpu.memory_space<vmem>> -> memref<1x128xi32, #tpu.memory_space<vmem>>
      %dma_start3A_623 = tpu.memref_squeeze %dma_start3A_622 : memref<1x128xi32, #tpu.memory_space<vmem>> -> memref<128xi32, #tpu.memory_space<vmem>>
      %dma_start3A_624 = arith.constant 0 : i32
      %dma_start3A_625 = arith.constant 0 : i32
      %dma_start3A_626 = tpu.memref_slice %arg2[%arg0, %dma_start3A_624, %dma_start3A_625] : memref<2x10000x64xf32, #tpu.memory_space<hbm>> -> memref<1x10000x64xf32, #tpu.memory_space<hbm>>
      %dma_start3A_627 = tpu.memref_squeeze %dma_start3A_626 : memref<1x10000x64xf32, #tpu.memory_space<hbm>> -> memref<10000x64xf32, #tpu.memory_space<hbm>>
      %dma_start3A_628 = arith.constant 0 : i32
      %dma_start3A_629 = arith.constant 0 : i32
      %dma_start3A_630 = tpu.memref_slice %dma_start3A_627[%dma_start3A_628, %dma_start3A_629] : memref<10000x64xf32, #tpu.memory_space<hbm>> -> memref<10000x64xf32, #tpu.memory_space<hbm>>
      tpu.enqueue_indirect_dma source(%dma_start3A_630 : memref<10000x64xf32, #tpu.memory_space<hbm>>) target(%arg9 : memref<128x64xf32, #tpu.memory_space<vmem>>) offsets(%dma_start3A_623 : memref<128xi32, #tpu.memory_space<vmem>>) semaphore(%arg18 : memref<!tpu.dma_semaphore, #tpu.memory_space<semaphore_mem>>)
      %add3A_631 = arith.constant 1 : i32
      %add3A_632 = arith.addi %add3A_593, %add3A_631 : i32
      %dma_wait3A_633 = arith.constant 0 : i32
      %dma_wait3A_634 = tpu.memref_slice %arg7[%add3A_632, %dma_wait3A_633] : memref<80x128xi32, #tpu.memory_space<vmem>> -> memref<1x128xi32, #tpu.memory_space<vmem>>
      %dma_wait3A_635 = tpu.memref_squeeze %dma_wait3A_634 : memref<1x128xi32, #tpu.memory_space<vmem>> -> memref<128xi32, #tpu.memory_space<vmem>>
      %dma_wait3A_636 = arith.constant 0 : i32
      %dma_wait3A_637 = arith.constant 0 : i32
      %dma_wait3A_638 = tpu.memref_slice %arg2[%arg0, %dma_wait3A_636, %dma_wait3A_637] : memref<2x10000x64xf32, #tpu.memory_space<hbm>> -> memref<1x10000x64xf32, #tpu.memory_space<hbm>>
      %dma_wait3A_639 = tpu.memref_squeeze %dma_wait3A_638 : memref<1x10000x64xf32, #tpu.memory_space<hbm>> -> memref<10000x64xf32, #tpu.memory_space<hbm>>
      %dma_wait3A_640 = arith.constant 0 : i32
      %dma_wait3A_641 = arith.constant 0 : i32
      %dma_wait3A_642 = tpu.memref_slice %dma_wait3A_639[%dma_wait3A_640, %dma_wait3A_641] : memref<10000x64xf32, #tpu.memory_space<hbm>> -> memref<10000x64xf32, #tpu.memory_space<hbm>>
      tpu.wait_indirect_dma semaphore(%arg25 : memref<!tpu.dma_semaphore, #tpu.memory_space<semaphore_mem>>) src(%dma_wait3A_642 : memref<10000x64xf32, #tpu.memory_space<hbm>>) dst(%arg16 : memref<128x64xf32, #tpu.memory_space<vmem>>)
      %dma_start3A_643 = arith.constant 0 : i32
      %dma_start3A_644 = tpu.memref_slice %arg8[%add3A_632, %dma_start3A_643] : memref<80x128xi32, #tpu.memory_space<vmem>> -> memref<1x128xi32, #tpu.memory_space<vmem>>
      %dma_start3A_645 = tpu.memref_squeeze %dma_start3A_644 : memref<1x128xi32, #tpu.memory_space<vmem>> -> memref<128xi32, #tpu.memory_space<vmem>>
      %dma_start3A_646 = arith.constant 0 : i32
      %dma_start3A_647 = arith.constant 0 : i32
      %dma_start3A_648 = tpu.memref_slice %arg17[%dma_start3A_646, %dma_start3A_647] : memref<10008x64xf32, #tpu.memory_space<vmem_shared>> -> memref<10008x64xf32, #tpu.memory_space<vmem_shared>>
      tpu.enqueue_indirect_dma source(%arg16 : memref<128x64xf32, #tpu.memory_space<vmem>>) target(%dma_start3A_648 : memref<10008x64xf32, #tpu.memory_space<vmem_shared>>) offsets(%dma_start3A_645 : memref<128xi32, #tpu.memory_space<vmem>>) semaphore(%arg33 : memref<!tpu.dma_semaphore, #tpu.memory_space<semaphore_mem>>) {add = true}
      %sub3A_649 = arith.constant 6 : i32
      %sub3A_650 = arith.subi %add3A_632, %sub3A_649 : i32
      %dma_wait3A_651 = arith.constant 0 : i32
      %dma_wait3A_652 = tpu.memref_slice %arg8[%sub3A_650, %dma_wait3A_651] : memref<80x128xi32, #tpu.memory_space<vmem>> -> memref<1x128xi32, #tpu.memory_space<vmem>>
      %dma_wait3A_653 = tpu.memref_squeeze %dma_wait3A_652 : memref<1x128xi32, #tpu.memory_space<vmem>> -> memref<128xi32, #tpu.memory_space<vmem>>
      %dma_wait3A_654 = arith.constant 0 : i32
      %dma_wait3A_655 = arith.constant 0 : i32
      %dma_wait3A_656 = tpu.memref_slice %arg17[%dma_wait3A_654, %dma_wait3A_655] : memref<10008x64xf32, #tpu.memory_space<vmem_shared>> -> memref<10008x64xf32, #tpu.memory_space<vmem_shared>>
      tpu.wait_indirect_dma semaphore(%arg27 : memref<!tpu.dma_semaphore, #tpu.memory_space<semaphore_mem>>) src(%arg10 : memref<128x64xf32, #tpu.memory_space<vmem>>) dst(%dma_wait3A_656 : memref<10008x64xf32, #tpu.memory_space<vmem_shared>>)
      %add3A_657 = arith.constant 2 : i32
      %add3A_658 = arith.addi %add3A_632, %add3A_657 : i32
      %dma_start3A_659 = arith.constant 0 : i32
      %dma_start3A_660 = tpu.memref_slice %arg7[%add3A_658, %dma_start3A_659] : memref<80x128xi32, #tpu.memory_space<vmem>> -> memref<1x128xi32, #tpu.memory_space<vmem>>
      %dma_start3A_661 = tpu.memref_squeeze %dma_start3A_660 : memref<1x128xi32, #tpu.memory_space<vmem>> -> memref<128xi32, #tpu.memory_space<vmem>>
      %dma_start3A_662 = arith.constant 0 : i32
      %dma_start3A_663 = arith.constant 0 : i32
      %dma_start3A_664 = tpu.memref_slice %arg2[%arg0, %dma_start3A_662, %dma_start3A_663] : memref<2x10000x64xf32, #tpu.memory_space<hbm>> -> memref<1x10000x64xf32, #tpu.memory_space<hbm>>
      %dma_start3A_665 = tpu.memref_squeeze %dma_start3A_664 : memref<1x10000x64xf32, #tpu.memory_space<hbm>> -> memref<10000x64xf32, #tpu.memory_space<hbm>>
      %dma_start3A_666 = arith.constant 0 : i32
      %dma_start3A_667 = arith.constant 0 : i32
      %dma_start3A_668 = tpu.memref_slice %dma_start3A_665[%dma_start3A_666, %dma_start3A_667] : memref<10000x64xf32, #tpu.memory_space<hbm>> -> memref<10000x64xf32, #tpu.memory_space<hbm>>
      tpu.enqueue_indirect_dma source(%dma_start3A_668 : memref<10000x64xf32, #tpu.memory_space<hbm>>) target(%arg10 : memref<128x64xf32, #tpu.memory_space<vmem>>) offsets(%dma_start3A_661 : memref<128xi32, #tpu.memory_space<vmem>>) semaphore(%arg19 : memref<!tpu.dma_semaphore, #tpu.memory_space<semaphore_mem>>)
      %add3A_669 = arith.constant 2 : i32
      %add3A_670 = arith.addi %add3A_593, %add3A_669 : i32
      %dma_wait3A_671 = arith.constant 0 : i32
      %dma_wait3A_672 = tpu.memref_slice %arg7[%add3A_670, %dma_wait3A_671] : memref<80x128xi32, #tpu.memory_space<vmem>> -> memref<1x128xi32, #tpu.memory_space<vmem>>
      %dma_wait3A_673 = tpu.memref_squeeze %dma_wait3A_672 : memref<1x128xi32, #tpu.memory_space<vmem>> -> memref<128xi32, #tpu.memory_space<vmem>>
      %dma_wait3A_674 = arith.constant 0 : i32
      %dma_wait3A_675 = arith.constant 0 : i32
      %dma_wait3A_676 = tpu.memref_slice %arg2[%arg0, %dma_wait3A_674, %dma_wait3A_675] : memref<2x10000x64xf32, #tpu.memory_space<hbm>> -> memref<1x10000x64xf32, #tpu.memory_space<hbm>>
      %dma_wait3A_677 = tpu.memref_squeeze %dma_wait3A_676 : memref<1x10000x64xf32, #tpu.memory_space<hbm>> -> memref<10000x64xf32, #tpu.memory_space<hbm>>
      %dma_wait3A_678 = arith.constant 0 : i32
      %dma_wait3A_679 = arith.constant 0 : i32
      %dma_wait3A_680 = tpu.memref_slice %dma_wait3A_677[%dma_wait3A_678, %dma_wait3A_679] : memref<10000x64xf32, #tpu.memory_space<hbm>> -> memref<10000x64xf32, #tpu.memory_space<hbm>>
      tpu.wait_indirect_dma semaphore(%arg18 : memref<!tpu.dma_semaphore, #tpu.memory_space<semaphore_mem>>) src(%dma_wait3A_680 : memref<10000x64xf32, #tpu.memory_space<hbm>>) dst(%arg9 : memref<128x64xf32, #tpu.memory_space<vmem>>)
      %dma_start3A_681 = arith.constant 0 : i32
      %dma_start3A_682 = tpu.memref_slice %arg8[%add3A_670, %dma_start3A_681] : memref<80x128xi32, #tpu.memory_space<vmem>> -> memref<1x128xi32, #tpu.memory_space<vmem>>
      %dma_start3A_683 = tpu.memref_squeeze %dma_start3A_682 : memref<1x128xi32, #tpu.memory_space<vmem>> -> memref<128xi32, #tpu.memory_space<vmem>>
      %dma_start3A_684 = arith.constant 0 : i32
      %dma_start3A_685 = arith.constant 0 : i32
      %dma_start3A_686 = tpu.memref_slice %arg17[%dma_start3A_684, %dma_start3A_685] : memref<10008x64xf32, #tpu.memory_space<vmem_shared>> -> memref<10008x64xf32, #tpu.memory_space<vmem_shared>>
      tpu.enqueue_indirect_dma source(%arg9 : memref<128x64xf32, #tpu.memory_space<vmem>>) target(%dma_start3A_686 : memref<10008x64xf32, #tpu.memory_space<vmem_shared>>) offsets(%dma_start3A_683 : memref<128xi32, #tpu.memory_space<vmem>>) semaphore(%arg26 : memref<!tpu.dma_semaphore, #tpu.memory_space<semaphore_mem>>) {add = true}
      %sub3A_687 = arith.constant 6 : i32
      %sub3A_688 = arith.subi %add3A_670, %sub3A_687 : i32
      %dma_wait3A_689 = arith.constant 0 : i32
      %dma_wait3A_690 = tpu.memref_slice %arg8[%sub3A_688, %dma_wait3A_689] : memref<80x128xi32, #tpu.memory_space<vmem>> -> memref<1x128xi32, #tpu.memory_space<vmem>>
      %dma_wait3A_691 = tpu.memref_squeeze %dma_wait3A_690 : memref<1x128xi32, #tpu.memory_space<vmem>> -> memref<128xi32, #tpu.memory_space<vmem>>
      %dma_wait3A_692 = arith.constant 0 : i32
      %dma_wait3A_693 = arith.constant 0 : i32
      %dma_wait3A_694 = tpu.memref_slice %arg17[%dma_wait3A_692, %dma_wait3A_693] : memref<10008x64xf32, #tpu.memory_space<vmem_shared>> -> memref<10008x64xf32, #tpu.memory_space<vmem_shared>>
      tpu.wait_indirect_dma semaphore(%arg28 : memref<!tpu.dma_semaphore, #tpu.memory_space<semaphore_mem>>) src(%arg11 : memref<128x64xf32, #tpu.memory_space<vmem>>) dst(%dma_wait3A_694 : memref<10008x64xf32, #tpu.memory_space<vmem_shared>>)
      %add3A_695 = arith.constant 2 : i32
      %add3A_696 = arith.addi %add3A_670, %add3A_695 : i32
      %dma_start3A_697 = arith.constant 0 : i32
      %dma_start3A_698 = tpu.memref_slice %arg7[%add3A_696, %dma_start3A_697] : memref<80x128xi32, #tpu.memory_space<vmem>> -> memref<1x128xi32, #tpu.memory_space<vmem>>
      %dma_start3A_699 = tpu.memref_squeeze %dma_start3A_698 : memref<1x128xi32, #tpu.memory_space<vmem>> -> memref<128xi32, #tpu.memory_space<vmem>>
      %dma_start3A_700 = arith.constant 0 : i32
      %dma_start3A_701 = arith.constant 0 : i32
      %dma_start3A_702 = tpu.memref_slice %arg2[%arg0, %dma_start3A_700, %dma_start3A_701] : memref<2x10000x64xf32, #tpu.memory_space<hbm>> -> memref<1x10000x64xf32, #tpu.memory_space<hbm>>
      %dma_start3A_703 = tpu.memref_squeeze %dma_start3A_702 : memref<1x10000x64xf32, #tpu.memory_space<hbm>> -> memref<10000x64xf32, #tpu.memory_space<hbm>>
      %dma_start3A_704 = arith.constant 0 : i32
      %dma_start3A_705 = arith.constant 0 : i32
      %dma_start3A_706 = tpu.memref_slice %dma_start3A_703[%dma_start3A_704, %dma_start3A_705] : memref<10000x64xf32, #tpu.memory_space<hbm>> -> memref<10000x64xf32, #tpu.memory_space<hbm>>
      tpu.enqueue_indirect_dma source(%dma_start3A_706 : memref<10000x64xf32, #tpu.memory_space<hbm>>) target(%arg11 : memref<128x64xf32, #tpu.memory_space<vmem>>) offsets(%dma_start3A_699 : memref<128xi32, #tpu.memory_space<vmem>>) semaphore(%arg20 : memref<!tpu.dma_semaphore, #tpu.memory_space<semaphore_mem>>)
      %add3A_707 = arith.constant 3 : i32
      %add3A_708 = arith.addi %add3A_593, %add3A_707 : i32
      %dma_wait3A_709 = arith.constant 0 : i32
      %dma_wait3A_710 = tpu.memref_slice %arg7[%add3A_708, %dma_wait3A_709] : memref<80x128xi32, #tpu.memory_space<vmem>> -> memref<1x128xi32, #tpu.memory_space<vmem>>
      %dma_wait3A_711 = tpu.memref_squeeze %dma_wait3A_710 : memref<1x128xi32, #tpu.memory_space<vmem>> -> memref<128xi32, #tpu.memory_space<vmem>>
      %dma_wait3A_712 = arith.constant 0 : i32
      %dma_wait3A_713 = arith.constant 0 : i32
      %dma_wait3A_714 = tpu.memref_slice %arg2[%arg0, %dma_wait3A_712, %dma_wait3A_713] : memref<2x10000x64xf32, #tpu.memory_space<hbm>> -> memref<1x10000x64xf32, #tpu.memory_space<hbm>>
      %dma_wait3A_715 = tpu.memref_squeeze %dma_wait3A_714 : memref<1x10000x64xf32, #tpu.memory_space<hbm>> -> memref<10000x64xf32, #tpu.memory_space<hbm>>
      %dma_wait3A_716 = arith.constant 0 : i32
      %dma_wait3A_717 = arith.constant 0 : i32
      %dma_wait3A_718 = tpu.memref_slice %dma_wait3A_715[%dma_wait3A_716, %dma_wait3A_717] : memref<10000x64xf32, #tpu.memory_space<hbm>> -> memref<10000x64xf32, #tpu.memory_space<hbm>>
      tpu.wait_indirect_dma semaphore(%arg19 : memref<!tpu.dma_semaphore, #tpu.memory_space<semaphore_mem>>) src(%dma_wait3A_718 : memref<10000x64xf32, #tpu.memory_space<hbm>>) dst(%arg10 : memref<128x64xf32, #tpu.memory_space<vmem>>)
      %dma_start3A_719 = arith.constant 0 : i32
      %dma_start3A_720 = tpu.memref_slice %arg8[%add3A_708, %dma_start3A_719] : memref<80x128xi32, #tpu.memory_space<vmem>> -> memref<1x128xi32, #tpu.memory_space<vmem>>
      %dma_start3A_721 = tpu.memref_squeeze %dma_start3A_720 : memref<1x128xi32, #tpu.memory_space<vmem>> -> memref<128xi32, #tpu.memory_space<vmem>>
      %dma_start3A_722 = arith.constant 0 : i32
      %dma_start3A_723 = arith.constant 0 : i32
      %dma_start3A_724 = tpu.memref_slice %arg17[%dma_start3A_722, %dma_start3A_723] : memref<10008x64xf32, #tpu.memory_space<vmem_shared>> -> memref<10008x64xf32, #tpu.memory_space<vmem_shared>>
      tpu.enqueue_indirect_dma source(%arg10 : memref<128x64xf32, #tpu.memory_space<vmem>>) target(%dma_start3A_724 : memref<10008x64xf32, #tpu.memory_space<vmem_shared>>) offsets(%dma_start3A_721 : memref<128xi32, #tpu.memory_space<vmem>>) semaphore(%arg27 : memref<!tpu.dma_semaphore, #tpu.memory_space<semaphore_mem>>) {add = true}
      %sub3A_725 = arith.constant 6 : i32
      %sub3A_726 = arith.subi %add3A_708, %sub3A_725 : i32
      %dma_wait3A_727 = arith.constant 0 : i32
      %dma_wait3A_728 = tpu.memref_slice %arg8[%sub3A_726, %dma_wait3A_727] : memref<80x128xi32, #tpu.memory_space<vmem>> -> memref<1x128xi32, #tpu.memory_space<vmem>>
      %dma_wait3A_729 = tpu.memref_squeeze %dma_wait3A_728 : memref<1x128xi32, #tpu.memory_space<vmem>> -> memref<128xi32, #tpu.memory_space<vmem>>
      %dma_wait3A_730 = arith.constant 0 : i32
      %dma_wait3A_731 = arith.constant 0 : i32
      %dma_wait3A_732 = tpu.memref_slice %arg17[%dma_wait3A_730, %dma_wait3A_731] : memref<10008x64xf32, #tpu.memory_space<vmem_shared>> -> memref<10008x64xf32, #tpu.memory_space<vmem_shared>>
      tpu.wait_indirect_dma semaphore(%arg29 : memref<!tpu.dma_semaphore, #tpu.memory_space<semaphore_mem>>) src(%arg12 : memref<128x64xf32, #tpu.memory_space<vmem>>) dst(%dma_wait3A_732 : memref<10008x64xf32, #tpu.memory_space<vmem_shared>>)
      %add3A_733 = arith.constant 2 : i32
      %add3A_734 = arith.addi %add3A_708, %add3A_733 : i32
      %dma_start3A_735 = arith.constant 0 : i32
      %dma_start3A_736 = tpu.memref_slice %arg7[%add3A_734, %dma_start3A_735] : memref<80x128xi32, #tpu.memory_space<vmem>> -> memref<1x128xi32, #tpu.memory_space<vmem>>
      %dma_start3A_737 = tpu.memref_squeeze %dma_start3A_736 : memref<1x128xi32, #tpu.memory_space<vmem>> -> memref<128xi32, #tpu.memory_space<vmem>>
      %dma_start3A_738 = arith.constant 0 : i32
      %dma_start3A_739 = arith.constant 0 : i32
      %dma_start3A_740 = tpu.memref_slice %arg2[%arg0, %dma_start3A_738, %dma_start3A_739] : memref<2x10000x64xf32, #tpu.memory_space<hbm>> -> memref<1x10000x64xf32, #tpu.memory_space<hbm>>
      %dma_start3A_741 = tpu.memref_squeeze %dma_start3A_740 : memref<1x10000x64xf32, #tpu.memory_space<hbm>> -> memref<10000x64xf32, #tpu.memory_space<hbm>>
      %dma_start3A_742 = arith.constant 0 : i32
      %dma_start3A_743 = arith.constant 0 : i32
      %dma_start3A_744 = tpu.memref_slice %dma_start3A_741[%dma_start3A_742, %dma_start3A_743] : memref<10000x64xf32, #tpu.memory_space<hbm>> -> memref<10000x64xf32, #tpu.memory_space<hbm>>
      tpu.enqueue_indirect_dma source(%dma_start3A_744 : memref<10000x64xf32, #tpu.memory_space<hbm>>) target(%arg12 : memref<128x64xf32, #tpu.memory_space<vmem>>) offsets(%dma_start3A_737 : memref<128xi32, #tpu.memory_space<vmem>>) semaphore(%arg21 : memref<!tpu.dma_semaphore, #tpu.memory_space<semaphore_mem>>)
      %add3A_745 = arith.constant 4 : i32
      %add3A_746 = arith.addi %add3A_593, %add3A_745 : i32
      %dma_wait3A_747 = arith.constant 0 : i32
      %dma_wait3A_748 = tpu.memref_slice %arg7[%add3A_746, %dma_wait3A_747] : memref<80x128xi32, #tpu.memory_space<vmem>> -> memref<1x128xi32, #tpu.memory_space<vmem>>
      %dma_wait3A_749 = tpu.memref_squeeze %dma_wait3A_748 : memref<1x128xi32, #tpu.memory_space<vmem>> -> memref<128xi32, #tpu.memory_space<vmem>>
      %dma_wait3A_750 = arith.constant 0 : i32
      %dma_wait3A_751 = arith.constant 0 : i32
      %dma_wait3A_752 = tpu.memref_slice %arg2[%arg0, %dma_wait3A_750, %dma_wait3A_751] : memref<2x10000x64xf32, #tpu.memory_space<hbm>> -> memref<1x10000x64xf32, #tpu.memory_space<hbm>>
      %dma_wait3A_753 = tpu.memref_squeeze %dma_wait3A_752 : memref<1x10000x64xf32, #tpu.memory_space<hbm>> -> memref<10000x64xf32, #tpu.memory_space<hbm>>
      %dma_wait3A_754 = arith.constant 0 : i32
      %dma_wait3A_755 = arith.constant 0 : i32
      %dma_wait3A_756 = tpu.memref_slice %dma_wait3A_753[%dma_wait3A_754, %dma_wait3A_755] : memref<10000x64xf32, #tpu.memory_space<hbm>> -> memref<10000x64xf32, #tpu.memory_space<hbm>>
      tpu.wait_indirect_dma semaphore(%arg20 : memref<!tpu.dma_semaphore, #tpu.memory_space<semaphore_mem>>) src(%dma_wait3A_756 : memref<10000x64xf32, #tpu.memory_space<hbm>>) dst(%arg11 : memref<128x64xf32, #tpu.memory_space<vmem>>)
      %dma_start3A_757 = arith.constant 0 : i32
      %dma_start3A_758 = tpu.memref_slice %arg8[%add3A_746, %dma_start3A_757] : memref<80x128xi32, #tpu.memory_space<vmem>> -> memref<1x128xi32, #tpu.memory_space<vmem>>
      %dma_start3A_759 = tpu.memref_squeeze %dma_start3A_758 : memref<1x128xi32, #tpu.memory_space<vmem>> -> memref<128xi32, #tpu.memory_space<vmem>>
      %dma_start3A_760 = arith.constant 0 : i32
      %dma_start3A_761 = arith.constant 0 : i32
      %dma_start3A_762 = tpu.memref_slice %arg17[%dma_start3A_760, %dma_start3A_761] : memref<10008x64xf32, #tpu.memory_space<vmem_shared>> -> memref<10008x64xf32, #tpu.memory_space<vmem_shared>>
      tpu.enqueue_indirect_dma source(%arg11 : memref<128x64xf32, #tpu.memory_space<vmem>>) target(%dma_start3A_762 : memref<10008x64xf32, #tpu.memory_space<vmem_shared>>) offsets(%dma_start3A_759 : memref<128xi32, #tpu.memory_space<vmem>>) semaphore(%arg28 : memref<!tpu.dma_semaphore, #tpu.memory_space<semaphore_mem>>) {add = true}
      %sub3A_763 = arith.constant 6 : i32
      %sub3A_764 = arith.subi %add3A_746, %sub3A_763 : i32
      %dma_wait3A_765 = arith.constant 0 : i32
      %dma_wait3A_766 = tpu.memref_slice %arg8[%sub3A_764, %dma_wait3A_765] : memref<80x128xi32, #tpu.memory_space<vmem>> -> memref<1x128xi32, #tpu.memory_space<vmem>>
      %dma_wait3A_767 = tpu.memref_squeeze %dma_wait3A_766 : memref<1x128xi32, #tpu.memory_space<vmem>> -> memref<128xi32, #tpu.memory_space<vmem>>
      %dma_wait3A_768 = arith.constant 0 : i32
      %dma_wait3A_769 = arith.constant 0 : i32
      %dma_wait3A_770 = tpu.memref_slice %arg17[%dma_wait3A_768, %dma_wait3A_769] : memref<10008x64xf32, #tpu.memory_space<vmem_shared>> -> memref<10008x64xf32, #tpu.memory_space<vmem_shared>>
      tpu.wait_indirect_dma semaphore(%arg30 : memref<!tpu.dma_semaphore, #tpu.memory_space<semaphore_mem>>) src(%arg13 : memref<128x64xf32, #tpu.memory_space<vmem>>) dst(%dma_wait3A_770 : memref<10008x64xf32, #tpu.memory_space<vmem_shared>>)
      %add3A_771 = arith.constant 2 : i32
      %add3A_772 = arith.addi %add3A_746, %add3A_771 : i32
      %dma_start3A_773 = arith.constant 0 : i32
      %dma_start3A_774 = tpu.memref_slice %arg7[%add3A_772, %dma_start3A_773] : memref<80x128xi32, #tpu.memory_space<vmem>> -> memref<1x128xi32, #tpu.memory_space<vmem>>
      %dma_start3A_775 = tpu.memref_squeeze %dma_start3A_774 : memref<1x128xi32, #tpu.memory_space<vmem>> -> memref<128xi32, #tpu.memory_space<vmem>>
      %dma_start3A_776 = arith.constant 0 : i32
      %dma_start3A_777 = arith.constant 0 : i32
      %dma_start3A_778 = tpu.memref_slice %arg2[%arg0, %dma_start3A_776, %dma_start3A_777] : memref<2x10000x64xf32, #tpu.memory_space<hbm>> -> memref<1x10000x64xf32, #tpu.memory_space<hbm>>
      %dma_start3A_779 = tpu.memref_squeeze %dma_start3A_778 : memref<1x10000x64xf32, #tpu.memory_space<hbm>> -> memref<10000x64xf32, #tpu.memory_space<hbm>>
      %dma_start3A_780 = arith.constant 0 : i32
      %dma_start3A_781 = arith.constant 0 : i32
      %dma_start3A_782 = tpu.memref_slice %dma_start3A_779[%dma_start3A_780, %dma_start3A_781] : memref<10000x64xf32, #tpu.memory_space<hbm>> -> memref<10000x64xf32, #tpu.memory_space<hbm>>
      tpu.enqueue_indirect_dma source(%dma_start3A_782 : memref<10000x64xf32, #tpu.memory_space<hbm>>) target(%arg13 : memref<128x64xf32, #tpu.memory_space<vmem>>) offsets(%dma_start3A_775 : memref<128xi32, #tpu.memory_space<vmem>>) semaphore(%arg22 : memref<!tpu.dma_semaphore, #tpu.memory_space<semaphore_mem>>)
      %add3A_783 = arith.constant 5 : i32
      %add3A_784 = arith.addi %add3A_593, %add3A_783 : i32
      %dma_wait3A_785 = arith.constant 0 : i32
      %dma_wait3A_786 = tpu.memref_slice %arg7[%add3A_784, %dma_wait3A_785] : memref<80x128xi32, #tpu.memory_space<vmem>> -> memref<1x128xi32, #tpu.memory_space<vmem>>
      %dma_wait3A_787 = tpu.memref_squeeze %dma_wait3A_786 : memref<1x128xi32, #tpu.memory_space<vmem>> -> memref<128xi32, #tpu.memory_space<vmem>>
      %dma_wait3A_788 = arith.constant 0 : i32
      %dma_wait3A_789 = arith.constant 0 : i32
      %dma_wait3A_790 = tpu.memref_slice %arg2[%arg0, %dma_wait3A_788, %dma_wait3A_789] : memref<2x10000x64xf32, #tpu.memory_space<hbm>> -> memref<1x10000x64xf32, #tpu.memory_space<hbm>>
      %dma_wait3A_791 = tpu.memref_squeeze %dma_wait3A_790 : memref<1x10000x64xf32, #tpu.memory_space<hbm>> -> memref<10000x64xf32, #tpu.memory_space<hbm>>
      %dma_wait3A_792 = arith.constant 0 : i32
      %dma_wait3A_793 = arith.constant 0 : i32
      %dma_wait3A_794 = tpu.memref_slice %dma_wait3A_791[%dma_wait3A_792, %dma_wait3A_793] : memref<10000x64xf32, #tpu.memory_space<hbm>> -> memref<10000x64xf32, #tpu.memory_space<hbm>>
      tpu.wait_indirect_dma semaphore(%arg21 : memref<!tpu.dma_semaphore, #tpu.memory_space<semaphore_mem>>) src(%dma_wait3A_794 : memref<10000x64xf32, #tpu.memory_space<hbm>>) dst(%arg12 : memref<128x64xf32, #tpu.memory_space<vmem>>)
      %dma_start3A_795 = arith.constant 0 : i32
      %dma_start3A_796 = tpu.memref_slice %arg8[%add3A_784, %dma_start3A_795] : memref<80x128xi32, #tpu.memory_space<vmem>> -> memref<1x128xi32, #tpu.memory_space<vmem>>
      %dma_start3A_797 = tpu.memref_squeeze %dma_start3A_796 : memref<1x128xi32, #tpu.memory_space<vmem>> -> memref<128xi32, #tpu.memory_space<vmem>>
      %dma_start3A_798 = arith.constant 0 : i32
      %dma_start3A_799 = arith.constant 0 : i32
      %dma_start3A_800 = tpu.memref_slice %arg17[%dma_start3A_798, %dma_start3A_799] : memref<10008x64xf32, #tpu.memory_space<vmem_shared>> -> memref<10008x64xf32, #tpu.memory_space<vmem_shared>>
      tpu.enqueue_indirect_dma source(%arg12 : memref<128x64xf32, #tpu.memory_space<vmem>>) target(%dma_start3A_800 : memref<10008x64xf32, #tpu.memory_space<vmem_shared>>) offsets(%dma_start3A_797 : memref<128xi32, #tpu.memory_space<vmem>>) semaphore(%arg29 : memref<!tpu.dma_semaphore, #tpu.memory_space<semaphore_mem>>) {add = true}
      %sub3A_801 = arith.constant 6 : i32
      %sub3A_802 = arith.subi %add3A_784, %sub3A_801 : i32
      %dma_wait3A_803 = arith.constant 0 : i32
      %dma_wait3A_804 = tpu.memref_slice %arg8[%sub3A_802, %dma_wait3A_803] : memref<80x128xi32, #tpu.memory_space<vmem>> -> memref<1x128xi32, #tpu.memory_space<vmem>>
      %dma_wait3A_805 = tpu.memref_squeeze %dma_wait3A_804 : memref<1x128xi32, #tpu.memory_space<vmem>> -> memref<128xi32, #tpu.memory_space<vmem>>
      %dma_wait3A_806 = arith.constant 0 : i32
      %dma_wait3A_807 = arith.constant 0 : i32
      %dma_wait3A_808 = tpu.memref_slice %arg17[%dma_wait3A_806, %dma_wait3A_807] : memref<10008x64xf32, #tpu.memory_space<vmem_shared>> -> memref<10008x64xf32, #tpu.memory_space<vmem_shared>>
      tpu.wait_indirect_dma semaphore(%arg31 : memref<!tpu.dma_semaphore, #tpu.memory_space<semaphore_mem>>) src(%arg14 : memref<128x64xf32, #tpu.memory_space<vmem>>) dst(%dma_wait3A_808 : memref<10008x64xf32, #tpu.memory_space<vmem_shared>>)
      %add3A_809 = arith.constant 2 : i32
      %add3A_810 = arith.addi %add3A_784, %add3A_809 : i32
      %dma_start3A_811 = arith.constant 0 : i32
      %dma_start3A_812 = tpu.memref_slice %arg7[%add3A_810, %dma_start3A_811] : memref<80x128xi32, #tpu.memory_space<vmem>> -> memref<1x128xi32, #tpu.memory_space<vmem>>
      %dma_start3A_813 = tpu.memref_squeeze %dma_start3A_812 : memref<1x128xi32, #tpu.memory_space<vmem>> -> memref<128xi32, #tpu.memory_space<vmem>>
      %dma_start3A_814 = arith.constant 0 : i32
      %dma_start3A_815 = arith.constant 0 : i32
      %dma_start3A_816 = tpu.memref_slice %arg2[%arg0, %dma_start3A_814, %dma_start3A_815] : memref<2x10000x64xf32, #tpu.memory_space<hbm>> -> memref<1x10000x64xf32, #tpu.memory_space<hbm>>
      %dma_start3A_817 = tpu.memref_squeeze %dma_start3A_816 : memref<1x10000x64xf32, #tpu.memory_space<hbm>> -> memref<10000x64xf32, #tpu.memory_space<hbm>>
      %dma_start3A_818 = arith.constant 0 : i32
      %dma_start3A_819 = arith.constant 0 : i32
      %dma_start3A_820 = tpu.memref_slice %dma_start3A_817[%dma_start3A_818, %dma_start3A_819] : memref<10000x64xf32, #tpu.memory_space<hbm>> -> memref<10000x64xf32, #tpu.memory_space<hbm>>
      tpu.enqueue_indirect_dma source(%dma_start3A_820 : memref<10000x64xf32, #tpu.memory_space<hbm>>) target(%arg14 : memref<128x64xf32, #tpu.memory_space<vmem>>) offsets(%dma_start3A_813 : memref<128xi32, #tpu.memory_space<vmem>>) semaphore(%arg23 : memref<!tpu.dma_semaphore, #tpu.memory_space<semaphore_mem>>)
      %add3A_821 = arith.constant 6 : i32
      %add3A_822 = arith.addi %add3A_593, %add3A_821 : i32
      %dma_wait3A_823 = arith.constant 0 : i32
      %dma_wait3A_824 = tpu.memref_slice %arg7[%add3A_822, %dma_wait3A_823] : memref<80x128xi32, #tpu.memory_space<vmem>> -> memref<1x128xi32, #tpu.memory_space<vmem>>
      %dma_wait3A_825 = tpu.memref_squeeze %dma_wait3A_824 : memref<1x128xi32, #tpu.memory_space<vmem>> -> memref<128xi32, #tpu.memory_space<vmem>>
      %dma_wait3A_826 = arith.constant 0 : i32
      %dma_wait3A_827 = arith.constant 0 : i32
      %dma_wait3A_828 = tpu.memref_slice %arg2[%arg0, %dma_wait3A_826, %dma_wait3A_827] : memref<2x10000x64xf32, #tpu.memory_space<hbm>> -> memref<1x10000x64xf32, #tpu.memory_space<hbm>>
      %dma_wait3A_829 = tpu.memref_squeeze %dma_wait3A_828 : memref<1x10000x64xf32, #tpu.memory_space<hbm>> -> memref<10000x64xf32, #tpu.memory_space<hbm>>
      %dma_wait3A_830 = arith.constant 0 : i32
      %dma_wait3A_831 = arith.constant 0 : i32
      %dma_wait3A_832 = tpu.memref_slice %dma_wait3A_829[%dma_wait3A_830, %dma_wait3A_831] : memref<10000x64xf32, #tpu.memory_space<hbm>> -> memref<10000x64xf32, #tpu.memory_space<hbm>>
      tpu.wait_indirect_dma semaphore(%arg22 : memref<!tpu.dma_semaphore, #tpu.memory_space<semaphore_mem>>) src(%dma_wait3A_832 : memref<10000x64xf32, #tpu.memory_space<hbm>>) dst(%arg13 : memref<128x64xf32, #tpu.memory_space<vmem>>)
      %dma_start3A_833 = arith.constant 0 : i32
      %dma_start3A_834 = tpu.memref_slice %arg8[%add3A_822, %dma_start3A_833] : memref<80x128xi32, #tpu.memory_space<vmem>> -> memref<1x128xi32, #tpu.memory_space<vmem>>
      %dma_start3A_835 = tpu.memref_squeeze %dma_start3A_834 : memref<1x128xi32, #tpu.memory_space<vmem>> -> memref<128xi32, #tpu.memory_space<vmem>>
      %dma_start3A_836 = arith.constant 0 : i32
      %dma_start3A_837 = arith.constant 0 : i32
      %dma_start3A_838 = tpu.memref_slice %arg17[%dma_start3A_836, %dma_start3A_837] : memref<10008x64xf32, #tpu.memory_space<vmem_shared>> -> memref<10008x64xf32, #tpu.memory_space<vmem_shared>>
      tpu.enqueue_indirect_dma source(%arg13 : memref<128x64xf32, #tpu.memory_space<vmem>>) target(%dma_start3A_838 : memref<10008x64xf32, #tpu.memory_space<vmem_shared>>) offsets(%dma_start3A_835 : memref<128xi32, #tpu.memory_space<vmem>>) semaphore(%arg30 : memref<!tpu.dma_semaphore, #tpu.memory_space<semaphore_mem>>) {add = true}
      %sub3A_839 = arith.constant 6 : i32
      %sub3A_840 = arith.subi %add3A_822, %sub3A_839 : i32
      %dma_wait3A_841 = arith.constant 0 : i32
      %dma_wait3A_842 = tpu.memref_slice %arg8[%sub3A_840, %dma_wait3A_841] : memref<80x128xi32, #tpu.memory_space<vmem>> -> memref<1x128xi32, #tpu.memory_space<vmem>>
      %dma_wait3A_843 = tpu.memref_squeeze %dma_wait3A_842 : memref<1x128xi32, #tpu.memory_space<vmem>> -> memref<128xi32, #tpu.memory_space<vmem>>
      %dma_wait3A_844 = arith.constant 0 : i32
      %dma_wait3A_845 = arith.constant 0 : i32
      %dma_wait3A_846 = tpu.memref_slice %arg17[%dma_wait3A_844, %dma_wait3A_845] : memref<10008x64xf32, #tpu.memory_space<vmem_shared>> -> memref<10008x64xf32, #tpu.memory_space<vmem_shared>>
      tpu.wait_indirect_dma semaphore(%arg32 : memref<!tpu.dma_semaphore, #tpu.memory_space<semaphore_mem>>) src(%arg15 : memref<128x64xf32, #tpu.memory_space<vmem>>) dst(%dma_wait3A_846 : memref<10008x64xf32, #tpu.memory_space<vmem_shared>>)
      %add3A_847 = arith.constant 2 : i32
      %add3A_848 = arith.addi %add3A_822, %add3A_847 : i32
      %dma_start3A_849 = arith.constant 0 : i32
      %dma_start3A_850 = tpu.memref_slice %arg7[%add3A_848, %dma_start3A_849] : memref<80x128xi32, #tpu.memory_space<vmem>> -> memref<1x128xi32, #tpu.memory_space<vmem>>
      %dma_start3A_851 = tpu.memref_squeeze %dma_start3A_850 : memref<1x128xi32, #tpu.memory_space<vmem>> -> memref<128xi32, #tpu.memory_space<vmem>>
      %dma_start3A_852 = arith.constant 0 : i32
      %dma_start3A_853 = arith.constant 0 : i32
      %dma_start3A_854 = tpu.memref_slice %arg2[%arg0, %dma_start3A_852, %dma_start3A_853] : memref<2x10000x64xf32, #tpu.memory_space<hbm>> -> memref<1x10000x64xf32, #tpu.memory_space<hbm>>
      %dma_start3A_855 = tpu.memref_squeeze %dma_start3A_854 : memref<1x10000x64xf32, #tpu.memory_space<hbm>> -> memref<10000x64xf32, #tpu.memory_space<hbm>>
      %dma_start3A_856 = arith.constant 0 : i32
      %dma_start3A_857 = arith.constant 0 : i32
      %dma_start3A_858 = tpu.memref_slice %dma_start3A_855[%dma_start3A_856, %dma_start3A_857] : memref<10000x64xf32, #tpu.memory_space<hbm>> -> memref<10000x64xf32, #tpu.memory_space<hbm>>
      tpu.enqueue_indirect_dma source(%dma_start3A_858 : memref<10000x64xf32, #tpu.memory_space<hbm>>) target(%arg15 : memref<128x64xf32, #tpu.memory_space<vmem>>) offsets(%dma_start3A_851 : memref<128xi32, #tpu.memory_space<vmem>>) semaphore(%arg24 : memref<!tpu.dma_semaphore, #tpu.memory_space<semaphore_mem>>)
      %add3A_859 = arith.constant 7 : i32
      %add3A_860 = arith.addi %add3A_593, %add3A_859 : i32
      %dma_wait3A_861 = arith.constant 0 : i32
      %dma_wait3A_862 = tpu.memref_slice %arg7[%add3A_860, %dma_wait3A_861] : memref<80x128xi32, #tpu.memory_space<vmem>> -> memref<1x128xi32, #tpu.memory_space<vmem>>
      %dma_wait3A_863 = tpu.memref_squeeze %dma_wait3A_862 : memref<1x128xi32, #tpu.memory_space<vmem>> -> memref<128xi32, #tpu.memory_space<vmem>>
      %dma_wait3A_864 = arith.constant 0 : i32
      %dma_wait3A_865 = arith.constant 0 : i32
      %dma_wait3A_866 = tpu.memref_slice %arg2[%arg0, %dma_wait3A_864, %dma_wait3A_865] : memref<2x10000x64xf32, #tpu.memory_space<hbm>> -> memref<1x10000x64xf32, #tpu.memory_space<hbm>>
      %dma_wait3A_867 = tpu.memref_squeeze %dma_wait3A_866 : memref<1x10000x64xf32, #tpu.memory_space<hbm>> -> memref<10000x64xf32, #tpu.memory_space<hbm>>
      %dma_wait3A_868 = arith.constant 0 : i32
      %dma_wait3A_869 = arith.constant 0 : i32
      %dma_wait3A_870 = tpu.memref_slice %dma_wait3A_867[%dma_wait3A_868, %dma_wait3A_869] : memref<10000x64xf32, #tpu.memory_space<hbm>> -> memref<10000x64xf32, #tpu.memory_space<hbm>>
      tpu.wait_indirect_dma semaphore(%arg23 : memref<!tpu.dma_semaphore, #tpu.memory_space<semaphore_mem>>) src(%dma_wait3A_870 : memref<10000x64xf32, #tpu.memory_space<hbm>>) dst(%arg14 : memref<128x64xf32, #tpu.memory_space<vmem>>)
      %dma_start3A_871 = arith.constant 0 : i32
      %dma_start3A_872 = tpu.memref_slice %arg8[%add3A_860, %dma_start3A_871] : memref<80x128xi32, #tpu.memory_space<vmem>> -> memref<1x128xi32, #tpu.memory_space<vmem>>
      %dma_start3A_873 = tpu.memref_squeeze %dma_start3A_872 : memref<1x128xi32, #tpu.memory_space<vmem>> -> memref<128xi32, #tpu.memory_space<vmem>>
      %dma_start3A_874 = arith.constant 0 : i32
      %dma_start3A_875 = arith.constant 0 : i32
      %dma_start3A_876 = tpu.memref_slice %arg17[%dma_start3A_874, %dma_start3A_875] : memref<10008x64xf32, #tpu.memory_space<vmem_shared>> -> memref<10008x64xf32, #tpu.memory_space<vmem_shared>>
      tpu.enqueue_indirect_dma source(%arg14 : memref<128x64xf32, #tpu.memory_space<vmem>>) target(%dma_start3A_876 : memref<10008x64xf32, #tpu.memory_space<vmem_shared>>) offsets(%dma_start3A_873 : memref<128xi32, #tpu.memory_space<vmem>>) semaphore(%arg31 : memref<!tpu.dma_semaphore, #tpu.memory_space<semaphore_mem>>) {add = true}
      %sub3A_877 = arith.constant 6 : i32
      %sub3A_878 = arith.subi %add3A_860, %sub3A_877 : i32
      %dma_wait3A_879 = arith.constant 0 : i32
      %dma_wait3A_880 = tpu.memref_slice %arg8[%sub3A_878, %dma_wait3A_879] : memref<80x128xi32, #tpu.memory_space<vmem>> -> memref<1x128xi32, #tpu.memory_space<vmem>>
      %dma_wait3A_881 = tpu.memref_squeeze %dma_wait3A_880 : memref<1x128xi32, #tpu.memory_space<vmem>> -> memref<128xi32, #tpu.memory_space<vmem>>
      %dma_wait3A_882 = arith.constant 0 : i32
      %dma_wait3A_883 = arith.constant 0 : i32
      %dma_wait3A_884 = tpu.memref_slice %arg17[%dma_wait3A_882, %dma_wait3A_883] : memref<10008x64xf32, #tpu.memory_space<vmem_shared>> -> memref<10008x64xf32, #tpu.memory_space<vmem_shared>>
      tpu.wait_indirect_dma semaphore(%arg33 : memref<!tpu.dma_semaphore, #tpu.memory_space<semaphore_mem>>) src(%arg16 : memref<128x64xf32, #tpu.memory_space<vmem>>) dst(%dma_wait3A_884 : memref<10008x64xf32, #tpu.memory_space<vmem_shared>>)
      %add3A_885 = arith.constant 2 : i32
      %add3A_886 = arith.addi %add3A_860, %add3A_885 : i32
      %dma_start3A_887 = arith.constant 0 : i32
      %dma_start3A_888 = tpu.memref_slice %arg7[%add3A_886, %dma_start3A_887] : memref<80x128xi32, #tpu.memory_space<vmem>> -> memref<1x128xi32, #tpu.memory_space<vmem>>
      %dma_start3A_889 = tpu.memref_squeeze %dma_start3A_888 : memref<1x128xi32, #tpu.memory_space<vmem>> -> memref<128xi32, #tpu.memory_space<vmem>>
      %dma_start3A_890 = arith.constant 0 : i32
      %dma_start3A_891 = arith.constant 0 : i32
      %dma_start3A_892 = tpu.memref_slice %arg2[%arg0, %dma_start3A_890, %dma_start3A_891] : memref<2x10000x64xf32, #tpu.memory_space<hbm>> -> memref<1x10000x64xf32, #tpu.memory_space<hbm>>
      %dma_start3A_893 = tpu.memref_squeeze %dma_start3A_892 : memref<1x10000x64xf32, #tpu.memory_space<hbm>> -> memref<10000x64xf32, #tpu.memory_space<hbm>>
      %dma_start3A_894 = arith.constant 0 : i32
      %dma_start3A_895 = arith.constant 0 : i32
      %dma_start3A_896 = tpu.memref_slice %dma_start3A_893[%dma_start3A_894, %dma_start3A_895] : memref<10000x64xf32, #tpu.memory_space<hbm>> -> memref<10000x64xf32, #tpu.memory_space<hbm>>
      tpu.enqueue_indirect_dma source(%dma_start3A_896 : memref<10000x64xf32, #tpu.memory_space<hbm>>) target(%arg16 : memref<128x64xf32, #tpu.memory_space<vmem>>) offsets(%dma_start3A_889 : memref<128xi32, #tpu.memory_space<vmem>>) semaphore(%arg25 : memref<!tpu.dma_semaphore, #tpu.memory_space<semaphore_mem>>)
    }
    %scan3A_492 = arith.constant 9 : i32
    %dma_wait3A_493 = arith.constant 78 : i32
    %dma_wait3A_494 = arith.constant 0 : i32
    %dma_wait3A_495 = tpu.memref_slice %arg7[%dma_wait3A_493, %dma_wait3A_494] : memref<80x128xi32, #tpu.memory_space<vmem>> -> memref<1x128xi32, #tpu.memory_space<vmem>>
    %dma_wait3A_496 = tpu.memref_squeeze %dma_wait3A_495 : memref<1x128xi32, #tpu.memory_space<vmem>> -> memref<128xi32, #tpu.memory_space<vmem>>
    %dma_wait3A_497 = arith.constant 0 : i32
    %dma_wait3A_498 = arith.constant 0 : i32
    %dma_wait3A_499 = tpu.memref_slice %arg2[%arg0, %dma_wait3A_497, %dma_wait3A_498] : memref<2x10000x64xf32, #tpu.memory_space<hbm>> -> memref<1x10000x64xf32, #tpu.memory_space<hbm>>
    %dma_wait3A_500 = tpu.memref_squeeze %dma_wait3A_499 : memref<1x10000x64xf32, #tpu.memory_space<hbm>> -> memref<10000x64xf32, #tpu.memory_space<hbm>>
    %dma_wait3A_501 = arith.constant 0 : i32
    %dma_wait3A_502 = arith.constant 0 : i32
    %dma_wait3A_503 = tpu.memref_slice %dma_wait3A_500[%dma_wait3A_501, %dma_wait3A_502] : memref<10000x64xf32, #tpu.memory_space<hbm>> -> memref<10000x64xf32, #tpu.memory_space<hbm>>
    tpu.wait_indirect_dma semaphore(%arg24 : memref<!tpu.dma_semaphore, #tpu.memory_space<semaphore_mem>>) src(%dma_wait3A_503 : memref<10000x64xf32, #tpu.memory_space<hbm>>) dst(%arg15 : memref<128x64xf32, #tpu.memory_space<vmem>>)
    %dma_start3A_504 = arith.constant 78 : i32
    %dma_start3A_505 = arith.constant 0 : i32
    %dma_start3A_506 = tpu.memref_slice %arg8[%dma_start3A_504, %dma_start3A_505] : memref<80x128xi32, #tpu.memory_space<vmem>> -> memref<1x128xi32, #tpu.memory_space<vmem>>
    %dma_start3A_507 = tpu.memref_squeeze %dma_start3A_506 : memref<1x128xi32, #tpu.memory_space<vmem>> -> memref<128xi32, #tpu.memory_space<vmem>>
    %dma_start3A_508 = arith.constant 0 : i32
    %dma_start3A_509 = arith.constant 0 : i32
    %dma_start3A_510 = tpu.memref_slice %arg17[%dma_start3A_508, %dma_start3A_509] : memref<10008x64xf32, #tpu.memory_space<vmem_shared>> -> memref<10008x64xf32, #tpu.memory_space<vmem_shared>>
    tpu.enqueue_indirect_dma source(%arg15 : memref<128x64xf32, #tpu.memory_space<vmem>>) target(%dma_start3A_510 : memref<10008x64xf32, #tpu.memory_space<vmem_shared>>) offsets(%dma_start3A_507 : memref<128xi32, #tpu.memory_space<vmem>>) semaphore(%arg32 : memref<!tpu.dma_semaphore, #tpu.memory_space<semaphore_mem>>) {add = true}
    %dma_wait3A_511 = arith.constant 79 : i32
    %dma_wait3A_512 = arith.constant 0 : i32
    %dma_wait3A_513 = tpu.memref_slice %arg7[%dma_wait3A_511, %dma_wait3A_512] : memref<80x128xi32, #tpu.memory_space<vmem>> -> memref<1x128xi32, #tpu.memory_space<vmem>>
    %dma_wait3A_514 = tpu.memref_squeeze %dma_wait3A_513 : memref<1x128xi32, #tpu.memory_space<vmem>> -> memref<128xi32, #tpu.memory_space<vmem>>
    %dma_wait3A_515 = arith.constant 0 : i32
    %dma_wait3A_516 = arith.constant 0 : i32
    %dma_wait3A_517 = tpu.memref_slice %arg2[%arg0, %dma_wait3A_515, %dma_wait3A_516] : memref<2x10000x64xf32, #tpu.memory_space<hbm>> -> memref<1x10000x64xf32, #tpu.memory_space<hbm>>
    %dma_wait3A_518 = tpu.memref_squeeze %dma_wait3A_517 : memref<1x10000x64xf32, #tpu.memory_space<hbm>> -> memref<10000x64xf32, #tpu.memory_space<hbm>>
    %dma_wait3A_519 = arith.constant 0 : i32
    %dma_wait3A_520 = arith.constant 0 : i32
    %dma_wait3A_521 = tpu.memref_slice %dma_wait3A_518[%dma_wait3A_519, %dma_wait3A_520] : memref<10000x64xf32, #tpu.memory_space<hbm>> -> memref<10000x64xf32, #tpu.memory_space<hbm>>
    tpu.wait_indirect_dma semaphore(%arg25 : memref<!tpu.dma_semaphore, #tpu.memory_space<semaphore_mem>>) src(%dma_wait3A_521 : memref<10000x64xf32, #tpu.memory_space<hbm>>) dst(%arg16 : memref<128x64xf32, #tpu.memory_space<vmem>>)
    %dma_start3A_522 = arith.constant 79 : i32
    %dma_start3A_523 = arith.constant 0 : i32
    %dma_start3A_524 = tpu.memref_slice %arg8[%dma_start3A_522, %dma_start3A_523] : memref<80x128xi32, #tpu.memory_space<vmem>> -> memref<1x128xi32, #tpu.memory_space<vmem>>
    %dma_start3A_525 = tpu.memref_squeeze %dma_start3A_524 : memref<1x128xi32, #tpu.memory_space<vmem>> -> memref<128xi32, #tpu.memory_space<vmem>>
    %dma_start3A_526 = arith.constant 0 : i32
    %dma_start3A_527 = arith.constant 0 : i32
    %dma_start3A_528 = tpu.memref_slice %arg17[%dma_start3A_526, %dma_start3A_527] : memref<10008x64xf32, #tpu.memory_space<vmem_shared>> -> memref<10008x64xf32, #tpu.memory_space<vmem_shared>>
    tpu.enqueue_indirect_dma source(%arg16 : memref<128x64xf32, #tpu.memory_space<vmem>>) target(%dma_start3A_528 : memref<10008x64xf32, #tpu.memory_space<vmem_shared>>) offsets(%dma_start3A_525 : memref<128xi32, #tpu.memory_space<vmem>>) semaphore(%arg33 : memref<!tpu.dma_semaphore, #tpu.memory_space<semaphore_mem>>) {add = true}
    %dma_wait3A_529 = arith.constant 72 : i32
    %dma_wait3A_530 = arith.constant 0 : i32
    %dma_wait3A_531 = tpu.memref_slice %arg8[%dma_wait3A_529, %dma_wait3A_530] : memref<80x128xi32, #tpu.memory_space<vmem>> -> memref<1x128xi32, #tpu.memory_space<vmem>>
    %dma_wait3A_532 = tpu.memref_squeeze %dma_wait3A_531 : memref<1x128xi32, #tpu.memory_space<vmem>> -> memref<128xi32, #tpu.memory_space<vmem>>
    %dma_wait3A_533 = arith.constant 0 : i32
    %dma_wait3A_534 = arith.constant 0 : i32
    %dma_wait3A_535 = tpu.memref_slice %arg17[%dma_wait3A_533, %dma_wait3A_534] : memref<10008x64xf32, #tpu.memory_space<vmem_shared>> -> memref<10008x64xf32, #tpu.memory_space<vmem_shared>>
    tpu.wait_indirect_dma semaphore(%arg26 : memref<!tpu.dma_semaphore, #tpu.memory_space<semaphore_mem>>) src(%arg9 : memref<128x64xf32, #tpu.memory_space<vmem>>) dst(%dma_wait3A_535 : memref<10008x64xf32, #tpu.memory_space<vmem_shared>>)
    %dma_wait3A_536 = arith.constant 73 : i32
    %dma_wait3A_537 = arith.constant 0 : i32
    %dma_wait3A_538 = tpu.memref_slice %arg8[%dma_wait3A_536, %dma_wait3A_537] : memref<80x128xi32, #tpu.memory_space<vmem>> -> memref<1x128xi32, #tpu.memory_space<vmem>>
    %dma_wait3A_539 = tpu.memref_squeeze %dma_wait3A_538 : memref<1x128xi32, #tpu.memory_space<vmem>> -> memref<128xi32, #tpu.memory_space<vmem>>
    %dma_wait3A_540 = arith.constant 0 : i32
    %dma_wait3A_541 = arith.constant 0 : i32
    %dma_wait3A_542 = tpu.memref_slice %arg17[%dma_wait3A_540, %dma_wait3A_541] : memref<10008x64xf32, #tpu.memory_space<vmem_shared>> -> memref<10008x64xf32, #tpu.memory_space<vmem_shared>>
    tpu.wait_indirect_dma semaphore(%arg27 : memref<!tpu.dma_semaphore, #tpu.memory_space<semaphore_mem>>) src(%arg10 : memref<128x64xf32, #tpu.memory_space<vmem>>) dst(%dma_wait3A_542 : memref<10008x64xf32, #tpu.memory_space<vmem_shared>>)
    %dma_wait3A_543 = arith.constant 74 : i32
    %dma_wait3A_544 = arith.constant 0 : i32
    %dma_wait3A_545 = tpu.memref_slice %arg8[%dma_wait3A_543, %dma_wait3A_544] : memref<80x128xi32, #tpu.memory_space<vmem>> -> memref<1x128xi32, #tpu.memory_space<vmem>>
    %dma_wait3A_546 = tpu.memref_squeeze %dma_wait3A_545 : memref<1x128xi32, #tpu.memory_space<vmem>> -> memref<128xi32, #tpu.memory_space<vmem>>
    %dma_wait3A_547 = arith.constant 0 : i32
    %dma_wait3A_548 = arith.constant 0 : i32
    %dma_wait3A_549 = tpu.memref_slice %arg17[%dma_wait3A_547, %dma_wait3A_548] : memref<10008x64xf32, #tpu.memory_space<vmem_shared>> -> memref<10008x64xf32, #tpu.memory_space<vmem_shared>>
    tpu.wait_indirect_dma semaphore(%arg28 : memref<!tpu.dma_semaphore, #tpu.memory_space<semaphore_mem>>) src(%arg11 : memref<128x64xf32, #tpu.memory_space<vmem>>) dst(%dma_wait3A_549 : memref<10008x64xf32, #tpu.memory_space<vmem_shared>>)
    %dma_wait3A_550 = arith.constant 75 : i32
    %dma_wait3A_551 = arith.constant 0 : i32
    %dma_wait3A_552 = tpu.memref_slice %arg8[%dma_wait3A_550, %dma_wait3A_551] : memref<80x128xi32, #tpu.memory_space<vmem>> -> memref<1x128xi32, #tpu.memory_space<vmem>>
    %dma_wait3A_553 = tpu.memref_squeeze %dma_wait3A_552 : memref<1x128xi32, #tpu.memory_space<vmem>> -> memref<128xi32, #tpu.memory_space<vmem>>
    %dma_wait3A_554 = arith.constant 0 : i32
    %dma_wait3A_555 = arith.constant 0 : i32
    %dma_wait3A_556 = tpu.memref_slice %arg17[%dma_wait3A_554, %dma_wait3A_555] : memref<10008x64xf32, #tpu.memory_space<vmem_shared>> -> memref<10008x64xf32, #tpu.memory_space<vmem_shared>>
    tpu.wait_indirect_dma semaphore(%arg29 : memref<!tpu.dma_semaphore, #tpu.memory_space<semaphore_mem>>) src(%arg12 : memref<128x64xf32, #tpu.memory_space<vmem>>) dst(%dma_wait3A_556 : memref<10008x64xf32, #tpu.memory_space<vmem_shared>>)
    %dma_wait3A_557 = arith.constant 76 : i32
    %dma_wait3A_558 = arith.constant 0 : i32
    %dma_wait3A_559 = tpu.memref_slice %arg8[%dma_wait3A_557, %dma_wait3A_558] : memref<80x128xi32, #tpu.memory_space<vmem>> -> memref<1x128xi32, #tpu.memory_space<vmem>>
    %dma_wait3A_560 = tpu.memref_squeeze %dma_wait3A_559 : memref<1x128xi32, #tpu.memory_space<vmem>> -> memref<128xi32, #tpu.memory_space<vmem>>
    %dma_wait3A_561 = arith.constant 0 : i32
    %dma_wait3A_562 = arith.constant 0 : i32
    %dma_wait3A_563 = tpu.memref_slice %arg17[%dma_wait3A_561, %dma_wait3A_562] : memref<10008x64xf32, #tpu.memory_space<vmem_shared>> -> memref<10008x64xf32, #tpu.memory_space<vmem_shared>>
    tpu.wait_indirect_dma semaphore(%arg30 : memref<!tpu.dma_semaphore, #tpu.memory_space<semaphore_mem>>) src(%arg13 : memref<128x64xf32, #tpu.memory_space<vmem>>) dst(%dma_wait3A_563 : memref<10008x64xf32, #tpu.memory_space<vmem_shared>>)
    %dma_wait3A_564 = arith.constant 77 : i32
    %dma_wait3A_565 = arith.constant 0 : i32
    %dma_wait3A_566 = tpu.memref_slice %arg8[%dma_wait3A_564, %dma_wait3A_565] : memref<80x128xi32, #tpu.memory_space<vmem>> -> memref<1x128xi32, #tpu.memory_space<vmem>>
    %dma_wait3A_567 = tpu.memref_squeeze %dma_wait3A_566 : memref<1x128xi32, #tpu.memory_space<vmem>> -> memref<128xi32, #tpu.memory_space<vmem>>
    %dma_wait3A_568 = arith.constant 0 : i32
    %dma_wait3A_569 = arith.constant 0 : i32
    %dma_wait3A_570 = tpu.memref_slice %arg17[%dma_wait3A_568, %dma_wait3A_569] : memref<10008x64xf32, #tpu.memory_space<vmem_shared>> -> memref<10008x64xf32, #tpu.memory_space<vmem_shared>>
    tpu.wait_indirect_dma semaphore(%arg31 : memref<!tpu.dma_semaphore, #tpu.memory_space<semaphore_mem>>) src(%arg14 : memref<128x64xf32, #tpu.memory_space<vmem>>) dst(%dma_wait3A_570 : memref<10008x64xf32, #tpu.memory_space<vmem_shared>>)
    %dma_wait3A_571 = arith.constant 78 : i32
    %dma_wait3A_572 = arith.constant 0 : i32
    %dma_wait3A_573 = tpu.memref_slice %arg8[%dma_wait3A_571, %dma_wait3A_572] : memref<80x128xi32, #tpu.memory_space<vmem>> -> memref<1x128xi32, #tpu.memory_space<vmem>>
    %dma_wait3A_574 = tpu.memref_squeeze %dma_wait3A_573 : memref<1x128xi32, #tpu.memory_space<vmem>> -> memref<128xi32, #tpu.memory_space<vmem>>
    %dma_wait3A_575 = arith.constant 0 : i32
    %dma_wait3A_576 = arith.constant 0 : i32
    %dma_wait3A_577 = tpu.memref_slice %arg17[%dma_wait3A_575, %dma_wait3A_576] : memref<10008x64xf32, #tpu.memory_space<vmem_shared>> -> memref<10008x64xf32, #tpu.memory_space<vmem_shared>>
    tpu.wait_indirect_dma semaphore(%arg32 : memref<!tpu.dma_semaphore, #tpu.memory_space<semaphore_mem>>) src(%arg15 : memref<128x64xf32, #tpu.memory_space<vmem>>) dst(%dma_wait3A_577 : memref<10008x64xf32, #tpu.memory_space<vmem_shared>>)
    %dma_wait3A_578 = arith.constant 79 : i32
    %dma_wait3A_579 = arith.constant 0 : i32
    %dma_wait3A_580 = tpu.memref_slice %arg8[%dma_wait3A_578, %dma_wait3A_579] : memref<80x128xi32, #tpu.memory_space<vmem>> -> memref<1x128xi32, #tpu.memory_space<vmem>>
    %dma_wait3A_581 = tpu.memref_squeeze %dma_wait3A_580 : memref<1x128xi32, #tpu.memory_space<vmem>> -> memref<128xi32, #tpu.memory_space<vmem>>
    %dma_wait3A_582 = arith.constant 0 : i32
    %dma_wait3A_583 = arith.constant 0 : i32
    %dma_wait3A_584 = tpu.memref_slice %arg17[%dma_wait3A_582, %dma_wait3A_583] : memref<10008x64xf32, #tpu.memory_space<vmem_shared>> -> memref<10008x64xf32, #tpu.memory_space<vmem_shared>>
    tpu.wait_indirect_dma semaphore(%arg33 : memref<!tpu.dma_semaphore, #tpu.memory_space<semaphore_mem>>) src(%arg16 : memref<128x64xf32, #tpu.memory_space<vmem>>) dst(%dma_wait3A_584 : memref<10008x64xf32, #tpu.memory_space<vmem_shared>>)
    %barrier3A_585 = arith.constant 0 : index
    tpu.barrier barrier_id(%barrier3A_585)
    "tpu.region"() ({
      %run_scoped3A = tpu.sem_alloc : memref<!tpu.dma_semaphore, #tpu.memory_space<semaphore_mem>>
      %dma_start3A_586 = arith.constant 0 : i32
      %dma_start3A_587 = tpu.memref_slice %arg6[%arg0, %multiple_of3A, %dma_start3A_586] : memref<2x10000x64xf32, #tpu.memory_space<hbm>> -> memref<1x632x64xf32, #tpu.memory_space<hbm>>
      %dma_start3A_588 = tpu.memref_squeeze %dma_start3A_587 : memref<1x632x64xf32, #tpu.memory_space<hbm>> -> memref<632x64xf32, #tpu.memory_space<hbm>>
      %dma_start3A_589 = arith.constant 0 : i32
      %dma_start3A_590 = tpu.memref_slice %arg17[%multiple_of3A, %dma_start3A_589] : memref<10008x64xf32, #tpu.memory_space<vmem_shared>> -> memref<632x64xf32, #tpu.memory_space<vmem_shared>>
      tpu.enqueue_dma source(%dma_start3A_590 : memref<632x64xf32, #tpu.memory_space<vmem_shared>>) target(%dma_start3A_588 : memref<632x64xf32, #tpu.memory_space<hbm>>) target_semaphore(%run_scoped3A : memref<!tpu.dma_semaphore, #tpu.memory_space<semaphore_mem>>)
      %dma_wait3A_591 = arith.constant 0 : i32
      %dma_wait3A_592 = tpu.memref_slice %arg6[%arg0, %multiple_of3A, %dma_wait3A_591] : memref<2x10000x64xf32, #tpu.memory_space<hbm>> -> memref<1x632x64xf32, #tpu.memory_space<hbm>>
      %dma_wait3A_593 = tpu.memref_squeeze %dma_wait3A_592 : memref<1x632x64xf32, #tpu.memory_space<hbm>> -> memref<632x64xf32, #tpu.memory_space<hbm>>
      %dma_wait3A_594 = arith.constant 0 : i32
      %dma_wait3A_595 = tpu.memref_slice %arg17[%multiple_of3A, %dma_wait3A_594] : memref<10008x64xf32, #tpu.memory_space<vmem_shared>> -> memref<632x64xf32, #tpu.memory_space<vmem_shared>>
      tpu.wait_dma2 semaphore(%run_scoped3A : memref<!tpu.dma_semaphore, #tpu.memory_space<semaphore_mem>>) src(%dma_wait3A_595 : memref<632x64xf32, #tpu.memory_space<vmem_shared>>) dst(%dma_wait3A_593 : memref<632x64xf32, #tpu.memory_space<hbm>>)
      tpu.yield
    }) : () -> ()
    return
  }
}

module attributes {stable_mosaic.version = 14 : i64} {
  func.func @_mm1_body(%arg0: i32, %arg1: memref<1000x128xf32, #tpu.memory_space<vmem>>, %arg2: memref<128x128xf32, #tpu.memory_space<vmem>>, %arg3: memref<2x1000x16xf32, #tpu.memory_space<vmem>>, %arg4: memref<2x1000x64xf32, #tpu.memory_space<vmem>>) attributes {dimension_semantics = [#tpu.dimension_semantics<arbitrary>], iteration_bounds = array<i64: 10>, scalar_prefetch = 0 : i64, scratch_operands = 0 : i64, tpu.core_type = #tpu.core_type<tc>, window_params = [{transform_indices = @transform_0, window_bounds = array<i64: 1000, 128>}, {pipeline_mode = #tpu.pipeline_mode<synchronous>, transform_indices = @transform_1, window_bounds = array<i64: 128, 128>}, {transform_indices = @transform_2, window_bounds = array<i64: 2, 1000, 16>}, {transform_indices = @transform_3, window_bounds = array<i64: 2, 1000, 64>}]} {
    %get3A = arith.constant 0 : index
    %get3A_0 = arith.constant 0 : index
    %get3A_1 = arith.constant 0 : index
    %get3A_2 = vector.load %arg3[%get3A, %get3A_0, %get3A_1] : memref<2x1000x16xf32, #tpu.memory_space<vmem>>, vector<1x1000x1xf32>
    %get3A_3 = vector.shape_cast %get3A_2 : vector<1x1000x1xf32> to vector<1000x1xf32>
    %get3A_4 = arith.constant 1 : index
    %get3A_5 = arith.constant 0 : index
    %get3A_6 = arith.constant 0 : index
    %get3A_7 = vector.load %arg3[%get3A_4, %get3A_5, %get3A_6] : memref<2x1000x16xf32, #tpu.memory_space<vmem>>, vector<1x1000x1xf32>
    %get3A_8 = vector.shape_cast %get3A_7 : vector<1x1000x1xf32> to vector<1000x1xf32>
    %add3A = arith.addf %get3A_3, %get3A_8 : vector<1000x1xf32>
    %add3A_9 = arith.constant 1.000000e+00 : f32
    %add3A_10 = vector.broadcast %add3A_9 : f32 to vector<1000x1xf32>
    %add3A_11 = arith.addf %add3A, %add3A_10 : vector<1000x1xf32>
    %rsqrt3A = math.rsqrt %add3A_11 : vector<1000x1xf32>
    %get3A_12 = arith.constant 0 : index
    %get3A_13 = arith.constant 0 : index
    %get3A_14 = vector.load %arg1[%get3A_12, %get3A_13] : memref<1000x128xf32, #tpu.memory_space<vmem>>, vector<1000x128xf32>
    %get3A_15 = arith.constant 0 : index
    %get3A_16 = arith.constant 0 : index
    %get3A_17 = vector.load %arg2[%get3A_15, %get3A_16] : memref<128x128xf32, #tpu.memory_space<vmem>>, vector<128x128xf32>
    %dot_general3A = arith.constant dense<0.000000e+00> : vector<1000x128xf32>
    %dot_general3A_18 = tpu.matmul %get3A_14, %get3A_17, %dot_general3A {dimension_numbers = #tpu.dot_dimension_numbers<[1], [0], [0], [1], [0, 0, 1, 1], [], []>, transpose_lhs_hint = false} : vector<1000x128xf32>, vector<128x128xf32>, vector<1000x128xf32> -> vector<1000x128xf32>
    %mul3A = vector.broadcast %rsqrt3A : vector<1000x1xf32> to vector<1000x128xf32>
    %mul3A_19 = arith.mulf %dot_general3A_18, %mul3A : vector<1000x128xf32>
    %slice3A = vector.extract_strided_slice %mul3A_19 {offsets = [0, 0], sizes = [1000, 64], strides = [1, 1]} : vector<1000x128xf32> to vector<1000x64xf32>
    %swap3A = arith.constant 0 : index
    %swap3A_20 = arith.constant 0 : index
    %swap3A_21 = arith.constant 0 : index
    %swap3A_22 = vector.load %arg4[%swap3A, %swap3A_20, %swap3A_21] : memref<2x1000x64xf32, #tpu.memory_space<vmem>>, vector<1x1000x64xf32>
    %swap3A_23 = vector.shape_cast %swap3A_22 : vector<1x1000x64xf32> to vector<1000x64xf32>
    %swap3A_24 = vector.shape_cast %slice3A : vector<1000x64xf32> to vector<1x1000x64xf32>
    tpu.vector_store %arg4[%swap3A, %swap3A_20, %swap3A_21], %swap3A_24 {strides = array<i32>} : memref<2x1000x64xf32, #tpu.memory_space<vmem>>, vector<1x1000x64xf32>,
    %slice3A_25 = vector.extract_strided_slice %mul3A_19 {offsets = [0, 64], sizes = [1000, 64], strides = [1, 1]} : vector<1000x128xf32> to vector<1000x64xf32>
    %swap3A_26 = arith.constant 1 : index
    %swap3A_27 = arith.constant 0 : index
    %swap3A_28 = arith.constant 0 : index
    %swap3A_29 = vector.load %arg4[%swap3A_26, %swap3A_27, %swap3A_28] : memref<2x1000x64xf32, #tpu.memory_space<vmem>>, vector<1x1000x64xf32>
    %swap3A_30 = vector.shape_cast %swap3A_29 : vector<1x1000x64xf32> to vector<1000x64xf32>
    %swap3A_31 = vector.shape_cast %slice3A_25 : vector<1000x64xf32> to vector<1x1000x64xf32>
    tpu.vector_store %arg4[%swap3A_26, %swap3A_27, %swap3A_28], %swap3A_31 {strides = array<i32>} : memref<2x1000x64xf32, #tpu.memory_space<vmem>>, vector<1x1000x64xf32>,
    return
  }
  func.func @transform_0(%arg0: i32) -> (i32, i32) {
    %c0_i32 = arith.constant 0 : i32
    %c0_i32_0 = arith.constant 0 : i32
    return %arg0, %c0_i32 : i32, i32
  }
  func.func @transform_1(%arg0: i32) -> (i32, i32) {
    %c0_i32 = arith.constant 0 : i32
    %c0_i32_0 = arith.constant 0 : i32
    %c0_i32_1 = arith.constant 0 : i32
    return %c0_i32, %c0_i32_0 : i32, i32
  }
  func.func @transform_2(%arg0: i32) -> (i32, i32, i32) {
    %c0_i32 = arith.constant 0 : i32
    %c0_i32_0 = arith.constant 0 : i32
    %c0_i32_1 = arith.constant 0 : i32
    return %c0_i32, %arg0, %c0_i32_0 : i32, i32, i32
  }
  func.func @transform_3(%arg0: i32) -> (i32, i32, i32) {
    %c0_i32 = arith.constant 0 : i32
    %c0_i32_0 = arith.constant 0 : i32
    %c0_i32_1 = arith.constant 0 : i32
    return %c0_i32, %arg0, %c0_i32_0 : i32, i32, i32
  }
}

module attributes {stable_mosaic.version = 14 : i64} {
  func.func @_comb_mm_body(%arg0: i32, %arg1: memref<2x1000x64xf32, #tpu.memory_space<vmem>>, %arg2: memref<2x1000x64xf32, #tpu.memory_space<vmem>>, %arg3: memref<2x1000x16xf32, #tpu.memory_space<vmem>>, %arg4: memref<128x64xf32, #tpu.memory_space<vmem>>, %arg5: memref<2x1000x32xf32, #tpu.memory_space<vmem>>) attributes {dimension_semantics = [#tpu.dimension_semantics<arbitrary>], iteration_bounds = array<i64: 10>, scalar_prefetch = 0 : i64, scratch_operands = 0 : i64, tpu.core_type = #tpu.core_type<tc>, window_params = [{transform_indices = @transform_0, window_bounds = array<i64: 2, 1000, 64>}, {transform_indices = @transform_1, window_bounds = array<i64: 2, 1000, 64>}, {transform_indices = @transform_2, window_bounds = array<i64: 2, 1000, 16>}, {pipeline_mode = #tpu.pipeline_mode<synchronous>, transform_indices = @transform_3, window_bounds = array<i64: 128, 64>}, {transform_indices = @transform_4, window_bounds = array<i64: 2, 1000, 32>}]} {
    %get3A = arith.constant 0 : index
    %get3A_0 = arith.constant 0 : index
    %get3A_1 = arith.constant 0 : index
    %get3A_2 = vector.load %arg3[%get3A, %get3A_0, %get3A_1] : memref<2x1000x16xf32, #tpu.memory_space<vmem>>, vector<1x1000x1xf32>
    %get3A_3 = vector.shape_cast %get3A_2 : vector<1x1000x1xf32> to vector<1000x1xf32>
    %get3A_4 = arith.constant 1 : index
    %get3A_5 = arith.constant 0 : index
    %get3A_6 = arith.constant 0 : index
    %get3A_7 = vector.load %arg3[%get3A_4, %get3A_5, %get3A_6] : memref<2x1000x16xf32, #tpu.memory_space<vmem>>, vector<1x1000x1xf32>
    %get3A_8 = vector.shape_cast %get3A_7 : vector<1x1000x1xf32> to vector<1000x1xf32>
    %add3A = arith.addf %get3A_3, %get3A_8 : vector<1000x1xf32>
    %add3A_9 = arith.constant 1.000000e+00 : f32
    %add3A_10 = vector.broadcast %add3A_9 : f32 to vector<1000x1xf32>
    %add3A_11 = arith.addf %add3A, %add3A_10 : vector<1000x1xf32>
    %rsqrt3A = math.rsqrt %add3A_11 : vector<1000x1xf32>
    %get3A_12 = arith.constant 0 : index
    %get3A_13 = arith.constant 0 : index
    %get3A_14 = arith.constant 0 : index
    %get3A_15 = vector.load %arg1[%get3A_12, %get3A_13, %get3A_14] : memref<2x1000x64xf32, #tpu.memory_space<vmem>>, vector<2x1000x64xf32>
    %get3A_16 = arith.constant 0 : index
    %get3A_17 = arith.constant 0 : index
    %get3A_18 = arith.constant 0 : index
    %get3A_19 = vector.load %arg2[%get3A_16, %get3A_17, %get3A_18] : memref<2x1000x64xf32, #tpu.memory_space<vmem>>, vector<2x1000x64xf32>
    %add3A_20 = arith.addf %get3A_15, %get3A_19 : vector<2x1000x64xf32>
    %slice3A = vector.extract_strided_slice %add3A_20 {offsets = [0, 0, 0], sizes = [1, 1000, 64], strides = [1, 1, 1]} : vector<2x1000x64xf32> to vector<1x1000x64xf32>
    %squeeze3A = vector.shape_cast %slice3A : vector<1x1000x64xf32> to vector<1000x64xf32>
    %slice3A_21 = vector.extract_strided_slice %add3A_20 {offsets = [1, 0, 0], sizes = [1, 1000, 64], strides = [1, 1, 1]} : vector<2x1000x64xf32> to vector<1x1000x64xf32>
    %squeeze3A_22 = vector.shape_cast %slice3A_21 : vector<1x1000x64xf32> to vector<1000x64xf32>
    %concatenate3A = tpu.concatenate %squeeze3A, %squeeze3A_22 in 1 : vector<1000x64xf32>, vector<1000x64xf32> -> vector<1000x128xf32>
    %mul3A = vector.broadcast %rsqrt3A : vector<1000x1xf32> to vector<1000x128xf32>
    %mul3A_23 = arith.mulf %concatenate3A, %mul3A : vector<1000x128xf32>
    %max3A = arith.constant 0.000000e+00 : f32
    %max3A_24 = vector.broadcast %max3A : f32 to vector<1000x128xf32>
    %max3A_25 = arith.maximumf %mul3A_23, %max3A_24 : vector<1000x128xf32>
    %get3A_26 = arith.constant 0 : index
    %get3A_27 = arith.constant 0 : index
    %get3A_28 = vector.load %arg4[%get3A_26, %get3A_27] : memref<128x64xf32, #tpu.memory_space<vmem>>, vector<128x64xf32>
    %dot_general3A = arith.constant dense<0.000000e+00> : vector<1000x64xf32>
    %dot_general3A_29 = tpu.matmul %max3A_25, %get3A_28, %dot_general3A {dimension_numbers = #tpu.dot_dimension_numbers<[1], [0], [0], [1], [0, 0, 1, 1], [], []>, transpose_lhs_hint = false} : vector<1000x128xf32>, vector<128x64xf32>, vector<1000x64xf32> -> vector<1000x64xf32>
    %mul3A_30 = vector.broadcast %rsqrt3A : vector<1000x1xf32> to vector<1000x64xf32>
    %mul3A_31 = arith.mulf %dot_general3A_29, %mul3A_30 : vector<1000x64xf32>
    %slice3A_32 = vector.extract_strided_slice %mul3A_31 {offsets = [0, 0], sizes = [1000, 32], strides = [1, 1]} : vector<1000x64xf32> to vector<1000x32xf32>
    %swap3A = arith.constant 0 : index
    %swap3A_33 = arith.constant 0 : index
    %swap3A_34 = arith.constant 0 : index
    %swap3A_35 = vector.load %arg5[%swap3A, %swap3A_33, %swap3A_34] : memref<2x1000x32xf32, #tpu.memory_space<vmem>>, vector<1x1000x32xf32>
    %swap3A_36 = vector.shape_cast %swap3A_35 : vector<1x1000x32xf32> to vector<1000x32xf32>
    %swap3A_37 = vector.shape_cast %slice3A_32 : vector<1000x32xf32> to vector<1x1000x32xf32>
    tpu.vector_store %arg5[%swap3A, %swap3A_33, %swap3A_34], %swap3A_37 {strides = array<i32>} : memref<2x1000x32xf32, #tpu.memory_space<vmem>>, vector<1x1000x32xf32>,
    %slice3A_38 = vector.extract_strided_slice %mul3A_31 {offsets = [0, 32], sizes = [1000, 32], strides = [1, 1]} : vector<1000x64xf32> to vector<1000x32xf32>
    %swap3A_39 = arith.constant 1 : index
    %swap3A_40 = arith.constant 0 : index
    %swap3A_41 = arith.constant 0 : index
    %swap3A_42 = vector.load %arg5[%swap3A_39, %swap3A_40, %swap3A_41] : memref<2x1000x32xf32, #tpu.memory_space<vmem>>, vector<1x1000x32xf32>
    %swap3A_43 = vector.shape_cast %swap3A_42 : vector<1x1000x32xf32> to vector<1000x32xf32>
    %swap3A_44 = vector.shape_cast %slice3A_38 : vector<1000x32xf32> to vector<1x1000x32xf32>
    tpu.vector_store %arg5[%swap3A_39, %swap3A_40, %swap3A_41], %swap3A_44 {strides = array<i32>} : memref<2x1000x32xf32, #tpu.memory_space<vmem>>, vector<1x1000x32xf32>,
    return
  }
  func.func @transform_0(%arg0: i32) -> (i32, i32, i32) {
    %c0_i32 = arith.constant 0 : i32
    %c0_i32_0 = arith.constant 0 : i32
    %c0_i32_1 = arith.constant 0 : i32
    return %c0_i32, %arg0, %c0_i32_0 : i32, i32, i32
  }
  func.func @transform_1(%arg0: i32) -> (i32, i32, i32) {
    %c0_i32 = arith.constant 0 : i32
    %c0_i32_0 = arith.constant 0 : i32
    %c0_i32_1 = arith.constant 0 : i32
    return %c0_i32, %arg0, %c0_i32_0 : i32, i32, i32
  }
  func.func @transform_2(%arg0: i32) -> (i32, i32, i32) {
    %c0_i32 = arith.constant 0 : i32
    %c0_i32_0 = arith.constant 0 : i32
    %c0_i32_1 = arith.constant 0 : i32
    return %c0_i32, %arg0, %c0_i32_0 : i32, i32, i32
  }
  func.func @transform_3(%arg0: i32) -> (i32, i32) {
    %c0_i32 = arith.constant 0 : i32
    %c0_i32_0 = arith.constant 0 : i32
    %c0_i32_1 = arith.constant 0 : i32
    return %c0_i32, %c0_i32_0 : i32, i32
  }
  func.func @transform_4(%arg0: i32) -> (i32, i32, i32) {
    %c0_i32 = arith.constant 0 : i32
    %c0_i32_0 = arith.constant 0 : i32
    %c0_i32_1 = arith.constant 0 : i32
    return %c0_i32, %arg0, %c0_i32_0 : i32, i32, i32
  }
}

module attributes {stable_mosaic.version = 14 : i64} {
  func.func @_pool_head_body(%arg0: i32, %arg1: memref<2x1000x32xf32, #tpu.memory_space<vmem>>, %arg2: memref<2x1000x32xf32, #tpu.memory_space<vmem>>, %arg3: memref<2x1000x16xf32, #tpu.memory_space<vmem>>, %arg4: memref<1x1x1000xi32, #tpu.memory_space<vmem>>, %arg5: memref<64x64xf32, #tpu.memory_space<vmem>>, %arg6: memref<1x64xf32, #tpu.memory_space<vmem>>, %arg7: memref<64x32xf32, #tpu.memory_space<vmem>>, %arg8: memref<1x32xf32, #tpu.memory_space<vmem>>, %arg9: memref<64x32xf32, #tpu.memory_space<vmem>>, %arg10: memref<64x64xf32, #tpu.memory_space<vmem>>, %arg11: memref<64x64xf32, #tpu.memory_space<vmem>>) attributes {dimension_semantics = [#tpu.dimension_semantics<arbitrary>], iteration_bounds = array<i64: 10>, scalar_prefetch = 0 : i64, scratch_operands = 2 : i64, tpu.core_type = #tpu.core_type<tc>, window_params = [{transform_indices = @transform_0, window_bounds = array<i64: 2, 1000, 32>}, {transform_indices = @transform_1, window_bounds = array<i64: 2, 1000, 32>}, {transform_indices = @transform_2, window_bounds = array<i64: 2, 1000, 16>}, {transform_indices = @transform_3, window_bounds = array<i64: 1, 1, 1000>}, {pipeline_mode = #tpu.pipeline_mode<synchronous>, transform_indices = @transform_4, window_bounds = array<i64: 64, 64>}, {pipeline_mode = #tpu.pipeline_mode<synchronous>, transform_indices = @transform_5, window_bounds = array<i64: 1, 64>}, {pipeline_mode = #tpu.pipeline_mode<synchronous>, transform_indices = @transform_6, window_bounds = array<i64: 64, 32>}, {pipeline_mode = #tpu.pipeline_mode<synchronous>, transform_indices = @transform_7, window_bounds = array<i64: 1, 32>}, {pipeline_mode = #tpu.pipeline_mode<synchronous>, transform_indices = @transform_8, window_bounds = array<i64: 64, 32>}]} {
    %get3A = arith.constant 0 : index
    %get3A_0 = arith.constant 0 : index
    %get3A_1 = arith.constant 0 : index
    %get3A_2 = vector.load %arg3[%get3A, %get3A_0, %get3A_1] : memref<2x1000x16xf32, #tpu.memory_space<vmem>>, vector<1x1000x1xf32>
    %get3A_3 = vector.shape_cast %get3A_2 : vector<1x1000x1xf32> to vector<1000x1xf32>
    %get3A_4 = arith.constant 1 : index
    %get3A_5 = arith.constant 0 : index
    %get3A_6 = arith.constant 0 : index
    %get3A_7 = vector.load %arg3[%get3A_4, %get3A_5, %get3A_6] : memref<2x1000x16xf32, #tpu.memory_space<vmem>>, vector<1x1000x1xf32>
    %get3A_8 = vector.shape_cast %get3A_7 : vector<1x1000x1xf32> to vector<1000x1xf32>
    %add3A = arith.addf %get3A_3, %get3A_8 : vector<1000x1xf32>
    %add3A_9 = arith.constant 1.000000e+00 : f32
    %add3A_10 = vector.broadcast %add3A_9 : f32 to vector<1000x1xf32>
    %add3A_11 = arith.addf %add3A, %add3A_10 : vector<1000x1xf32>
    %rsqrt3A = math.rsqrt %add3A_11 : vector<1000x1xf32>
    %get3A_12 = arith.constant 0 : index
    %get3A_13 = arith.constant 0 : index
    %get3A_14 = arith.constant 0 : index
    %get3A_15 = vector.load %arg1[%get3A_12, %get3A_13, %get3A_14] : memref<2x1000x32xf32, #tpu.memory_space<vmem>>, vector<2x1000x32xf32>
    %get3A_16 = arith.constant 0 : index
    %get3A_17 = arith.constant 0 : index
    %get3A_18 = arith.constant 0 : index
    %get3A_19 = vector.load %arg2[%get3A_16, %get3A_17, %get3A_18] : memref<2x1000x32xf32, #tpu.memory_space<vmem>>, vector<2x1000x32xf32>
    %add3A_20 = arith.addf %get3A_15, %get3A_19 : vector<2x1000x32xf32>
    %slice3A = vector.extract_strided_slice %add3A_20 {offsets = [0, 0, 0], sizes = [1, 1000, 32], strides = [1, 1, 1]} : vector<2x1000x32xf32> to vector<1x1000x32xf32>
    %squeeze3A = vector.shape_cast %slice3A : vector<1x1000x32xf32> to vector<1000x32xf32>
    %slice3A_21 = vector.extract_strided_slice %add3A_20 {offsets = [1, 0, 0], sizes = [1, 1000, 32], strides = [1, 1, 1]} : vector<2x1000x32xf32> to vector<1x1000x32xf32>
    %squeeze3A_22 = vector.shape_cast %slice3A_21 : vector<1x1000x32xf32> to vector<1000x32xf32>
    %concatenate3A = tpu.concatenate %squeeze3A, %squeeze3A_22 in 1 : vector<1000x32xf32>, vector<1000x32xf32> -> vector<1000x64xf32>
    %mul3A = vector.broadcast %rsqrt3A : vector<1000x1xf32> to vector<1000x64xf32>
    %mul3A_23 = arith.mulf %concatenate3A, %mul3A : vector<1000x64xf32>
    %max3A = arith.constant 0.000000e+00 : f32
    %max3A_24 = vector.broadcast %max3A : f32 to vector<1000x64xf32>
    %max3A_25 = arith.maximumf %mul3A_23, %max3A_24 : vector<1000x64xf32>
    %get3A_26 = arith.constant 0 : index
    %get3A_27 = arith.constant 0 : index
    %get3A_28 = arith.constant 0 : index
    %get3A_29 = vector.load %arg4[%get3A_26, %get3A_27, %get3A_28] : memref<1x1x1000xi32, #tpu.memory_space<vmem>>, vector<1x1x1000xi32>
    %get3A_30 = vector.shape_cast %get3A_29 : vector<1x1x1000xi32> to vector<1000xi32>
    %iota3A = tpu.iota {dimensions = array<i32: 0>} : vector<64x1000xi32>
    %broadcast_in_dim3A = vector.shape_cast %get3A_30 : vector<1000xi32> to vector<1x1000xi32>
    %eq3A = vector.broadcast %broadcast_in_dim3A : vector<1x1000xi32> to vector<64x1000xi32>
    %eq3A_31 = arith.cmpi eq, %iota3A, %eq3A : vector<64x1000xi32>
    %convert_element_type3A = arith.extui %eq3A_31 : vector<64x1000xi1> to vector<64x1000xi32>
    %convert_element_type3A_32 = arith.sitofp %convert_element_type3A : vector<64x1000xi32> to vector<64x1000xf32>
    %dot_general3A = arith.constant dense<0.000000e+00> : vector<64x64xf32>
    %dot_general3A_33 = tpu.matmul %convert_element_type3A_32, %max3A_25, %dot_general3A {dimension_numbers = #tpu.dot_dimension_numbers<[1], [0], [0], [1], [0, 0, 1, 1], [], []>, transpose_lhs_hint = false} : vector<64x1000xf32>, vector<1000x64xf32>, vector<64x64xf32> -> vector<64x64xf32>
    %reduce_sum3A = arith.constant dense<0.000000e+00> : vector<64xf32>
    %reduce_sum3A_34 = vector.multi_reduction <add>, %convert_element_type3A_32, %reduce_sum3A [1] : vector<64x1000xf32> to vector<64xf32>
    %broadcast_in_dim3A_35 = vector.shape_cast %reduce_sum3A_34 : vector<64xf32> to vector<64x1xf32>
    %broadcast_in_dim3A_36 = arith.constant 1.000000e+00 : f32
    %broadcast_in_dim3A_37 = vector.broadcast %broadcast_in_dim3A_36 : f32 to vector<1x64xf32>
    %mul3A_38 = vector.broadcast %broadcast_in_dim3A_35 : vector<64x1xf32> to vector<64x64xf32>
    %mul3A_39 = vector.broadcast %broadcast_in_dim3A_37 : vector<1x64xf32> to vector<64x64xf32>
    %mul3A_40 = arith.mulf %mul3A_38, %mul3A_39 : vector<64x64xf32>
    %eq3A_41 = arith.constant 0 : i32
    %eq3A_42 = arith.cmpi eq, %arg0, %eq3A_41 : i32
    %convert_element_type3A_43 = arith.extui %eq3A_42 : i1 to i32
    %cond3A = arith.constant 0 : i32
    %cond3A_44 = arith.cmpi ne, %convert_element_type3A_43, %cond3A : i32
    scf.if %cond3A_44 {
      %broadcast_in_dim3A_63 = arith.constant 0.000000e+00 : f32
      %broadcast_in_dim3A_64 = vector.broadcast %broadcast_in_dim3A_63 : f32 to vector<64x64xf32>
      %swap3A_65 = arith.constant 0 : index
      %swap3A_66 = arith.constant 0 : index
      %swap3A_67 = vector.load %arg10[%swap3A_65, %swap3A_66] : memref<64x64xf32, #tpu.memory_space<vmem>>, vector<64x64xf32>
      tpu.vector_store %arg10[%swap3A_65, %swap3A_66], %broadcast_in_dim3A_64 {strides = array<i32>} : memref<64x64xf32, #tpu.memory_space<vmem>>, vector<64x64xf32>,
      %broadcast_in_dim3A_68 = arith.constant 0.000000e+00 : f32
      %broadcast_in_dim3A_69 = vector.broadcast %broadcast_in_dim3A_68 : f32 to vector<64x64xf32>
      %swap3A_70 = arith.constant 0 : index
      %swap3A_71 = arith.constant 0 : index
      %swap3A_72 = vector.load %arg11[%swap3A_70, %swap3A_71] : memref<64x64xf32, #tpu.memory_space<vmem>>, vector<64x64xf32>
      tpu.vector_store %arg11[%swap3A_70, %swap3A_71], %broadcast_in_dim3A_69 {strides = array<i32>} : memref<64x64xf32, #tpu.memory_space<vmem>>, vector<64x64xf32>,
    } else {
    }
    %get3A_45 = arith.constant 0 : index
    %get3A_46 = arith.constant 0 : index
    %get3A_47 = vector.load %arg10[%get3A_45, %get3A_46] : memref<64x64xf32, #tpu.memory_space<vmem>>, vector<64x64xf32>
    %add3A_48 = arith.addf %get3A_47, %dot_general3A_33 : vector<64x64xf32>
    %swap3A = arith.constant 0 : index
    %swap3A_49 = arith.constant 0 : index
    %swap3A_50 = vector.load %arg10[%swap3A, %swap3A_49] : memref<64x64xf32, #tpu.memory_space<vmem>>, vector<64x64xf32>
    tpu.vector_store %arg10[%swap3A, %swap3A_49], %add3A_48 {strides = array<i32>} : memref<64x64xf32, #tpu.memory_space<vmem>>, vector<64x64xf32>,
    %get3A_51 = arith.constant 0 : index
    %get3A_52 = arith.constant 0 : index
    %get3A_53 = vector.load %arg11[%get3A_51, %get3A_52] : memref<64x64xf32, #tpu.memory_space<vmem>>, vector<64x64xf32>
    %add3A_54 = arith.addf %get3A_53, %mul3A_40 : vector<64x64xf32>
    %swap3A_55 = arith.constant 0 : index
    %swap3A_56 = arith.constant 0 : index
    %swap3A_57 = vector.load %arg11[%swap3A_55, %swap3A_56] : memref<64x64xf32, #tpu.memory_space<vmem>>, vector<64x64xf32>
    tpu.vector_store %arg11[%swap3A_55, %swap3A_56], %add3A_54 {strides = array<i32>} : memref<64x64xf32, #tpu.memory_space<vmem>>, vector<64x64xf32>,
    %eq3A_58 = arith.constant 9 : i32
    %eq3A_59 = arith.cmpi eq, %arg0, %eq3A_58 : i32
    %convert_element_type3A_60 = arith.extui %eq3A_59 : i1 to i32
    %cond3A_61 = arith.constant 0 : i32
    %cond3A_62 = arith.cmpi ne, %convert_element_type3A_60, %cond3A_61 : i32
    scf.if %cond3A_62 {
      %get3A_63 = arith.constant 0 : index
      %get3A_64 = arith.constant 0 : index
      %get3A_65 = vector.load %arg10[%get3A_63, %get3A_64] : memref<64x64xf32, #tpu.memory_space<vmem>>, vector<64x64xf32>
      %get3A_66 = arith.constant 0 : index
      %get3A_67 = arith.constant 0 : index
      %get3A_68 = vector.load %arg11[%get3A_66, %get3A_67] : memref<64x64xf32, #tpu.memory_space<vmem>>, vector<64x64xf32>
      %max3A_69 = arith.constant 1.000000e+00 : f32
      %max3A_70 = vector.broadcast %max3A_69 : f32 to vector<64x64xf32>
      %max3A_71 = arith.maximumf %get3A_68, %max3A_70 : vector<64x64xf32>
      %div3A = arith.divf %get3A_65, %max3A_71 : vector<64x64xf32>
      %get3A_72 = arith.constant 0 : index
      %get3A_73 = arith.constant 0 : index
      %get3A_74 = vector.load %arg5[%get3A_72, %get3A_73] : memref<64x64xf32, #tpu.memory_space<vmem>>, vector<64x64xf32>
      %dot_general3A_75 = arith.constant dense<0.000000e+00> : vector<64x64xf32>
      %dot_general3A_76 = tpu.matmul %div3A, %get3A_74, %dot_general3A_75 {dimension_numbers = #tpu.dot_dimension_numbers<[1], [0], [0], [1], [0, 0, 1, 1], [], []>, transpose_lhs_hint = false} : vector<64x64xf32>, vector<64x64xf32>, vector<64x64xf32> -> vector<64x64xf32>
      %get3A_77 = arith.constant 0 : index
      %get3A_78 = arith.constant 0 : index
      %get3A_79 = vector.load %arg6[%get3A_77, %get3A_78] : memref<1x64xf32, #tpu.memory_space<vmem>>, vector<1x64xf32>
      %add3A_80 = vector.broadcast %get3A_79 : vector<1x64xf32> to vector<64x64xf32>
      %add3A_81 = arith.addf %dot_general3A_76, %add3A_80 : vector<64x64xf32>
      %max3A_82 = arith.constant 0.000000e+00 : f32
      %max3A_83 = vector.broadcast %max3A_82 : f32 to vector<64x64xf32>
      %max3A_84 = arith.maximumf %add3A_81, %max3A_83 : vector<64x64xf32>
      %get3A_85 = arith.constant 0 : index
      %get3A_86 = arith.constant 0 : index
      %get3A_87 = vector.load %arg7[%get3A_85, %get3A_86] : memref<64x32xf32, #tpu.memory_space<vmem>>, vector<64x32xf32>
      %dot_general3A_88 = arith.constant dense<0.000000e+00> : vector<64x32xf32>
      %dot_general3A_89 = tpu.matmul %max3A_84, %get3A_87, %dot_general3A_88 {dimension_numbers = #tpu.dot_dimension_numbers<[1], [0], [0], [1], [0, 0, 1, 1], [], []>, transpose_lhs_hint = false} : vector<64x64xf32>, vector<64x32xf32>, vector<64x32xf32> -> vector<64x32xf32>
      %get3A_90 = arith.constant 0 : index
      %get3A_91 = arith.constant 0 : index
      %get3A_92 = vector.load %arg8[%get3A_90, %get3A_91] : memref<1x32xf32, #tpu.memory_space<vmem>>, vector<1x32xf32>
      %add3A_93 = vector.broadcast %get3A_92 : vector<1x32xf32> to vector<64x32xf32>
      %add3A_94 = arith.addf %dot_general3A_89, %add3A_93 : vector<64x32xf32>
      %swap3A_95 = arith.constant 0 : index
      %swap3A_96 = arith.constant 0 : index
      %swap3A_97 = vector.load %arg9[%swap3A_95, %swap3A_96] : memref<64x32xf32, #tpu.memory_space<vmem>>, vector<64x32xf32>
      tpu.vector_store %arg9[%swap3A_95, %swap3A_96], %add3A_94 {strides = array<i32>} : memref<64x32xf32, #tpu.memory_space<vmem>>, vector<64x32xf32>,
    } else {
    }
    return
  }
  func.func @transform_0(%arg0: i32) -> (i32, i32, i32) {
    %c0_i32 = arith.constant 0 : i32
    %c0_i32_0 = arith.constant 0 : i32
    %c0_i32_1 = arith.constant 0 : i32
    return %c0_i32, %arg0, %c0_i32_0 : i32, i32, i32
  }
  func.func @transform_1(%arg0: i32) -> (i32, i32, i32) {
    %c0_i32 = arith.constant 0 : i32
    %c0_i32_0 = arith.constant 0 : i32
    %c0_i32_1 = arith.constant 0 : i32
    return %c0_i32, %arg0, %c0_i32_0 : i32, i32, i32
  }
  func.func @transform_2(%arg0: i32) -> (i32, i32, i32) {
    %c0_i32 = arith.constant 0 : i32
    %c0_i32_0 = arith.constant 0 : i32
    %c0_i32_1 = arith.constant 0 : i32
    return %c0_i32, %arg0, %c0_i32_0 : i32, i32, i32
  }
  func.func @transform_3(%arg0: i32) -> (i32, i32, i32) {
    %c0_i32 = arith.constant 0 : i32
    %c0_i32_0 = arith.constant 0 : i32
    %c0_i32_1 = arith.constant 0 : i32
    return %arg0, %c0_i32, %c0_i32_0 : i32, i32, i32
  }
  func.func @transform_4(%arg0: i32) -> (i32, i32) {
    %c0_i32 = arith.constant 0 : i32
    %c0_i32_0 = arith.constant 0 : i32
    %c0_i32_1 = arith.constant 0 : i32
    return %c0_i32, %c0_i32_0 : i32, i32
  }
  func.func @transform_5(%arg0: i32) -> (i32, i32) {
    %c0_i32 = arith.constant 0 : i32
    %c0_i32_0 = arith.constant 0 : i32
    %c0_i32_1 = arith.constant 0 : i32
    return %c0_i32, %c0_i32_0 : i32, i32
  }
  func.func @transform_6(%arg0: i32) -> (i32, i32) {
    %c0_i32 = arith.constant 0 : i32
    %c0_i32_0 = arith.constant 0 : i32
    %c0_i32_1 = arith.constant 0 : i32
    return %c0_i32, %c0_i32_0 : i32, i32
  }
  func.func @transform_7(%arg0: i32) -> (i32, i32) {
    %c0_i32 = arith.constant 0 : i32
    %c0_i32_0 = arith.constant 0 : i32
    %c0_i32_1 = arith.constant 0 : i32
    return %c0_i32, %c0_i32_0 : i32, i32
  }
  func.func @transform_8(%arg0: i32) -> (i32, i32) {
    %c0_i32 = arith.constant 0 : i32
    %c0_i32_0 = arith.constant 0 : i32
    %c0_i32_1 = arith.constant 0 : i32
    return %c0_i32, %c0_i32_0 : i32, i32
  }
}

</mosaic_0001>

<sc_bundles>
// kernel: kernel.11.cloned.1.call-start
scs
__scs_entry_jumppad:
0x0: {  	(pc) =	sbr.rel $0x88, $3  }
0x1: {  	(tag) =	ssettag $0x0;
	lr =	simm.s32 $0x1  }
0x2: {  	[smem:$0x3F98] =	sst lr;
	_ =	strace $0xD0000000  }
0x3: {  	_ = 	snop  }
0x4: {  	_ = 	snop  }
0x5: {  	_ = 	snop  }
0x6: {  	_ = 	snop  }
0x7: {  	_ = 	snop  }
__scs_overlays_trampoline_lowered:
0x8: {  	[smem:$0x3FA7] =	sst s0  }
0x9: {  	[smem:$0x3FA8] =	sst s1  }
0xa: {  	[smem:$0x3FA9] =	sst s2  }
0xb: {  	[smem:$0x3FAA] =	sst s3  }
0xc: {  	[smem:$0x3FAB] =	sst s4  }
0xd: {  	[smem:$0x3FAC] =	sst s5  }
0xe: {  	[smem:$0x3FAD] =	sst s6  }
0xf: {  	[smem:$0x3FAE] =	sst s7  }
0x10: {  	[smem:$0x3FAF] =	sst s8  }
0x11: {  	[smem:$0x3FB0] =	sst s9;
	s0 =	simm.s32 @!p0 $0x0  }
0x12: {  	s1 =	sld [smem:$0x3F96];
	s0 =	simm.s32 @p0 $0x1  }
0x13: {  	[smem:$0x3FB1] =	sst s0;
	s0 =	simm.s32 @!p1 $0x0  }
0x14: {  	s2 =	sld [smem:$0x3F95];
	s0 =	simm.s32 @p1 $0x1  }
0x15: {  	[smem:$0x3FB2] =	sst s0;
	s0 =	simm.s32 @!p2 $0x0  }
0x16: {  	s3 =	sld [smem:$0x3FDB];
	s0 =	simm.s32 @p2 $0x1  }
0x17: {  	s4 =	simm.s32 $0x1BF5;
	[smem:$0x3FB4] =	sst s0  }
0x18: {  	s0 =	sld [smem:$0x3F97];
	_ =	swait.ge [sflag:s4], $0x0  }
0x19: {  	s7 =	sld [smem:$0x3F98]  }
0x1a: {  	s8 =	sadd.s32 $0xFFFFE003, lr  }
0x1b: {  	s9 =	sadd.s32 $0xFFFFFEF7, lr;
	s5 =	simm.s32 $0xFFFFFFFF;
	p2 =	slt.u32 s8, $0xFFFFF086  }
0x1c: {  	p1 =	slt.u32 s9, $0xF7A;
	s5 =	simm.s32 @!p2 $0x0  }
0x1d: {  	s5 =	simm.s32 @p1 $0x1;
	p0 =	seq.s32 s7, s2  }
0x1e: {  	s7 =	smul.u32 @!p0 $0xF7A, s2;
	p2 =	seq.s32 @!p0 s5, $0x0  }
0x1f: {  	s9 =	smul.u32 $0xF7A, s1;
	s8 =	simm.s32 @!p0 $0x1BF5;
	p2 =	por !p2, p0  }
0x20: {  	[sflag:s8] =	ssyncset.s32 @!p0 $0xFFFFF086;
	s6 =	sadd.s32 @!p0 s3, s7;
	s7 =	simm.s32 @!p0 $0x108  }
0x21: {  	s3 =	sadd.s32 s3, s9;
	s6 =	sadd.s32 @!p0 $0x88, s6;
	s7 =	simm.s32 @p2 $0x1082  }
0x22: {  	[simem:s7], [sflag:s8] =	dma.local @!p0 [hbm:s6], $0xF7A  }
0x23: {  	s9 =	sor.u32 $0xD0000000, s2;
	s6 =	simm.s32 $0x108;
	_ =	swait.ge @!p0 [sflag:s8], $0x0  }
0x24: {  	s3 =	sadd.s32 $0x88, s3;
	s6 =	simm.s32 @!p1 $0x1082;
	[sflag:s4] =	ssyncset.s32 $0xFFFFF086  }
0x25: {  	[simem:s6], [sflag:s4] =	dma.local [hbm:s3], $0xF7A  }
0x26: {  	[smem:$0x3F98] =	sst s1;
	(tag) =	ssettag s2;
	_ =	strace s9  }
0x27: {  	s1 =	sld [smem:$0x3FA8]  }
0x28: {  	s2 =	sld [smem:$0x3FA9]  }
0x29: {  	s4 =	sld [smem:$0x3FAB]  }
0x2a: {  	p0 =	seq.s32 s5, $0x0;
	s5 =	sld [smem:$0x3FAC]  }
0x2b: {  	s6 =	sld [smem:$0x3FAD]  }
0x2c: {  	s7 =	sld [smem:$0x3FAE]  }
0x2d: {  	s3 =	simm.s32 $0x108;
	s8 =	sld [smem:$0x3FAF]  }
0x2e: {  	s3 =	simm.s32 @!p0 $0x1082;
	s9 =	sld [smem:$0x3FB0]  }
0x2f: {  	lr =	sadd.s32 s0, s3;
	s0 =	sld [smem:$0x3FA7]  }
0x30: {  	s3 =	sld [smem:$0x3FAA]  }
0x31: {  	[smem:$0x3FB3] =	sst s10  }
0x32: {  	s10 =	sld [smem:$0x3FB1];
	_ =	sdelay $0x3  }
0x33: {  	p0 =	seq.s32 s10, $0x1;
	s10 =	sld [smem:$0x3FB3];
	_ =	sdelay $0x3  }
0x34: {  	[smem:$0x3FB3] =	sst s10  }
0x35: {  	s10 =	sld [smem:$0x3FB2];
	_ =	sdelay $0x3  }
0x36: {  	p1 =	seq.s32 s10, $0x1;
	s10 =	sld [smem:$0x3FB3];
	_ =	sdelay $0x3  }
0x37: {  	[smem:$0x3FB3] =	sst s10  }
0x38: {  	s10 =	sld [smem:$0x3FB4]  }
0x39: {  	_ = 	snop;
	(pc) =	sbr.ind lr, $3  }
0x3a: {  	_ = 	snop  }
0x3b: {  	_ = 	snop  }
0x3c: {  	p2 =	seq.s32 s10, $0x1;
	s10 =	sld [smem:$0x3FB3]  }
0x3d: {  	_ =	shalt  }
0x3e: {  	_ =	shalt  }
0x3f: {  	_ =	shalt  }
0x40: {  	_ =	shalt  }
0x41: {  	_ =	shalt  }
0x42: {  	_ =	shalt  }
0x43: {  	_ =	shalt  }
0x44: {  	_ =	shalt  }
0x45: {  	_ =	shalt  }
0x46: {  	_ =	shalt  }
0x47: {  	_ =	shalt  }
0x48: {  	_ =	shalt  }
0x49: {  	_ =	shalt  }
0x4a: {  	_ =	shalt  }
0x4b: {  	_ =	shalt  }
0x4c: {  	_ =	shalt  }
0x4d: {  	_ =	shalt  }
0x4e: {  	_ =	shalt  }
0x4f: {  	_ =	shalt  }
0x50: {  	_ =	shalt  }
0x51: {  	_ =	shalt  }
0x52: {  	_ =	shalt  }
0x53: {  	_ =	shalt  }
0x54: {  	_ =	shalt  }
0x55: {  	_ =	shalt  }
0x56: {  	_ =	shalt  }
0x57: {  	_ =	shalt  }
0x58: {  	_ =	shalt  }
0x59: {  	_ =	shalt  }
0x5a: {  	_ =	shalt  }
0x5b: {  	_ =	shalt  }
0x5c: {  	_ =	shalt  }
0x5d: {  	_ =	shalt  }
0x5e: {  	_ =	shalt  }
0x5f: {  	_ =	shalt  }
0x60: {  	_ =	shalt  }
0x61: {  	_ =	shalt  }
0x62: {  	_ =	shalt  }
0x63: {  	_ =	shalt  }
0x64: {  	_ =	shalt  }
0x65: {  	_ =	shalt  }
0x66: {  	_ =	shalt  }
0x67: {  	_ =	shalt  }
0x68: {  	_ =	shalt  }
0x69: {  	_ =	shalt  }
0x6a: {  	_ =	shalt  }
0x6b: {  	_ =	shalt  }
0x6c: {  	_ =	shalt  }
0x6d: {  	_ =	shalt  }
0x6e: {  	_ =	shalt  }
0x6f: {  	_ =	shalt  }
0x70: {  	_ =	shalt  }
0x71: {  	_ =	shalt  }
0x72: {  	_ =	shalt  }
0x73: {  	_ =	shalt  }
0x74: {  	_ =	shalt  }
0x75: {  	_ =	shalt  }
0x76: {  	_ =	shalt  }
0x77: {  	_ =	shalt  }
0x78: {  	_ =	shalt  }
0x79: {  	_ =	shalt  }
0x7a: {  	_ =	shalt  }
0x7b: {  	_ =	shalt  }
0x7c: {  	_ =	shalt  }
0x7d: {  	_ =	shalt  }
0x7e: {  	_ =	shalt  }
0x7f: {  	_ =	shalt  }
0x80: {  	_ =	shalt  }
0x81: {  	_ =	shalt  }
0x82: {  	_ =	shalt  }
0x83: {  	_ =	shalt  }
0x84: {  	_ =	shalt  }
0x85: {  	_ =	shalt  }
0x86: {  	_ =	shalt  }
0x87: {  	_ =	shalt  }
.Lfunc_end0:
.L_simem_size_0:
called_computation.1_lowered:
.L_overlay_start_0:
0x88: {  	s2 =	sld [smem:$0x3FD9]  }
0x89: {  	s3 =	sld [smem:$0x3FFE];
	_ =	sdelay $0x1  }
0x8a: {  	s1 =	srdreg.scid  }
0x8b: {  	s0 =	sand.u32 $0x1, s1  }
0x8c: {  	s16 =	sshll.u32 s0, $0xA;
	s2 =	sadd.s32 s3, s2  }
0x8d: {  	s2 =	sadd.s32 s2, s16  }
0x8e: {  	[smem:$0x3FBF] =	sst s2  }
0x8f: {  	_ = 	snop  }
0x90: {  	(tm) =	ssettm $0x1  }
0x91: {  	s17 =	sld [smem:$0x3FFB];
	_ =	sdelay $0x3  }
0x92: {  	_ =	strace s17  }
0x93: {  	s2 =	sld [smem:$0x3FFC];
	_ =	sdelay $0x3  }
0x94: {  	_ =	strace s2  }
0x95: {  	s2 =	sld [smem:$0x3FFD];
	_ =	sdelay $0x3  }
0x96: {  	_ =	strace s2  }
0x97: {  	_ =	strace $0x8FFFFFFF  }
0x98: {  	s18 =	sld [smem:$0x3FDB];
	_ =	sdelay $0x1  }
0x99: {  	s19 =	simm.s32 $_scs_section_size  }
0x9a: {  	s4 =	simm.s32 $_size__tile_overlayer_lowered;
	s5 =	simm.s32 $_tile_overlayer_lowered  }
0x9b: {  	s22 =	simm.s32 $0x1BFF;
	s21 =	sshll.u32 s5, $0x1;
	s2 =	sadd.s32 s19, s18  }
0x9c: {  	s6 =	simm.s32 $0x0;
	s20 =	sshll.u32 s4, $0x1;
	s4 =	sadd.s32 s21, s2  }
0x9d: {  	[timem:s6], [sflag:s22] =	dma.local [hbm:s4], s20  }
0x9e: {  	_ =	swait.ge [sflag:s22], s20  }
0x9f: {  	s3 =	ssub.s32 $0x0, s20;
	[sflag:s22] =	ssyncset.done $0x0  }
0xa0: {  	[sflag:s22] =	ssyncadd.s32 s3;
	_ =	sdelay $0x1  }
0xa1: {  	s23 =	simm.s32 $0x1B8B  }
0xa2: {  	_ =	swait.ge [sflag:s23], $0x1  }
0xa3: {  	[sflag:s23] =	ssyncset.done $0x0  }
0xa4: {  	s25 =	simm.s32 $0x1B8E;
	s24 =	sld [smem:$0x3FFE];
	[sflag:s23] =	ssyncadd.s32 $0xFFFFFFFF  }
0xa5: {  	s26 =	simm.s32 $execute0_lowered;
	[smem:$0x3FD2] =	sst s25  }
0xa6: {  	s4 =	sshll.u32 s26, $0x1;
	_ =	strace $0x80000049;
	[dreg:$0x1] =	wrdreg $0xFFFFFFFF  }
0xa7: {  	s28 =	simm.s32 $_size_execute0_lowered;
	s2 =	sadd.s32 s2, s4;
	[dreg:$0x0] =	wrdreg $0x0  }
0xa8: {  	s4 =	sshll.u32 s28, $0x1;
	[dreg:$0x2] =	wrdreg s2  }
0xa9: {  	[dreg:$0x3] =	wrdreg s4  }
0xaa: {  	[dreg:$0x4] =	wrdreg $0xC0  }
0xab: {  	_ =	task [dreg:s6], $0x5FFFF  }
0xac: {  	[dreg:$0x1] =	wrdreg $0xFFFFFFFF  }
0xad: {  	[dreg:$0x0] =	wrdreg $0x60  }
0xae: {  	[dreg:$0x2] =	wrdreg s24  }
0xaf: {  	[dreg:$0x3] =	wrdreg $0x150000  }
0xb0: {  	[dreg:$0x4] =	wrdreg $0x9  }
0xb1: {  	_ =	task.clear_ibuf [dreg:s6], $0x5FFFF;
	_ =	strace $0x90000049  }
0xb2: {  	s29 =	simm.s32 $0x9;
	_ =	strace $0x8000004B  }
0xb3: {  	_ =	swait.ge [sflag:s29], $0x1  }
0xb4: {  	[sflag:s29] =	ssyncadd.s32 $0xFFFFFFFF  }
0xb5: {  	_ =	strace $0x9000004B  }
0xb6: {  	_ =	sfence  }
0xb7: {  	s30 =	sld [smem:$0x0];
	_ =	sdelay $0x2  }
0xb8: {  	s31 =	sshll.u32 s1, $0xD;
	s1 =	sshrl.u32 s1, $0x2  }
0xb9: {  	s3 =	sand.u32 $0x4000, s31;
	s1 =	sadd.s32 s1, s30  }
0xba: {  	s0 =	sor.u32 s3, s0;
	s1 =	sshll.u32 s1, $0x11  }
0xbb: {  	s0 =	sor.u32 s1, s0  }
0xbc: {  	s0 =	sadd.s32 $0x8F2B, s0  }
0xbd: {  	[sflag:s0] =	ssyncadd.remote.s32 $0x1  }
0xbe: {  	_ =	sfence.sel $0xFFFF  }
0xbf: {  	[dreg:$0x0] =	wrdreg $0xFFFFFFFF;
	(pc) =	sbr.abs _section_cstart, $3  }
0xc0: {  	[dreg:$0x1] =	wrdreg $0xFFFFFFFF  }
0xc1: {  	_ =	task.clear_ibuf [dreg:s6], $0x2FFFF;
	_ =	strace $0x9FFFFFFF  }
0xc2: {  	(tm) =	ssettm $0x7FFFFFFF  }
0xc3: {  	_ =	shalt  }
tec
execute0_lowered:
.L_overlay_start_1:
0x0: {  	(tag) =	ssettag $0x1  }
0x1: {  	s0 =	rddreg [dreg:$0x0];
	s1 =	srdreg.scid  }
0x2: {  	s2 =	rddreg [dreg:$0x1];
	s10 =	stileid.u32;
	s5 =	simm.s32 $0x0  }
0x3: {  	s14 =	simm.s32 $0x11;
	s16 =	simm.s32 $0x80;
	s17 =	simm.s32 $0x5000  }
0x4: {  	s18 =	simm.s32 $0x7000;
	s30 =	simm.s32 $0xD000;
	s31 =	simm.s32 $0x4  }
0x5: {  	s28 =	simm.s32 $0x9;
	s29 =	simm.s32 $0x8;
	s12 =	simm.s32 $0xF  }
0x6: {  	s1 =	sand.u32 $0x1, s1;
	s4 =	smul.u32 $0x278, s10;
	[smem:$0x7FF] =	sst s5  }
0x7: {  	s6 =	sadd.s32 $0x20000, s0;
	s7 =	sadd.s32 $0x16000, s0;
	s9 =	smul.u32 $0x5000, s10  }
0x8: {  	s11 =	sadd.s32 $0x1C00, s0;
	s21 =	sshll.u32 s10, $0x6;
	s10 =	simm.s32 $0x6  }
0x9: {  	s3 =	smul.u32 $0x9C400, s1;
	_ =	strace $0x8000004A;
	s1 =	ssub.s32 $0x2, s1  }
0xa: {  	[dreg:$0x3] =	wrdreg s11;
	s13 =	sor.u32 $0x1C11, s21;
	s21 =	simm.s32 $0x9000  }
0xb: {  	s11 =	simm.s32 $0xE;
	s4 =	smin.u32 s4, $0x2498;
	s8 =	sshrl.u32 s1, $0x1  }
0xc: {  	s22 =	sshrl.u32 s9, $0x3;
	s9 =	simm.s32 $0xD;
	[dreg:$0x4] =	wrdreg s13  }
0xd: {  	s19 =	sshrl.u32 s3, $0x3;
	s4 =	sshll.u32 s4, $0x6;
	s1 =	ssub.s32 s1, s8  }
0xe: {  	s23 =	sadd.s32 s6, s22;
	s24 =	sadd.s32 $0x500, s22;
	s8 =	sadd.s32 s7, s22  }
0xf: {  	s22 =	simm.s32 $0x2;
	s5 =	sadd.s32 s19, s0;
	[dreg:$0x5] =	wrdreg s23  }
0x10: {  	s3 =	sadd.s32 s3, s4;
	s20 =	sadd.s32 s4, s2;
	[dreg:$0x6] =	wrdreg s8  }
0x11: {  	s25 =	sadd.s32 s6, s24;
	s4 =	sadd.s32 s7, s24;
	s26 =	smax.u32 s1, $0x1  }
0x12: {  	s19 =	simm.s32 $0x1;
	s6 =	simm.s32 $0x5;
	s23 =	simm.s32 $0x13000  }
0x13: {  	s24 =	simm.s32 $0x7;
	s1 =	simm.s32 $0xB;
	[dreg:$0x7] =	wrdreg s25  }
0x14: {  	s7 =	simm.s32 $0xC;
	s3 =	sshrl.u32 s3, $0x3;
	[dreg:$0x8] =	wrdreg s4  }
0x15: {  	s8 =	sadd.s32 $0xC6400, s5;
	[dreg:$0xa] =	wrdreg s26;
	s15 =	sshrl.u32 s20, $0x3  }
0x16: {  	s25 =	simm.s32 $0xB000;
	s26 =	simm.s32 $0x3;
	s5 =	simm.s32 $0x0  }
0x17: {  	s4 =	simm.s32 $0xF000;
	s0 =	sadd.s32 s3, s0;
	[dreg:$0xc] =	wrdreg s5  }
0x18: {  	s20 =	simm.s32 $0x11000;
	[dreg:$0xb] =	wrdreg s15;
	s0 =	sadd.s32 $0xED600, s0  }
0x19: {  	s3 =	simm.s32 $0x10;
	[dreg:$0x9] =	wrdreg s0;
	s0 =	simm.s32 $0xA  }
.LBB2_1:
0x1a: {  	s5 =	rddreg [dreg:$0x3]  }
0x1b: {  	[spmem:s15], [sflag:s13] =	dma.local [hbm:s5], $0x13C0  }
0x1c: {  	_ =	swait.ge [sflag:s14], $0x13C0  }
0x1d: {  	[sflag:s14] =	ssyncset.done $0x0  }
0x1e: {  	[sflag:s14] =	ssyncadd.s32 $0xFFFFEC40  }
0x1f: {  	[bflag:$0x0] =	sbarrier.arrive $0xFFFF  }
0x20: {  	s5 =	simm.s32 $0x0;
	s15 =	rddreg [dreg:$0x5]  }
0x21: {  	[tilespmem:s5], [sflag:$0x11] =	stream.linear.gather [hbm4b:s15+s5], $0x2800, $0x38;
	[tilespmem:$0x1EC60] =	vst v63  }
0x22: {  	_ =	swait.ge [sflag:s14], $0x2800  }
0x23: {  	[sflag:s14] =	ssyncset.done $0x0  }
0x24: {  	s15 =	simm.s32 $0x2800;
	s13 =	rddreg [dreg:$0x6];
	[sflag:s14] =	ssyncadd.s32 $0xFFFFD800  }
0x25: {  	[tilespmem:s15], [sflag:$0x11] =	stream.linear.gather [hbm4b:s13+s5], $0x2800, $0x38;
	[tilespmem:$0x1EC60] =	vst v63  }
0x26: {  	_ =	swait.ge [sflag:s14], $0x2800  }
0x27: {  	[sflag:s14] =	ssyncset.done $0x0  }
0x28: {  	[sflag:s14] =	ssyncadd.s32 $0xFFFFD800  }
0x29: {  	[tilespmem:s17], [sflag:$0x1] =	stream.indirect.gather [hbm4b:s8+s16], $0x40, s5, s16, $0xb8;
	[tilespmem:$0x1EC60] =	vst v63  }
0x2a: {  	_ = 	snop  }
0x2b: {  	[tilespmem:s18], [sflag:$0x2] =	stream.indirect.gather [hbm4b:s8+s16], $0x40, s16, s16, $0xb8;
	[tilespmem:$0x1EC60] =	vst v63  }
0x2c: {  	_ =	swait.ge [sflag:s19], $0x2000  }
0x2d: {  	[sflag:s19] =	ssyncset.done $0x0  }
0x2e: {  	[sflag:s19] =	ssyncadd.s32 $0xFFFFE000  }
0x2f: {  	[spmem:s2] =	stream.indirect.scatter.add.f32 [tilespmem:s17], [sflag:$0x9], $0x40, s15, s16, $0xb8;
	[tilespmem:$0x1EC60] =	vst v63  }
0x30: {  	s13 =	simm.s32 $0x100  }
0x31: {  	[tilespmem:s21], [sflag:$0x3] =	stream.indirect.gather [hbm4b:s8+s16], $0x40, s13, s16, $0xb8;
	[tilespmem:$0x1EC60] =	vst v63  }
0x32: {  	_ =	swait.ge [sflag:s22], $0x2000  }
0x33: {  	[sflag:s22] =	ssyncset.done $0x0  }
0x34: {  	s15 =	simm.s32 $0x2880;
	[sflag:s22] =	ssyncadd.s32 $0xFFFFE000  }
0x35: {  	[spmem:s2] =	stream.indirect.scatter.add.f32 [tilespmem:s18], [sflag:$0xA], $0x40, s15, s16, $0xb8;
	[tilespmem:$0x1EC60] =	vst v63  }
0x36: {  	s13 =	simm.s32 $0x180  }
0x37: {  	[tilespmem:s25], [sflag:$0x4] =	stream.indirect.gather [hbm4b:s8+s16], $0x40, s13, s16, $0xb8;
	[tilespmem:$0x1EC60] =	vst v63  }
0x38: {  	_ =	swait.ge [sflag:s26], $0x2000  }
0x39: {  	[sflag:s26] =	ssyncset.done $0x0  }
0x3a: {  	s15 =	simm.s32 $0x2900;
	[sflag:s26] =	ssyncadd.s32 $0xFFFFE000  }
0x3b: {  	[spmem:s2] =	stream.indirect.scatter.add.f32 [tilespmem:s21], [sflag:$0xB], $0x40, s15, s16, $0xb8;
	[tilespmem:$0x1EC60] =	vst v63  }
0x3c: {  	s13 =	simm.s32 $0x200  }
0x3d: {  	[tilespmem:s30], [sflag:$0x5] =	stream.indirect.gather [hbm4b:s8+s16], $0x40, s13, s16, $0xb8;
	[tilespmem:$0x1EC60] =	vst v63  }
0x3e: {  	_ =	swait.ge [sflag:s31], $0x2000  }
0x3f: {  	[sflag:s31] =	ssyncset.done $0x0  }
0x40: {  	s15 =	simm.s32 $0x2980;
	[sflag:s31] =	ssyncadd.s32 $0xFFFFE000  }
0x41: {  	[spmem:s2] =	stream.indirect.scatter.add.f32 [tilespmem:s25], [sflag:$0xC], $0x40, s15, s16, $0xb8;
	[tilespmem:$0x1EC60] =	vst v63  }
0x42: {  	s13 =	simm.s32 $0x280  }
0x43: {  	[tilespmem:s4], [sflag:$0x6] =	stream.indirect.gather [hbm4b:s8+s16], $0x40, s13, s16, $0xb8;
	[tilespmem:$0x1EC60] =	vst v63  }
0x44: {  	_ =	swait.ge [sflag:s6], $0x2000  }
0x45: {  	[sflag:s6] =	ssyncset.done $0x0  }
0x46: {  	s15 =	simm.s32 $0x2A00;
	[sflag:s6] =	ssyncadd.s32 $0xFFFFE000  }
0x47: {  	[spmem:s2] =	stream.indirect.scatter.add.f32 [tilespmem:s30], [sflag:$0xD], $0x40, s15, s16, $0xb8;
	[tilespmem:$0x1EC60] =	vst v63  }
0x48: {  	s13 =	simm.s32 $0x300  }
0x49: {  	[tilespmem:s20], [sflag:$0x7] =	stream.indirect.gather [hbm4b:s8+s16], $0x40, s13, s16, $0xb8;
	[tilespmem:$0x1EC60] =	vst v63  }
0x4a: {  	_ =	swait.ge [sflag:s10], $0x2000  }
0x4b: {  	[sflag:s10] =	ssyncset.done $0x0  }
0x4c: {  	s15 =	simm.s32 $0x2A80;
	[sflag:s10] =	ssyncadd.s32 $0xFFFFE000  }
0x4d: {  	[spmem:s2] =	stream.indirect.scatter.add.f32 [tilespmem:s4], [sflag:$0xE], $0x40, s15, s16, $0xb8;
	[tilespmem:$0x1EC60] =	vst v63  }
0x4e: {  	s13 =	simm.s32 $0x380  }
0x4f: {  	[tilespmem:s23], [sflag:$0x8] =	stream.indirect.gather [hbm4b:s8+s16], $0x40, s13, s16, $0xb8;
	[tilespmem:$0x1EC60] =	vst v63  }
0x50: {  	_ =	swait.ge [sflag:s24], $0x2000  }
0x51: {  	[sflag:s24] =	ssyncset.done $0x0  }
0x52: {  	s15 =	simm.s32 $0x2B00;
	[sflag:s24] =	ssyncadd.s32 $0xFFFFE000  }
0x53: {  	[spmem:s2] =	stream.indirect.scatter.add.f32 [tilespmem:s20], [sflag:$0xF], $0x40, s15, s16, $0xb8;
	[tilespmem:$0x1EC60] =	vst v63  }
0x54: {  	_ =	swait.ge [sflag:s28], $0x2000  }
0x55: {  	[sflag:s28] =	ssyncset.done $0x0  }
0x56: {  	s5 =	simm.s32 $0x400;
	[sflag:s28] =	ssyncadd.s32 $0xFFFFE000  }
0x57: {  	[tilespmem:s17], [sflag:$0x1] =	stream.indirect.gather [hbm4b:s8+s16], $0x40, s5, s16, $0xb8;
	[tilespmem:$0x1EC60] =	vst v63  }
0x58: {  	_ =	swait.ge [sflag:s29], $0x2000  }
0x59: {  	[sflag:s29] =	ssyncset.done $0x0  }
0x5a: {  	s15 =	simm.s32 $0x2B80;
	[sflag:s29] =	ssyncadd.s32 $0xFFFFE000  }
0x5b: {  	[spmem:s2] =	stream.indirect.scatter.add.f32 [tilespmem:s23], [sflag:$0x10], $0x40, s15, s16, $0xb8;
	[tilespmem:$0x1EC60] =	vst v63  }
0x5c: {  	_ =	swait.ge [sflag:s0], $0x2000  }
0x5d: {  	[sflag:s0] =	ssyncset.done $0x0  }
0x5e: {  	s5 =	simm.s32 $0x480;
	[sflag:s0] =	ssyncadd.s32 $0xFFFFE000  }
0x5f: {  	[tilespmem:s18], [sflag:$0x2] =	stream.indirect.gather [hbm4b:s8+s16], $0x40, s5, s16, $0xb8;
	[tilespmem:$0x1EC60] =	vst v63  }
0x60: {  	_ =	swait.ge [sflag:s19], $0x2000  }
0x61: {  	[sflag:s19] =	ssyncset.done $0x0  }
0x62: {  	s15 =	simm.s32 $0x2C00;
	[sflag:s19] =	ssyncadd.s32 $0xFFFFE000  }
0x63: {  	[spmem:s2] =	stream.indirect.scatter.add.f32 [tilespmem:s17], [sflag:$0x9], $0x40, s15, s16, $0xb8;
	[tilespmem:$0x1EC60] =	vst v63  }
0x64: {  	_ =	swait.ge [sflag:s1], $0x2000  }
0x65: {  	[sflag:s1] =	ssyncset.done $0x0  }
0x66: {  	s5 =	simm.s32 $0x500;
	[sflag:s1] =	ssyncadd.s32 $0xFFFFE000  }
0x67: {  	[tilespmem:s21], [sflag:$0x3] =	stream.indirect.gather [hbm4b:s8+s16], $0x40, s5, s16, $0xb8;
	[tilespmem:$0x1EC60] =	vst v63  }
0x68: {  	_ =	swait.ge [sflag:s22], $0x2000  }
0x69: {  	[sflag:s22] =	ssyncset.done $0x0  }
0x6a: {  	s15 =	simm.s32 $0x2C80;
	[sflag:s22] =	ssyncadd.s32 $0xFFFFE000  }
0x6b: {  	[spmem:s2] =	stream.indirect.scatter.add.f32 [tilespmem:s18], [sflag:$0xA], $0x40, s15, s16, $0xb8;
	[tilespmem:$0x1EC60] =	vst v63  }
0x6c: {  	_ =	swait.ge [sflag:s7], $0x2000  }
0x6d: {  	[sflag:s7] =	ssyncset.done $0x0  }
0x6e: {  	s5 =	simm.s32 $0x580;
	[sflag:s7] =	ssyncadd.s32 $0xFFFFE000  }
0x6f: {  	[tilespmem:s25], [sflag:$0x4] =	stream.indirect.gather [hbm4b:s8+s16], $0x40, s5, s16, $0xb8;
	[tilespmem:$0x1EC60] =	vst v63  }
0x70: {  	_ =	swait.ge [sflag:s26], $0x2000  }
0x71: {  	[sflag:s26] =	ssyncset.done $0x0  }
0x72: {  	s15 =	simm.s32 $0x2D00;
	[sflag:s26] =	ssyncadd.s32 $0xFFFFE000  }
0x73: {  	[spmem:s2] =	stream.indirect.scatter.add.f32 [tilespmem:s21], [sflag:$0xB], $0x40, s15, s16, $0xb8;
	[tilespmem:$0x1EC60] =	vst v63  }
0x74: {  	_ =	swait.ge [sflag:s9], $0x2000  }
0x75: {  	[sflag:s9] =	ssyncset.done $0x0  }
0x76: {  	s5 =	simm.s32 $0x600;
	[sflag:s9] =	ssyncadd.s32 $0xFFFFE000  }
0x77: {  	[tilespmem:s30], [sflag:$0x5] =	stream.indirect.gather [hbm4b:s8+s16], $0x40, s5, s16, $0xb8;
	[tilespmem:$0x1EC60] =	vst v63  }
0x78: {  	_ =	swait.ge [sflag:s31], $0x2000  }
0x79: {  	[sflag:s31] =	ssyncset.done $0x0  }
0x7a: {  	s15 =	simm.s32 $0x2D80;
	[sflag:s31] =	ssyncadd.s32 $0xFFFFE000  }
0x7b: {  	[spmem:s2] =	stream.indirect.scatter.add.f32 [tilespmem:s25], [sflag:$0xC], $0x40, s15, s16, $0xb8;
	[tilespmem:$0x1EC60] =	vst v63  }
0x7c: {  	_ =	swait.ge [sflag:s11], $0x2000  }
0x7d: {  	[sflag:s11] =	ssyncset.done $0x0  }
0x7e: {  	s5 =	simm.s32 $0x680;
	[sflag:s11] =	ssyncadd.s32 $0xFFFFE000  }
0x7f: {  	[tilespmem:s4], [sflag:$0x6] =	stream.indirect.gather [hbm4b:s8+s16], $0x40, s5, s16, $0xb8;
	[tilespmem:$0x1EC60] =	vst v63  }
0x80: {  	_ =	swait.ge [sflag:s6], $0x2000  }
0x81: {  	[sflag:s6] =	ssyncset.done $0x0  }
0x82: {  	s15 =	simm.s32 $0x2E00;
	[sflag:s6] =	ssyncadd.s32 $0xFFFFE000  }
0x83: {  	[spmem:s2] =	stream.indirect.scatter.add.f32 [tilespmem:s30], [sflag:$0xD], $0x40, s15, s16, $0xb8;
	[tilespmem:$0x1EC60] =	vst v63  }
0x84: {  	_ =	swait.ge [sflag:s12], $0x2000  }
0x85: {  	[sflag:s12] =	ssyncset.done $0x0  }
0x86: {  	s5 =	simm.s32 $0x700;
	[sflag:s12] =	ssyncadd.s32 $0xFFFFE000  }
0x87: {  	[tilespmem:s20], [sflag:$0x7] =	stream.indirect.gather [hbm4b:s8+s16], $0x40, s5, s16, $0xb8;
	[tilespmem:$0x1EC60] =	vst v63  }
0x88: {  	_ =	swait.ge [sflag:s10], $0x2000  }
0x89: {  	[sflag:s10] =	ssyncset.done $0x0  }
0x8a: {  	s15 =	simm.s32 $0x2E80;
	[sflag:s10] =	ssyncadd.s32 $0xFFFFE000  }
0x8b: {  	[spmem:s2] =	stream.indirect.scatter.add.f32 [tilespmem:s4], [sflag:$0xE], $0x40, s15, s16, $0xb8;
	[tilespmem:$0x1EC60] =	vst v63  }
0x8c: {  	_ =	swait.ge [sflag:s3], $0x2000  }
0x8d: {  	[sflag:s3] =	ssyncset.done $0x0  }
0x8e: {  	s13 =	simm.s32 $0x780;
	s15 =	simm.s32 $0x1000;
	[sflag:s3] =	ssyncadd.s32 $0xFFFFE000  }
.LBB2_2:
0x8f: {  	[tilespmem:s23], [sflag:$0x8] =	stream.indirect.gather [hbm4b:s8+s16], $0x40, s13, s16, $0xb8;
	[tilespmem:$0x1EC60] =	vst v63  }
0x90: {  	s13 =	smov.u32 s15  }
0x91: {  	p0 =	sne.s32 s15, $0x8000;
	s15 =	sadd.s32 $0x1000, s15;
	_ =	swait.ge [sflag:s24], $0x2000  }
0x92: {  	s13 =	sshra.s32 s13, $0x2;
	[sflag:s24] =	ssyncset.done $0x0  }
0x93: {  	s5 =	sadd.s32 $0x2B00, s13;
	[sflag:s24] =	ssyncadd.s32 $0xFFFFE000  }
0x94: {  	[spmem:s2] =	stream.indirect.scatter.add.f32 [tilespmem:s20], [sflag:$0xF], $0x40, s5, s16, $0xb8;
	[tilespmem:$0x1EC60] =	vst v63  }
0x95: {  	_ =	swait.ge [sflag:s28], $0x2000  }
0x96: {  	[sflag:s28] =	ssyncset.done $0x0  }
0x97: {  	s5 =	sadd.s32 $0x400, s13;
	[sflag:s28] =	ssyncadd.s32 $0xFFFFE000  }
0x98: {  	[tilespmem:s17], [sflag:$0x1] =	stream.indirect.gather [hbm4b:s8+s16], $0x40, s5, s16, $0xb8;
	[tilespmem:$0x1EC60] =	vst v63  }
0x99: {  	_ =	swait.ge [sflag:s29], $0x2000  }
0x9a: {  	[sflag:s29] =	ssyncset.done $0x0  }
0x9b: {  	s5 =	sadd.s32 $0x2B80, s13;
	[sflag:s29] =	ssyncadd.s32 $0xFFFFE000  }
0x9c: {  	[spmem:s2] =	stream.indirect.scatter.add.f32 [tilespmem:s23], [sflag:$0x10], $0x40, s5, s16, $0xb8;
	[tilespmem:$0x1EC60] =	vst v63  }
0x9d: {  	_ =	swait.ge [sflag:s0], $0x2000  }
0x9e: {  	[sflag:s0] =	ssyncset.done $0x0  }
0x9f: {  	s5 =	sadd.s32 $0x480, s13;
	[sflag:s0] =	ssyncadd.s32 $0xFFFFE000  }
0xa0: {  	[tilespmem:s18], [sflag:$0x2] =	stream.indirect.gather [hbm4b:s8+s16], $0x40, s5, s16, $0xb8;
	[tilespmem:$0x1EC60] =	vst v63  }
0xa1: {  	_ =	swait.ge [sflag:s19], $0x2000  }
0xa2: {  	[sflag:s19] =	ssyncset.done $0x0  }
0xa3: {  	s5 =	sadd.s32 $0x2C00, s13;
	[sflag:s19] =	ssyncadd.s32 $0xFFFFE000  }
0xa4: {  	[spmem:s2] =	stream.indirect.scatter.add.f32 [tilespmem:s17], [sflag:$0x9], $0x40, s5, s16, $0xb8;
	[tilespmem:$0x1EC60] =	vst v63  }
0xa5: {  	_ =	swait.ge [sflag:s1], $0x2000  }
0xa6: {  	[sflag:s1] =	ssyncset.done $0x0  }
0xa7: {  	s5 =	sadd.s32 $0x500, s13;
	[sflag:s1] =	ssyncadd.s32 $0xFFFFE000  }
0xa8: {  	[tilespmem:s21], [sflag:$0x3] =	stream.indirect.gather [hbm4b:s8+s16], $0x40, s5, s16, $0xb8;
	[tilespmem:$0x1EC60] =	vst v63  }
0xa9: {  	_ =	swait.ge [sflag:s22], $0x2000  }
0xaa: {  	[sflag:s22] =	ssyncset.done $0x0  }
0xab: {  	s5 =	sadd.s32 $0x2C80, s13;
	[sflag:s22] =	ssyncadd.s32 $0xFFFFE000  }
0xac: {  	[spmem:s2] =	stream.indirect.scatter.add.f32 [tilespmem:s18], [sflag:$0xA], $0x40, s5, s16, $0xb8;
	[tilespmem:$0x1EC60] =	vst v63  }
0xad: {  	_ =	swait.ge [sflag:s7], $0x2000  }
0xae: {  	[sflag:s7] =	ssyncset.done $0x0  }
0xaf: {  	s5 =	sadd.s32 $0x580, s13;
	[sflag:s7] =	ssyncadd.s32 $0xFFFFE000  }
0xb0: {  	[tilespmem:s25], [sflag:$0x4] =	stream.indirect.gather [hbm4b:s8+s16], $0x40, s5, s16, $0xb8;
	[tilespmem:$0x1EC60] =	vst v63  }
0xb1: {  	_ =	swait.ge [sflag:s26], $0x2000  }
0xb2: {  	[sflag:s26] =	ssyncset.done $0x0  }
0xb3: {  	s5 =	sadd.s32 $0x2D00, s13;
	[sflag:s26] =	ssyncadd.s32 $0xFFFFE000  }
0xb4: {  	[spmem:s2] =	stream.indirect.scatter.add.f32 [tilespmem:s21], [sflag:$0xB], $0x40, s5, s16, $0xb8;
	[tilespmem:$0x1EC60] =	vst v63  }
0xb5: {  	_ =	swait.ge [sflag:s9], $0x2000  }
0xb6: {  	[sflag:s9] =	ssyncset.done $0x0  }
0xb7: {  	s5 =	sadd.s32 $0x600, s13;
	[sflag:s9] =	ssyncadd.s32 $0xFFFFE000  }
0xb8: {  	[tilespmem:s30], [sflag:$0x5] =	stream.indirect.gather [hbm4b:s8+s16], $0x40, s5, s16, $0xb8;
	[tilespmem:$0x1EC60] =	vst v63  }
0xb9: {  	_ =	swait.ge [sflag:s31], $0x2000  }
0xba: {  	[sflag:s31] =	ssyncset.done $0x0  }
0xbb: {  	s5 =	sadd.s32 $0x2D80, s13;
	[sflag:s31] =	ssyncadd.s32 $0xFFFFE000  }
0xbc: {  	[spmem:s2] =	stream.indirect.scatter.add.f32 [tilespmem:s25], [sflag:$0xC], $0x40, s5, s16, $0xb8;
	[tilespmem:$0x1EC60] =	vst v63  }
0xbd: {  	_ =	swait.ge [sflag:s11], $0x2000  }
0xbe: {  	[sflag:s11] =	ssyncset.done $0x0  }
0xbf: {  	s5 =	sadd.s32 $0x680, s13;
	[sflag:s11] =	ssyncadd.s32 $0xFFFFE000  }
0xc0: {  	[tilespmem:s4], [sflag:$0x6] =	stream.indirect.gather [hbm4b:s8+s16], $0x40, s5, s16, $0xb8;
	[tilespmem:$0x1EC60] =	vst v63  }
0xc1: {  	_ =	swait.ge [sflag:s6], $0x2000  }
0xc2: {  	[sflag:s6] =	ssyncset.done $0x0  }
0xc3: {  	s5 =	sadd.s32 $0x2E00, s13;
	[sflag:s6] =	ssyncadd.s32 $0xFFFFE000  }
0xc4: {  	[spmem:s2] =	stream.indirect.scatter.add.f32 [tilespmem:s30], [sflag:$0xD], $0x40, s5, s16, $0xb8;
	[tilespmem:$0x1EC60] =	vst v63  }
0xc5: {  	_ =	swait.ge [sflag:s12], $0x2000  }
0xc6: {  	[sflag:s12] =	ssyncset.done $0x0  }
0xc7: {  	s5 =	sadd.s32 $0x700, s13;
	[sflag:s12] =	ssyncadd.s32 $0xFFFFE000  }
0xc8: {  	[tilespmem:s20], [sflag:$0x7] =	stream.indirect.gather [hbm4b:s8+s16], $0x40, s5, s16, $0xb8;
	[tilespmem:$0x1EC60] =	vst v63  }
0xc9: {  	_ =	swait.ge [sflag:s10], $0x2000  }
0xca: {  	[sflag:s10] =	ssyncset.done $0x0  }
.Ltmp0:
0xcb: {  	s5 =	sadd.s32 $0x2E80, s13;
	[sflag:s10] =	ssyncadd.s32 $0xFFFFE000;
	(pc) =	sbr.rel @p0 .LBB2_2-.Ltmp0, $4  }
0xcc: {  	[spmem:s2] =	stream.indirect.scatter.add.f32 [tilespmem:s4], [sflag:$0xE], $0x40, s5, s16, $0xb8;
	[tilespmem:$0x1EC60] =	vst v63  }
0xcd: {  	_ =	swait.ge [sflag:s3], $0x2000  }
0xce: {  	[sflag:s3] =	ssyncset.done $0x0  }
0xcf: {  	s13 =	sadd.s32 $0x780, s13;
	[sflag:s3] =	ssyncadd.s32 $0xFFFFE000  }
0xd0: {  	[tilespmem:s23], [sflag:$0x8] =	stream.indirect.gather [hbm4b:s8+s16], $0x40, s13, s16, $0xb8;
	[tilespmem:$0x1EC60] =	vst v63  }
0xd1: {  	_ =	swait.ge [sflag:s24], $0x2000  }
0xd2: {  	[sflag:s24] =	ssyncset.done $0x0  }
0xd3: {  	s5 =	simm.s32 $0x4F00;
	[sflag:s24] =	ssyncadd.s32 $0xFFFFE000  }
0xd4: {  	[spmem:s2] =	stream.indirect.scatter.add.f32 [tilespmem:s20], [sflag:$0xF], $0x40, s5, s16, $0xb8;
	[tilespmem:$0x1EC60] =	vst v63  }
0xd5: {  	_ =	swait.ge [sflag:s29], $0x2000  }
0xd6: {  	[sflag:s29] =	ssyncset.done $0x0  }
0xd7: {  	s13 =	simm.s32 $0x4F80;
	[sflag:s29] =	ssyncadd.s32 $0xFFFFE000  }
0xd8: {  	[spmem:s2] =	stream.indirect.scatter.add.f32 [tilespmem:s23], [sflag:$0x10], $0x40, s13, s16, $0xb8;
	[tilespmem:$0x1EC60] =	vst v63  }
0xd9: {  	_ =	swait.ge [sflag:s28], $0x2000  }
0xda: {  	[sflag:s28] =	ssyncset.done $0x0  }
0xdb: {  	[sflag:s28] =	ssyncadd.s32 $0xFFFFE000  }
0xdc: {  	_ =	swait.ge [sflag:s0], $0x2000  }
0xdd: {  	[sflag:s0] =	ssyncset.done $0x0  }
0xde: {  	[sflag:s0] =	ssyncadd.s32 $0xFFFFE000  }
0xdf: {  	_ =	swait.ge [sflag:s1], $0x2000  }
0xe0: {  	[sflag:s1] =	ssyncset.done $0x0  }
0xe1: {  	[sflag:s1] =	ssyncadd.s32 $0xFFFFE000  }
0xe2: {  	_ =	swait.ge [sflag:s7], $0x2000  }
0xe3: {  	[sflag:s7] =	ssyncset.done $0x0  }
0xe4: {  	[sflag:s7] =	ssyncadd.s32 $0xFFFFE000  }
0xe5: {  	_ =	swait.ge [sflag:s9], $0x2000  }
0xe6: {  	[sflag:s9] =	ssyncset.done $0x0  }
0xe7: {  	[sflag:s9] =	ssyncadd.s32 $0xFFFFE000  }
0xe8: {  	_ =	swait.ge [sflag:s11], $0x2000  }
0xe9: {  	[sflag:s11] =	ssyncset.done $0x0  }
0xea: {  	[sflag:s11] =	ssyncadd.s32 $0xFFFFE000  }
0xeb: {  	_ =	swait.ge [sflag:s12], $0x2000  }
0xec: {  	[sflag:s12] =	ssyncset.done $0x0  }
0xed: {  	[sflag:s12] =	ssyncadd.s32 $0xFFFFE000  }
0xee: {  	_ =	swait.ge [sflag:s3], $0x2000  }
0xef: {  	[sflag:s3] =	ssyncset.done $0x0  }
0xf0: {  	s5 =	simm.s32 $0x0;
	s15 =	rddreg [dreg:$0x7];
	[sflag:s3] =	ssyncadd.s32 $0xFFFFE000  }
0xf1: {  	[tilespmem:s5], [sflag:$0x11] =	stream.linear.gather [hbm4b:s15+s5], $0x2800, $0x38;
	[tilespmem:$0x1EC60] =	vst v63  }
0xf2: {  	_ =	swait.ge [sflag:s14], $0x2800  }
0xf3: {  	[sflag:s14] =	ssyncset.done $0x0  }
0xf4: {  	s15 =	simm.s32 $0x2800;
	s13 =	rddreg [dreg:$0x8];
	[sflag:s14] =	ssyncadd.s32 $0xFFFFD800  }
0xf5: {  	[tilespmem:s15], [sflag:$0x11] =	stream.linear.gather [hbm4b:s13+s5], $0x2800, $0x38;
	[tilespmem:$0x1EC60] =	vst v63  }
0xf6: {  	_ =	swait.ge [sflag:s14], $0x2800  }
0xf7: {  	[sflag:s14] =	ssyncset.done $0x0  }
0xf8: {  	[sflag:s14] =	ssyncadd.s32 $0xFFFFD800  }
0xf9: {  	[tilespmem:s17], [sflag:$0x1] =	stream.indirect.gather [hbm4b:s8+s16], $0x40, s5, s16, $0xb8;
	[tilespmem:$0x1EC60] =	vst v63  }
0xfa: {  	_ = 	snop  }
0xfb: {  	[tilespmem:s18], [sflag:$0x2] =	stream.indirect.gather [hbm4b:s8+s16], $0x40, s16, s16, $0xb8;
	[tilespmem:$0x1EC60] =	vst v63  }
0xfc: {  	_ =	swait.ge [sflag:s19], $0x2000  }
0xfd: {  	[sflag:s19] =	ssyncset.done $0x0  }
0xfe: {  	[sflag:s19] =	ssyncadd.s32 $0xFFFFE000  }
0xff: {  	[spmem:s2] =	stream.indirect.scatter.add.f32 [tilespmem:s17], [sflag:$0x9], $0x40, s15, s16, $0xb8;
	[tilespmem:$0x1EC60] =	vst v63  }
0x100: {  	s13 =	simm.s32 $0x100  }
0x101: {  	[tilespmem:s21], [sflag:$0x3] =	stream.indirect.gather [hbm4b:s8+s16], $0x40, s13, s16, $0xb8;
	[tilespmem:$0x1EC60] =	vst v63  }
0x102: {  	_ =	swait.ge [sflag:s22], $0x2000  }
0x103: {  	[sflag:s22] =	ssyncset.done $0x0  }
0x104: {  	s15 =	simm.s32 $0x2880;
	[sflag:s22] =	ssyncadd.s32 $0xFFFFE000  }
0x105: {  	[spmem:s2] =	stream.indirect.scatter.add.f32 [tilespmem:s18], [sflag:$0xA], $0x40, s15, s16, $0xb8;
	[tilespmem:$0x1EC60] =	vst v63  }
0x106: {  	s13 =	simm.s32 $0x180  }
0x107: {  	[tilespmem:s25], [sflag:$0x4] =	stream.indirect.gather [hbm4b:s8+s16], $0x40, s13, s16, $0xb8;
	[tilespmem:$0x1EC60] =	vst v63  }
0x108: {  	_ =	swait.ge [sflag:s26], $0x2000  }
0x109: {  	[sflag:s26] =	ssyncset.done $0x0  }
0x10a: {  	s15 =	simm.s32 $0x2900;
	[sflag:s26] =	ssyncadd.s32 $0xFFFFE000  }
0x10b: {  	[spmem:s2] =	stream.indirect.scatter.add.f32 [tilespmem:s21], [sflag:$0xB], $0x40, s15, s16, $0xb8;
	[tilespmem:$0x1EC60] =	vst v63  }
0x10c: {  	s13 =	simm.s32 $0x200  }
0x10d: {  	[tilespmem:s30], [sflag:$0x5] =	stream.indirect.gather [hbm4b:s8+s16], $0x40, s13, s16, $0xb8;
	[tilespmem:$0x1EC60] =	vst v63  }
0x10e: {  	_ =	swait.ge [sflag:s31], $0x2000  }
0x10f: {  	[sflag:s31] =	ssyncset.done $0x0  }
0x110: {  	s15 =	simm.s32 $0x2980;
	[sflag:s31] =	ssyncadd.s32 $0xFFFFE000  }
0x111: {  	[spmem:s2] =	stream.indirect.scatter.add.f32 [tilespmem:s25], [sflag:$0xC], $0x40, s15, s16, $0xb8;
	[tilespmem:$0x1EC60] =	vst v63  }
0x112: {  	s13 =	simm.s32 $0x280  }
0x113: {  	[tilespmem:s4], [sflag:$0x6] =	stream.indirect.gather [hbm4b:s8+s16], $0x40, s13, s16, $0xb8;
	[tilespmem:$0x1EC60] =	vst v63  }
0x114: {  	_ =	swait.ge [sflag:s6], $0x2000  }
0x115: {  	[sflag:s6] =	ssyncset.done $0x0  }
0x116: {  	s15 =	simm.s32 $0x2A00;
	[sflag:s6] =	ssyncadd.s32 $0xFFFFE000  }
0x117: {  	[spmem:s2] =	stream.indirect.scatter.add.f32 [tilespmem:s30], [sflag:$0xD], $0x40, s15, s16, $0xb8;
	[tilespmem:$0x1EC60] =	vst v63  }
0x118: {  	s13 =	simm.s32 $0x300  }
0x119: {  	[tilespmem:s20], [sflag:$0x7] =	stream.indirect.gather [hbm4b:s8+s16], $0x40, s13, s16, $0xb8;
	[tilespmem:$0x1EC60] =	vst v63  }
0x11a: {  	_ =	swait.ge [sflag:s10], $0x2000  }
0x11b: {  	[sflag:s10] =	ssyncset.done $0x0  }
0x11c: {  	s15 =	simm.s32 $0x2A80;
	[sflag:s10] =	ssyncadd.s32 $0xFFFFE000  }
0x11d: {  	[spmem:s2] =	stream.indirect.scatter.add.f32 [tilespmem:s4], [sflag:$0xE], $0x40, s15, s16, $0xb8;
	[tilespmem:$0x1EC60] =	vst v63  }
0x11e: {  	s13 =	simm.s32 $0x380  }
0x11f: {  	[tilespmem:s23], [sflag:$0x8] =	stream.indirect.gather [hbm4b:s8+s16], $0x40, s13, s16, $0xb8;
	[tilespmem:$0x1EC60] =	vst v63  }
0x120: {  	_ =	swait.ge [sflag:s24], $0x2000  }
0x121: {  	[sflag:s24] =	ssyncset.done $0x0  }
0x122: {  	s15 =	simm.s32 $0x2B00;
	[sflag:s24] =	ssyncadd.s32 $0xFFFFE000  }
0x123: {  	[spmem:s2] =	stream.indirect.scatter.add.f32 [tilespmem:s20], [sflag:$0xF], $0x40, s15, s16, $0xb8;
	[tilespmem:$0x1EC60] =	vst v63  }
0x124: {  	_ =	swait.ge [sflag:s28], $0x2000  }
0x125: {  	[sflag:s28] =	ssyncset.done $0x0  }
0x126: {  	s13 =	simm.s32 $0x400;
	[sflag:s28] =	ssyncadd.s32 $0xFFFFE000  }
0x127: {  	[tilespmem:s17], [sflag:$0x1] =	stream.indirect.gather [hbm4b:s8+s16], $0x40, s13, s16, $0xb8;
	[tilespmem:$0x1EC60] =	vst v63  }
0x128: {  	_ =	swait.ge [sflag:s29], $0x2000  }
0x129: {  	[sflag:s29] =	ssyncset.done $0x0  }
0x12a: {  	s15 =	simm.s32 $0x2B80;
	[sflag:s29] =	ssyncadd.s32 $0xFFFFE000  }
0x12b: {  	[spmem:s2] =	stream.indirect.scatter.add.f32 [tilespmem:s23], [sflag:$0x10], $0x40, s15, s16, $0xb8;
	[tilespmem:$0x1EC60] =	vst v63  }
0x12c: {  	_ =	swait.ge [sflag:s0], $0x2000  }
0x12d: {  	[sflag:s0] =	ssyncset.done $0x0  }
0x12e: {  	s13 =	simm.s32 $0x480;
	[sflag:s0] =	ssyncadd.s32 $0xFFFFE000  }
0x12f: {  	[tilespmem:s18], [sflag:$0x2] =	stream.indirect.gather [hbm4b:s8+s16], $0x40, s13, s16, $0xb8;
	[tilespmem:$0x1EC60] =	vst v63  }
0x130: {  	_ =	swait.ge [sflag:s19], $0x2000  }
0x131: {  	[sflag:s19] =	ssyncset.done $0x0  }
0x132: {  	s15 =	simm.s32 $0x2C00;
	[sflag:s19] =	ssyncadd.s32 $0xFFFFE000  }
0x133: {  	[spmem:s2] =	stream.indirect.scatter.add.f32 [tilespmem:s17], [sflag:$0x9], $0x40, s15, s16, $0xb8;
	[tilespmem:$0x1EC60] =	vst v63  }
0x134: {  	_ =	swait.ge [sflag:s1], $0x2000  }
0x135: {  	[sflag:s1] =	ssyncset.done $0x0  }
0x136: {  	s13 =	simm.s32 $0x500;
	[sflag:s1] =	ssyncadd.s32 $0xFFFFE000  }
0x137: {  	[tilespmem:s21], [sflag:$0x3] =	stream.indirect.gather [hbm4b:s8+s16], $0x40, s13, s16, $0xb8;
	[tilespmem:$0x1EC60] =	vst v63  }
0x138: {  	_ =	swait.ge [sflag:s22], $0x2000  }
0x139: {  	[sflag:s22] =	ssyncset.done $0x0  }
0x13a: {  	s15 =	simm.s32 $0x2C80;
	[sflag:s22] =	ssyncadd.s32 $0xFFFFE000  }
0x13b: {  	[spmem:s2] =	stream.indirect.scatter.add.f32 [tilespmem:s18], [sflag:$0xA], $0x40, s15, s16, $0xb8;
	[tilespmem:$0x1EC60] =	vst v63  }
0x13c: {  	_ =	swait.ge [sflag:s7], $0x2000  }
0x13d: {  	[sflag:s7] =	ssyncset.done $0x0  }
0x13e: {  	s13 =	simm.s32 $0x580;
	[sflag:s7] =	ssyncadd.s32 $0xFFFFE000  }
0x13f: {  	[tilespmem:s25], [sflag:$0x4] =	stream.indirect.gather [hbm4b:s8+s16], $0x40, s13, s16, $0xb8;
	[tilespmem:$0x1EC60] =	vst v63  }
0x140: {  	_ =	swait.ge [sflag:s26], $0x2000  }
0x141: {  	[sflag:s26] =	ssyncset.done $0x0  }
0x142: {  	s15 =	simm.s32 $0x2D00;
	[sflag:s26] =	ssyncadd.s32 $0xFFFFE000  }
0x143: {  	[spmem:s2] =	stream.indirect.scatter.add.f32 [tilespmem:s21], [sflag:$0xB], $0x40, s15, s16, $0xb8;
	[tilespmem:$0x1EC60] =	vst v63  }
0x144: {  	_ =	swait.ge [sflag:s9], $0x2000  }
0x145: {  	[sflag:s9] =	ssyncset.done $0x0  }
0x146: {  	s13 =	simm.s32 $0x600;
	[sflag:s9] =	ssyncadd.s32 $0xFFFFE000  }
0x147: {  	[tilespmem:s30], [sflag:$0x5] =	stream.indirect.gather [hbm4b:s8+s16], $0x40, s13, s16, $0xb8;
	[tilespmem:$0x1EC60] =	vst v63  }
0x148: {  	_ =	swait.ge [sflag:s31], $0x2000  }
0x149: {  	[sflag:s31] =	ssyncset.done $0x0  }
0x14a: {  	s15 =	simm.s32 $0x2D80;
	[sflag:s31] =	ssyncadd.s32 $0xFFFFE000  }
0x14b: {  	[spmem:s2] =	stream.indirect.scatter.add.f32 [tilespmem:s25], [sflag:$0xC], $0x40, s15, s16, $0xb8;
	[tilespmem:$0x1EC60] =	vst v63  }
0x14c: {  	_ =	swait.ge [sflag:s11], $0x2000  }
0x14d: {  	[sflag:s11] =	ssyncset.done $0x0  }
0x14e: {  	s13 =	simm.s32 $0x680;
	[sflag:s11] =	ssyncadd.s32 $0xFFFFE000  }
0x14f: {  	[tilespmem:s4], [sflag:$0x6] =	stream.indirect.gather [hbm4b:s8+s16], $0x40, s13, s16, $0xb8;
	[tilespmem:$0x1EC60] =	vst v63  }
0x150: {  	_ =	swait.ge [sflag:s6], $0x2000  }
0x151: {  	[sflag:s6] =	ssyncset.done $0x0  }
0x152: {  	s15 =	simm.s32 $0x2E00;
	[sflag:s6] =	ssyncadd.s32 $0xFFFFE000  }
0x153: {  	[spmem:s2] =	stream.indirect.scatter.add.f32 [tilespmem:s30], [sflag:$0xD], $0x40, s15, s16, $0xb8;
	[tilespmem:$0x1EC60] =	vst v63  }
0x154: {  	_ =	swait.ge [sflag:s12], $0x2000  }
0x155: {  	[sflag:s12] =	ssyncset.done $0x0  }
0x156: {  	s13 =	simm.s32 $0x700;
	[sflag:s12] =	ssyncadd.s32 $0xFFFFE000  }
0x157: {  	[tilespmem:s20], [sflag:$0x7] =	stream.indirect.gather [hbm4b:s8+s16], $0x40, s13, s16, $0xb8;
	[tilespmem:$0x1EC60] =	vst v63  }
0x158: {  	_ =	swait.ge [sflag:s10], $0x2000  }
0x159: {  	[sflag:s10] =	ssyncset.done $0x0  }
0x15a: {  	s15 =	simm.s32 $0x2E80;
	[sflag:s10] =	ssyncadd.s32 $0xFFFFE000  }
0x15b: {  	[spmem:s2] =	stream.indirect.scatter.add.f32 [tilespmem:s4], [sflag:$0xE], $0x40, s15, s16, $0xb8;
	[tilespmem:$0x1EC60] =	vst v63  }
0x15c: {  	_ =	swait.ge [sflag:s3], $0x2000  }
0x15d: {  	[sflag:s3] =	ssyncset.done $0x0  }
0x15e: {  	s13 =	simm.s32 $0x780;
	s15 =	simm.s32 $0x1000;
	[sflag:s3] =	ssyncadd.s32 $0xFFFFE000  }
.LBB2_4:
0x15f: {  	[tilespmem:s23], [sflag:$0x8] =	stream.indirect.gather [hbm4b:s8+s16], $0x40, s13, s16, $0xb8;
	[tilespmem:$0x1EC60] =	vst v63  }
0x160: {  	s5 =	smov.u32 s15  }
0x161: {  	p0 =	sne.s32 s15, $0x8000;
	s15 =	sadd.s32 $0x1000, s15;
	_ =	swait.ge [sflag:s24], $0x2000  }
0x162: {  	s13 =	sshra.s32 s5, $0x2;
	[sflag:s24] =	ssyncset.done $0x0  }
0x163: {  	s5 =	sadd.s32 $0x2B00, s13;
	[sflag:s24] =	ssyncadd.s32 $0xFFFFE000  }
0x164: {  	[spmem:s2] =	stream.indirect.scatter.add.f32 [tilespmem:s20], [sflag:$0xF], $0x40, s5, s16, $0xb8;
	[tilespmem:$0x1EC60] =	vst v63  }
0x165: {  	_ =	swait.ge [sflag:s28], $0x2000  }
0x166: {  	[sflag:s28] =	ssyncset.done $0x0  }
0x167: {  	s5 =	sadd.s32 $0x400, s13;
	[sflag:s28] =	ssyncadd.s32 $0xFFFFE000  }
0x168: {  	[tilespmem:s17], [sflag:$0x1] =	stream.indirect.gather [hbm4b:s8+s16], $0x40, s5, s16, $0xb8;
	[tilespmem:$0x1EC60] =	vst v63  }
0x169: {  	_ =	swait.ge [sflag:s29], $0x2000  }
0x16a: {  	[sflag:s29] =	ssyncset.done $0x0  }
0x16b: {  	s5 =	sadd.s32 $0x2B80, s13;
	[sflag:s29] =	ssyncadd.s32 $0xFFFFE000  }
0x16c: {  	[spmem:s2] =	stream.indirect.scatter.add.f32 [tilespmem:s23], [sflag:$0x10], $0x40, s5, s16, $0xb8;
	[tilespmem:$0x1EC60] =	vst v63  }
0x16d: {  	_ =	swait.ge [sflag:s0], $0x2000  }
0x16e: {  	[sflag:s0] =	ssyncset.done $0x0  }
0x16f: {  	s5 =	sadd.s32 $0x480, s13;
	[sflag:s0] =	ssyncadd.s32 $0xFFFFE000  }
0x170: {  	[tilespmem:s18], [sflag:$0x2] =	stream.indirect.gather [hbm4b:s8+s16], $0x40, s5, s16, $0xb8;
	[tilespmem:$0x1EC60] =	vst v63  }
0x171: {  	_ =	swait.ge [sflag:s19], $0x2000  }
0x172: {  	[sflag:s19] =	ssyncset.done $0x0  }
0x173: {  	s5 =	sadd.s32 $0x2C00, s13;
	[sflag:s19] =	ssyncadd.s32 $0xFFFFE000  }
0x174: {  	[spmem:s2] =	stream.indirect.scatter.add.f32 [tilespmem:s17], [sflag:$0x9], $0x40, s5, s16, $0xb8;
	[tilespmem:$0x1EC60] =	vst v63  }
0x175: {  	_ =	swait.ge [sflag:s1], $0x2000  }
0x176: {  	[sflag:s1] =	ssyncset.done $0x0  }
0x177: {  	s5 =	sadd.s32 $0x500, s13;
	[sflag:s1] =	ssyncadd.s32 $0xFFFFE000  }
0x178: {  	[tilespmem:s21], [sflag:$0x3] =	stream.indirect.gather [hbm4b:s8+s16], $0x40, s5, s16, $0xb8;
	[tilespmem:$0x1EC60] =	vst v63  }
0x179: {  	_ =	swait.ge [sflag:s22], $0x2000  }
0x17a: {  	[sflag:s22] =	ssyncset.done $0x0  }
0x17b: {  	s5 =	sadd.s32 $0x2C80, s13;
	[sflag:s22] =	ssyncadd.s32 $0xFFFFE000  }
0x17c: {  	[spmem:s2] =	stream.indirect.scatter.add.f32 [tilespmem:s18], [sflag:$0xA], $0x40, s5, s16, $0xb8;
	[tilespmem:$0x1EC60] =	vst v63  }
0x17d: {  	_ =	swait.ge [sflag:s7], $0x2000  }
0x17e: {  	[sflag:s7] =	ssyncset.done $0x0  }
0x17f: {  	s5 =	sadd.s32 $0x580, s13;
	[sflag:s7] =	ssyncadd.s32 $0xFFFFE000  }
0x180: {  	[tilespmem:s25], [sflag:$0x4] =	stream.indirect.gather [hbm4b:s8+s16], $0x40, s5, s16, $0xb8;
	[tilespmem:$0x1EC60] =	vst v63  }
0x181: {  	_ =	swait.ge [sflag:s26], $0x2000  }
0x182: {  	[sflag:s26] =	ssyncset.done $0x0  }
0x183: {  	s5 =	sadd.s32 $0x2D00, s13;
	[sflag:s26] =	ssyncadd.s32 $0xFFFFE000  }
0x184: {  	[spmem:s2] =	stream.indirect.scatter.add.f32 [tilespmem:s21], [sflag:$0xB], $0x40, s5, s16, $0xb8;
	[tilespmem:$0x1EC60] =	vst v63  }
0x185: {  	_ =	swait.ge [sflag:s9], $0x2000  }
0x186: {  	[sflag:s9] =	ssyncset.done $0x0  }
0x187: {  	s5 =	sadd.s32 $0x600, s13;
	[sflag:s9] =	ssyncadd.s32 $0xFFFFE000  }
0x188: {  	[tilespmem:s30], [sflag:$0x5] =	stream.indirect.gather [hbm4b:s8+s16], $0x40, s5, s16, $0xb8;
	[tilespmem:$0x1EC60] =	vst v63  }
0x189: {  	_ =	swait.ge [sflag:s31], $0x2000  }
0x18a: {  	[sflag:s31] =	ssyncset.done $0x0  }
0x18b: {  	s5 =	sadd.s32 $0x2D80, s13;
	[sflag:s31] =	ssyncadd.s32 $0xFFFFE000  }
0x18c: {  	[spmem:s2] =	stream.indirect.scatter.add.f32 [tilespmem:s25], [sflag:$0xC], $0x40, s5, s16, $0xb8;
	[tilespmem:$0x1EC60] =	vst v63  }
0x18d: {  	_ =	swait.ge [sflag:s11], $0x2000  }
0x18e: {  	[sflag:s11] =	ssyncset.done $0x0  }
0x18f: {  	s5 =	sadd.s32 $0x680, s13;
	[sflag:s11] =	ssyncadd.s32 $0xFFFFE000  }
0x190: {  	[tilespmem:s4], [sflag:$0x6] =	stream.indirect.gather [hbm4b:s8+s16], $0x40, s5, s16, $0xb8;
	[tilespmem:$0x1EC60] =	vst v63  }
0x191: {  	_ =	swait.ge [sflag:s6], $0x2000  }
0x192: {  	[sflag:s6] =	ssyncset.done $0x0  }
0x193: {  	s5 =	sadd.s32 $0x2E00, s13;
	[sflag:s6] =	ssyncadd.s32 $0xFFFFE000  }
0x194: {  	[spmem:s2] =	stream.indirect.scatter.add.f32 [tilespmem:s30], [sflag:$0xD], $0x40, s5, s16, $0xb8;
	[tilespmem:$0x1EC60] =	vst v63  }
0x195: {  	_ =	swait.ge [sflag:s12], $0x2000  }
0x196: {  	[sflag:s12] =	ssyncset.done $0x0  }
0x197: {  	s5 =	sadd.s32 $0x700, s13;
	[sflag:s12] =	ssyncadd.s32 $0xFFFFE000  }
0x198: {  	[tilespmem:s20], [sflag:$0x7] =	stream.indirect.gather [hbm4b:s8+s16], $0x40, s5, s16, $0xb8;
	[tilespmem:$0x1EC60] =	vst v63  }
0x199: {  	_ =	swait.ge [sflag:s10], $0x2000  }
0x19a: {  	[sflag:s10] =	ssyncset.done $0x0  }
.Ltmp1:
0x19b: {  	s5 =	sadd.s32 $0x2E80, s13;
	[sflag:s10] =	ssyncadd.s32 $0xFFFFE000;
	(pc) =	sbr.rel @p0 .LBB2_4-.Ltmp1, $4  }
0x19c: {  	[spmem:s2] =	stream.indirect.scatter.add.f32 [tilespmem:s4], [sflag:$0xE], $0x40, s5, s16, $0xb8;
	[tilespmem:$0x1EC60] =	vst v63  }
0x19d: {  	_ =	swait.ge [sflag:s3], $0x2000  }
0x19e: {  	[sflag:s3] =	ssyncset.done $0x0  }
0x19f: {  	s13 =	sadd.s32 $0x780, s13;
	[sflag:s3] =	ssyncadd.s32 $0xFFFFE000  }
0x1a0: {  	[tilespmem:s23], [sflag:$0x8] =	stream.indirect.gather [hbm4b:s8+s16], $0x40, s13, s16, $0xb8;
	[tilespmem:$0x1EC60] =	vst v63  }
0x1a1: {  	_ =	swait.ge [sflag:s24], $0x2000  }
0x1a2: {  	[sflag:s24] =	ssyncset.done $0x0  }
0x1a3: {  	s5 =	simm.s32 $0x4F00;
	[sflag:s24] =	ssyncadd.s32 $0xFFFFE000  }
0x1a4: {  	[spmem:s2] =	stream.indirect.scatter.add.f32 [tilespmem:s20], [sflag:$0xF], $0x40, s5, s16, $0xb8;
	[tilespmem:$0x1EC60] =	vst v63  }
0x1a5: {  	_ =	swait.ge [sflag:s29], $0x2000  }
0x1a6: {  	[sflag:s29] =	ssyncset.done $0x0  }
0x1a7: {  	s15 =	simm.s32 $0x4F80;
	[sflag:s29] =	ssyncadd.s32 $0xFFFFE000  }
0x1a8: {  	[spmem:s2] =	stream.indirect.scatter.add.f32 [tilespmem:s23], [sflag:$0x10], $0x40, s15, s16, $0xb8;
	[tilespmem:$0x1EC60] =	vst v63  }
0x1a9: {  	_ =	swait.ge [sflag:s28], $0x2000  }
0x1aa: {  	[sflag:s28] =	ssyncset.done $0x0  }
0x1ab: {  	[sflag:s28] =	ssyncadd.s32 $0xFFFFE000  }
0x1ac: {  	_ =	swait.ge [sflag:s0], $0x2000  }
0x1ad: {  	[sflag:s0] =	ssyncset.done $0x0  }
0x1ae: {  	[sflag:s0] =	ssyncadd.s32 $0xFFFFE000  }
0x1af: {  	_ =	swait.ge [sflag:s1], $0x2000  }
0x1b0: {  	[sflag:s1] =	ssyncset.done $0x0  }
0x1b1: {  	[sflag:s1] =	ssyncadd.s32 $0xFFFFE000  }
0x1b2: {  	_ =	swait.ge [sflag:s7], $0x2000  }
0x1b3: {  	[sflag:s7] =	ssyncset.done $0x0  }
0x1b4: {  	[sflag:s7] =	ssyncadd.s32 $0xFFFFE000  }
0x1b5: {  	_ =	swait.ge [sflag:s9], $0x2000  }
0x1b6: {  	[sflag:s9] =	ssyncset.done $0x0  }
0x1b7: {  	[sflag:s9] =	ssyncadd.s32 $0xFFFFE000  }
0x1b8: {  	_ =	swait.ge [sflag:s11], $0x2000  }
0x1b9: {  	[sflag:s11] =	ssyncset.done $0x0  }
0x1ba: {  	[sflag:s11] =	ssyncadd.s32 $0xFFFFE000  }
0x1bb: {  	_ =	swait.ge [sflag:s12], $0x2000  }
0x1bc: {  	[sflag:s12] =	ssyncset.done $0x0  }
0x1bd: {  	[sflag:s12] =	ssyncadd.s32 $0xFFFFE000  }
0x1be: {  	_ =	swait.ge [sflag:s3], $0x2000  }
0x1bf: {  	[sflag:s3] =	ssyncset.done $0x0  }
0x1c0: {  	[sflag:s3] =	ssyncadd.s32 $0xFFFFE000  }
0x1c1: {  	[bflag:$0x0] =	sbarrier.arrive $0xFFFF  }
0x1c2: {  	s13 =	rddreg [dreg:$0x4]  }
0x1c3: {  	s5 =	rddreg [dreg:$0x9]  }
0x1c4: {  	s15 =	rddreg [dreg:$0xb]  }
0x1c5: {  	[hbm:s5], [sflag:s13] =	dma.local [spmem:s15], $0x13C0  }
0x1c6: {  	_ =	swait.ge [sflag:s14], $0x13C0  }
0x1c7: {  	s5 =	simm.s32 $0x11;
	s14 =	rddreg [dreg:$0xc]  }
0x1c8: {  	[sflag:s5] =	ssyncset.done $0x0;
	s5 =	rddreg [dreg:$0xa];
	s14 =	sadd.s32 $0x1, s14  }
0x1c9: {  	p0 =	sne.s32 s14, s5  }
.Ltmp2:
0x1ca: {  	_ = 	snop;
	(pc) =	sbr.rel @p0 .LBB2_1-.Ltmp2, $3  }
0x1cb: {  	_ =	sdelay $0x1  }
0x1cc: {  	[dreg:$0xc] =	wrdreg s14;
	s14 =	simm.s32 $0x11  }
0x1cd: {  	[sflag:s14] =	ssyncadd.s32 $0xFFFFEC40  }
0x1ce: {  	_ =	sfence.sel $0x180000  }
0x1cf: {  	[bflag:$0x0] =	sbarrier.arrive $0xFFFF  }
0x1d0: {  	_ =	strace $0x9000004A  }
0x1d1: {  	s0 =	stileid.u32;
	[bflag:$0x2] =	sbarrier.arrive $0xFFFF  }
0x1d2: {  	p0 =	sne.s32 s0, $0x0;
	s0 =	rddreg [dreg:$0x2]  }
0x1d3: {  	s0 =	sadd.s32 @!p0 $0x100000, s0  }
0x1d4: {  	[sflag:s0] =	ssyncadd.tile.s32 @!p0 $0x1;
	_ =	shalt  }
.Lfunc_end2:
_tile_overlayer_lowered:
.L_overlay_start_2:
0x1d5: {  	(tag) =	ssettag $0x2  }
0x1d6: {  	s0 =	rddreg [dreg:$0x0];
	s2 =	stileid.u32  }
0x1d7: {  	s1 =	rddreg [dreg:$0x1];
	p0 =	sne.s32 s2, $0x0  }
0x1d8: {  	s3 =	rddreg [dreg:$0x2];
	[bflag:$0x3] =	sbarrier.arrive $0xFFFF;
	s2 =	simm.s32 @!p0 $0x1C11  }
0x1d9: {  	[timem:s3], [sflag:s2] =	dma.local @!p0 [hbm:s0], s1  }
0x1da: {  	s0 =	simm.s32 @!p0 $0x11  }
0x1db: {  	_ =	swait.ge @!p0 [sflag:s0], s1  }
0x1dc: {  	s1 =	ssub.s32 @!p0 $0x0, s1;
	[sflag:s0] =	ssyncset.done @!p0 $0x0  }
0x1dd: {  	[sflag:s0] =	ssyncadd.s32 @!p0 s1  }
0x1de: {  	[bflag:$0x3] =	sbarrier.arrive $0xFFFF  }
0x1df: {  	_ =	shalt  }

// kernel: kernel.14.cloned.1.call-start
scs
__scs_entry_jumppad:
0x0: {  	(pc) =	sbr.rel $0x88, $3  }
0x1: {  	(tag) =	ssettag $0x0;
	lr =	simm.s32 $0x1  }
0x2: {  	[smem:$0x3F98] =	sst lr;
	_ =	strace $0xD0000000  }
0x3: {  	_ = 	snop  }
0x4: {  	_ = 	snop  }
0x5: {  	_ = 	snop  }
0x6: {  	_ = 	snop  }
0x7: {  	_ = 	snop  }
__scs_overlays_trampoline_lowered:
0x8: {  	[smem:$0x3FA7] =	sst s0  }
0x9: {  	[smem:$0x3FA8] =	sst s1  }
0xa: {  	[smem:$0x3FA9] =	sst s2  }
0xb: {  	[smem:$0x3FAA] =	sst s3  }
0xc: {  	[smem:$0x3FAB] =	sst s4  }
0xd: {  	[smem:$0x3FAC] =	sst s5  }
0xe: {  	[smem:$0x3FAD] =	sst s6  }
0xf: {  	[smem:$0x3FAE] =	sst s7  }
0x10: {  	[smem:$0x3FAF] =	sst s8  }
0x11: {  	[smem:$0x3FB0] =	sst s9;
	s0 =	simm.s32 @!p0 $0x0  }
0x12: {  	s1 =	sld [smem:$0x3F96];
	s0 =	simm.s32 @p0 $0x1  }
0x13: {  	[smem:$0x3FB1] =	sst s0;
	s0 =	simm.s32 @!p1 $0x0  }
0x14: {  	s2 =	sld [smem:$0x3F95];
	s0 =	simm.s32 @p1 $0x1  }
0x15: {  	[smem:$0x3FB2] =	sst s0;
	s0 =	simm.s32 @!p2 $0x0  }
0x16: {  	s3 =	sld [smem:$0x3FDB];
	s0 =	simm.s32 @p2 $0x1  }
0x17: {  	s4 =	simm.s32 $0x1BF5;
	[smem:$0x3FB4] =	sst s0  }
0x18: {  	s0 =	sld [smem:$0x3F97];
	_ =	swait.ge [sflag:s4], $0x0  }
0x19: {  	s7 =	sld [smem:$0x3F98]  }
0x1a: {  	s8 =	sadd.s32 $0xFFFFE003, lr  }
0x1b: {  	s9 =	sadd.s32 $0xFFFFFEF7, lr;
	s5 =	simm.s32 $0xFFFFFFFF;
	p2 =	slt.u32 s8, $0xFFFFF086  }
0x1c: {  	p1 =	slt.u32 s9, $0xF7A;
	s5 =	simm.s32 @!p2 $0x0  }
0x1d: {  	s5 =	simm.s32 @p1 $0x1;
	p0 =	seq.s32 s7, s2  }
0x1e: {  	s7 =	smul.u32 @!p0 $0xF7A, s2;
	p2 =	seq.s32 @!p0 s5, $0x0  }
0x1f: {  	s9 =	smul.u32 $0xF7A, s1;
	s8 =	simm.s32 @!p0 $0x1BF5;
	p2 =	por !p2, p0  }
0x20: {  	[sflag:s8] =	ssyncset.s32 @!p0 $0xFFFFF086;
	s6 =	sadd.s32 @!p0 s3, s7;
	s7 =	simm.s32 @!p0 $0x108  }
0x21: {  	s3 =	sadd.s32 s3, s9;
	s6 =	sadd.s32 @!p0 $0x88, s6;
	s7 =	simm.s32 @p2 $0x1082  }
0x22: {  	[simem:s7], [sflag:s8] =	dma.local @!p0 [hbm:s6], $0xF7A  }
0x23: {  	s9 =	sor.u32 $0xD0000000, s2;
	s6 =	simm.s32 $0x108;
	_ =	swait.ge @!p0 [sflag:s8], $0x0  }
0x24: {  	s3 =	sadd.s32 $0x88, s3;
	s6 =	simm.s32 @!p1 $0x1082;
	[sflag:s4] =	ssyncset.s32 $0xFFFFF086  }
0x25: {  	[simem:s6], [sflag:s4] =	dma.local [hbm:s3], $0xF7A  }
0x26: {  	[smem:$0x3F98] =	sst s1;
	(tag) =	ssettag s2;
	_ =	strace s9  }
0x27: {  	s1 =	sld [smem:$0x3FA8]  }
0x28: {  	s2 =	sld [smem:$0x3FA9]  }
0x29: {  	s4 =	sld [smem:$0x3FAB]  }
0x2a: {  	p0 =	seq.s32 s5, $0x0;
	s5 =	sld [smem:$0x3FAC]  }
0x2b: {  	s6 =	sld [smem:$0x3FAD]  }
0x2c: {  	s7 =	sld [smem:$0x3FAE]  }
0x2d: {  	s3 =	simm.s32 $0x108;
	s8 =	sld [smem:$0x3FAF]  }
0x2e: {  	s3 =	simm.s32 @!p0 $0x1082;
	s9 =	sld [smem:$0x3FB0]  }
0x2f: {  	lr =	sadd.s32 s0, s3;
	s0 =	sld [smem:$0x3FA7]  }
0x30: {  	s3 =	sld [smem:$0x3FAA]  }
0x31: {  	[smem:$0x3FB3] =	sst s10  }
0x32: {  	s10 =	sld [smem:$0x3FB1];
	_ =	sdelay $0x3  }
0x33: {  	p0 =	seq.s32 s10, $0x1;
	s10 =	sld [smem:$0x3FB3];
	_ =	sdelay $0x3  }
0x34: {  	[smem:$0x3FB3] =	sst s10  }
0x35: {  	s10 =	sld [smem:$0x3FB2];
	_ =	sdelay $0x3  }
0x36: {  	p1 =	seq.s32 s10, $0x1;
	s10 =	sld [smem:$0x3FB3];
	_ =	sdelay $0x3  }
0x37: {  	[smem:$0x3FB3] =	sst s10  }
0x38: {  	s10 =	sld [smem:$0x3FB4]  }
0x39: {  	_ = 	snop;
	(pc) =	sbr.ind lr, $3  }
0x3a: {  	_ = 	snop  }
0x3b: {  	_ = 	snop  }
0x3c: {  	p2 =	seq.s32 s10, $0x1;
	s10 =	sld [smem:$0x3FB3]  }
0x3d: {  	_ =	shalt  }
0x3e: {  	_ =	shalt  }
0x3f: {  	_ =	shalt  }
0x40: {  	_ =	shalt  }
0x41: {  	_ =	shalt  }
0x42: {  	_ =	shalt  }
0x43: {  	_ =	shalt  }
0x44: {  	_ =	shalt  }
0x45: {  	_ =	shalt  }
0x46: {  	_ =	shalt  }
0x47: {  	_ =	shalt  }
0x48: {  	_ =	shalt  }
0x49: {  	_ =	shalt  }
0x4a: {  	_ =	shalt  }
0x4b: {  	_ =	shalt  }
0x4c: {  	_ =	shalt  }
0x4d: {  	_ =	shalt  }
0x4e: {  	_ =	shalt  }
0x4f: {  	_ =	shalt  }
0x50: {  	_ =	shalt  }
0x51: {  	_ =	shalt  }
0x52: {  	_ =	shalt  }
0x53: {  	_ =	shalt  }
0x54: {  	_ =	shalt  }
0x55: {  	_ =	shalt  }
0x56: {  	_ =	shalt  }
0x57: {  	_ =	shalt  }
0x58: {  	_ =	shalt  }
0x59: {  	_ =	shalt  }
0x5a: {  	_ =	shalt  }
0x5b: {  	_ =	shalt  }
0x5c: {  	_ =	shalt  }
0x5d: {  	_ =	shalt  }
0x5e: {  	_ =	shalt  }
0x5f: {  	_ =	shalt  }
0x60: {  	_ =	shalt  }
0x61: {  	_ =	shalt  }
0x62: {  	_ =	shalt  }
0x63: {  	_ =	shalt  }
0x64: {  	_ =	shalt  }
0x65: {  	_ =	shalt  }
0x66: {  	_ =	shalt  }
0x67: {  	_ =	shalt  }
0x68: {  	_ =	shalt  }
0x69: {  	_ =	shalt  }
0x6a: {  	_ =	shalt  }
0x6b: {  	_ =	shalt  }
0x6c: {  	_ =	shalt  }
0x6d: {  	_ =	shalt  }
0x6e: {  	_ =	shalt  }
0x6f: {  	_ =	shalt  }
0x70: {  	_ =	shalt  }
0x71: {  	_ =	shalt  }
0x72: {  	_ =	shalt  }
0x73: {  	_ =	shalt  }
0x74: {  	_ =	shalt  }
0x75: {  	_ =	shalt  }
0x76: {  	_ =	shalt  }
0x77: {  	_ =	shalt  }
0x78: {  	_ =	shalt  }
0x79: {  	_ =	shalt  }
0x7a: {  	_ =	shalt  }
0x7b: {  	_ =	shalt  }
0x7c: {  	_ =	shalt  }
0x7d: {  	_ =	shalt  }
0x7e: {  	_ =	shalt  }
0x7f: {  	_ =	shalt  }
0x80: {  	_ =	shalt  }
0x81: {  	_ =	shalt  }
0x82: {  	_ =	shalt  }
0x83: {  	_ =	shalt  }
0x84: {  	_ =	shalt  }
0x85: {  	_ =	shalt  }
0x86: {  	_ =	shalt  }
0x87: {  	_ =	shalt  }
.Lfunc_end0:
.L_simem_size_0:
called_computation.2_lowered:
.L_overlay_start_0:
0x88: {  	s2 =	sld [smem:$0x3FD9]  }
0x89: {  	s3 =	sld [smem:$0x3FFE];
	_ =	sdelay $0x1  }
0x8a: {  	s1 =	srdreg.scid  }
0x8b: {  	s0 =	sand.u32 $0x1, s1  }
0x8c: {  	s16 =	sshll.u32 s0, $0xA;
	s2 =	sadd.s32 s3, s2  }
0x8d: {  	s2 =	sadd.s32 s2, s16  }
0x8e: {  	[smem:$0x3FBF] =	sst s2  }
0x8f: {  	_ = 	snop  }
0x90: {  	(tm) =	ssettm $0x1  }
0x91: {  	s17 =	sld [smem:$0x3FFB];
	_ =	sdelay $0x3  }
0x92: {  	_ =	strace s17  }
0x93: {  	s2 =	sld [smem:$0x3FFC];
	_ =	sdelay $0x3  }
0x94: {  	_ =	strace s2  }
0x95: {  	s2 =	sld [smem:$0x3FFD];
	_ =	sdelay $0x3  }
0x96: {  	_ =	strace s2  }
0x97: {  	_ =	strace $0x8FFFFFFF  }
0x98: {  	s18 =	sld [smem:$0x3FDB];
	_ =	sdelay $0x1  }
0x99: {  	s19 =	simm.s32 $_scs_section_size  }
0x9a: {  	s4 =	simm.s32 $_size__tile_overlayer_lowered;
	s5 =	simm.s32 $_tile_overlayer_lowered  }
0x9b: {  	s22 =	simm.s32 $0x1BFF;
	s21 =	sshll.u32 s5, $0x1;
	s2 =	sadd.s32 s19, s18  }
0x9c: {  	s6 =	simm.s32 $0x0;
	s20 =	sshll.u32 s4, $0x1;
	s4 =	sadd.s32 s21, s2  }
0x9d: {  	[timem:s6], [sflag:s22] =	dma.local [hbm:s4], s20  }
0x9e: {  	_ =	swait.ge [sflag:s22], s20  }
0x9f: {  	s3 =	ssub.s32 $0x0, s20;
	[sflag:s22] =	ssyncset.done $0x0  }
0xa0: {  	[sflag:s22] =	ssyncadd.s32 s3;
	_ =	sdelay $0x1  }
0xa1: {  	s23 =	simm.s32 $0x1B8B  }
0xa2: {  	_ =	swait.ge [sflag:s23], $0x1  }
0xa3: {  	[sflag:s23] =	ssyncset.done $0x0  }
0xa4: {  	s25 =	simm.s32 $0x1B8E;
	s24 =	sld [smem:$0x3FFE];
	[sflag:s23] =	ssyncadd.s32 $0xFFFFFFFF  }
0xa5: {  	s26 =	simm.s32 $execute0_lowered;
	[smem:$0x3FD2] =	sst s25  }
0xa6: {  	s4 =	sshll.u32 s26, $0x1;
	_ =	strace $0x8000004C;
	[dreg:$0x1] =	wrdreg $0xFFFFFFFF  }
0xa7: {  	s28 =	simm.s32 $_size_execute0_lowered;
	s2 =	sadd.s32 s2, s4;
	[dreg:$0x0] =	wrdreg $0x0  }
0xa8: {  	s4 =	sshll.u32 s28, $0x1;
	[dreg:$0x2] =	wrdreg s2  }
0xa9: {  	[dreg:$0x3] =	wrdreg s4  }
0xaa: {  	[dreg:$0x4] =	wrdreg $0xC0  }
0xab: {  	_ =	task [dreg:s6], $0x5FFFF  }
0xac: {  	[dreg:$0x1] =	wrdreg $0xFFFFFFFF  }
0xad: {  	[dreg:$0x0] =	wrdreg $0x60  }
0xae: {  	[dreg:$0x2] =	wrdreg s24  }
0xaf: {  	[dreg:$0x3] =	wrdreg $0x120000  }
0xb0: {  	[dreg:$0x4] =	wrdreg $0x9  }
0xb1: {  	_ =	task.clear_ibuf [dreg:s6], $0x5FFFF;
	_ =	strace $0x9000004C  }
0xb2: {  	s29 =	simm.s32 $0x9;
	_ =	strace $0x8000004E  }
0xb3: {  	_ =	swait.ge [sflag:s29], $0x1  }
0xb4: {  	[sflag:s29] =	ssyncadd.s32 $0xFFFFFFFF  }
0xb5: {  	_ =	strace $0x9000004E  }
0xb6: {  	_ =	sfence  }
0xb7: {  	s30 =	sld [smem:$0x0];
	_ =	sdelay $0x2  }
0xb8: {  	s31 =	sshll.u32 s1, $0xD;
	s1 =	sshrl.u32 s1, $0x2  }
0xb9: {  	s3 =	sand.u32 $0x4000, s31;
	s1 =	sadd.s32 s1, s30  }
0xba: {  	s0 =	sor.u32 s3, s0;
	s1 =	sshll.u32 s1, $0x11  }
0xbb: {  	s0 =	sor.u32 s1, s0  }
0xbc: {  	s0 =	sadd.s32 $0x8F2B, s0  }
0xbd: {  	[sflag:s0] =	ssyncadd.remote.s32 $0x1  }
0xbe: {  	_ =	sfence.sel $0xFFFF  }
0xbf: {  	[dreg:$0x0] =	wrdreg $0xFFFFFFFF;
	(pc) =	sbr.abs _section_cstart, $3  }
0xc0: {  	[dreg:$0x1] =	wrdreg $0xFFFFFFFF  }
0xc1: {  	_ =	task.clear_ibuf [dreg:s6], $0x2FFFF;
	_ =	strace $0x9FFFFFFF  }
0xc2: {  	(tm) =	ssettm $0x7FFFFFFF  }
0xc3: {  	_ =	shalt  }
tec
execute0_lowered:
.L_overlay_start_1:
0x0: {  	(tag) =	ssettag $0x1  }
0x1: {  	s0 =	rddreg [dreg:$0x0]  }
0x2: {  	s1 =	srdreg.scid;
	s7 =	stileid.u32  }
0x3: {  	s2 =	rddreg [dreg:$0x1];
	s5 =	simm.s32 $0x0;
	s14 =	simm.s32 $0x80  }
0x4: {  	s15 =	simm.s32 $0xA000;
	s16 =	simm.s32 $0xB000;
	s17 =	simm.s32 $0x1  }
0x5: {  	s19 =	simm.s32 $0xC000;
	s20 =	simm.s32 $0x2;
	s28 =	simm.s32 $0xE000  }
0x6: {  	s29 =	simm.s32 $0x4;
	s31 =	simm.s32 $0x11000;
	s18 =	simm.s32 $0x7  }
0x7: {  	s21 =	simm.s32 $0x9;
	s30 =	simm.s32 $0xA;
	s13 =	simm.s32 $0xE  }
0x8: {  	s9 =	simm.s32 $0xF;
	s10 =	simm.s32 $0x10;
	s3 =	smul.u32 $0x278, s7  }
0x9: {  	s1 =	sand.u32 $0x1, s1;
	[smem:$0x7FF] =	sst s5;
	s6 =	smul.u32 $0xA00, s7  }
0xa: {  	s8 =	sadd.s32 $0x78200, s0;
	s24 =	sshll.u32 s7, $0x6;
	s7 =	simm.s32 $0xD  }
0xb: {  	s4 =	smul.u32 $0x4E200, s1;
	_ =	strace $0x8000004D;
	s1 =	ssub.s32 $0x2, s1  }
0xc: {  	[dreg:$0x3] =	wrdreg s8;
	s11 =	sor.u32 $0x1C11, s24;
	s24 =	simm.s32 $0x3  }
0xd: {  	s3 =	smin.u32 s3, $0x2498;
	s6 =	sadd.s32 s6, s0;
	s23 =	sshrl.u32 s1, $0x1  }
0xe: {  	[dreg:$0x4] =	wrdreg s11;
	s22 =	sshrl.u32 s4, $0x3;
	s3 =	sshll.u32 s3, $0x5  }
0xf: {  	s1 =	ssub.s32 s1, s23;
	s25 =	sadd.s32 $0x20000, s6;
	s26 =	sadd.s32 $0x16000, s6  }
0x10: {  	s23 =	simm.s32 $0xD000;
	s6 =	simm.s32 $0xC;
	s5 =	sadd.s32 s22, s0  }
0x11: {  	s4 =	sadd.s32 s4, s3;
	s3 =	sadd.s32 s3, s2;
	[dreg:$0x5] =	wrdreg s25  }
0x12: {  	[dreg:$0x6] =	wrdreg s26;
	s22 =	simm.s32 $0x10000;
	s25 =	simm.s32 $0x6  }
0x13: {  	s26 =	simm.s32 $0x8;
	s8 =	sadd.s32 $0x1C00, s5;
	s5 =	simm.s32 $0x0  }
0x14: {  	s4 =	sshrl.u32 s4, $0x3;
	s12 =	sshrl.u32 s3, $0x3;
	[dreg:$0xa] =	wrdreg s5  }
0x15: {  	s0 =	sadd.s32 s4, s0;
	s4 =	smax.u32 s1, $0x1;
	[dreg:$0x9] =	wrdreg s12  }
0x16: {  	s1 =	simm.s32 $0xF000;
	s0 =	sadd.s32 $0x78C00, s0;
	[dreg:$0x8] =	wrdreg s4  }
0x17: {  	s4 =	simm.s32 $0xB;
	[dreg:$0x7] =	wrdreg s0;
	s0 =	simm.s32 $0x5  }
.LBB2_1:
0x18: {  	s3 =	simm.s32 $0x11;
	s5 =	rddreg [dreg:$0x3]  }
0x19: {  	[spmem:s12], [sflag:s11] =	dma.local [hbm:s5], $0x9E0  }
0x1a: {  	_ =	swait.ge [sflag:s3], $0x9E0  }
0x1b: {  	[sflag:s3] =	ssyncset.done $0x0  }
0x1c: {  	[sflag:s3] =	ssyncadd.s32 $0xFFFFF620  }
0x1d: {  	[bflag:$0x0] =	sbarrier.arrive $0xFFFF  }
0x1e: {  	s5 =	simm.s32 $0x0;
	s12 =	rddreg [dreg:$0x5]  }
0x1f: {  	[tilespmem:s5], [sflag:$0x11] =	stream.linear.gather [hbm4b:s12+s5], $0x5000, $0x38;
	[tilespmem:$0x16E30] =	vst v63  }
0x20: {  	_ =	swait.ge [sflag:s3], $0x5000  }
0x21: {  	[sflag:s3] =	ssyncset.done $0x0  }
0x22: {  	s12 =	simm.s32 $0x5000;
	s11 =	rddreg [dreg:$0x6];
	[sflag:s3] =	ssyncadd.s32 $0xFFFFB000  }
0x23: {  	[tilespmem:s12], [sflag:$0x11] =	stream.linear.gather [hbm4b:s11+s5], $0x5000, $0x38;
	[tilespmem:$0x16E30] =	vst v63  }
0x24: {  	_ =	swait.ge [sflag:s3], $0x5000  }
0x25: {  	[sflag:s3] =	ssyncset.done $0x0  }
0x26: {  	[sflag:s3] =	ssyncadd.s32 $0xFFFFB000  }
0x27: {  	[tilespmem:s15], [sflag:$0x1] =	stream.indirect.gather [hbm4b:s8+s14], $0x20, s5, s14, $0xb8;
	[tilespmem:$0x16E30] =	vst v63  }
0x28: {  	_ = 	snop  }
0x29: {  	[tilespmem:s16], [sflag:$0x2] =	stream.indirect.gather [hbm4b:s8+s14], $0x20, s14, s14, $0xb8;
	[tilespmem:$0x16E30] =	vst v63  }
0x2a: {  	_ =	swait.ge [sflag:s17], $0x1000  }
0x2b: {  	[sflag:s17] =	ssyncset.done $0x0  }
0x2c: {  	[sflag:s17] =	ssyncadd.s32 $0xFFFFF000  }
0x2d: {  	[spmem:s2] =	stream.indirect.scatter.add.f32 [tilespmem:s15], [sflag:$0x9], $0x20, s12, s14, $0xb8;
	[tilespmem:$0x16E30] =	vst v63  }
0x2e: {  	s11 =	simm.s32 $0x100  }
0x2f: {  	[tilespmem:s19], [sflag:$0x3] =	stream.indirect.gather [hbm4b:s8+s14], $0x20, s11, s14, $0xb8;
	[tilespmem:$0x16E30] =	vst v63  }
0x30: {  	_ =	swait.ge [sflag:s20], $0x1000  }
0x31: {  	[sflag:s20] =	ssyncset.done $0x0  }
0x32: {  	s12 =	simm.s32 $0x5080;
	[sflag:s20] =	ssyncadd.s32 $0xFFFFF000  }
0x33: {  	[spmem:s2] =	stream.indirect.scatter.add.f32 [tilespmem:s16], [sflag:$0xA], $0x20, s12, s14, $0xb8;
	[tilespmem:$0x16E30] =	vst v63  }
0x34: {  	s5 =	simm.s32 $0x180  }
0x35: {  	[tilespmem:s23], [sflag:$0x4] =	stream.indirect.gather [hbm4b:s8+s14], $0x20, s5, s14, $0xb8;
	[tilespmem:$0x16E30] =	vst v63  }
0x36: {  	_ =	swait.ge [sflag:s24], $0x1000  }
0x37: {  	[sflag:s24] =	ssyncset.done $0x0  }
0x38: {  	s11 =	simm.s32 $0x5100;
	[sflag:s24] =	ssyncadd.s32 $0xFFFFF000  }
0x39: {  	[spmem:s2] =	stream.indirect.scatter.add.f32 [tilespmem:s19], [sflag:$0xB], $0x20, s11, s14, $0xb8;
	[tilespmem:$0x16E30] =	vst v63  }
0x3a: {  	s12 =	simm.s32 $0x200  }
0x3b: {  	[tilespmem:s28], [sflag:$0x5] =	stream.indirect.gather [hbm4b:s8+s14], $0x20, s12, s14, $0xb8;
	[tilespmem:$0x16E30] =	vst v63  }
0x3c: {  	_ =	swait.ge [sflag:s29], $0x1000  }
0x3d: {  	[sflag:s29] =	ssyncset.done $0x0  }
0x3e: {  	s5 =	simm.s32 $0x5180;
	[sflag:s29] =	ssyncadd.s32 $0xFFFFF000  }
0x3f: {  	[spmem:s2] =	stream.indirect.scatter.add.f32 [tilespmem:s23], [sflag:$0xC], $0x20, s5, s14, $0xb8;
	[tilespmem:$0x16E30] =	vst v63  }
0x40: {  	s11 =	simm.s32 $0x280  }
0x41: {  	[tilespmem:s1], [sflag:$0x6] =	stream.indirect.gather [hbm4b:s8+s14], $0x20, s11, s14, $0xb8;
	[tilespmem:$0x16E30] =	vst v63  }
0x42: {  	_ =	swait.ge [sflag:s0], $0x1000  }
0x43: {  	[sflag:s0] =	ssyncset.done $0x0  }
0x44: {  	s12 =	simm.s32 $0x5200;
	[sflag:s0] =	ssyncadd.s32 $0xFFFFF000  }
0x45: {  	[spmem:s2] =	stream.indirect.scatter.add.f32 [tilespmem:s28], [sflag:$0xD], $0x20, s12, s14, $0xb8;
	[tilespmem:$0x16E30] =	vst v63  }
0x46: {  	s5 =	simm.s32 $0x300  }
0x47: {  	[tilespmem:s22], [sflag:$0x7] =	stream.indirect.gather [hbm4b:s8+s14], $0x20, s5, s14, $0xb8;
	[tilespmem:$0x16E30] =	vst v63  }
0x48: {  	_ =	swait.ge [sflag:s25], $0x1000  }
0x49: {  	[sflag:s25] =	ssyncset.done $0x0  }
0x4a: {  	s11 =	simm.s32 $0x5280;
	[sflag:s25] =	ssyncadd.s32 $0xFFFFF000  }
0x4b: {  	[spmem:s2] =	stream.indirect.scatter.add.f32 [tilespmem:s1], [sflag:$0xE], $0x20, s11, s14, $0xb8;
	[tilespmem:$0x16E30] =	vst v63  }
0x4c: {  	s12 =	simm.s32 $0x380  }
0x4d: {  	[tilespmem:s31], [sflag:$0x8] =	stream.indirect.gather [hbm4b:s8+s14], $0x20, s12, s14, $0xb8;
	[tilespmem:$0x16E30] =	vst v63  }
0x4e: {  	_ =	swait.ge [sflag:s18], $0x1000  }
0x4f: {  	[sflag:s18] =	ssyncset.done $0x0  }
0x50: {  	s3 =	simm.s32 $0x5300;
	[sflag:s18] =	ssyncadd.s32 $0xFFFFF000  }
0x51: {  	[spmem:s2] =	stream.indirect.scatter.add.f32 [tilespmem:s22], [sflag:$0xF], $0x20, s3, s14, $0xb8;
	[tilespmem:$0x16E30] =	vst v63  }
0x52: {  	_ =	swait.ge [sflag:s21], $0x1000  }
0x53: {  	[sflag:s21] =	ssyncset.done $0x0  }
0x54: {  	s11 =	simm.s32 $0x400;
	[sflag:s21] =	ssyncadd.s32 $0xFFFFF000  }
0x55: {  	[tilespmem:s15], [sflag:$0x1] =	stream.indirect.gather [hbm4b:s8+s14], $0x20, s11, s14, $0xb8;
	[tilespmem:$0x16E30] =	vst v63  }
0x56: {  	_ =	swait.ge [sflag:s26], $0x1000  }
0x57: {  	[sflag:s26] =	ssyncset.done $0x0  }
0x58: {  	s12 =	simm.s32 $0x5380;
	[sflag:s26] =	ssyncadd.s32 $0xFFFFF000  }
0x59: {  	[spmem:s2] =	stream.indirect.scatter.add.f32 [tilespmem:s31], [sflag:$0x10], $0x20, s12, s14, $0xb8;
	[tilespmem:$0x16E30] =	vst v63  }
0x5a: {  	_ =	swait.ge [sflag:s30], $0x1000  }
0x5b: {  	[sflag:s30] =	ssyncset.done $0x0  }
0x5c: {  	s3 =	simm.s32 $0x480;
	[sflag:s30] =	ssyncadd.s32 $0xFFFFF000  }
0x5d: {  	[tilespmem:s16], [sflag:$0x2] =	stream.indirect.gather [hbm4b:s8+s14], $0x20, s3, s14, $0xb8;
	[tilespmem:$0x16E30] =	vst v63  }
0x5e: {  	_ =	swait.ge [sflag:s17], $0x1000  }
0x5f: {  	[sflag:s17] =	ssyncset.done $0x0  }
0x60: {  	s11 =	simm.s32 $0x5400;
	[sflag:s17] =	ssyncadd.s32 $0xFFFFF000  }
0x61: {  	[spmem:s2] =	stream.indirect.scatter.add.f32 [tilespmem:s15], [sflag:$0x9], $0x20, s11, s14, $0xb8;
	[tilespmem:$0x16E30] =	vst v63  }
0x62: {  	_ =	swait.ge [sflag:s4], $0x1000  }
0x63: {  	[sflag:s4] =	ssyncset.done $0x0  }
0x64: {  	s12 =	simm.s32 $0x500;
	[sflag:s4] =	ssyncadd.s32 $0xFFFFF000  }
0x65: {  	[tilespmem:s19], [sflag:$0x3] =	stream.indirect.gather [hbm4b:s8+s14], $0x20, s12, s14, $0xb8;
	[tilespmem:$0x16E30] =	vst v63  }
0x66: {  	_ =	swait.ge [sflag:s20], $0x1000  }
0x67: {  	[sflag:s20] =	ssyncset.done $0x0  }
0x68: {  	s3 =	simm.s32 $0x5480;
	[sflag:s20] =	ssyncadd.s32 $0xFFFFF000  }
0x69: {  	[spmem:s2] =	stream.indirect.scatter.add.f32 [tilespmem:s16], [sflag:$0xA], $0x20, s3, s14, $0xb8;
	[tilespmem:$0x16E30] =	vst v63  }
0x6a: {  	_ =	swait.ge [sflag:s6], $0x1000  }
0x6b: {  	[sflag:s6] =	ssyncset.done $0x0  }
0x6c: {  	s11 =	simm.s32 $0x580;
	[sflag:s6] =	ssyncadd.s32 $0xFFFFF000  }
0x6d: {  	[tilespmem:s23], [sflag:$0x4] =	stream.indirect.gather [hbm4b:s8+s14], $0x20, s11, s14, $0xb8;
	[tilespmem:$0x16E30] =	vst v63  }
0x6e: {  	_ =	swait.ge [sflag:s24], $0x1000  }
0x6f: {  	[sflag:s24] =	ssyncset.done $0x0  }
0x70: {  	s12 =	simm.s32 $0x5500;
	[sflag:s24] =	ssyncadd.s32 $0xFFFFF000  }
0x71: {  	[spmem:s2] =	stream.indirect.scatter.add.f32 [tilespmem:s19], [sflag:$0xB], $0x20, s12, s14, $0xb8;
	[tilespmem:$0x16E30] =	vst v63  }
0x72: {  	_ =	swait.ge [sflag:s7], $0x1000  }
0x73: {  	[sflag:s7] =	ssyncset.done $0x0  }
0x74: {  	s3 =	simm.s32 $0x600;
	[sflag:s7] =	ssyncadd.s32 $0xFFFFF000  }
0x75: {  	[tilespmem:s28], [sflag:$0x5] =	stream.indirect.gather [hbm4b:s8+s14], $0x20, s3, s14, $0xb8;
	[tilespmem:$0x16E30] =	vst v63  }
0x76: {  	_ =	swait.ge [sflag:s29], $0x1000  }
0x77: {  	[sflag:s29] =	ssyncset.done $0x0  }
0x78: {  	s11 =	simm.s32 $0x5580;
	[sflag:s29] =	ssyncadd.s32 $0xFFFFF000  }
0x79: {  	[spmem:s2] =	stream.indirect.scatter.add.f32 [tilespmem:s23], [sflag:$0xC], $0x20, s11, s14, $0xb8;
	[tilespmem:$0x16E30] =	vst v63  }
0x7a: {  	_ =	swait.ge [sflag:s13], $0x1000  }
0x7b: {  	[sflag:s13] =	ssyncset.done $0x0  }
0x7c: {  	s12 =	simm.s32 $0x680;
	[sflag:s13] =	ssyncadd.s32 $0xFFFFF000  }
0x7d: {  	[tilespmem:s1], [sflag:$0x6] =	stream.indirect.gather [hbm4b:s8+s14], $0x20, s12, s14, $0xb8;
	[tilespmem:$0x16E30] =	vst v63  }
0x7e: {  	_ =	swait.ge [sflag:s0], $0x1000  }
0x7f: {  	[sflag:s0] =	ssyncset.done $0x0  }
0x80: {  	s3 =	simm.s32 $0x5600;
	[sflag:s0] =	ssyncadd.s32 $0xFFFFF000  }
0x81: {  	[spmem:s2] =	stream.indirect.scatter.add.f32 [tilespmem:s28], [sflag:$0xD], $0x20, s3, s14, $0xb8;
	[tilespmem:$0x16E30] =	vst v63  }
0x82: {  	_ =	swait.ge [sflag:s9], $0x1000  }
0x83: {  	[sflag:s9] =	ssyncset.done $0x0  }
0x84: {  	s11 =	simm.s32 $0x700;
	[sflag:s9] =	ssyncadd.s32 $0xFFFFF000  }
0x85: {  	[tilespmem:s22], [sflag:$0x7] =	stream.indirect.gather [hbm4b:s8+s14], $0x20, s11, s14, $0xb8;
	[tilespmem:$0x16E30] =	vst v63  }
0x86: {  	_ =	swait.ge [sflag:s25], $0x1000  }
0x87: {  	[sflag:s25] =	ssyncset.done $0x0  }
0x88: {  	s12 =	simm.s32 $0x5680;
	[sflag:s25] =	ssyncadd.s32 $0xFFFFF000  }
0x89: {  	[spmem:s2] =	stream.indirect.scatter.add.f32 [tilespmem:s1], [sflag:$0xE], $0x20, s12, s14, $0xb8;
	[tilespmem:$0x16E30] =	vst v63  }
0x8a: {  	_ =	swait.ge [sflag:s10], $0x1000  }
0x8b: {  	[sflag:s10] =	ssyncset.done $0x0  }
0x8c: {  	s5 =	simm.s32 $0x1000;
	s11 =	simm.s32 $0x780;
	[sflag:s10] =	ssyncadd.s32 $0xFFFFF000  }
.LBB2_2:
0x8d: {  	[tilespmem:s31], [sflag:$0x8] =	stream.indirect.gather [hbm4b:s8+s14], $0x20, s11, s14, $0xb8;
	[tilespmem:$0x16E30] =	vst v63  }
0x8e: {  	s11 =	smov.u32 s5  }
0x8f: {  	p0 =	sne.s32 s5, $0x12000;
	s5 =	sadd.s32 $0x1000, s5;
	_ =	swait.ge [sflag:s18], $0x1000  }
0x90: {  	s11 =	sshra.s32 s11, $0x2;
	[sflag:s18] =	ssyncset.done $0x0  }
0x91: {  	s12 =	sadd.s32 $0x5300, s11;
	[sflag:s18] =	ssyncadd.s32 $0xFFFFF000  }
0x92: {  	[spmem:s2] =	stream.indirect.scatter.add.f32 [tilespmem:s22], [sflag:$0xF], $0x20, s12, s14, $0xb8;
	[tilespmem:$0x16E30] =	vst v63  }
0x93: {  	_ =	swait.ge [sflag:s21], $0x1000  }
0x94: {  	[sflag:s21] =	ssyncset.done $0x0  }
0x95: {  	s12 =	sadd.s32 $0x400, s11;
	[sflag:s21] =	ssyncadd.s32 $0xFFFFF000  }
0x96: {  	[tilespmem:s15], [sflag:$0x1] =	stream.indirect.gather [hbm4b:s8+s14], $0x20, s12, s14, $0xb8;
	[tilespmem:$0x16E30] =	vst v63  }
0x97: {  	_ =	swait.ge [sflag:s26], $0x1000  }
0x98: {  	[sflag:s26] =	ssyncset.done $0x0  }
0x99: {  	s12 =	sadd.s32 $0x5380, s11;
	[sflag:s26] =	ssyncadd.s32 $0xFFFFF000  }
0x9a: {  	[spmem:s2] =	stream.indirect.scatter.add.f32 [tilespmem:s31], [sflag:$0x10], $0x20, s12, s14, $0xb8;
	[tilespmem:$0x16E30] =	vst v63  }
0x9b: {  	_ =	swait.ge [sflag:s30], $0x1000  }
0x9c: {  	[sflag:s30] =	ssyncset.done $0x0  }
0x9d: {  	s12 =	sadd.s32 $0x480, s11;
	[sflag:s30] =	ssyncadd.s32 $0xFFFFF000  }
0x9e: {  	[tilespmem:s16], [sflag:$0x2] =	stream.indirect.gather [hbm4b:s8+s14], $0x20, s12, s14, $0xb8;
	[tilespmem:$0x16E30] =	vst v63  }
0x9f: {  	_ =	swait.ge [sflag:s17], $0x1000  }
0xa0: {  	[sflag:s17] =	ssyncset.done $0x0  }
0xa1: {  	s12 =	sadd.s32 $0x5400, s11;
	[sflag:s17] =	ssyncadd.s32 $0xFFFFF000  }
0xa2: {  	[spmem:s2] =	stream.indirect.scatter.add.f32 [tilespmem:s15], [sflag:$0x9], $0x20, s12, s14, $0xb8;
	[tilespmem:$0x16E30] =	vst v63  }
0xa3: {  	_ =	swait.ge [sflag:s4], $0x1000  }
0xa4: {  	[sflag:s4] =	ssyncset.done $0x0  }
0xa5: {  	s12 =	sadd.s32 $0x500, s11;
	[sflag:s4] =	ssyncadd.s32 $0xFFFFF000  }
0xa6: {  	[tilespmem:s19], [sflag:$0x3] =	stream.indirect.gather [hbm4b:s8+s14], $0x20, s12, s14, $0xb8;
	[tilespmem:$0x16E30] =	vst v63  }
0xa7: {  	_ =	swait.ge [sflag:s20], $0x1000  }
0xa8: {  	[sflag:s20] =	ssyncset.done $0x0  }
0xa9: {  	s12 =	sadd.s32 $0x5480, s11;
	[sflag:s20] =	ssyncadd.s32 $0xFFFFF000  }
0xaa: {  	[spmem:s2] =	stream.indirect.scatter.add.f32 [tilespmem:s16], [sflag:$0xA], $0x20, s12, s14, $0xb8;
	[tilespmem:$0x16E30] =	vst v63  }
0xab: {  	_ =	swait.ge [sflag:s6], $0x1000  }
0xac: {  	[sflag:s6] =	ssyncset.done $0x0  }
0xad: {  	s12 =	sadd.s32 $0x580, s11;
	[sflag:s6] =	ssyncadd.s32 $0xFFFFF000  }
0xae: {  	[tilespmem:s23], [sflag:$0x4] =	stream.indirect.gather [hbm4b:s8+s14], $0x20, s12, s14, $0xb8;
	[tilespmem:$0x16E30] =	vst v63  }
0xaf: {  	_ =	swait.ge [sflag:s24], $0x1000  }
0xb0: {  	[sflag:s24] =	ssyncset.done $0x0  }
0xb1: {  	s12 =	sadd.s32 $0x5500, s11;
	[sflag:s24] =	ssyncadd.s32 $0xFFFFF000  }
0xb2: {  	[spmem:s2] =	stream.indirect.scatter.add.f32 [tilespmem:s19], [sflag:$0xB], $0x20, s12, s14, $0xb8;
	[tilespmem:$0x16E30] =	vst v63  }
0xb3: {  	_ =	swait.ge [sflag:s7], $0x1000  }
0xb4: {  	[sflag:s7] =	ssyncset.done $0x0  }
0xb5: {  	s12 =	sadd.s32 $0x600, s11;
	[sflag:s7] =	ssyncadd.s32 $0xFFFFF000  }
0xb6: {  	[tilespmem:s28], [sflag:$0x5] =	stream.indirect.gather [hbm4b:s8+s14], $0x20, s12, s14, $0xb8;
	[tilespmem:$0x16E30] =	vst v63  }
0xb7: {  	_ =	swait.ge [sflag:s29], $0x1000  }
0xb8: {  	[sflag:s29] =	ssyncset.done $0x0  }
0xb9: {  	s12 =	sadd.s32 $0x5580, s11;
	[sflag:s29] =	ssyncadd.s32 $0xFFFFF000  }
0xba: {  	[spmem:s2] =	stream.indirect.scatter.add.f32 [tilespmem:s23], [sflag:$0xC], $0x20, s12, s14, $0xb8;
	[tilespmem:$0x16E30] =	vst v63  }
0xbb: {  	_ =	swait.ge [sflag:s13], $0x1000  }
0xbc: {  	[sflag:s13] =	ssyncset.done $0x0  }
0xbd: {  	s12 =	sadd.s32 $0x680, s11;
	[sflag:s13] =	ssyncadd.s32 $0xFFFFF000  }
0xbe: {  	[tilespmem:s1], [sflag:$0x6] =	stream.indirect.gather [hbm4b:s8+s14], $0x20, s12, s14, $0xb8;
	[tilespmem:$0x16E30] =	vst v63  }
0xbf: {  	_ =	swait.ge [sflag:s0], $0x1000  }
0xc0: {  	[sflag:s0] =	ssyncset.done $0x0  }
0xc1: {  	s12 =	sadd.s32 $0x5600, s11;
	[sflag:s0] =	ssyncadd.s32 $0xFFFFF000  }
0xc2: {  	[spmem:s2] =	stream.indirect.scatter.add.f32 [tilespmem:s28], [sflag:$0xD], $0x20, s12, s14, $0xb8;
	[tilespmem:$0x16E30] =	vst v63  }
0xc3: {  	_ =	swait.ge [sflag:s9], $0x1000  }
0xc4: {  	[sflag:s9] =	ssyncset.done $0x0  }
0xc5: {  	s12 =	sadd.s32 $0x700, s11;
	[sflag:s9] =	ssyncadd.s32 $0xFFFFF000  }
0xc6: {  	[tilespmem:s22], [sflag:$0x7] =	stream.indirect.gather [hbm4b:s8+s14], $0x20, s12, s14, $0xb8;
	[tilespmem:$0x16E30] =	vst v63  }
0xc7: {  	_ =	swait.ge [sflag:s25], $0x1000  }
0xc8: {  	[sflag:s25] =	ssyncset.done $0x0  }
.Ltmp0:
0xc9: {  	s12 =	sadd.s32 $0x5680, s11;
	[sflag:s25] =	ssyncadd.s32 $0xFFFFF000;
	(pc) =	sbr.rel @p0 .LBB2_2-.Ltmp0, $4  }
0xca: {  	[spmem:s2] =	stream.indirect.scatter.add.f32 [tilespmem:s1], [sflag:$0xE], $0x20, s12, s14, $0xb8;
	[tilespmem:$0x16E30] =	vst v63  }
0xcb: {  	_ =	swait.ge [sflag:s10], $0x1000  }
0xcc: {  	[sflag:s10] =	ssyncset.done $0x0  }
0xcd: {  	s11 =	sadd.s32 $0x780, s11;
	[sflag:s10] =	ssyncadd.s32 $0xFFFFF000  }
0xce: {  	[tilespmem:s31], [sflag:$0x8] =	stream.indirect.gather [hbm4b:s8+s14], $0x20, s11, s14, $0xb8;
	[tilespmem:$0x16E30] =	vst v63  }
0xcf: {  	_ =	swait.ge [sflag:s18], $0x1000  }
0xd0: {  	[sflag:s18] =	ssyncset.done $0x0  }
0xd1: {  	s3 =	simm.s32 $0x9F00;
	[sflag:s18] =	ssyncadd.s32 $0xFFFFF000  }
0xd2: {  	[spmem:s2] =	stream.indirect.scatter.add.f32 [tilespmem:s22], [sflag:$0xF], $0x20, s3, s14, $0xb8;
	[tilespmem:$0x16E30] =	vst v63  }
0xd3: {  	_ =	swait.ge [sflag:s26], $0x1000  }
0xd4: {  	[sflag:s26] =	ssyncset.done $0x0  }
0xd5: {  	s12 =	simm.s32 $0x9F80;
	[sflag:s26] =	ssyncadd.s32 $0xFFFFF000  }
0xd6: {  	[spmem:s2] =	stream.indirect.scatter.add.f32 [tilespmem:s31], [sflag:$0x10], $0x20, s12, s14, $0xb8;
	[tilespmem:$0x16E30] =	vst v63  }
0xd7: {  	_ =	swait.ge [sflag:s21], $0x1000  }
0xd8: {  	[sflag:s21] =	ssyncset.done $0x0  }
0xd9: {  	[sflag:s21] =	ssyncadd.s32 $0xFFFFF000  }
0xda: {  	_ =	swait.ge [sflag:s30], $0x1000  }
0xdb: {  	[sflag:s30] =	ssyncset.done $0x0  }
0xdc: {  	[sflag:s30] =	ssyncadd.s32 $0xFFFFF000  }
0xdd: {  	_ =	swait.ge [sflag:s4], $0x1000  }
0xde: {  	[sflag:s4] =	ssyncset.done $0x0  }
0xdf: {  	[sflag:s4] =	ssyncadd.s32 $0xFFFFF000  }
0xe0: {  	_ =	swait.ge [sflag:s6], $0x1000  }
0xe1: {  	[sflag:s6] =	ssyncset.done $0x0  }
0xe2: {  	[sflag:s6] =	ssyncadd.s32 $0xFFFFF000  }
0xe3: {  	_ =	swait.ge [sflag:s7], $0x1000  }
0xe4: {  	[sflag:s7] =	ssyncset.done $0x0  }
0xe5: {  	[sflag:s7] =	ssyncadd.s32 $0xFFFFF000  }
0xe6: {  	_ =	swait.ge [sflag:s13], $0x1000  }
0xe7: {  	[sflag:s13] =	ssyncset.done $0x0  }
0xe8: {  	[sflag:s13] =	ssyncadd.s32 $0xFFFFF000  }
0xe9: {  	_ =	swait.ge [sflag:s9], $0x1000  }
0xea: {  	[sflag:s9] =	ssyncset.done $0x0  }
0xeb: {  	[sflag:s9] =	ssyncadd.s32 $0xFFFFF000  }
0xec: {  	_ =	swait.ge [sflag:s10], $0x1000  }
0xed: {  	[sflag:s10] =	ssyncset.done $0x0  }
0xee: {  	[sflag:s10] =	ssyncadd.s32 $0xFFFFF000  }
0xef: {  	[bflag:$0x0] =	sbarrier.arrive $0xFFFF  }
0xf0: {  	s11 =	rddreg [dreg:$0x4]  }
0xf1: {  	s5 =	rddreg [dreg:$0x7]  }
0xf2: {  	s12 =	rddreg [dreg:$0x9]  }
0xf3: {  	[hbm:s5], [sflag:s11] =	dma.local [spmem:s12], $0x9E0  }
0xf4: {  	s5 =	simm.s32 $0x11  }
0xf5: {  	_ =	swait.ge [sflag:s5], $0x9E0  }
0xf6: {  	s3 =	rddreg [dreg:$0xa]  }
0xf7: {  	[sflag:s5] =	ssyncset.done $0x0;
	s5 =	rddreg [dreg:$0x8];
	s3 =	sadd.s32 $0x1, s3  }
0xf8: {  	p0 =	sne.s32 s3, s5  }
.Ltmp1:
0xf9: {  	_ = 	snop;
	(pc) =	sbr.rel @p0 .LBB2_1-.Ltmp1, $3  }
0xfa: {  	_ =	sdelay $0x1  }
0xfb: {  	s5 =	simm.s32 $0x11  }
0xfc: {  	[dreg:$0xa] =	wrdreg s3;
	[sflag:s5] =	ssyncadd.s32 $0xFFFFF620  }
0xfd: {  	_ =	sfence.sel $0x180000  }
0xfe: {  	[bflag:$0x0] =	sbarrier.arrive $0xFFFF  }
0xff: {  	_ =	strace $0x9000004D  }
0x100: {  	s0 =	stileid.u32;
	[bflag:$0x2] =	sbarrier.arrive $0xFFFF  }
0x101: {  	p0 =	sne.s32 s0, $0x0;
	s0 =	rddreg [dreg:$0x2]  }
0x102: {  	s0 =	sadd.s32 @!p0 $0x100000, s0  }
0x103: {  	[sflag:s0] =	ssyncadd.tile.s32 @!p0 $0x1;
	_ =	shalt  }
.Lfunc_end2:
_tile_overlayer_lowered:
.L_overlay_start_2:
0x104: {  	(tag) =	ssettag $0x2  }
0x105: {  	s0 =	rddreg [dreg:$0x0];
	s2 =	stileid.u32  }
0x106: {  	s1 =	rddreg [dreg:$0x1];
	p0 =	sne.s32 s2, $0x0  }
0x107: {  	s3 =	rddreg [dreg:$0x2];
	[bflag:$0x3] =	sbarrier.arrive $0xFFFF;
	s2 =	simm.s32 @!p0 $0x1C11  }
0x108: {  	[timem:s3], [sflag:s2] =	dma.local @!p0 [hbm:s0], s1  }
0x109: {  	s0 =	simm.s32 @!p0 $0x11  }
0x10a: {  	_ =	swait.ge @!p0 [sflag:s0], s1  }
0x10b: {  	s1 =	ssub.s32 @!p0 $0x0, s1;
	[sflag:s0] =	ssyncset.done @!p0 $0x0  }
0x10c: {  	[sflag:s0] =	ssyncadd.s32 @!p0 s1  }
0x10d: {  	[bflag:$0x3] =	sbarrier.arrive $0xFFFF  }
0x10e: {  	_ =	shalt  }

// kernel: kernel.8.cloned.1.call-start
scs
__scs_entry_jumppad:
0x0: {  	(pc) =	sbr.rel $0x88, $3  }
0x1: {  	(tag) =	ssettag $0x0;
	lr =	simm.s32 $0x1  }
0x2: {  	[smem:$0x3F98] =	sst lr;
	_ =	strace $0xD0000000  }
0x3: {  	_ = 	snop  }
0x4: {  	_ = 	snop  }
0x5: {  	_ = 	snop  }
0x6: {  	_ = 	snop  }
0x7: {  	_ = 	snop  }
__scs_overlays_trampoline_lowered:
0x8: {  	[smem:$0x3FA7] =	sst s0  }
0x9: {  	[smem:$0x3FA8] =	sst s1  }
0xa: {  	[smem:$0x3FA9] =	sst s2  }
0xb: {  	[smem:$0x3FAA] =	sst s3  }
0xc: {  	[smem:$0x3FAB] =	sst s4  }
0xd: {  	[smem:$0x3FAC] =	sst s5  }
0xe: {  	[smem:$0x3FAD] =	sst s6  }
0xf: {  	[smem:$0x3FAE] =	sst s7  }
0x10: {  	[smem:$0x3FAF] =	sst s8  }
0x11: {  	[smem:$0x3FB0] =	sst s9;
	s0 =	simm.s32 @!p0 $0x0  }
0x12: {  	s1 =	sld [smem:$0x3F96];
	s0 =	simm.s32 @p0 $0x1  }
0x13: {  	[smem:$0x3FB1] =	sst s0;
	s0 =	simm.s32 @!p1 $0x0  }
0x14: {  	s2 =	sld [smem:$0x3F95];
	s0 =	simm.s32 @p1 $0x1  }
0x15: {  	[smem:$0x3FB2] =	sst s0;
	s0 =	simm.s32 @!p2 $0x0  }
0x16: {  	s3 =	sld [smem:$0x3FDB];
	s0 =	simm.s32 @p2 $0x1  }
0x17: {  	s4 =	simm.s32 $0x1BF5;
	[smem:$0x3FB4] =	sst s0  }
0x18: {  	s0 =	sld [smem:$0x3F97];
	_ =	swait.ge [sflag:s4], $0x0  }
0x19: {  	s7 =	sld [smem:$0x3F98]  }
0x1a: {  	s8 =	sadd.s32 $0xFFFFE003, lr  }
0x1b: {  	s9 =	sadd.s32 $0xFFFFFEF7, lr;
	s5 =	simm.s32 $0xFFFFFFFF;
	p2 =	slt.u32 s8, $0xFFFFF086  }
0x1c: {  	p1 =	slt.u32 s9, $0xF7A;
	s5 =	simm.s32 @!p2 $0x0  }
0x1d: {  	s5 =	simm.s32 @p1 $0x1;
	p0 =	seq.s32 s7, s2  }
0x1e: {  	s7 =	smul.u32 @!p0 $0xF7A, s2;
	p2 =	seq.s32 @!p0 s5, $0x0  }
0x1f: {  	s9 =	smul.u32 $0xF7A, s1;
	s8 =	simm.s32 @!p0 $0x1BF5;
	p2 =	por !p2, p0  }
0x20: {  	[sflag:s8] =	ssyncset.s32 @!p0 $0xFFFFF086;
	s6 =	sadd.s32 @!p0 s3, s7;
	s7 =	simm.s32 @!p0 $0x108  }
0x21: {  	s3 =	sadd.s32 s3, s9;
	s6 =	sadd.s32 @!p0 $0x88, s6;
	s7 =	simm.s32 @p2 $0x1082  }
0x22: {  	[simem:s7], [sflag:s8] =	dma.local @!p0 [hbm:s6], $0xF7A  }
0x23: {  	s9 =	sor.u32 $0xD0000000, s2;
	s6 =	simm.s32 $0x108;
	_ =	swait.ge @!p0 [sflag:s8], $0x0  }
0x24: {  	s3 =	sadd.s32 $0x88, s3;
	s6 =	simm.s32 @!p1 $0x1082;
	[sflag:s4] =	ssyncset.s32 $0xFFFFF086  }
0x25: {  	[simem:s6], [sflag:s4] =	dma.local [hbm:s3], $0xF7A  }
0x26: {  	[smem:$0x3F98] =	sst s1;
	(tag) =	ssettag s2;
	_ =	strace s9  }
0x27: {  	s1 =	sld [smem:$0x3FA8]  }
0x28: {  	s2 =	sld [smem:$0x3FA9]  }
0x29: {  	s4 =	sld [smem:$0x3FAB]  }
0x2a: {  	p0 =	seq.s32 s5, $0x0;
	s5 =	sld [smem:$0x3FAC]  }
0x2b: {  	s6 =	sld [smem:$0x3FAD]  }
0x2c: {  	s7 =	sld [smem:$0x3FAE]  }
0x2d: {  	s3 =	simm.s32 $0x108;
	s8 =	sld [smem:$0x3FAF]  }
0x2e: {  	s3 =	simm.s32 @!p0 $0x1082;
	s9 =	sld [smem:$0x3FB0]  }
0x2f: {  	lr =	sadd.s32 s0, s3;
	s0 =	sld [smem:$0x3FA7]  }
0x30: {  	s3 =	sld [smem:$0x3FAA]  }
0x31: {  	[smem:$0x3FB3] =	sst s10  }
0x32: {  	s10 =	sld [smem:$0x3FB1];
	_ =	sdelay $0x3  }
0x33: {  	p0 =	seq.s32 s10, $0x1;
	s10 =	sld [smem:$0x3FB3];
	_ =	sdelay $0x3  }
0x34: {  	[smem:$0x3FB3] =	sst s10  }
0x35: {  	s10 =	sld [smem:$0x3FB2];
	_ =	sdelay $0x3  }
0x36: {  	p1 =	seq.s32 s10, $0x1;
	s10 =	sld [smem:$0x3FB3];
	_ =	sdelay $0x3  }
0x37: {  	[smem:$0x3FB3] =	sst s10  }
0x38: {  	s10 =	sld [smem:$0x3FB4]  }
0x39: {  	_ = 	snop;
	(pc) =	sbr.ind lr, $3  }
0x3a: {  	_ = 	snop  }
0x3b: {  	_ = 	snop  }
0x3c: {  	p2 =	seq.s32 s10, $0x1;
	s10 =	sld [smem:$0x3FB3]  }
0x3d: {  	_ =	shalt  }
0x3e: {  	_ =	shalt  }
0x3f: {  	_ =	shalt  }
0x40: {  	_ =	shalt  }
0x41: {  	_ =	shalt  }
0x42: {  	_ =	shalt  }
0x43: {  	_ =	shalt  }
0x44: {  	_ =	shalt  }
0x45: {  	_ =	shalt  }
0x46: {  	_ =	shalt  }
0x47: {  	_ =	shalt  }
0x48: {  	_ =	shalt  }
0x49: {  	_ =	shalt  }
0x4a: {  	_ =	shalt  }
0x4b: {  	_ =	shalt  }
0x4c: {  	_ =	shalt  }
0x4d: {  	_ =	shalt  }
0x4e: {  	_ =	shalt  }
0x4f: {  	_ =	shalt  }
0x50: {  	_ =	shalt  }
0x51: {  	_ =	shalt  }
0x52: {  	_ =	shalt  }
0x53: {  	_ =	shalt  }
0x54: {  	_ =	shalt  }
0x55: {  	_ =	shalt  }
0x56: {  	_ =	shalt  }
0x57: {  	_ =	shalt  }
0x58: {  	_ =	shalt  }
0x59: {  	_ =	shalt  }
0x5a: {  	_ =	shalt  }
0x5b: {  	_ =	shalt  }
0x5c: {  	_ =	shalt  }
0x5d: {  	_ =	shalt  }
0x5e: {  	_ =	shalt  }
0x5f: {  	_ =	shalt  }
0x60: {  	_ =	shalt  }
0x61: {  	_ =	shalt  }
0x62: {  	_ =	shalt  }
0x63: {  	_ =	shalt  }
0x64: {  	_ =	shalt  }
0x65: {  	_ =	shalt  }
0x66: {  	_ =	shalt  }
0x67: {  	_ =	shalt  }
0x68: {  	_ =	shalt  }
0x69: {  	_ =	shalt  }
0x6a: {  	_ =	shalt  }
0x6b: {  	_ =	shalt  }
0x6c: {  	_ =	shalt  }
0x6d: {  	_ =	shalt  }
0x6e: {  	_ =	shalt  }
0x6f: {  	_ =	shalt  }
0x70: {  	_ =	shalt  }
0x71: {  	_ =	shalt  }
0x72: {  	_ =	shalt  }
0x73: {  	_ =	shalt  }
0x74: {  	_ =	shalt  }
0x75: {  	_ =	shalt  }
0x76: {  	_ =	shalt  }
0x77: {  	_ =	shalt  }
0x78: {  	_ =	shalt  }
0x79: {  	_ =	shalt  }
0x7a: {  	_ =	shalt  }
0x7b: {  	_ =	shalt  }
0x7c: {  	_ =	shalt  }
0x7d: {  	_ =	shalt  }
0x7e: {  	_ =	shalt  }
0x7f: {  	_ =	shalt  }
0x80: {  	_ =	shalt  }
0x81: {  	_ =	shalt  }
0x82: {  	_ =	shalt  }
0x83: {  	_ =	shalt  }
0x84: {  	_ =	shalt  }
0x85: {  	_ =	shalt  }
0x86: {  	_ =	shalt  }
0x87: {  	_ =	shalt  }
.Lfunc_end0:
.L_simem_size_0:
called_computation_lowered:
.L_overlay_start_0:
0x88: {  	s2 =	sld [smem:$0x3FD9]  }
0x89: {  	s3 =	sld [smem:$0x3FFE];
	_ =	sdelay $0x1  }
0x8a: {  	s1 =	srdreg.scid  }
0x8b: {  	s0 =	sand.u32 $0x1, s1  }
0x8c: {  	s17 =	sshll.u32 s0, $0xA;
	s2 =	sadd.s32 s3, s2  }
0x8d: {  	s2 =	sadd.s32 s2, s17  }
0x8e: {  	[smem:$0x3FBF] =	sst s2  }
0x8f: {  	_ = 	snop  }
0x90: {  	s2 =	sld [smem:$0x3FD0];
	(tm) =	ssettm $0x1  }
0x91: {  	s18 =	sld [smem:$0x3FFB];
	_ =	sdelay $0x3  }
0x92: {  	_ =	strace s18  }
0x93: {  	s3 =	sld [smem:$0x3FFC];
	_ =	sdelay $0x3  }
0x94: {  	_ =	strace s3  }
0x95: {  	s3 =	sld [smem:$0x3FFD];
	_ =	sdelay $0x3  }
0x96: {  	_ =	strace s3  }
0x97: {  	_ =	strace $0x8FFFFFFF  }
0x98: {  	s19 =	sld [smem:$0x3FDB];
	_ =	sdelay $0x1  }
0x99: {  	s4 =	simm.s32 $_scs_section_size  }
0x9a: {  	s5 =	simm.s32 $_size__tile_overlayer_lowered;
	s6 =	simm.s32 $_tile_overlayer_lowered  }
0x9b: {  	s22 =	simm.s32 $0x1BFF;
	s21 =	sshll.u32 s6, $0x1;
	s3 =	sadd.s32 s4, s19  }
0x9c: {  	s7 =	simm.s32 $0x0;
	s20 =	sshll.u32 s5, $0x1;
	s5 =	sadd.s32 s21, s3  }
0x9d: {  	[timem:s7], [sflag:s22] =	dma.local [hbm:s5], s20  }
0x9e: {  	_ =	swait.ge [sflag:s22], s20  }
0x9f: {  	s4 =	ssub.s32 $0x0, s20;
	[sflag:s22] =	ssyncset.done $0x0  }
0xa0: {  	[sflag:s22] =	ssyncadd.s32 s4;
	_ =	sdelay $0x1  }
0xa1: {  	s23 =	simm.s32 $0x1B8B  }
0xa2: {  	_ =	swait.ge [sflag:s23], $0x1  }
0xa3: {  	[sflag:s23] =	ssyncset.done $0x0  }
0xa4: {  	s25 =	simm.s32 $0x1B8E;
	s24 =	sld [smem:$0x3FFE];
	[sflag:s23] =	ssyncadd.s32 $0xFFFFFFFF  }
0xa5: {  	s26 =	simm.s32 $execute0_lowered;
	[smem:$0x3FD2] =	sst s25  }
0xa6: {  	s5 =	sshll.u32 s26, $0x1;
	_ =	strace $0x80000046;
	[dreg:$0x1] =	wrdreg $0xFFFFFFFF  }
0xa7: {  	s28 =	simm.s32 $_size_execute0_lowered;
	s3 =	sadd.s32 s3, s5;
	[dreg:$0x0] =	wrdreg $0x0  }
0xa8: {  	s5 =	sshll.u32 s28, $0x1;
	[dreg:$0x2] =	wrdreg s3  }
0xa9: {  	[dreg:$0x3] =	wrdreg s5  }
0xaa: {  	[dreg:$0x4] =	wrdreg $0xC0  }
0xab: {  	_ =	task [dreg:s7], $0x5FFFF  }
0xac: {  	[dreg:$0x1] =	wrdreg $0xFFFFFFFF  }
0xad: {  	[dreg:$0x0] =	wrdreg $0x60  }
0xae: {  	[dreg:$0x2] =	wrdreg s24  }
0xaf: {  	[dreg:$0x3] =	wrdreg s2  }
0xb0: {  	[dreg:$0x4] =	wrdreg $0x30000  }
0xb1: {  	[dreg:$0x5] =	wrdreg $0x9  }
0xb2: {  	_ =	task.clear_ibuf [dreg:s7], $0x6FFFF;
	_ =	strace $0x90000046  }
0xb3: {  	s29 =	simm.s32 $0x9;
	_ =	strace $0x80000048  }
0xb4: {  	_ =	swait.ge [sflag:s29], $0x1  }
0xb5: {  	[sflag:s29] =	ssyncadd.s32 $0xFFFFFFFF  }
0xb6: {  	_ =	strace $0x90000048  }
0xb7: {  	_ =	sfence  }
0xb8: {  	s30 =	sld [smem:$0x0];
	_ =	sdelay $0x2  }
0xb9: {  	s31 =	sshll.u32 s1, $0xD;
	s1 =	sshrl.u32 s1, $0x2  }
0xba: {  	s3 =	sand.u32 $0x4000, s31;
	s1 =	sadd.s32 s1, s30  }
0xbb: {  	s0 =	sor.u32 s3, s0;
	s1 =	sshll.u32 s1, $0x11  }
0xbc: {  	s0 =	sor.u32 s1, s0  }
0xbd: {  	s0 =	sadd.s32 $0x8F2B, s0  }
0xbe: {  	[sflag:s0] =	ssyncadd.remote.s32 $0x1  }
0xbf: {  	_ =	sfence.sel $0xFFFF  }
0xc0: {  	[dreg:$0x0] =	wrdreg $0xFFFFFFFF;
	(pc) =	sbr.abs _section_cstart, $3  }
0xc1: {  	[dreg:$0x1] =	wrdreg $0xFFFFFFFF  }
0xc2: {  	_ =	task.clear_ibuf [dreg:s7], $0x2FFFF;
	_ =	strace $0x9FFFFFFF  }
0xc3: {  	(tm) =	ssettm $0x7FFFFFFF  }
tec
execute0_lowered:
.L_overlay_start_1:
0x0: {  	(tag) =	ssettag $0x1  }
0x1: {  	s6 =	rddreg [dreg:$0x0]  }
0x2: {  	s2 =	rddreg [dreg:$0x1];
	s1 =	srdreg.scid  }
0x3: {  	s0 =	stileid.u32;
	s3 =	rddreg [dreg:$0x2];
	s4 =	simm.s32 $0x0  }
0x4: {  	s12 =	simm.s32 $0x2800;
	s13 =	simm.s32 $0x80;
	s14 =	simm.s32 $0x0  }
0x5: {  	s5 =	sand.u32 $0x1, s1;
	s7 =	smul.u32 $0x278, s0;
	s1 =	rddreg [dreg:$0x3]  }
0x6: {  	[smem:$0x7FF] =	sst s4;
	s31 =	sshll.u32 s0, $0x6;
	s8 =	sshll.u32 s5, $0x4  }
0x7: {  	s9 =	smul.u32 $0x27100, s5;
	_ =	strace $0x80000047;
	s7 =	smin.u32 s7, $0x2498  }
0x8: {  	s10 =	ssub.s32 $0x2, s5;
	s8 =	sor.u32 s0, s8;
	s7 =	sshll.u32 s7, $0x4  }
0x9: {  	s30 =	sshrl.u32 s10, $0x1;
	s8 =	smul.u32 $0x500, s8;
	s9 =	sadd.s32 s9, s7  }
0xa: {  	s5 =	sadd.s32 $0xBC00, s6;
	s10 =	ssub.s32 s10, s30;
	s9 =	sshrl.u32 s9, $0x3  }
0xb: {  	s11 =	sadd.s32 s7, s3;
	s8 =	sadd.s32 s8, s6;
	s9 =	sadd.s32 s9, s6  }
0xc: {  	s6 =	sor.u32 $0x1C01, s31;
	s7 =	sadd.s32 $0x1C00, s8;
	s8 =	sadd.s32 $0xC200, s9  }
0xd: {  	s9 =	smax.u32 s10, $0x1;
	s10 =	sshrl.u32 s11, $0x3;
	s11 =	simm.s32 $0x1  }
.LBB2_1:
0xe: {  	[spmem:s10], [sflag:s6] =	dma.local [hbm:s5], $0x4F0  }
0xf: {  	_ =	swait.ge [sflag:s11], $0x4F0  }
0x10: {  	[sflag:s11] =	ssyncset.done $0x0  }
0x11: {  	[sflag:s11] =	ssyncadd.s32 $0xFFFFFB10  }
0x12: {  	[tilespmem:s12], [sflag:$0x1] =	stream.linear.gather [hbm4b:s2+s4], $0x800, $0x38;
	[tilespmem:$0x5718] =	vst v63  }
0x13: {  	_ =	swait.ge [sflag:s11], $0x800  }
0x14: {  	[sflag:s11] =	ssyncset.done $0x0  }
0x15: {  	[sflag:s11] =	ssyncadd.s32 $0xFFFFF800  }
0x16: {  	[tilespmem:s4], [sflag:$0x1] =	stream.linear.gather [hbm4b:s7+s4], $0x2800, $0x38;
	[tilespmem:$0x5718] =	vst v63  }
0x17: {  	_ =	swait.ge [sflag:s11], $0x2800  }
0x18: {  	[sflag:s11] =	ssyncset.done $0x0  }
0x19: {  	[sflag:s11] =	ssyncadd.s32 $0xFFFFD800  }
0x1a: {  	s15 =	simm.s32 $0x0;
	[bflag:$0x0] =	sbarrier.arrive $0xFFFF  }
0x1b: {  	[spmem:s3] =	stream.indirect.scatter.add.f32 [tilespmem:s12], [sflag:$0x1], $0x10, s15, s13, $0xb8;
	[tilespmem:$0x5718] =	vst v63  }
0x1c: {  	_ =	swait.ge [sflag:s11], $0x800  }
0x1d: {  	s15 =	simm.s32 $0x200;
	[sflag:s11] =	ssyncset.done $0x0  }
.LBB2_2:
0x1e: {  	s16 =	sshra.s32 s15, $0x2;
	[sflag:s11] =	ssyncadd.s32 $0xFFFFF800;
	p0 =	sne.s32 s15, $0x9E00  }
0x1f: {  	[spmem:s3] =	stream.indirect.scatter.add.f32 [tilespmem:s12], [sflag:$0x1], $0x10, s16, s13, $0xb8;
	[tilespmem:$0x5718] =	vst v63  }
.Ltmp0:
0x20: {  	_ = 	snop;
	(pc) =	sbr.rel @p0 .LBB2_2-.Ltmp0, $4  }
0x21: {  	_ = 	snop  }
0x22: {  	s15 =	sadd.s32 $0x200, s15  }
0x23: {  	_ =	swait.ge [sflag:s11], $0x800  }
0x24: {  	[sflag:s11] =	ssyncset.done $0x0  }
0x25: {  	s14 =	sadd.s32 $0x1, s14  }
0x26: {  	[sflag:s11] =	ssyncadd.s32 $0xFFFFF800;
	p0 =	sne.s32 s14, s9  }
.Ltmp1:
0x27: {  	[bflag:$0x0] =	sbarrier.arrive $0xFFFF;
	(pc) =	sbr.rel @p0 .LBB2_1-.Ltmp1, $4  }
0x28: {  	[hbm:s8], [sflag:s6] =	dma.local [spmem:s10], $0x4F0  }
0x29: {  	_ =	swait.ge [sflag:s11], $0x4F0  }
0x2a: {  	[sflag:s11] =	ssyncset.done $0x0  }
0x2b: {  	[sflag:s11] =	ssyncadd.s32 $0xFFFFFB10  }
0x2c: {  	_ =	sfence.sel $0x180000  }
0x2d: {  	[bflag:$0x0] =	sbarrier.arrive $0xFFFF  }
0x2e: {  	p0 =	sne.s32 s0, $0x0;
	_ =	strace $0x90000047  }
0x2f: {  	s0 =	sadd.s32 @!p0 $0x100000, s1;
	[bflag:$0x2] =	sbarrier.arrive $0xFFFF  }
0x30: {  	[sflag:s0] =	ssyncadd.tile.s32 @!p0 $0x1;
	_ =	shalt  }
.Lfunc_end2:
_tile_overlayer_lowered:
.L_overlay_start_2:
0x31: {  	(tag) =	ssettag $0x2  }
0x32: {  	s0 =	rddreg [dreg:$0x0];
	s2 =	stileid.u32  }
0x33: {  	s1 =	rddreg [dreg:$0x1];
	p0 =	sne.s32 s2, $0x0  }
0x34: {  	s3 =	rddreg [dreg:$0x2];
	[bflag:$0x3] =	sbarrier.arrive $0xFFFF;
	s2 =	simm.s32 @!p0 $0x1C01  }
0x35: {  	[timem:s3], [sflag:s2] =	dma.local @!p0 [hbm:s0], s1  }
0x36: {  	s0 =	simm.s32 @!p0 $0x1  }
0x37: {  	_ =	swait.ge @!p0 [sflag:s0], s1  }
0x38: {  	s1 =	ssub.s32 @!p0 $0x0, s1;
	[sflag:s0] =	ssyncset.done @!p0 $0x0  }
0x39: {  	[sflag:s0] =	ssyncadd.s32 @!p0 s1  }
0x3a: {  	[bflag:$0x3] =	sbarrier.arrive $0xFFFF  }
0x3b: {  	_ =	shalt  }

</sc_bundles>
